<compile_context>
chip_gen: v7x
topology: tpu7x:2x2x1
jax: 0.10.2.dev20260603
libtpu: 0.0.44.dev20260713+nightly
codegen_flags: <defaults>
</compile_context>

<pallas_src>
import jax
import jax.numpy as jnp
from jax import lax
from jax.experimental import pallas as pl
from jax.experimental.pallas import tpu as pltpu
from jax.experimental.pallas import tpu_sc as plsc

N = 10000
NP = 10240
E = 320000
C = 128
NW = 32
EPT = E // NW
NCHUNK = 160
K = 64
RPT = NP // 16
R = 1024
G = NP // R
_F32 = jnp.float32
_HI = lax.Precision.HIGHEST


def _attn_bound(ms, md, b_ref):
    zmax = ms[0, 0] + md[0, 0]
    b_ref[...] = jnp.full((1, C), jnp.maximum(zmax, 0.2 * zmax), _F32)


def _tc1_body(x_ref, w1_ref, as_ref, ad_ref, lw_ref,
              hb_ref, sk_ref, s_ref, d_ref, b_ref, ms, md):
    i = pl.program_id(0)
    xb = x_ref[...]
    h = jnp.dot(xb, w1_ref[...], precision=_HI, preferred_element_type=_F32)
    hb_ref[...] = h
    sk_ref[...] = lax.dot_general(xb, lw_ref[...], (((1,), (1,)), ((), ())),
                                  precision=_HI, preferred_element_type=_F32)
    s = jnp.sum(h * as_ref[...], axis=1)
    d = jnp.sum(h * ad_ref[...], axis=1)
    s_ref[...] = s.reshape(1, 1, R)
    d_ref[...] = d.reshape(1, 1, R)

    @pl.when(i == 0)
    def _():
        ms[0, 0] = -1e30
        md[0, 0] = -1e30

    ms[0, 0] = jnp.maximum(ms[0, 0], jnp.max(s))
    md[0, 0] = jnp.maximum(md[0, 0], jnp.max(d))

    @pl.when(i == pl.num_programs(0) - 1)
    def _():
        _attn_bound(ms, md, b_ref)


def _dense1(x_p, W1, att_src, att_dst, lin_W):
    return pl.pallas_call(
        _tc1_body,
        grid=(G,),
        in_specs=[
            pl.BlockSpec((R, C), lambda i: (i, 0)),
            pl.BlockSpec((C, C), lambda i: (0, 0)),
            pl.BlockSpec((1, C), lambda i: (0, 0)),
            pl.BlockSpec((1, C), lambda i: (0, 0)),
            pl.BlockSpec((C, C), lambda i: (0, 0)),
        ],
        out_specs=[
            pl.BlockSpec((R, C), lambda i: (i, 0)),
            pl.BlockSpec((R, C), lambda i: (i, 0)),
            pl.BlockSpec((1, 1, R), lambda i: (i, 0, 0)),
            pl.BlockSpec((1, 1, R), lambda i: (i, 0, 0)),
            pl.BlockSpec((1, C), lambda i: (0, 0)),
        ],
        out_shape=[
            jax.ShapeDtypeStruct((NP, C), _F32),
            jax.ShapeDtypeStruct((NP, C), _F32),
            jax.ShapeDtypeStruct((G, 1, R), _F32),
            jax.ShapeDtypeStruct((G, 1, R), _F32),
            jax.ShapeDtypeStruct((1, C), _F32),
        ],
        scratch_shapes=[pltpu.SMEM((1, 1), _F32), pltpu.SMEM((1, 1), _F32)],
    )(x_p, W1, att_src, att_dst, lin_W)


def _sc_body(h_hbm, asrc_hbm, adst_hbm, src_hbm, dst_hbm, b_hbm,
             agg_hbm, den_hbm,
             asrc_v, adst_v, den_v, b_v,
             rows0, rows1, srcb0, srcb1, srcb2, srcb3,
             dstb0, dstb1, dstb2, dstb3, ebuf0, ebuf1,
             agg_s,
             sem_r0, sem_r1,
             sem_s0, sem_s1, sem_s2, sem_s3,
             sem_d0, sem_d1, sem_d2, sem_d3,
             sem_w0, sem_w1):
    cc_ = lax.axis_index("c")
    ss_ = lax.axis_index("s")
    wid = cc_ * 16 + ss_

    pltpu.sync_copy(asrc_hbm, asrc_v)
    pltpu.sync_copy(adst_hbm, adst_v)
    pltpu.sync_copy(b_hbm, b_v)

    rows = (rows0, rows1)
    srcb = (srcb0, srcb1, srcb2, srcb3)
    dstb = (dstb0, dstb1, dstb2, dstb3)
    ebuf = (ebuf0, ebuf1)
    sem_r = (sem_r0, sem_r1)
    sem_s = (sem_s0, sem_s1, sem_s2, sem_s3)
    sem_d = (sem_d0, sem_d1, sem_d2, sem_d3)
    sem_w = (sem_w0, sem_w1)

    zv = jnp.zeros((16,), _F32)

    def _zrow(i, carry):
        for cc in range(C // 16):
            rows0[i, pl.ds(cc * 16, 16)] = zv
        return carry
    lax.fori_loop(0, K, _zrow, 0)
    for t in range(RPT // K):
        pltpu.sync_copy(rows0, agg_s.at[pl.ds(ss_ * RPT + t * K, K)])

    def _zden(i, carry):
        den_v[pl.ds(i * 16, 16)] = zv
        return carry
    lax.fori_loop(0, NP // 16, _zden, 0)
    plsc.subcore_barrier()

    def _issue_small(jj, p4):
        pltpu.async_copy(src_hbm.at[wid, jj], srcb[p4], sem_s[p4])
        pltpu.async_copy(dst_hbm.at[wid, jj], dstb[p4], sem_d[p4])

    def _wait_small(jj, p4):
        pltpu.make_async_copy(src_hbm.at[wid, jj], srcb[p4], sem_s[p4]).wait()
        pltpu.make_async_copy(dst_hbm.at[wid, jj], dstb[p4], sem_d[p4]).wait()

    def _issue_rows(p4, p2):
        pltpu.async_copy(h_hbm.at[srcb[p4]], rows[p2], sem_r[p2])

    def _wait_rows(p4, p2):
        pltpu.make_async_copy(h_hbm.at[srcb[p4]], rows[p2], sem_r[p2]).wait()

    def _wait_scatter(p4, p2):
        pltpu.make_async_copy(rows[p2], agg_s.at[dstb[p4]], sem_w[p2]).wait()

    _issue_small(0, 0)
    _issue_small(1, 1)
    _wait_small(0, 0)
    _issue_rows(0, 0)
    bval = b_v[...]

    def _one(jj, i):
        p2 = i % 2
        p4 = i % 4
        q2 = (i + 1) % 2
        q4 = (i + 1) % 4

        @pl.when(jj >= 1)
        def _():
            _wait_scatter((i + 3) % 4, q2)

        @pl.when(jj + 1 < NCHUNK)
        def _():
            jn = jnp.minimum(jj + 1, NCHUNK - 1)
            _wait_small(jn, q4)
            _issue_rows(q4, q2)

        @plsc.parallel_loop(0, K // 16, step=1, unroll=4)
        def _g(g):
            s16 = srcb[p4][pl.ds(g * 16, 16)]
            d16 = dstb[p4][pl.ds(g * 16, 16)]
            z = plsc.load_gather(asrc_v, [s16]) + plsc.load_gather(adst_v, [d16])
            z = jnp.maximum(z, 0.2 * z)
            e = jnp.exp(z - bval)
            ebuf[p2][pl.ds(g * 16, 16)] = e
            plsc.addupdate_scatter(den_v, [d16], e)

        _wait_rows(p4, p2)

        @plsc.parallel_loop(0, K, step=1, unroll=4)
        def _k(k):
            w = plsc.load_gather(ebuf[p2], [jnp.full((16,), k, jnp.int32)])
            for cc in range(C // 16):
                sl = pl.ds(cc * 16, 16)
                rows[p2][k, sl] = rows[p2][k, sl] * w
        pltpu.async_copy(rows[p2], agg_s.at[dstb[p4]], sem_w[p2], add=True)

        @pl.when(jj + 2 < NCHUNK)
        def _():
            _issue_small(jnp.minimum(jj + 2, NCHUNK - 1), (i + 2) % 4)

    def _body(t, carry):
        for i in range(4):
            _one(4 * t + i, i)
        return carry
    lax.fori_loop(0, NCHUNK // 4, _body, 0)

    _wait_scatter((NCHUNK - 1) % 4, (NCHUNK - 1) % 2)
    pltpu.sync_copy(den_v, den_hbm.at[wid])
    plsc.subcore_barrier()
    pltpu.sync_copy(agg_s.at[pl.ds(ss_ * RPT, RPT)],
                    agg_hbm.at[cc_, pl.ds(ss_ * RPT, RPT)])


def _sc_edge(h_p, asrc_p, adst_p, src_t, dst_t, b16):
    mesh = plsc.VectorSubcoreMesh(core_axis_name="c", subcore_axis_name="s")
    agg, den = pl.kernel(
        _sc_body,
        out_type=(jax.ShapeDtypeStruct((2, NP, C), _F32),
                  jax.ShapeDtypeStruct((NW, NP), _F32)),
        mesh=mesh,
        scratch_types=(
            [pltpu.VMEM((NP,), _F32)] * 3
            + [pltpu.VMEM((16,), _F32)]
            + [pltpu.VMEM((K, C), _F32)] * 2
            + [pltpu.VMEM((K,), jnp.int32)] * 8
            + [pltpu.VMEM((K,), _F32)] * 2
            + [pltpu.VMEM_SHARED((NP, C), _F32)]
            + [pltpu.SemaphoreType.DMA] * 12
        ),
        compiler_params=pltpu.CompilerParams(needs_layout_passes=False),
    )(h_p, asrc_p, adst_p, src_t, dst_t, b16)
    return agg, den


def _tc2_body(aggp_ref, denp_ref, sk1_ref, b1_ref, l1b_ref,
              w2_ref, as2_ref, ad2_ref, lw2_ref,
              h2b_ref, sk2_ref, s_ref, d_ref, b_ref, ms, md):
    i = pl.program_id(0)
    agg = aggp_ref[0] + aggp_ref[1]
    den = jnp.sum(denp_ref[...], axis=0)
    gat = agg / (den + 1e-16)[:, None]
    h = jnp.maximum(gat + b1_ref[...] + sk1_ref[...] + l1b_ref[...], 0.0)
    h2 = jnp.dot(h, w2_ref[...], precision=_HI, preferred_element_type=_F32)
    h2b_ref[...] = h2
    sk2_ref[...] = lax.dot_general(h, lw2_ref[...], (((1,), (1,)), ((), ())),
                                   precision=_HI, preferred_element_type=_F32)
    s = jnp.sum(h2 * as2_ref[...], axis=1)
    d = jnp.sum(h2 * ad2_ref[...], axis=1)
    s_ref[...] = s.reshape(1, 1, R)
    d_ref[...] = d.reshape(1, 1, R)

    @pl.when(i == 0)
    def _():
        ms[0, 0] = -1e30
        md[0, 0] = -1e30

    ms[0, 0] = jnp.maximum(ms[0, 0], jnp.max(s))
    md[0, 0] = jnp.maximum(md[0, 0], jnp.max(d))

    @pl.when(i == pl.num_programs(0) - 1)
    def _():
        _attn_bound(ms, md, b_ref)


def _dense2(aggp, denp, skip1, b1, lin1_b, W2, att_src2, att_dst2, lin2_W):
    return pl.pallas_call(
        _tc2_body,
        grid=(G,),
        in_specs=[
            pl.BlockSpec((2, R, C), lambda i: (0, i, 0)),
            pl.BlockSpec((NW, R), lambda i: (0, i)),
            pl.BlockSpec((R, C), lambda i: (i, 0)),
            pl.BlockSpec((1, C), lambda i: (0, 0)),
            pl.BlockSpec((1, C), lambda i: (0, 0)),
            pl.BlockSpec((C, C), lambda i: (0, 0)),
            pl.BlockSpec((1, C), lambda i: (0, 0)),
            pl.BlockSpec((1, C), lambda i: (0, 0)),
            pl.BlockSpec((C, C), lambda i: (0, 0)),
        ],
        out_specs=[
            pl.BlockSpec((R, C), lambda i: (i, 0)),
            pl.BlockSpec((R, C), lambda i: (i, 0)),
            pl.BlockSpec((1, 1, R), lambda i: (i, 0, 0)),
            pl.BlockSpec((1, 1, R), lambda i: (i, 0, 0)),
            pl.BlockSpec((1, C), lambda i: (0, 0)),
        ],
        out_shape=[
            jax.ShapeDtypeStruct((NP, C), _F32),
            jax.ShapeDtypeStruct((NP, C), _F32),
            jax.ShapeDtypeStruct((G, 1, R), _F32),
            jax.ShapeDtypeStruct((G, 1, R), _F32),
            jax.ShapeDtypeStruct((1, C), _F32),
        ],
        scratch_shapes=[pltpu.SMEM((1, 1), _F32), pltpu.SMEM((1, 1), _F32)],
    )(aggp, denp, skip1, b1, lin1_b, W2, att_src2, att_dst2, lin2_W)


def _tc3_body(aggp_ref, denp_ref, sk2_ref, b2_ref, l2b_ref, o_ref):
    agg = aggp_ref[0] + aggp_ref[1]
    den = jnp.sum(denp_ref[...], axis=0)
    o_ref[...] = (agg / (den + 1e-16)[:, None]
                  + b2_ref[...] + sk2_ref[...] + l2b_ref[...])


def _final(aggp, denp, skip2, b2, lin2_b):
    return pl.pallas_call(
        _tc3_body,
        grid=(G,),
        in_specs=[
            pl.BlockSpec((2, R, C), lambda i: (0, i, 0)),
            pl.BlockSpec((NW, R), lambda i: (0, i)),
            pl.BlockSpec((R, C), lambda i: (i, 0)),
            pl.BlockSpec((1, C), lambda i: (0, 0)),
            pl.BlockSpec((1, C), lambda i: (0, 0)),
        ],
        out_specs=pl.BlockSpec((R, C), lambda i: (i, 0)),
        out_shape=jax.ShapeDtypeStruct((NP, C), _F32),
    )(aggp, denp, skip2, b2, lin2_b)


def kernel(x, edge_index, W1, att_src1, att_dst1, b1, lin1_W, lin1_b,
           W2, att_src2, att_dst2, b2, lin2_W, lin2_b):
    x_p = jnp.pad(x, ((0, NP - N), (0, 0)))
    src_t = jnp.pad(edge_index[0].reshape(NW, EPT),
                    ((0, 0), (0, NCHUNK * K - EPT))).reshape(NW, NCHUNK, K)
    dst_t = jnp.pad(edge_index[1].reshape(NW, EPT),
                    ((0, 0), (0, NCHUNK * K - EPT)),
                    constant_values=N).reshape(NW, NCHUNK, K)

    hb1, skip1, s1, d1, B1 = _dense1(x_p, W1, att_src1.reshape(1, C),
                                     att_dst1.reshape(1, C), lin1_W)
    agg1, den1 = _sc_edge(hb1, s1.reshape(NP), d1.reshape(NP),
                          src_t, dst_t, B1[0, :16])
    hb2, skip2, s2, d2, B2 = _dense2(agg1, den1, skip1, b1.reshape(1, C),
                                     lin1_b.reshape(1, C), W2,
                                     att_src2.reshape(1, C),
                                     att_dst2.reshape(1, C), lin2_W)
    agg2, den2 = _sc_edge(hb2, s2.reshape(NP), d2.reshape(NP),
                          src_t, dst_t, B2[0, :16])
    out = _final(agg2, den2, skip2, b2.reshape(1, C), lin2_b.reshape(1, C))
    return out[:N]

# --- scband reference (transcript-rebuilt; emitter-appended) ---
"""Pipeline reference for scband-gat-22247930594090 (READ-ONLY COPY).

The authoritative reference and input builder live on the scoring server;
editing this copy changes nothing except your own understanding.
"""

import jax, jax.numpy as jnp
import numpy as np

N = 10000
E = 320000
D_IN = 128
D_H1 = 128
D_OUT = 128


def setup_inputs(seed: int = 0) -> dict:
    key = jax.random.key(seed)
    ks = jax.random.split(key, 16)

    def p(k, shape, fan_in):
        return jax.random.normal(k, shape, dtype=jnp.float32) * (1.0 / np.sqrt(fan_in))

    inp = {}
    inp["x"] = jax.random.normal(ks[0], (N, D_IN), dtype=jnp.float32)
    inp["edge_index"] = jax.random.randint(ks[1], (2, E), 0, N, dtype=jnp.int32)
    # GATConv 1 (in=128, out=128, heads=1, add_self_loops=False)
    inp["W1"] = p(ks[2], (D_IN, D_H1), D_IN)
    inp["att_src1"] = p(ks[3], (D_H1,), D_H1)
    inp["att_dst1"] = p(ks[4], (D_H1,), D_H1)
    inp["b1"] = jnp.zeros((D_H1,), dtype=jnp.float32)
    # Linear 1 (lazy in=128 -> out=128), torch layout [out, in]
    inp["lin1_W"] = p(ks[5], (D_H1, D_IN), D_IN)
    inp["lin1_b"] = jnp.zeros((D_H1,), dtype=jnp.float32)
    # GATConv 2 (in=128, out=128)
    inp["W2"] = p(ks[6], (D_H1, D_OUT), D_H1)
    inp["att_src2"] = p(ks[7], (D_OUT,), D_OUT)
    inp["att_dst2"] = p(ks[8], (D_OUT,), D_OUT)
    inp["b2"] = jnp.zeros((D_OUT,), dtype=jnp.float32)
    # Linear 2 (lazy in=128 -> out=128)
    inp["lin2_W"] = p(ks[9], (D_OUT, D_H1), D_H1)
    inp["lin2_b"] = jnp.zeros((D_OUT,), dtype=jnp.float32)
    return inp


def _gat_conv(x, edge_index, W, att_src, att_dst, bias):
    # Single-head PyG GATConv, add_self_loops=False
    n = x.shape[0]
    h = x @ W  # [N, C]
    src = edge_index[0]
    dst = edge_index[1]
    a_src = jnp.sum(h * att_src, axis=-1)  # [N]
    a_dst = jnp.sum(h * att_dst, axis=-1)  # [N]
    alpha = a_src[src] + a_dst[dst]  # [E]
    alpha = jax.nn.leaky_relu(alpha, negative_slope=0.2)
    amax = jax.ops.segment_max(alpha, dst, num_segments=n)
    amax = jnp.where(jnp.isfinite(amax), amax, 0.0)
    alpha = jnp.exp(alpha - jax.lax.stop_gradient(amax)[dst])
    denom = jax.ops.segment_sum(alpha, dst, num_segments=n)
    alpha = alpha / (denom[dst] + 1e-16)
    msg = h[src] * alpha[:, None]  # [E, C]
    out = jax.ops.segment_sum(msg, dst, num_segments=n)  # [N, C]
    return out + bias


def reference(x, edge_index, W1, att_src1, att_dst1, b1, lin1_W, lin1_b,
              W2, att_src2, att_dst2, b2, lin2_W, lin2_b):
    h = _gat_conv(x, edge_index, W1, att_src1, att_dst1, b1) + x @ lin1_W.T + lin1_b
    h = jax.nn.relu(h)
    out = _gat_conv(h, edge_index, W2, att_src2, att_dst2, b2) + h @ lin2_W.T + lin2_b
    return out

if __name__ == "__main__":
    import jax
    _d = setup_inputs()
    print(jax.jit(kernel)(*tuple(_d.values())))

</pallas_src>

<mosaic_0001>
#map = affine_map<(d0, d1) -> (0, 0)>
#map1 = affine_map<(d0, d1) -> (0)>
#map2 = affine_map<(d0, d1) -> (0, 0, 0)>
module attributes {stable_mosaic.version = 14 : i64} {
  func.func @_sc_body(%arg0: i32, %arg1: i32, %arg2: memref<10240x128xf32, #tpu.memory_space<hbm>>, %arg3: memref<10240xf32, #tpu.memory_space<hbm>>, %arg4: memref<10240xf32, #tpu.memory_space<hbm>>, %arg5: memref<32x160x64xi32, #tpu.memory_space<hbm>>, %arg6: memref<32x160x64xi32, #tpu.memory_space<hbm>>, %arg7: memref<16xf32, #tpu.memory_space<hbm>>, %arg8: memref<2x10240x128xf32, #tpu.memory_space<hbm>>, %arg9: memref<32x10240xf32, #tpu.memory_space<hbm>>, %arg10: memref<10240xf32, #tpu.memory_space<vmem>>, %arg11: memref<10240xf32, #tpu.memory_space<vmem>>, %arg12: memref<10240xf32, #tpu.memory_space<vmem>>, %arg13: memref<16xf32, #tpu.memory_space<vmem>>, %arg14: memref<64x128xf32, #tpu.memory_space<vmem>>, %arg15: memref<64x128xf32, #tpu.memory_space<vmem>>, %arg16: memref<64xi32, #tpu.memory_space<vmem>>, %arg17: memref<64xi32, #tpu.memory_space<vmem>>, %arg18: memref<64xi32, #tpu.memory_space<vmem>>, %arg19: memref<64xi32, #tpu.memory_space<vmem>>, %arg20: memref<64xi32, #tpu.memory_space<vmem>>, %arg21: memref<64xi32, #tpu.memory_space<vmem>>, %arg22: memref<64xi32, #tpu.memory_space<vmem>>, %arg23: memref<64xi32, #tpu.memory_space<vmem>>, %arg24: memref<64xf32, #tpu.memory_space<vmem>>, %arg25: memref<64xf32, #tpu.memory_space<vmem>>, %arg26: memref<10240x128xf32, #tpu.memory_space<vmem_shared>>, %arg27: memref<!tpu.dma_semaphore, #tpu.memory_space<semaphore_mem>>, %arg28: memref<!tpu.dma_semaphore, #tpu.memory_space<semaphore_mem>>, %arg29: memref<!tpu.dma_semaphore, #tpu.memory_space<semaphore_mem>>, %arg30: memref<!tpu.dma_semaphore, #tpu.memory_space<semaphore_mem>>, %arg31: memref<!tpu.dma_semaphore, #tpu.memory_space<semaphore_mem>>, %arg32: memref<!tpu.dma_semaphore, #tpu.memory_space<semaphore_mem>>, %arg33: memref<!tpu.dma_semaphore, #tpu.memory_space<semaphore_mem>>, %arg34: memref<!tpu.dma_semaphore, #tpu.memory_space<semaphore_mem>>, %arg35: memref<!tpu.dma_semaphore, #tpu.memory_space<semaphore_mem>>, %arg36: memref<!tpu.dma_semaphore, #tpu.memory_space<semaphore_mem>>, %arg37: memref<!tpu.dma_semaphore, #tpu.memory_space<semaphore_mem>>, %arg38: memref<!tpu.dma_semaphore, #tpu.memory_space<semaphore_mem>>) attributes {dimension_semantics = [#tpu.dimension_semantics<core_parallel>, #tpu.dimension_semantics<subcore_parallel>], iteration_bounds = array<i64: 2, 16>, scalar_prefetch = 0 : i64, scratch_operands = 29 : i64, tpu.core_type = #tpu.core_type<sc_vector_subcore>, window_params = [{transform_indices = #map}, {transform_indices = #map1}, {transform_indices = #map1}, {transform_indices = #map2}, {transform_indices = #map2}, {transform_indices = #map1}, {transform_indices = #map2}, {transform_indices = #map}]} {
    %mul3A = arith.constant 16 : i32
    %mul3A_0 = arith.muli %arg0, %mul3A : i32
    %add3A = arith.addi %mul3A_0, %arg1 : i32
    "tpu.region"() ({
      %run_scoped3A = tpu.sem_alloc : memref<!tpu.dma_semaphore, #tpu.memory_space<semaphore_mem>>
      tpu.enqueue_dma source(%arg3 : memref<10240xf32, #tpu.memory_space<hbm>>) target(%arg10 : memref<10240xf32, #tpu.memory_space<vmem>>) target_semaphore(%run_scoped3A : memref<!tpu.dma_semaphore, #tpu.memory_space<semaphore_mem>>)
      tpu.wait_dma2 semaphore(%run_scoped3A : memref<!tpu.dma_semaphore, #tpu.memory_space<semaphore_mem>>) src(%arg3 : memref<10240xf32, #tpu.memory_space<hbm>>) dst(%arg10 : memref<10240xf32, #tpu.memory_space<vmem>>)
      tpu.yield
    }) : () -> ()
    "tpu.region"() ({
      %run_scoped3A = tpu.sem_alloc : memref<!tpu.dma_semaphore, #tpu.memory_space<semaphore_mem>>
      tpu.enqueue_dma source(%arg4 : memref<10240xf32, #tpu.memory_space<hbm>>) target(%arg11 : memref<10240xf32, #tpu.memory_space<vmem>>) target_semaphore(%run_scoped3A : memref<!tpu.dma_semaphore, #tpu.memory_space<semaphore_mem>>)
      tpu.wait_dma2 semaphore(%run_scoped3A : memref<!tpu.dma_semaphore, #tpu.memory_space<semaphore_mem>>) src(%arg4 : memref<10240xf32, #tpu.memory_space<hbm>>) dst(%arg11 : memref<10240xf32, #tpu.memory_space<vmem>>)
      tpu.yield
    }) : () -> ()
    "tpu.region"() ({
      %run_scoped3A = tpu.sem_alloc : memref<!tpu.dma_semaphore, #tpu.memory_space<semaphore_mem>>
      tpu.enqueue_dma source(%arg7 : memref<16xf32, #tpu.memory_space<hbm>>) target(%arg13 : memref<16xf32, #tpu.memory_space<vmem>>) target_semaphore(%run_scoped3A : memref<!tpu.dma_semaphore, #tpu.memory_space<semaphore_mem>>)
      tpu.wait_dma2 semaphore(%run_scoped3A : memref<!tpu.dma_semaphore, #tpu.memory_space<semaphore_mem>>) src(%arg7 : memref<16xf32, #tpu.memory_space<hbm>>) dst(%arg13 : memref<16xf32, #tpu.memory_space<vmem>>)
      tpu.yield
    }) : () -> ()
    %broadcast_in_dim3A = arith.constant 0.000000e+00 : f32
    %broadcast_in_dim3A_1 = vector.broadcast %broadcast_in_dim3A : f32 to vector<16xf32>
    %scan3A = arith.constant 0 : i32
    %scan3A_2 = arith.constant 0 : i32
    %scan3A_3 = arith.constant 64 : i32
    %scan3A_4 = arith.addi %scan3A_2, %scan3A_3 : i32
    %scan3A_5 = arith.constant 1 : i32
    scf.for %scan3A_111 = %scan3A_2 to %scan3A_4 step %scan3A_5  : i32 {
      %swap3A = arith.index_cast %scan3A_111 : i32 to index
      %swap3A_112 = arith.constant 0 : index
      %swap3A_113 = tpu.vector_load %arg14[%swap3A, %swap3A_112] {strides = array<i32>} : memref<64x128xf32, #tpu.memory_space<vmem>>, vector<16xf32>,
      tpu.vector_store %arg14[%swap3A, %swap3A_112], %broadcast_in_dim3A_1 {strides = array<i32>} : memref<64x128xf32, #tpu.memory_space<vmem>>, vector<16xf32>,
      %swap3A_114 = arith.index_cast %scan3A_111 : i32 to index
      %swap3A_115 = arith.constant 16 : index
      %swap3A_116 = tpu.vector_load %arg14[%swap3A_114, %swap3A_115] {strides = array<i32>} : memref<64x128xf32, #tpu.memory_space<vmem>>, vector<16xf32>,
      tpu.vector_store %arg14[%swap3A_114, %swap3A_115], %broadcast_in_dim3A_1 {strides = array<i32>} : memref<64x128xf32, #tpu.memory_space<vmem>>, vector<16xf32>,
      %swap3A_117 = arith.index_cast %scan3A_111 : i32 to index
      %swap3A_118 = arith.constant 32 : index
      %swap3A_119 = tpu.vector_load %arg14[%swap3A_117, %swap3A_118] {strides = array<i32>} : memref<64x128xf32, #tpu.memory_space<vmem>>, vector<16xf32>,
      tpu.vector_store %arg14[%swap3A_117, %swap3A_118], %broadcast_in_dim3A_1 {strides = array<i32>} : memref<64x128xf32, #tpu.memory_space<vmem>>, vector<16xf32>,
      %swap3A_120 = arith.index_cast %scan3A_111 : i32 to index
      %swap3A_121 = arith.constant 48 : index
      %swap3A_122 = tpu.vector_load %arg14[%swap3A_120, %swap3A_121] {strides = array<i32>} : memref<64x128xf32, #tpu.memory_space<vmem>>, vector<16xf32>,
      tpu.vector_store %arg14[%swap3A_120, %swap3A_121], %broadcast_in_dim3A_1 {strides = array<i32>} : memref<64x128xf32, #tpu.memory_space<vmem>>, vector<16xf32>,
      %swap3A_123 = arith.index_cast %scan3A_111 : i32 to index
      %swap3A_124 = arith.constant 64 : index
      %swap3A_125 = tpu.vector_load %arg14[%swap3A_123, %swap3A_124] {strides = array<i32>} : memref<64x128xf32, #tpu.memory_space<vmem>>, vector<16xf32>,
      tpu.vector_store %arg14[%swap3A_123, %swap3A_124], %broadcast_in_dim3A_1 {strides = array<i32>} : memref<64x128xf32, #tpu.memory_space<vmem>>, vector<16xf32>,
      %swap3A_126 = arith.index_cast %scan3A_111 : i32 to index
      %swap3A_127 = arith.constant 80 : index
      %swap3A_128 = tpu.vector_load %arg14[%swap3A_126, %swap3A_127] {strides = array<i32>} : memref<64x128xf32, #tpu.memory_space<vmem>>, vector<16xf32>,
      tpu.vector_store %arg14[%swap3A_126, %swap3A_127], %broadcast_in_dim3A_1 {strides = array<i32>} : memref<64x128xf32, #tpu.memory_space<vmem>>, vector<16xf32>,
      %swap3A_129 = arith.index_cast %scan3A_111 : i32 to index
      %swap3A_130 = arith.constant 96 : index
      %swap3A_131 = tpu.vector_load %arg14[%swap3A_129, %swap3A_130] {strides = array<i32>} : memref<64x128xf32, #tpu.memory_space<vmem>>, vector<16xf32>,
      tpu.vector_store %arg14[%swap3A_129, %swap3A_130], %broadcast_in_dim3A_1 {strides = array<i32>} : memref<64x128xf32, #tpu.memory_space<vmem>>, vector<16xf32>,
      %swap3A_132 = arith.index_cast %scan3A_111 : i32 to index
      %swap3A_133 = arith.constant 112 : index
      %swap3A_134 = tpu.vector_load %arg14[%swap3A_132, %swap3A_133] {strides = array<i32>} : memref<64x128xf32, #tpu.memory_space<vmem>>, vector<16xf32>,
      tpu.vector_store %arg14[%swap3A_132, %swap3A_133], %broadcast_in_dim3A_1 {strides = array<i32>} : memref<64x128xf32, #tpu.memory_space<vmem>>, vector<16xf32>,
    }
    %scan3A_6 = arith.constant 64 : i32
    %mul3A_7 = arith.constant 640 : i32
    %mul3A_8 = arith.muli %arg1, %mul3A_7 : i32
    %add3A_9 = arith.constant 0 : i32
    %add3A_10 = arith.addi %mul3A_8, %add3A_9 : i32
    "tpu.region"() ({
      %run_scoped3A = tpu.sem_alloc : memref<!tpu.dma_semaphore, #tpu.memory_space<semaphore_mem>>
      %dma_start3A_111 = arith.constant 0 : i32
      %dma_start3A_112 = tpu.memref_slice %arg26[%add3A_10, %dma_start3A_111] : memref<10240x128xf32, #tpu.memory_space<vmem_shared>> -> memref<64x128xf32, #tpu.memory_space<vmem_shared>>
      %dma_start3A_113 = arith.constant 0 : i32
      %dma_start3A_114 = tpu.memref_slice %arg26[%add3A_10, %dma_start3A_113] : memref<10240x128xf32, #tpu.memory_space<vmem_shared>> -> memref<64x128xf32, #tpu.memory_space<vmem_shared>>
      tpu.enqueue_dma source(%arg14 : memref<64x128xf32, #tpu.memory_space<vmem>>) target(%dma_start3A_114 : memref<64x128xf32, #tpu.memory_space<vmem_shared>>) target_semaphore(%run_scoped3A : memref<!tpu.dma_semaphore, #tpu.memory_space<semaphore_mem>>)
      %dma_wait3A_115 = arith.constant 0 : i32
      %dma_wait3A_116 = tpu.memref_slice %arg26[%add3A_10, %dma_wait3A_115] : memref<10240x128xf32, #tpu.memory_space<vmem_shared>> -> memref<64x128xf32, #tpu.memory_space<vmem_shared>>
      %dma_wait3A_117 = arith.constant 0 : i32
      %dma_wait3A_118 = tpu.memref_slice %arg26[%add3A_10, %dma_wait3A_117] : memref<10240x128xf32, #tpu.memory_space<vmem_shared>> -> memref<64x128xf32, #tpu.memory_space<vmem_shared>>
      tpu.wait_dma2 semaphore(%run_scoped3A : memref<!tpu.dma_semaphore, #tpu.memory_space<semaphore_mem>>) src(%arg14 : memref<64x128xf32, #tpu.memory_space<vmem>>) dst(%dma_wait3A_118 : memref<64x128xf32, #tpu.memory_space<vmem_shared>>)
      tpu.yield
    }) : () -> ()
    %mul3A_11 = arith.constant 640 : i32
    %mul3A_12 = arith.muli %arg1, %mul3A_11 : i32
    %add3A_13 = arith.constant 64 : i32
    %add3A_14 = arith.addi %mul3A_12, %add3A_13 : i32
    "tpu.region"() ({
      %run_scoped3A = tpu.sem_alloc : memref<!tpu.dma_semaphore, #tpu.memory_space<semaphore_mem>>
      %dma_start3A_111 = arith.constant 0 : i32
      %dma_start3A_112 = tpu.memref_slice %arg26[%add3A_14, %dma_start3A_111] : memref<10240x128xf32, #tpu.memory_space<vmem_shared>> -> memref<64x128xf32, #tpu.memory_space<vmem_shared>>
      %dma_start3A_113 = arith.constant 0 : i32
      %dma_start3A_114 = tpu.memref_slice %arg26[%add3A_14, %dma_start3A_113] : memref<10240x128xf32, #tpu.memory_space<vmem_shared>> -> memref<64x128xf32, #tpu.memory_space<vmem_shared>>
      tpu.enqueue_dma source(%arg14 : memref<64x128xf32, #tpu.memory_space<vmem>>) target(%dma_start3A_114 : memref<64x128xf32, #tpu.memory_space<vmem_shared>>) target_semaphore(%run_scoped3A : memref<!tpu.dma_semaphore, #tpu.memory_space<semaphore_mem>>)
      %dma_wait3A_115 = arith.constant 0 : i32
      %dma_wait3A_116 = tpu.memref_slice %arg26[%add3A_14, %dma_wait3A_115] : memref<10240x128xf32, #tpu.memory_space<vmem_shared>> -> memref<64x128xf32, #tpu.memory_space<vmem_shared>>
      %dma_wait3A_117 = arith.constant 0 : i32
      %dma_wait3A_118 = tpu.memref_slice %arg26[%add3A_14, %dma_wait3A_117] : memref<10240x128xf32, #tpu.memory_space<vmem_shared>> -> memref<64x128xf32, #tpu.memory_space<vmem_shared>>
      tpu.wait_dma2 semaphore(%run_scoped3A : memref<!tpu.dma_semaphore, #tpu.memory_space<semaphore_mem>>) src(%arg14 : memref<64x128xf32, #tpu.memory_space<vmem>>) dst(%dma_wait3A_118 : memref<64x128xf32, #tpu.memory_space<vmem_shared>>)
      tpu.yield
    }) : () -> ()
    %mul3A_15 = arith.constant 640 : i32
    %mul3A_16 = arith.muli %arg1, %mul3A_15 : i32
    %add3A_17 = arith.constant 128 : i32
    %add3A_18 = arith.addi %mul3A_16, %add3A_17 : i32
    "tpu.region"() ({
      %run_scoped3A = tpu.sem_alloc : memref<!tpu.dma_semaphore, #tpu.memory_space<semaphore_mem>>
      %dma_start3A_111 = arith.constant 0 : i32
      %dma_start3A_112 = tpu.memref_slice %arg26[%add3A_18, %dma_start3A_111] : memref<10240x128xf32, #tpu.memory_space<vmem_shared>> -> memref<64x128xf32, #tpu.memory_space<vmem_shared>>
      %dma_start3A_113 = arith.constant 0 : i32
      %dma_start3A_114 = tpu.memref_slice %arg26[%add3A_18, %dma_start3A_113] : memref<10240x128xf32, #tpu.memory_space<vmem_shared>> -> memref<64x128xf32, #tpu.memory_space<vmem_shared>>
      tpu.enqueue_dma source(%arg14 : memref<64x128xf32, #tpu.memory_space<vmem>>) target(%dma_start3A_114 : memref<64x128xf32, #tpu.memory_space<vmem_shared>>) target_semaphore(%run_scoped3A : memref<!tpu.dma_semaphore, #tpu.memory_space<semaphore_mem>>)
      %dma_wait3A_115 = arith.constant 0 : i32
      %dma_wait3A_116 = tpu.memref_slice %arg26[%add3A_18, %dma_wait3A_115] : memref<10240x128xf32, #tpu.memory_space<vmem_shared>> -> memref<64x128xf32, #tpu.memory_space<vmem_shared>>
      %dma_wait3A_117 = arith.constant 0 : i32
      %dma_wait3A_118 = tpu.memref_slice %arg26[%add3A_18, %dma_wait3A_117] : memref<10240x128xf32, #tpu.memory_space<vmem_shared>> -> memref<64x128xf32, #tpu.memory_space<vmem_shared>>
      tpu.wait_dma2 semaphore(%run_scoped3A : memref<!tpu.dma_semaphore, #tpu.memory_space<semaphore_mem>>) src(%arg14 : memref<64x128xf32, #tpu.memory_space<vmem>>) dst(%dma_wait3A_118 : memref<64x128xf32, #tpu.memory_space<vmem_shared>>)
      tpu.yield
    }) : () -> ()
    %mul3A_19 = arith.constant 640 : i32
    %mul3A_20 = arith.muli %arg1, %mul3A_19 : i32
    %add3A_21 = arith.constant 192 : i32
    %add3A_22 = arith.addi %mul3A_20, %add3A_21 : i32
    "tpu.region"() ({
      %run_scoped3A = tpu.sem_alloc : memref<!tpu.dma_semaphore, #tpu.memory_space<semaphore_mem>>
      %dma_start3A_111 = arith.constant 0 : i32
      %dma_start3A_112 = tpu.memref_slice %arg26[%add3A_22, %dma_start3A_111] : memref<10240x128xf32, #tpu.memory_space<vmem_shared>> -> memref<64x128xf32, #tpu.memory_space<vmem_shared>>
      %dma_start3A_113 = arith.constant 0 : i32
      %dma_start3A_114 = tpu.memref_slice %arg26[%add3A_22, %dma_start3A_113] : memref<10240x128xf32, #tpu.memory_space<vmem_shared>> -> memref<64x128xf32, #tpu.memory_space<vmem_shared>>
      tpu.enqueue_dma source(%arg14 : memref<64x128xf32, #tpu.memory_space<vmem>>) target(%dma_start3A_114 : memref<64x128xf32, #tpu.memory_space<vmem_shared>>) target_semaphore(%run_scoped3A : memref<!tpu.dma_semaphore, #tpu.memory_space<semaphore_mem>>)
      %dma_wait3A_115 = arith.constant 0 : i32
      %dma_wait3A_116 = tpu.memref_slice %arg26[%add3A_22, %dma_wait3A_115] : memref<10240x128xf32, #tpu.memory_space<vmem_shared>> -> memref<64x128xf32, #tpu.memory_space<vmem_shared>>
      %dma_wait3A_117 = arith.constant 0 : i32
      %dma_wait3A_118 = tpu.memref_slice %arg26[%add3A_22, %dma_wait3A_117] : memref<10240x128xf32, #tpu.memory_space<vmem_shared>> -> memref<64x128xf32, #tpu.memory_space<vmem_shared>>
      tpu.wait_dma2 semaphore(%run_scoped3A : memref<!tpu.dma_semaphore, #tpu.memory_space<semaphore_mem>>) src(%arg14 : memref<64x128xf32, #tpu.memory_space<vmem>>) dst(%dma_wait3A_118 : memref<64x128xf32, #tpu.memory_space<vmem_shared>>)
      tpu.yield
    }) : () -> ()
    %mul3A_23 = arith.constant 640 : i32
    %mul3A_24 = arith.muli %arg1, %mul3A_23 : i32
    %add3A_25 = arith.constant 256 : i32
    %add3A_26 = arith.addi %mul3A_24, %add3A_25 : i32
    "tpu.region"() ({
      %run_scoped3A = tpu.sem_alloc : memref<!tpu.dma_semaphore, #tpu.memory_space<semaphore_mem>>
      %dma_start3A_111 = arith.constant 0 : i32
      %dma_start3A_112 = tpu.memref_slice %arg26[%add3A_26, %dma_start3A_111] : memref<10240x128xf32, #tpu.memory_space<vmem_shared>> -> memref<64x128xf32, #tpu.memory_space<vmem_shared>>
      %dma_start3A_113 = arith.constant 0 : i32
      %dma_start3A_114 = tpu.memref_slice %arg26[%add3A_26, %dma_start3A_113] : memref<10240x128xf32, #tpu.memory_space<vmem_shared>> -> memref<64x128xf32, #tpu.memory_space<vmem_shared>>
      tpu.enqueue_dma source(%arg14 : memref<64x128xf32, #tpu.memory_space<vmem>>) target(%dma_start3A_114 : memref<64x128xf32, #tpu.memory_space<vmem_shared>>) target_semaphore(%run_scoped3A : memref<!tpu.dma_semaphore, #tpu.memory_space<semaphore_mem>>)
      %dma_wait3A_115 = arith.constant 0 : i32
      %dma_wait3A_116 = tpu.memref_slice %arg26[%add3A_26, %dma_wait3A_115] : memref<10240x128xf32, #tpu.memory_space<vmem_shared>> -> memref<64x128xf32, #tpu.memory_space<vmem_shared>>
      %dma_wait3A_117 = arith.constant 0 : i32
      %dma_wait3A_118 = tpu.memref_slice %arg26[%add3A_26, %dma_wait3A_117] : memref<10240x128xf32, #tpu.memory_space<vmem_shared>> -> memref<64x128xf32, #tpu.memory_space<vmem_shared>>
      tpu.wait_dma2 semaphore(%run_scoped3A : memref<!tpu.dma_semaphore, #tpu.memory_space<semaphore_mem>>) src(%arg14 : memref<64x128xf32, #tpu.memory_space<vmem>>) dst(%dma_wait3A_118 : memref<64x128xf32, #tpu.memory_space<vmem_shared>>)
      tpu.yield
    }) : () -> ()
    %mul3A_27 = arith.constant 640 : i32
    %mul3A_28 = arith.muli %arg1, %mul3A_27 : i32
    %add3A_29 = arith.constant 320 : i32
    %add3A_30 = arith.addi %mul3A_28, %add3A_29 : i32
    "tpu.region"() ({
      %run_scoped3A = tpu.sem_alloc : memref<!tpu.dma_semaphore, #tpu.memory_space<semaphore_mem>>
      %dma_start3A_111 = arith.constant 0 : i32
      %dma_start3A_112 = tpu.memref_slice %arg26[%add3A_30, %dma_start3A_111] : memref<10240x128xf32, #tpu.memory_space<vmem_shared>> -> memref<64x128xf32, #tpu.memory_space<vmem_shared>>
      %dma_start3A_113 = arith.constant 0 : i32
      %dma_start3A_114 = tpu.memref_slice %arg26[%add3A_30, %dma_start3A_113] : memref<10240x128xf32, #tpu.memory_space<vmem_shared>> -> memref<64x128xf32, #tpu.memory_space<vmem_shared>>
      tpu.enqueue_dma source(%arg14 : memref<64x128xf32, #tpu.memory_space<vmem>>) target(%dma_start3A_114 : memref<64x128xf32, #tpu.memory_space<vmem_shared>>) target_semaphore(%run_scoped3A : memref<!tpu.dma_semaphore, #tpu.memory_space<semaphore_mem>>)
      %dma_wait3A_115 = arith.constant 0 : i32
      %dma_wait3A_116 = tpu.memref_slice %arg26[%add3A_30, %dma_wait3A_115] : memref<10240x128xf32, #tpu.memory_space<vmem_shared>> -> memref<64x128xf32, #tpu.memory_space<vmem_shared>>
      %dma_wait3A_117 = arith.constant 0 : i32
      %dma_wait3A_118 = tpu.memref_slice %arg26[%add3A_30, %dma_wait3A_117] : memref<10240x128xf32, #tpu.memory_space<vmem_shared>> -> memref<64x128xf32, #tpu.memory_space<vmem_shared>>
      tpu.wait_dma2 semaphore(%run_scoped3A : memref<!tpu.dma_semaphore, #tpu.memory_space<semaphore_mem>>) src(%arg14 : memref<64x128xf32, #tpu.memory_space<vmem>>) dst(%dma_wait3A_118 : memref<64x128xf32, #tpu.memory_space<vmem_shared>>)
      tpu.yield
    }) : () -> ()
    %mul3A_31 = arith.constant 640 : i32
    %mul3A_32 = arith.muli %arg1, %mul3A_31 : i32
    %add3A_33 = arith.constant 384 : i32
    %add3A_34 = arith.addi %mul3A_32, %add3A_33 : i32
    "tpu.region"() ({
      %run_scoped3A = tpu.sem_alloc : memref<!tpu.dma_semaphore, #tpu.memory_space<semaphore_mem>>
      %dma_start3A_111 = arith.constant 0 : i32
      %dma_start3A_112 = tpu.memref_slice %arg26[%add3A_34, %dma_start3A_111] : memref<10240x128xf32, #tpu.memory_space<vmem_shared>> -> memref<64x128xf32, #tpu.memory_space<vmem_shared>>
      %dma_start3A_113 = arith.constant 0 : i32
      %dma_start3A_114 = tpu.memref_slice %arg26[%add3A_34, %dma_start3A_113] : memref<10240x128xf32, #tpu.memory_space<vmem_shared>> -> memref<64x128xf32, #tpu.memory_space<vmem_shared>>
      tpu.enqueue_dma source(%arg14 : memref<64x128xf32, #tpu.memory_space<vmem>>) target(%dma_start3A_114 : memref<64x128xf32, #tpu.memory_space<vmem_shared>>) target_semaphore(%run_scoped3A : memref<!tpu.dma_semaphore, #tpu.memory_space<semaphore_mem>>)
      %dma_wait3A_115 = arith.constant 0 : i32
      %dma_wait3A_116 = tpu.memref_slice %arg26[%add3A_34, %dma_wait3A_115] : memref<10240x128xf32, #tpu.memory_space<vmem_shared>> -> memref<64x128xf32, #tpu.memory_space<vmem_shared>>
      %dma_wait3A_117 = arith.constant 0 : i32
      %dma_wait3A_118 = tpu.memref_slice %arg26[%add3A_34, %dma_wait3A_117] : memref<10240x128xf32, #tpu.memory_space<vmem_shared>> -> memref<64x128xf32, #tpu.memory_space<vmem_shared>>
      tpu.wait_dma2 semaphore(%run_scoped3A : memref<!tpu.dma_semaphore, #tpu.memory_space<semaphore_mem>>) src(%arg14 : memref<64x128xf32, #tpu.memory_space<vmem>>) dst(%dma_wait3A_118 : memref<64x128xf32, #tpu.memory_space<vmem_shared>>)
      tpu.yield
    }) : () -> ()
    %mul3A_35 = arith.constant 640 : i32
    %mul3A_36 = arith.muli %arg1, %mul3A_35 : i32
    %add3A_37 = arith.constant 448 : i32
    %add3A_38 = arith.addi %mul3A_36, %add3A_37 : i32
    "tpu.region"() ({
      %run_scoped3A = tpu.sem_alloc : memref<!tpu.dma_semaphore, #tpu.memory_space<semaphore_mem>>
      %dma_start3A_111 = arith.constant 0 : i32
      %dma_start3A_112 = tpu.memref_slice %arg26[%add3A_38, %dma_start3A_111] : memref<10240x128xf32, #tpu.memory_space<vmem_shared>> -> memref<64x128xf32, #tpu.memory_space<vmem_shared>>
      %dma_start3A_113 = arith.constant 0 : i32
      %dma_start3A_114 = tpu.memref_slice %arg26[%add3A_38, %dma_start3A_113] : memref<10240x128xf32, #tpu.memory_space<vmem_shared>> -> memref<64x128xf32, #tpu.memory_space<vmem_shared>>
      tpu.enqueue_dma source(%arg14 : memref<64x128xf32, #tpu.memory_space<vmem>>) target(%dma_start3A_114 : memref<64x128xf32, #tpu.memory_space<vmem_shared>>) target_semaphore(%run_scoped3A : memref<!tpu.dma_semaphore, #tpu.memory_space<semaphore_mem>>)
      %dma_wait3A_115 = arith.constant 0 : i32
      %dma_wait3A_116 = tpu.memref_slice %arg26[%add3A_38, %dma_wait3A_115] : memref<10240x128xf32, #tpu.memory_space<vmem_shared>> -> memref<64x128xf32, #tpu.memory_space<vmem_shared>>
      %dma_wait3A_117 = arith.constant 0 : i32
      %dma_wait3A_118 = tpu.memref_slice %arg26[%add3A_38, %dma_wait3A_117] : memref<10240x128xf32, #tpu.memory_space<vmem_shared>> -> memref<64x128xf32, #tpu.memory_space<vmem_shared>>
      tpu.wait_dma2 semaphore(%run_scoped3A : memref<!tpu.dma_semaphore, #tpu.memory_space<semaphore_mem>>) src(%arg14 : memref<64x128xf32, #tpu.memory_space<vmem>>) dst(%dma_wait3A_118 : memref<64x128xf32, #tpu.memory_space<vmem_shared>>)
      tpu.yield
    }) : () -> ()
    %mul3A_39 = arith.constant 640 : i32
    %mul3A_40 = arith.muli %arg1, %mul3A_39 : i32
    %add3A_41 = arith.constant 512 : i32
    %add3A_42 = arith.addi %mul3A_40, %add3A_41 : i32
    "tpu.region"() ({
      %run_scoped3A = tpu.sem_alloc : memref<!tpu.dma_semaphore, #tpu.memory_space<semaphore_mem>>
      %dma_start3A_111 = arith.constant 0 : i32
      %dma_start3A_112 = tpu.memref_slice %arg26[%add3A_42, %dma_start3A_111] : memref<10240x128xf32, #tpu.memory_space<vmem_shared>> -> memref<64x128xf32, #tpu.memory_space<vmem_shared>>
      %dma_start3A_113 = arith.constant 0 : i32
      %dma_start3A_114 = tpu.memref_slice %arg26[%add3A_42, %dma_start3A_113] : memref<10240x128xf32, #tpu.memory_space<vmem_shared>> -> memref<64x128xf32, #tpu.memory_space<vmem_shared>>
      tpu.enqueue_dma source(%arg14 : memref<64x128xf32, #tpu.memory_space<vmem>>) target(%dma_start3A_114 : memref<64x128xf32, #tpu.memory_space<vmem_shared>>) target_semaphore(%run_scoped3A : memref<!tpu.dma_semaphore, #tpu.memory_space<semaphore_mem>>)
      %dma_wait3A_115 = arith.constant 0 : i32
      %dma_wait3A_116 = tpu.memref_slice %arg26[%add3A_42, %dma_wait3A_115] : memref<10240x128xf32, #tpu.memory_space<vmem_shared>> -> memref<64x128xf32, #tpu.memory_space<vmem_shared>>
      %dma_wait3A_117 = arith.constant 0 : i32
      %dma_wait3A_118 = tpu.memref_slice %arg26[%add3A_42, %dma_wait3A_117] : memref<10240x128xf32, #tpu.memory_space<vmem_shared>> -> memref<64x128xf32, #tpu.memory_space<vmem_shared>>
      tpu.wait_dma2 semaphore(%run_scoped3A : memref<!tpu.dma_semaphore, #tpu.memory_space<semaphore_mem>>) src(%arg14 : memref<64x128xf32, #tpu.memory_space<vmem>>) dst(%dma_wait3A_118 : memref<64x128xf32, #tpu.memory_space<vmem_shared>>)
      tpu.yield
    }) : () -> ()
    %mul3A_43 = arith.constant 640 : i32
    %mul3A_44 = arith.muli %arg1, %mul3A_43 : i32
    %add3A_45 = arith.constant 576 : i32
    %add3A_46 = arith.addi %mul3A_44, %add3A_45 : i32
    "tpu.region"() ({
      %run_scoped3A = tpu.sem_alloc : memref<!tpu.dma_semaphore, #tpu.memory_space<semaphore_mem>>
      %dma_start3A_111 = arith.constant 0 : i32
      %dma_start3A_112 = tpu.memref_slice %arg26[%add3A_46, %dma_start3A_111] : memref<10240x128xf32, #tpu.memory_space<vmem_shared>> -> memref<64x128xf32, #tpu.memory_space<vmem_shared>>
      %dma_start3A_113 = arith.constant 0 : i32
      %dma_start3A_114 = tpu.memref_slice %arg26[%add3A_46, %dma_start3A_113] : memref<10240x128xf32, #tpu.memory_space<vmem_shared>> -> memref<64x128xf32, #tpu.memory_space<vmem_shared>>
      tpu.enqueue_dma source(%arg14 : memref<64x128xf32, #tpu.memory_space<vmem>>) target(%dma_start3A_114 : memref<64x128xf32, #tpu.memory_space<vmem_shared>>) target_semaphore(%run_scoped3A : memref<!tpu.dma_semaphore, #tpu.memory_space<semaphore_mem>>)
      %dma_wait3A_115 = arith.constant 0 : i32
      %dma_wait3A_116 = tpu.memref_slice %arg26[%add3A_46, %dma_wait3A_115] : memref<10240x128xf32, #tpu.memory_space<vmem_shared>> -> memref<64x128xf32, #tpu.memory_space<vmem_shared>>
      %dma_wait3A_117 = arith.constant 0 : i32
      %dma_wait3A_118 = tpu.memref_slice %arg26[%add3A_46, %dma_wait3A_117] : memref<10240x128xf32, #tpu.memory_space<vmem_shared>> -> memref<64x128xf32, #tpu.memory_space<vmem_shared>>
      tpu.wait_dma2 semaphore(%run_scoped3A : memref<!tpu.dma_semaphore, #tpu.memory_space<semaphore_mem>>) src(%arg14 : memref<64x128xf32, #tpu.memory_space<vmem>>) dst(%dma_wait3A_118 : memref<64x128xf32, #tpu.memory_space<vmem_shared>>)
      tpu.yield
    }) : () -> ()
    %scan3A_47 = arith.constant 0 : i32
    %scan3A_48 = arith.constant 0 : i32
    %scan3A_49 = arith.constant 640 : i32
    %scan3A_50 = arith.addi %scan3A_48, %scan3A_49 : i32
    %scan3A_51 = arith.constant 1 : i32
    scf.for %scan3A_111 = %scan3A_48 to %scan3A_50 step %scan3A_51  : i32 {
      %mul3A_112 = arith.constant 16 : i32
      %mul3A_113 = arith.muli %scan3A_111, %mul3A_112 : i32
      %swap3A = arith.index_cast %mul3A_113 : i32 to index
      %swap3A_114 = tpu.vector_load %arg12[%swap3A] {strides = array<i32>} : memref<10240xf32, #tpu.memory_space<vmem>>, vector<16xf32>,
      tpu.vector_store %arg12[%swap3A], %broadcast_in_dim3A_1 {strides = array<i32>} : memref<10240xf32, #tpu.memory_space<vmem>>, vector<16xf32>,
    }
    %scan3A_52 = arith.constant 640 : i32
    %barrier3A = arith.constant 0 : index
    tpu.barrier barrier_id(%barrier3A)
    %dma_start3A = arith.constant 0 : i32
    %dma_start3A_53 = arith.constant 0 : i32
    %dma_start3A_54 = tpu.memref_slice %arg5[%add3A, %dma_start3A, %dma_start3A_53] : memref<32x160x64xi32, #tpu.memory_space<hbm>> -> memref<1x1x64xi32, #tpu.memory_space<hbm>>
    %dma_start3A_55 = tpu.memref_squeeze %dma_start3A_54 : memref<1x1x64xi32, #tpu.memory_space<hbm>> -> memref<64xi32, #tpu.memory_space<hbm>>
    %dma_start3A_56 = arith.constant 0 : i32
    %dma_start3A_57 = tpu.memref_slice %arg5[%add3A, %dma_start3A, %dma_start3A_56] : memref<32x160x64xi32, #tpu.memory_space<hbm>> -> memref<1x1x64xi32, #tpu.memory_space<hbm>>
    %dma_start3A_58 = tpu.memref_squeeze %dma_start3A_57 : memref<1x1x64xi32, #tpu.memory_space<hbm>> -> memref<64xi32, #tpu.memory_space<hbm>>
    tpu.enqueue_dma source(%dma_start3A_58 : memref<64xi32, #tpu.memory_space<hbm>>) target(%arg16 : memref<64xi32, #tpu.memory_space<vmem>>) target_semaphore(%arg29 : memref<!tpu.dma_semaphore, #tpu.memory_space<semaphore_mem>>)
    %dma_start3A_59 = arith.constant 0 : i32
    %dma_start3A_60 = arith.constant 0 : i32
    %dma_start3A_61 = tpu.memref_slice %arg6[%add3A, %dma_start3A_59, %dma_start3A_60] : memref<32x160x64xi32, #tpu.memory_space<hbm>> -> memref<1x1x64xi32, #tpu.memory_space<hbm>>
    %dma_start3A_62 = tpu.memref_squeeze %dma_start3A_61 : memref<1x1x64xi32, #tpu.memory_space<hbm>> -> memref<64xi32, #tpu.memory_space<hbm>>
    %dma_start3A_63 = arith.constant 0 : i32
    %dma_start3A_64 = tpu.memref_slice %arg6[%add3A, %dma_start3A_59, %dma_start3A_63] : memref<32x160x64xi32, #tpu.memory_space<hbm>> -> memref<1x1x64xi32, #tpu.memory_space<hbm>>
    %dma_start3A_65 = tpu.memref_squeeze %dma_start3A_64 : memref<1x1x64xi32, #tpu.memory_space<hbm>> -> memref<64xi32, #tpu.memory_space<hbm>>
    tpu.enqueue_dma source(%dma_start3A_65 : memref<64xi32, #tpu.memory_space<hbm>>) target(%arg20 : memref<64xi32, #tpu.memory_space<vmem>>) target_semaphore(%arg33 : memref<!tpu.dma_semaphore, #tpu.memory_space<semaphore_mem>>)
    %dma_start3A_66 = arith.constant 1 : i32
    %dma_start3A_67 = arith.constant 0 : i32
    %dma_start3A_68 = tpu.memref_slice %arg5[%add3A, %dma_start3A_66, %dma_start3A_67] : memref<32x160x64xi32, #tpu.memory_space<hbm>> -> memref<1x1x64xi32, #tpu.memory_space<hbm>>
    %dma_start3A_69 = tpu.memref_squeeze %dma_start3A_68 : memref<1x1x64xi32, #tpu.memory_space<hbm>> -> memref<64xi32, #tpu.memory_space<hbm>>
    %dma_start3A_70 = arith.constant 0 : i32
    %dma_start3A_71 = tpu.memref_slice %arg5[%add3A, %dma_start3A_66, %dma_start3A_70] : memref<32x160x64xi32, #tpu.memory_space<hbm>> -> memref<1x1x64xi32, #tpu.memory_space<hbm>>
    %dma_start3A_72 = tpu.memref_squeeze %dma_start3A_71 : memref<1x1x64xi32, #tpu.memory_space<hbm>> -> memref<64xi32, #tpu.memory_space<hbm>>
    tpu.enqueue_dma source(%dma_start3A_72 : memref<64xi32, #tpu.memory_space<hbm>>) target(%arg17 : memref<64xi32, #tpu.memory_space<vmem>>) target_semaphore(%arg30 : memref<!tpu.dma_semaphore, #tpu.memory_space<semaphore_mem>>)
    %dma_start3A_73 = arith.constant 1 : i32
    %dma_start3A_74 = arith.constant 0 : i32
    %dma_start3A_75 = tpu.memref_slice %arg6[%add3A, %dma_start3A_73, %dma_start3A_74] : memref<32x160x64xi32, #tpu.memory_space<hbm>> -> memref<1x1x64xi32, #tpu.memory_space<hbm>>
    %dma_start3A_76 = tpu.memref_squeeze %dma_start3A_75 : memref<1x1x64xi32, #tpu.memory_space<hbm>> -> memref<64xi32, #tpu.memory_space<hbm>>
    %dma_start3A_77 = arith.constant 0 : i32
    %dma_start3A_78 = tpu.memref_slice %arg6[%add3A, %dma_start3A_73, %dma_start3A_77] : memref<32x160x64xi32, #tpu.memory_space<hbm>> -> memref<1x1x64xi32, #tpu.memory_space<hbm>>
    %dma_start3A_79 = tpu.memref_squeeze %dma_start3A_78 : memref<1x1x64xi32, #tpu.memory_space<hbm>> -> memref<64xi32, #tpu.memory_space<hbm>>
    tpu.enqueue_dma source(%dma_start3A_79 : memref<64xi32, #tpu.memory_space<hbm>>) target(%arg21 : memref<64xi32, #tpu.memory_space<vmem>>) target_semaphore(%arg34 : memref<!tpu.dma_semaphore, #tpu.memory_space<semaphore_mem>>)
    %dma_wait3A = arith.constant 0 : i32
    %dma_wait3A_80 = arith.constant 0 : i32
    %dma_wait3A_81 = tpu.memref_slice %arg5[%add3A, %dma_wait3A, %dma_wait3A_80] : memref<32x160x64xi32, #tpu.memory_space<hbm>> -> memref<1x1x64xi32, #tpu.memory_space<hbm>>
    %dma_wait3A_82 = tpu.memref_squeeze %dma_wait3A_81 : memref<1x1x64xi32, #tpu.memory_space<hbm>> -> memref<64xi32, #tpu.memory_space<hbm>>
    %dma_wait3A_83 = arith.constant 0 : i32
    %dma_wait3A_84 = tpu.memref_slice %arg5[%add3A, %dma_wait3A, %dma_wait3A_83] : memref<32x160x64xi32, #tpu.memory_space<hbm>> -> memref<1x1x64xi32, #tpu.memory_space<hbm>>
    %dma_wait3A_85 = tpu.memref_squeeze %dma_wait3A_84 : memref<1x1x64xi32, #tpu.memory_space<hbm>> -> memref<64xi32, #tpu.memory_space<hbm>>
    tpu.wait_dma2 semaphore(%arg29 : memref<!tpu.dma_semaphore, #tpu.memory_space<semaphore_mem>>) src(%dma_wait3A_85 : memref<64xi32, #tpu.memory_space<hbm>>) dst(%arg16 : memref<64xi32, #tpu.memory_space<vmem>>)
    %dma_wait3A_86 = arith.constant 0 : i32
    %dma_wait3A_87 = arith.constant 0 : i32
    %dma_wait3A_88 = tpu.memref_slice %arg6[%add3A, %dma_wait3A_86, %dma_wait3A_87] : memref<32x160x64xi32, #tpu.memory_space<hbm>> -> memref<1x1x64xi32, #tpu.memory_space<hbm>>
    %dma_wait3A_89 = tpu.memref_squeeze %dma_wait3A_88 : memref<1x1x64xi32, #tpu.memory_space<hbm>> -> memref<64xi32, #tpu.memory_space<hbm>>
    %dma_wait3A_90 = arith.constant 0 : i32
    %dma_wait3A_91 = tpu.memref_slice %arg6[%add3A, %dma_wait3A_86, %dma_wait3A_90] : memref<32x160x64xi32, #tpu.memory_space<hbm>> -> memref<1x1x64xi32, #tpu.memory_space<hbm>>
    %dma_wait3A_92 = tpu.memref_squeeze %dma_wait3A_91 : memref<1x1x64xi32, #tpu.memory_space<hbm>> -> memref<64xi32, #tpu.memory_space<hbm>>
    tpu.wait_dma2 semaphore(%arg33 : memref<!tpu.dma_semaphore, #tpu.memory_space<semaphore_mem>>) src(%dma_wait3A_92 : memref<64xi32, #tpu.memory_space<hbm>>) dst(%arg20 : memref<64xi32, #tpu.memory_space<vmem>>)
    %dma_start3A_93 = arith.constant 0 : i32
    %dma_start3A_94 = arith.constant 0 : i32
    %dma_start3A_95 = tpu.memref_slice %arg2[%dma_start3A_93, %dma_start3A_94] : memref<10240x128xf32, #tpu.memory_space<hbm>> -> memref<10240x128xf32, #tpu.memory_space<hbm>>
    tpu.enqueue_indirect_dma source(%dma_start3A_95 : memref<10240x128xf32, #tpu.memory_space<hbm>>) target(%arg14 : memref<64x128xf32, #tpu.memory_space<vmem>>) offsets(%arg16 : memref<64xi32, #tpu.memory_space<vmem>>) semaphore(%arg27 : memref<!tpu.dma_semaphore, #tpu.memory_space<semaphore_mem>>)
    %get3A = arith.constant 0 : index
    %get3A_96 = tpu.vector_load %arg13[%get3A] {strides = array<i32>} : memref<16xf32, #tpu.memory_space<vmem>>, vector<16xf32>,
    %scan3A_97 = arith.constant 0 : i32
    %scan3A_98 = arith.constant 0 : i32
    %scan3A_99 = arith.constant 40 : i32
    %scan3A_100 = arith.addi %scan3A_98, %scan3A_99 : i32
    %scan3A_101 = arith.constant 1 : i32
    scf.for %scan3A_111 = %scan3A_98 to %scan3A_100 step %scan3A_101  : i32 {
      %mul3A_112 = arith.constant 4 : i32
      %mul3A_113 = arith.muli %mul3A_112, %scan3A_111 : i32
      %add3A_114 = arith.constant 0 : i32
      %add3A_115 = arith.addi %mul3A_113, %add3A_114 : i32
      %ge3A = arith.constant 1 : i32
      %ge3A_116 = arith.cmpi sge, %add3A_115, %ge3A : i32
      %convert_element_type3A = arith.extui %ge3A_116 : i1 to i32
      %cond3A = arith.constant 0 : i32
      %cond3A_117 = arith.cmpi ne, %convert_element_type3A, %cond3A : i32
      scf.if %cond3A_117 {
        %dma_wait3A_247 = arith.constant 0 : i32
        %dma_wait3A_248 = arith.constant 0 : i32
        %dma_wait3A_249 = tpu.memref_slice %arg26[%dma_wait3A_247, %dma_wait3A_248] : memref<10240x128xf32, #tpu.memory_space<vmem_shared>> -> memref<10240x128xf32, #tpu.memory_space<vmem_shared>>
        tpu.wait_indirect_dma semaphore(%arg38 : memref<!tpu.dma_semaphore, #tpu.memory_space<semaphore_mem>>) src(%arg15 : memref<64x128xf32, #tpu.memory_space<vmem>>) dst(%dma_wait3A_249 : memref<10240x128xf32, #tpu.memory_space<vmem_shared>>)
      } else {
      }
      %add3A_118 = arith.constant 1 : i32
      %add3A_119 = arith.addi %add3A_115, %add3A_118 : i32
      %lt3A = arith.constant 160 : i32
      %lt3A_120 = arith.cmpi slt, %add3A_119, %lt3A : i32
      %convert_element_type3A_121 = arith.extui %lt3A_120 : i1 to i32
      %cond3A_122 = arith.constant 0 : i32
      %cond3A_123 = arith.cmpi ne, %convert_element_type3A_121, %cond3A_122 : i32
      scf.if %cond3A_123 {
        %add3A_247 = arith.constant 1 : i32
        %add3A_248 = arith.addi %add3A_115, %add3A_247 : i32
        %min3A = arith.constant 159 : i32
        %min3A_249 = arith.minsi %add3A_248, %min3A : i32
        %dma_wait3A_250 = arith.constant 0 : i32
        %dma_wait3A_251 = tpu.memref_slice %arg5[%add3A, %min3A_249, %dma_wait3A_250] : memref<32x160x64xi32, #tpu.memory_space<hbm>> -> memref<1x1x64xi32, #tpu.memory_space<hbm>>
        %dma_wait3A_252 = tpu.memref_squeeze %dma_wait3A_251 : memref<1x1x64xi32, #tpu.memory_space<hbm>> -> memref<64xi32, #tpu.memory_space<hbm>>
        %dma_wait3A_253 = arith.constant 0 : i32
        %dma_wait3A_254 = tpu.memref_slice %arg5[%add3A, %min3A_249, %dma_wait3A_253] : memref<32x160x64xi32, #tpu.memory_space<hbm>> -> memref<1x1x64xi32, #tpu.memory_space<hbm>>
        %dma_wait3A_255 = tpu.memref_squeeze %dma_wait3A_254 : memref<1x1x64xi32, #tpu.memory_space<hbm>> -> memref<64xi32, #tpu.memory_space<hbm>>
        tpu.wait_dma2 semaphore(%arg30 : memref<!tpu.dma_semaphore, #tpu.memory_space<semaphore_mem>>) src(%dma_wait3A_255 : memref<64xi32, #tpu.memory_space<hbm>>) dst(%arg17 : memref<64xi32, #tpu.memory_space<vmem>>)
        %dma_wait3A_256 = arith.constant 0 : i32
        %dma_wait3A_257 = tpu.memref_slice %arg6[%add3A, %min3A_249, %dma_wait3A_256] : memref<32x160x64xi32, #tpu.memory_space<hbm>> -> memref<1x1x64xi32, #tpu.memory_space<hbm>>
        %dma_wait3A_258 = tpu.memref_squeeze %dma_wait3A_257 : memref<1x1x64xi32, #tpu.memory_space<hbm>> -> memref<64xi32, #tpu.memory_space<hbm>>
        %dma_wait3A_259 = arith.constant 0 : i32
        %dma_wait3A_260 = tpu.memref_slice %arg6[%add3A, %min3A_249, %dma_wait3A_259] : memref<32x160x64xi32, #tpu.memory_space<hbm>> -> memref<1x1x64xi32, #tpu.memory_space<hbm>>
        %dma_wait3A_261 = tpu.memref_squeeze %dma_wait3A_260 : memref<1x1x64xi32, #tpu.memory_space<hbm>> -> memref<64xi32, #tpu.memory_space<hbm>>
        tpu.wait_dma2 semaphore(%arg34 : memref<!tpu.dma_semaphore, #tpu.memory_space<semaphore_mem>>) src(%dma_wait3A_261 : memref<64xi32, #tpu.memory_space<hbm>>) dst(%arg21 : memref<64xi32, #tpu.memory_space<vmem>>)
        %dma_start3A_262 = arith.constant 0 : i32
        %dma_start3A_263 = arith.constant 0 : i32
        %dma_start3A_264 = tpu.memref_slice %arg2[%dma_start3A_262, %dma_start3A_263] : memref<10240x128xf32, #tpu.memory_space<hbm>> -> memref<10240x128xf32, #tpu.memory_space<hbm>>
        tpu.enqueue_indirect_dma source(%dma_start3A_264 : memref<10240x128xf32, #tpu.memory_space<hbm>>) target(%arg15 : memref<64x128xf32, #tpu.memory_space<vmem>>) offsets(%arg17 : memref<64xi32, #tpu.memory_space<vmem>>) semaphore(%arg28 : memref<!tpu.dma_semaphore, #tpu.memory_space<semaphore_mem>>)
      } else {
      }
      %parallel_loop3A = arith.constant 0 : i32
      %parallel_loop3A_124 = arith.constant 4 : i32
      %parallel_loop3A_125 = arith.constant 1 : i32
      scf.for %parallel_loop3A_247 = %parallel_loop3A to %parallel_loop3A_124 step %parallel_loop3A_125  : i32 {
        %parallel_loop3A_248 = arith.constant 16 : i32
        %parallel_loop3A_249 = arith.muli %parallel_loop3A_247, %parallel_loop3A_248 : i32
        %parallel_loop3A_250 = arith.index_cast %parallel_loop3A_249 : i32 to index
        %parallel_loop3A_251 = tpu.vector_load %arg16[%parallel_loop3A_250] {strides = array<i32>} : memref<64xi32, #tpu.memory_space<vmem>>, vector<16xi32>,
        %parallel_loop3A_252 = arith.constant 16 : i32
        %parallel_loop3A_253 = arith.muli %parallel_loop3A_247, %parallel_loop3A_252 : i32
        %parallel_loop3A_254 = arith.index_cast %parallel_loop3A_253 : i32 to index
        %parallel_loop3A_255 = tpu.vector_load %arg20[%parallel_loop3A_254] {strides = array<i32>} : memref<64xi32, #tpu.memory_space<vmem>>, vector<16xi32>,
        %parallel_loop3A_256 = tpu.vector_load_idx %arg10[%parallel_loop3A_251] : memref<10240xf32, #tpu.memory_space<vmem>>[vector<16xi32>], vector<16xf32>,
        %parallel_loop3A_257 = tpu.vector_load_idx %arg11[%parallel_loop3A_255] : memref<10240xf32, #tpu.memory_space<vmem>>[vector<16xi32>], vector<16xf32>,
        %parallel_loop3A_258 = arith.addf %parallel_loop3A_256, %parallel_loop3A_257 : vector<16xf32>
        %parallel_loop3A_259 = arith.constant 2.000000e-01 : f32
        %parallel_loop3A_260 = vector.broadcast %parallel_loop3A_259 : f32 to vector<16xf32>
        %parallel_loop3A_261 = arith.mulf %parallel_loop3A_260, %parallel_loop3A_258 : vector<16xf32>
        %parallel_loop3A_262 = arith.maximumf %parallel_loop3A_258, %parallel_loop3A_261 : vector<16xf32>
        %parallel_loop3A_263 = arith.subf %parallel_loop3A_262, %get3A_96 : vector<16xf32>
        %parallel_loop3A_264 = math.exp %parallel_loop3A_263 : vector<16xf32>
        %parallel_loop3A_265 = arith.constant 16 : i32
        %parallel_loop3A_266 = arith.muli %parallel_loop3A_247, %parallel_loop3A_265 : i32
        %parallel_loop3A_267 = arith.index_cast %parallel_loop3A_266 : i32 to index
        %parallel_loop3A_268 = tpu.vector_load %arg24[%parallel_loop3A_267] {strides = array<i32>} : memref<64xf32, #tpu.memory_space<vmem>>, vector<16xf32>,
        tpu.vector_store %arg24[%parallel_loop3A_267], %parallel_loop3A_264 {strides = array<i32>} : memref<64xf32, #tpu.memory_space<vmem>>, vector<16xf32>,
        tpu.vector_store_idx %arg12[%parallel_loop3A_255], %parallel_loop3A_264 {add = true} : memref<10240xf32, #tpu.memory_space<vmem>>[vector<16xi32>], vector<16xf32>,
      } {sc.loop_unroll_factor = 4 : i64, sc.parallel_access}
      %dma_wait3A_126 = arith.constant 0 : i32
      %dma_wait3A_127 = arith.constant 0 : i32
      %dma_wait3A_128 = tpu.memref_slice %arg2[%dma_wait3A_126, %dma_wait3A_127] : memref<10240x128xf32, #tpu.memory_space<hbm>> -> memref<10240x128xf32, #tpu.memory_space<hbm>>
      tpu.wait_indirect_dma semaphore(%arg27 : memref<!tpu.dma_semaphore, #tpu.memory_space<semaphore_mem>>) src(%dma_wait3A_128 : memref<10240x128xf32, #tpu.memory_space<hbm>>) dst(%arg14 : memref<64x128xf32, #tpu.memory_space<vmem>>)
      %parallel_loop3A_129 = arith.constant 0 : i32
      %parallel_loop3A_130 = arith.constant 64 : i32
      %parallel_loop3A_131 = arith.constant 1 : i32
      scf.for %parallel_loop3A_247 = %parallel_loop3A_129 to %parallel_loop3A_130 step %parallel_loop3A_131  : i32 {
        %parallel_loop3A_248 = vector.broadcast %parallel_loop3A_247 : i32 to vector<16xi32>
        %parallel_loop3A_249 = tpu.vector_load_idx %arg24[%parallel_loop3A_248] : memref<64xf32, #tpu.memory_space<vmem>>[vector<16xi32>], vector<16xf32>,
        %parallel_loop3A_250 = arith.index_cast %parallel_loop3A_247 : i32 to index
        %parallel_loop3A_251 = arith.constant 0 : index
        %parallel_loop3A_252 = tpu.vector_load %arg14[%parallel_loop3A_250, %parallel_loop3A_251] {strides = array<i32>} : memref<64x128xf32, #tpu.memory_space<vmem>>, vector<16xf32>,
        %parallel_loop3A_253 = arith.mulf %parallel_loop3A_252, %parallel_loop3A_249 : vector<16xf32>
        %parallel_loop3A_254 = arith.index_cast %parallel_loop3A_247 : i32 to index
        %parallel_loop3A_255 = arith.constant 0 : index
        %parallel_loop3A_256 = tpu.vector_load %arg14[%parallel_loop3A_254, %parallel_loop3A_255] {strides = array<i32>} : memref<64x128xf32, #tpu.memory_space<vmem>>, vector<16xf32>,
        tpu.vector_store %arg14[%parallel_loop3A_254, %parallel_loop3A_255], %parallel_loop3A_253 {strides = array<i32>} : memref<64x128xf32, #tpu.memory_space<vmem>>, vector<16xf32>,
        %parallel_loop3A_257 = arith.index_cast %parallel_loop3A_247 : i32 to index
        %parallel_loop3A_258 = arith.constant 16 : index
        %parallel_loop3A_259 = tpu.vector_load %arg14[%parallel_loop3A_257, %parallel_loop3A_258] {strides = array<i32>} : memref<64x128xf32, #tpu.memory_space<vmem>>, vector<16xf32>,
        %parallel_loop3A_260 = arith.mulf %parallel_loop3A_259, %parallel_loop3A_249 : vector<16xf32>
        %parallel_loop3A_261 = arith.index_cast %parallel_loop3A_247 : i32 to index
        %parallel_loop3A_262 = arith.constant 16 : index
        %parallel_loop3A_263 = tpu.vector_load %arg14[%parallel_loop3A_261, %parallel_loop3A_262] {strides = array<i32>} : memref<64x128xf32, #tpu.memory_space<vmem>>, vector<16xf32>,
        tpu.vector_store %arg14[%parallel_loop3A_261, %parallel_loop3A_262], %parallel_loop3A_260 {strides = array<i32>} : memref<64x128xf32, #tpu.memory_space<vmem>>, vector<16xf32>,
        %parallel_loop3A_264 = arith.index_cast %parallel_loop3A_247 : i32 to index
        %parallel_loop3A_265 = arith.constant 32 : index
        %parallel_loop3A_266 = tpu.vector_load %arg14[%parallel_loop3A_264, %parallel_loop3A_265] {strides = array<i32>} : memref<64x128xf32, #tpu.memory_space<vmem>>, vector<16xf32>,
        %parallel_loop3A_267 = arith.mulf %parallel_loop3A_266, %parallel_loop3A_249 : vector<16xf32>
        %parallel_loop3A_268 = arith.index_cast %parallel_loop3A_247 : i32 to index
        %parallel_loop3A_269 = arith.constant 32 : index
        %parallel_loop3A_270 = tpu.vector_load %arg14[%parallel_loop3A_268, %parallel_loop3A_269] {strides = array<i32>} : memref<64x128xf32, #tpu.memory_space<vmem>>, vector<16xf32>,
        tpu.vector_store %arg14[%parallel_loop3A_268, %parallel_loop3A_269], %parallel_loop3A_267 {strides = array<i32>} : memref<64x128xf32, #tpu.memory_space<vmem>>, vector<16xf32>,
        %parallel_loop3A_271 = arith.index_cast %parallel_loop3A_247 : i32 to index
        %parallel_loop3A_272 = arith.constant 48 : index
        %parallel_loop3A_273 = tpu.vector_load %arg14[%parallel_loop3A_271, %parallel_loop3A_272] {strides = array<i32>} : memref<64x128xf32, #tpu.memory_space<vmem>>, vector<16xf32>,
        %parallel_loop3A_274 = arith.mulf %parallel_loop3A_273, %parallel_loop3A_249 : vector<16xf32>
        %parallel_loop3A_275 = arith.index_cast %parallel_loop3A_247 : i32 to index
        %parallel_loop3A_276 = arith.constant 48 : index
        %parallel_loop3A_277 = tpu.vector_load %arg14[%parallel_loop3A_275, %parallel_loop3A_276] {strides = array<i32>} : memref<64x128xf32, #tpu.memory_space<vmem>>, vector<16xf32>,
        tpu.vector_store %arg14[%parallel_loop3A_275, %parallel_loop3A_276], %parallel_loop3A_274 {strides = array<i32>} : memref<64x128xf32, #tpu.memory_space<vmem>>, vector<16xf32>,
        %parallel_loop3A_278 = arith.index_cast %parallel_loop3A_247 : i32 to index
        %parallel_loop3A_279 = arith.constant 64 : index
        %parallel_loop3A_280 = tpu.vector_load %arg14[%parallel_loop3A_278, %parallel_loop3A_279] {strides = array<i32>} : memref<64x128xf32, #tpu.memory_space<vmem>>, vector<16xf32>,
        %parallel_loop3A_281 = arith.mulf %parallel_loop3A_280, %parallel_loop3A_249 : vector<16xf32>
        %parallel_loop3A_282 = arith.index_cast %parallel_loop3A_247 : i32 to index
        %parallel_loop3A_283 = arith.constant 64 : index
        %parallel_loop3A_284 = tpu.vector_load %arg14[%parallel_loop3A_282, %parallel_loop3A_283] {strides = array<i32>} : memref<64x128xf32, #tpu.memory_space<vmem>>, vector<16xf32>,
        tpu.vector_store %arg14[%parallel_loop3A_282, %parallel_loop3A_283], %parallel_loop3A_281 {strides = array<i32>} : memref<64x128xf32, #tpu.memory_space<vmem>>, vector<16xf32>,
        %parallel_loop3A_285 = arith.index_cast %parallel_loop3A_247 : i32 to index
        %parallel_loop3A_286 = arith.constant 80 : index
        %parallel_loop3A_287 = tpu.vector_load %arg14[%parallel_loop3A_285, %parallel_loop3A_286] {strides = array<i32>} : memref<64x128xf32, #tpu.memory_space<vmem>>, vector<16xf32>,
        %parallel_loop3A_288 = arith.mulf %parallel_loop3A_287, %parallel_loop3A_249 : vector<16xf32>
        %parallel_loop3A_289 = arith.index_cast %parallel_loop3A_247 : i32 to index
        %parallel_loop3A_290 = arith.constant 80 : index
        %parallel_loop3A_291 = tpu.vector_load %arg14[%parallel_loop3A_289, %parallel_loop3A_290] {strides = array<i32>} : memref<64x128xf32, #tpu.memory_space<vmem>>, vector<16xf32>,
        tpu.vector_store %arg14[%parallel_loop3A_289, %parallel_loop3A_290], %parallel_loop3A_288 {strides = array<i32>} : memref<64x128xf32, #tpu.memory_space<vmem>>, vector<16xf32>,
        %parallel_loop3A_292 = arith.index_cast %parallel_loop3A_247 : i32 to index
        %parallel_loop3A_293 = arith.constant 96 : index
        %parallel_loop3A_294 = tpu.vector_load %arg14[%parallel_loop3A_292, %parallel_loop3A_293] {strides = array<i32>} : memref<64x128xf32, #tpu.memory_space<vmem>>, vector<16xf32>,
        %parallel_loop3A_295 = arith.mulf %parallel_loop3A_294, %parallel_loop3A_249 : vector<16xf32>
        %parallel_loop3A_296 = arith.index_cast %parallel_loop3A_247 : i32 to index
        %parallel_loop3A_297 = arith.constant 96 : index
        %parallel_loop3A_298 = tpu.vector_load %arg14[%parallel_loop3A_296, %parallel_loop3A_297] {strides = array<i32>} : memref<64x128xf32, #tpu.memory_space<vmem>>, vector<16xf32>,
        tpu.vector_store %arg14[%parallel_loop3A_296, %parallel_loop3A_297], %parallel_loop3A_295 {strides = array<i32>} : memref<64x128xf32, #tpu.memory_space<vmem>>, vector<16xf32>,
        %parallel_loop3A_299 = arith.index_cast %parallel_loop3A_247 : i32 to index
        %parallel_loop3A_300 = arith.constant 112 : index
        %parallel_loop3A_301 = tpu.vector_load %arg14[%parallel_loop3A_299, %parallel_loop3A_300] {strides = array<i32>} : memref<64x128xf32, #tpu.memory_space<vmem>>, vector<16xf32>,
        %parallel_loop3A_302 = arith.mulf %parallel_loop3A_301, %parallel_loop3A_249 : vector<16xf32>
        %parallel_loop3A_303 = arith.index_cast %parallel_loop3A_247 : i32 to index
        %parallel_loop3A_304 = arith.constant 112 : index
        %parallel_loop3A_305 = tpu.vector_load %arg14[%parallel_loop3A_303, %parallel_loop3A_304] {strides = array<i32>} : memref<64x128xf32, #tpu.memory_space<vmem>>, vector<16xf32>,
        tpu.vector_store %arg14[%parallel_loop3A_303, %parallel_loop3A_304], %parallel_loop3A_302 {strides = array<i32>} : memref<64x128xf32, #tpu.memory_space<vmem>>, vector<16xf32>,
      } {sc.loop_unroll_factor = 4 : i64, sc.parallel_access}
      %dma_start3A_132 = arith.constant 0 : i32
      %dma_start3A_133 = arith.constant 0 : i32
      %dma_start3A_134 = tpu.memref_slice %arg26[%dma_start3A_132, %dma_start3A_133] : memref<10240x128xf32, #tpu.memory_space<vmem_shared>> -> memref<10240x128xf32, #tpu.memory_space<vmem_shared>>
      tpu.enqueue_indirect_dma source(%arg14 : memref<64x128xf32, #tpu.memory_space<vmem>>) target(%dma_start3A_134 : memref<10240x128xf32, #tpu.memory_space<vmem_shared>>) offsets(%arg20 : memref<64xi32, #tpu.memory_space<vmem>>) semaphore(%arg37 : memref<!tpu.dma_semaphore, #tpu.memory_space<semaphore_mem>>) {add = true}
      %add3A_135 = arith.constant 2 : i32
      %add3A_136 = arith.addi %add3A_115, %add3A_135 : i32
      %lt3A_137 = arith.constant 160 : i32
      %lt3A_138 = arith.cmpi slt, %add3A_136, %lt3A_137 : i32
      %convert_element_type3A_139 = arith.extui %lt3A_138 : i1 to i32
      %cond3A_140 = arith.constant 0 : i32
      %cond3A_141 = arith.cmpi ne, %convert_element_type3A_139, %cond3A_140 : i32
      scf.if %cond3A_141 {
        %add3A_247 = arith.constant 2 : i32
        %add3A_248 = arith.addi %add3A_115, %add3A_247 : i32
        %min3A = arith.constant 159 : i32
        %min3A_249 = arith.minsi %add3A_248, %min3A : i32
        %dma_start3A_250 = arith.constant 0 : i32
        %dma_start3A_251 = tpu.memref_slice %arg5[%add3A, %min3A_249, %dma_start3A_250] : memref<32x160x64xi32, #tpu.memory_space<hbm>> -> memref<1x1x64xi32, #tpu.memory_space<hbm>>
        %dma_start3A_252 = tpu.memref_squeeze %dma_start3A_251 : memref<1x1x64xi32, #tpu.memory_space<hbm>> -> memref<64xi32, #tpu.memory_space<hbm>>
        %dma_start3A_253 = arith.constant 0 : i32
        %dma_start3A_254 = tpu.memref_slice %arg5[%add3A, %min3A_249, %dma_start3A_253] : memref<32x160x64xi32, #tpu.memory_space<hbm>> -> memref<1x1x64xi32, #tpu.memory_space<hbm>>
        %dma_start3A_255 = tpu.memref_squeeze %dma_start3A_254 : memref<1x1x64xi32, #tpu.memory_space<hbm>> -> memref<64xi32, #tpu.memory_space<hbm>>
        tpu.enqueue_dma source(%dma_start3A_255 : memref<64xi32, #tpu.memory_space<hbm>>) target(%arg18 : memref<64xi32, #tpu.memory_space<vmem>>) target_semaphore(%arg31 : memref<!tpu.dma_semaphore, #tpu.memory_space<semaphore_mem>>)
        %dma_start3A_256 = arith.constant 0 : i32
        %dma_start3A_257 = tpu.memref_slice %arg6[%add3A, %min3A_249, %dma_start3A_256] : memref<32x160x64xi32, #tpu.memory_space<hbm>> -> memref<1x1x64xi32, #tpu.memory_space<hbm>>
        %dma_start3A_258 = tpu.memref_squeeze %dma_start3A_257 : memref<1x1x64xi32, #tpu.memory_space<hbm>> -> memref<64xi32, #tpu.memory_space<hbm>>
        %dma_start3A_259 = arith.constant 0 : i32
        %dma_start3A_260 = tpu.memref_slice %arg6[%add3A, %min3A_249, %dma_start3A_259] : memref<32x160x64xi32, #tpu.memory_space<hbm>> -> memref<1x1x64xi32, #tpu.memory_space<hbm>>
        %dma_start3A_261 = tpu.memref_squeeze %dma_start3A_260 : memref<1x1x64xi32, #tpu.memory_space<hbm>> -> memref<64xi32, #tpu.memory_space<hbm>>
        tpu.enqueue_dma source(%dma_start3A_261 : memref<64xi32, #tpu.memory_space<hbm>>) target(%arg22 : memref<64xi32, #tpu.memory_space<vmem>>) target_semaphore(%arg35 : memref<!tpu.dma_semaphore, #tpu.memory_space<semaphore_mem>>)
      } else {
      }
      %mul3A_142 = arith.constant 4 : i32
      %mul3A_143 = arith.muli %mul3A_142, %scan3A_111 : i32
      %add3A_144 = arith.constant 1 : i32
      %add3A_145 = arith.addi %mul3A_143, %add3A_144 : i32
      %ge3A_146 = arith.constant 1 : i32
      %ge3A_147 = arith.cmpi sge, %add3A_145, %ge3A_146 : i32
      %convert_element_type3A_148 = arith.extui %ge3A_147 : i1 to i32
      %cond3A_149 = arith.constant 0 : i32
      %cond3A_150 = arith.cmpi ne, %convert_element_type3A_148, %cond3A_149 : i32
      scf.if %cond3A_150 {
        %dma_wait3A_247 = arith.constant 0 : i32
        %dma_wait3A_248 = arith.constant 0 : i32
        %dma_wait3A_249 = tpu.memref_slice %arg26[%dma_wait3A_247, %dma_wait3A_248] : memref<10240x128xf32, #tpu.memory_space<vmem_shared>> -> memref<10240x128xf32, #tpu.memory_space<vmem_shared>>
        tpu.wait_indirect_dma semaphore(%arg37 : memref<!tpu.dma_semaphore, #tpu.memory_space<semaphore_mem>>) src(%arg14 : memref<64x128xf32, #tpu.memory_space<vmem>>) dst(%dma_wait3A_249 : memref<10240x128xf32, #tpu.memory_space<vmem_shared>>)
      } else {
      }
      %add3A_151 = arith.constant 1 : i32
      %add3A_152 = arith.addi %add3A_145, %add3A_151 : i32
      %lt3A_153 = arith.constant 160 : i32
      %lt3A_154 = arith.cmpi slt, %add3A_152, %lt3A_153 : i32
      %convert_element_type3A_155 = arith.extui %lt3A_154 : i1 to i32
      %cond3A_156 = arith.constant 0 : i32
      %cond3A_157 = arith.cmpi ne, %convert_element_type3A_155, %cond3A_156 : i32
      scf.if %cond3A_157 {
        %add3A_247 = arith.constant 1 : i32
        %add3A_248 = arith.addi %add3A_145, %add3A_247 : i32
        %min3A = arith.constant 159 : i32
        %min3A_249 = arith.minsi %add3A_248, %min3A : i32
        %dma_wait3A_250 = arith.constant 0 : i32
        %dma_wait3A_251 = tpu.memref_slice %arg5[%add3A, %min3A_249, %dma_wait3A_250] : memref<32x160x64xi32, #tpu.memory_space<hbm>> -> memref<1x1x64xi32, #tpu.memory_space<hbm>>
        %dma_wait3A_252 = tpu.memref_squeeze %dma_wait3A_251 : memref<1x1x64xi32, #tpu.memory_space<hbm>> -> memref<64xi32, #tpu.memory_space<hbm>>
        %dma_wait3A_253 = arith.constant 0 : i32
        %dma_wait3A_254 = tpu.memref_slice %arg5[%add3A, %min3A_249, %dma_wait3A_253] : memref<32x160x64xi32, #tpu.memory_space<hbm>> -> memref<1x1x64xi32, #tpu.memory_space<hbm>>
        %dma_wait3A_255 = tpu.memref_squeeze %dma_wait3A_254 : memref<1x1x64xi32, #tpu.memory_space<hbm>> -> memref<64xi32, #tpu.memory_space<hbm>>
        tpu.wait_dma2 semaphore(%arg31 : memref<!tpu.dma_semaphore, #tpu.memory_space<semaphore_mem>>) src(%dma_wait3A_255 : memref<64xi32, #tpu.memory_space<hbm>>) dst(%arg18 : memref<64xi32, #tpu.memory_space<vmem>>)
        %dma_wait3A_256 = arith.constant 0 : i32
        %dma_wait3A_257 = tpu.memref_slice %arg6[%add3A, %min3A_249, %dma_wait3A_256] : memref<32x160x64xi32, #tpu.memory_space<hbm>> -> memref<1x1x64xi32, #tpu.memory_space<hbm>>
        %dma_wait3A_258 = tpu.memref_squeeze %dma_wait3A_257 : memref<1x1x64xi32, #tpu.memory_space<hbm>> -> memref<64xi32, #tpu.memory_space<hbm>>
        %dma_wait3A_259 = arith.constant 0 : i32
        %dma_wait3A_260 = tpu.memref_slice %arg6[%add3A, %min3A_249, %dma_wait3A_259] : memref<32x160x64xi32, #tpu.memory_space<hbm>> -> memref<1x1x64xi32, #tpu.memory_space<hbm>>
        %dma_wait3A_261 = tpu.memref_squeeze %dma_wait3A_260 : memref<1x1x64xi32, #tpu.memory_space<hbm>> -> memref<64xi32, #tpu.memory_space<hbm>>
        tpu.wait_dma2 semaphore(%arg35 : memref<!tpu.dma_semaphore, #tpu.memory_space<semaphore_mem>>) src(%dma_wait3A_261 : memref<64xi32, #tpu.memory_space<hbm>>) dst(%arg22 : memref<64xi32, #tpu.memory_space<vmem>>)
        %dma_start3A_262 = arith.constant 0 : i32
        %dma_start3A_263 = arith.constant 0 : i32
        %dma_start3A_264 = tpu.memref_slice %arg2[%dma_start3A_262, %dma_start3A_263] : memref<10240x128xf32, #tpu.memory_space<hbm>> -> memref<10240x128xf32, #tpu.memory_space<hbm>>
        tpu.enqueue_indirect_dma source(%dma_start3A_264 : memref<10240x128xf32, #tpu.memory_space<hbm>>) target(%arg14 : memref<64x128xf32, #tpu.memory_space<vmem>>) offsets(%arg18 : memref<64xi32, #tpu.memory_space<vmem>>) semaphore(%arg27 : memref<!tpu.dma_semaphore, #tpu.memory_space<semaphore_mem>>)
      } else {
      }
      %parallel_loop3A_158 = arith.constant 0 : i32
      %parallel_loop3A_159 = arith.constant 4 : i32
      %parallel_loop3A_160 = arith.constant 1 : i32
      scf.for %parallel_loop3A_247 = %parallel_loop3A_158 to %parallel_loop3A_159 step %parallel_loop3A_160  : i32 {
        %parallel_loop3A_248 = arith.constant 16 : i32
        %parallel_loop3A_249 = arith.muli %parallel_loop3A_247, %parallel_loop3A_248 : i32
        %parallel_loop3A_250 = arith.index_cast %parallel_loop3A_249 : i32 to index
        %parallel_loop3A_251 = tpu.vector_load %arg17[%parallel_loop3A_250] {strides = array<i32>} : memref<64xi32, #tpu.memory_space<vmem>>, vector<16xi32>,
        %parallel_loop3A_252 = arith.constant 16 : i32
        %parallel_loop3A_253 = arith.muli %parallel_loop3A_247, %parallel_loop3A_252 : i32
        %parallel_loop3A_254 = arith.index_cast %parallel_loop3A_253 : i32 to index
        %parallel_loop3A_255 = tpu.vector_load %arg21[%parallel_loop3A_254] {strides = array<i32>} : memref<64xi32, #tpu.memory_space<vmem>>, vector<16xi32>,
        %parallel_loop3A_256 = tpu.vector_load_idx %arg10[%parallel_loop3A_251] : memref<10240xf32, #tpu.memory_space<vmem>>[vector<16xi32>], vector<16xf32>,
        %parallel_loop3A_257 = tpu.vector_load_idx %arg11[%parallel_loop3A_255] : memref<10240xf32, #tpu.memory_space<vmem>>[vector<16xi32>], vector<16xf32>,
        %parallel_loop3A_258 = arith.addf %parallel_loop3A_256, %parallel_loop3A_257 : vector<16xf32>
        %parallel_loop3A_259 = arith.constant 2.000000e-01 : f32
        %parallel_loop3A_260 = vector.broadcast %parallel_loop3A_259 : f32 to vector<16xf32>
        %parallel_loop3A_261 = arith.mulf %parallel_loop3A_260, %parallel_loop3A_258 : vector<16xf32>
        %parallel_loop3A_262 = arith.maximumf %parallel_loop3A_258, %parallel_loop3A_261 : vector<16xf32>
        %parallel_loop3A_263 = arith.subf %parallel_loop3A_262, %get3A_96 : vector<16xf32>
        %parallel_loop3A_264 = math.exp %parallel_loop3A_263 : vector<16xf32>
        %parallel_loop3A_265 = arith.constant 16 : i32
        %parallel_loop3A_266 = arith.muli %parallel_loop3A_247, %parallel_loop3A_265 : i32
        %parallel_loop3A_267 = arith.index_cast %parallel_loop3A_266 : i32 to index
        %parallel_loop3A_268 = tpu.vector_load %arg25[%parallel_loop3A_267] {strides = array<i32>} : memref<64xf32, #tpu.memory_space<vmem>>, vector<16xf32>,
        tpu.vector_store %arg25[%parallel_loop3A_267], %parallel_loop3A_264 {strides = array<i32>} : memref<64xf32, #tpu.memory_space<vmem>>, vector<16xf32>,
        tpu.vector_store_idx %arg12[%parallel_loop3A_255], %parallel_loop3A_264 {add = true} : memref<10240xf32, #tpu.memory_space<vmem>>[vector<16xi32>], vector<16xf32>,
      } {sc.loop_unroll_factor = 4 : i64, sc.parallel_access}
      %dma_wait3A_161 = arith.constant 0 : i32
      %dma_wait3A_162 = arith.constant 0 : i32
      %dma_wait3A_163 = tpu.memref_slice %arg2[%dma_wait3A_161, %dma_wait3A_162] : memref<10240x128xf32, #tpu.memory_space<hbm>> -> memref<10240x128xf32, #tpu.memory_space<hbm>>
      tpu.wait_indirect_dma semaphore(%arg28 : memref<!tpu.dma_semaphore, #tpu.memory_space<semaphore_mem>>) src(%dma_wait3A_163 : memref<10240x128xf32, #tpu.memory_space<hbm>>) dst(%arg15 : memref<64x128xf32, #tpu.memory_space<vmem>>)
      %parallel_loop3A_164 = arith.constant 0 : i32
      %parallel_loop3A_165 = arith.constant 64 : i32
      %parallel_loop3A_166 = arith.constant 1 : i32
      scf.for %parallel_loop3A_247 = %parallel_loop3A_164 to %parallel_loop3A_165 step %parallel_loop3A_166  : i32 {
        %parallel_loop3A_248 = vector.broadcast %parallel_loop3A_247 : i32 to vector<16xi32>
        %parallel_loop3A_249 = tpu.vector_load_idx %arg25[%parallel_loop3A_248] : memref<64xf32, #tpu.memory_space<vmem>>[vector<16xi32>], vector<16xf32>,
        %parallel_loop3A_250 = arith.index_cast %parallel_loop3A_247 : i32 to index
        %parallel_loop3A_251 = arith.constant 0 : index
        %parallel_loop3A_252 = tpu.vector_load %arg15[%parallel_loop3A_250, %parallel_loop3A_251] {strides = array<i32>} : memref<64x128xf32, #tpu.memory_space<vmem>>, vector<16xf32>,
        %parallel_loop3A_253 = arith.mulf %parallel_loop3A_252, %parallel_loop3A_249 : vector<16xf32>
        %parallel_loop3A_254 = arith.index_cast %parallel_loop3A_247 : i32 to index
        %parallel_loop3A_255 = arith.constant 0 : index
        %parallel_loop3A_256 = tpu.vector_load %arg15[%parallel_loop3A_254, %parallel_loop3A_255] {strides = array<i32>} : memref<64x128xf32, #tpu.memory_space<vmem>>, vector<16xf32>,
        tpu.vector_store %arg15[%parallel_loop3A_254, %parallel_loop3A_255], %parallel_loop3A_253 {strides = array<i32>} : memref<64x128xf32, #tpu.memory_space<vmem>>, vector<16xf32>,
        %parallel_loop3A_257 = arith.index_cast %parallel_loop3A_247 : i32 to index
        %parallel_loop3A_258 = arith.constant 16 : index
        %parallel_loop3A_259 = tpu.vector_load %arg15[%parallel_loop3A_257, %parallel_loop3A_258] {strides = array<i32>} : memref<64x128xf32, #tpu.memory_space<vmem>>, vector<16xf32>,
        %parallel_loop3A_260 = arith.mulf %parallel_loop3A_259, %parallel_loop3A_249 : vector<16xf32>
        %parallel_loop3A_261 = arith.index_cast %parallel_loop3A_247 : i32 to index
        %parallel_loop3A_262 = arith.constant 16 : index
        %parallel_loop3A_263 = tpu.vector_load %arg15[%parallel_loop3A_261, %parallel_loop3A_262] {strides = array<i32>} : memref<64x128xf32, #tpu.memory_space<vmem>>, vector<16xf32>,
        tpu.vector_store %arg15[%parallel_loop3A_261, %parallel_loop3A_262], %parallel_loop3A_260 {strides = array<i32>} : memref<64x128xf32, #tpu.memory_space<vmem>>, vector<16xf32>,
        %parallel_loop3A_264 = arith.index_cast %parallel_loop3A_247 : i32 to index
        %parallel_loop3A_265 = arith.constant 32 : index
        %parallel_loop3A_266 = tpu.vector_load %arg15[%parallel_loop3A_264, %parallel_loop3A_265] {strides = array<i32>} : memref<64x128xf32, #tpu.memory_space<vmem>>, vector<16xf32>,
        %parallel_loop3A_267 = arith.mulf %parallel_loop3A_266, %parallel_loop3A_249 : vector<16xf32>
        %parallel_loop3A_268 = arith.index_cast %parallel_loop3A_247 : i32 to index
        %parallel_loop3A_269 = arith.constant 32 : index
        %parallel_loop3A_270 = tpu.vector_load %arg15[%parallel_loop3A_268, %parallel_loop3A_269] {strides = array<i32>} : memref<64x128xf32, #tpu.memory_space<vmem>>, vector<16xf32>,
        tpu.vector_store %arg15[%parallel_loop3A_268, %parallel_loop3A_269], %parallel_loop3A_267 {strides = array<i32>} : memref<64x128xf32, #tpu.memory_space<vmem>>, vector<16xf32>,
        %parallel_loop3A_271 = arith.index_cast %parallel_loop3A_247 : i32 to index
        %parallel_loop3A_272 = arith.constant 48 : index
        %parallel_loop3A_273 = tpu.vector_load %arg15[%parallel_loop3A_271, %parallel_loop3A_272] {strides = array<i32>} : memref<64x128xf32, #tpu.memory_space<vmem>>, vector<16xf32>,
        %parallel_loop3A_274 = arith.mulf %parallel_loop3A_273, %parallel_loop3A_249 : vector<16xf32>
        %parallel_loop3A_275 = arith.index_cast %parallel_loop3A_247 : i32 to index
        %parallel_loop3A_276 = arith.constant 48 : index
        %parallel_loop3A_277 = tpu.vector_load %arg15[%parallel_loop3A_275, %parallel_loop3A_276] {strides = array<i32>} : memref<64x128xf32, #tpu.memory_space<vmem>>, vector<16xf32>,
        tpu.vector_store %arg15[%parallel_loop3A_275, %parallel_loop3A_276], %parallel_loop3A_274 {strides = array<i32>} : memref<64x128xf32, #tpu.memory_space<vmem>>, vector<16xf32>,
        %parallel_loop3A_278 = arith.index_cast %parallel_loop3A_247 : i32 to index
        %parallel_loop3A_279 = arith.constant 64 : index
        %parallel_loop3A_280 = tpu.vector_load %arg15[%parallel_loop3A_278, %parallel_loop3A_279] {strides = array<i32>} : memref<64x128xf32, #tpu.memory_space<vmem>>, vector<16xf32>,
        %parallel_loop3A_281 = arith.mulf %parallel_loop3A_280, %parallel_loop3A_249 : vector<16xf32>
        %parallel_loop3A_282 = arith.index_cast %parallel_loop3A_247 : i32 to index
        %parallel_loop3A_283 = arith.constant 64 : index
        %parallel_loop3A_284 = tpu.vector_load %arg15[%parallel_loop3A_282, %parallel_loop3A_283] {strides = array<i32>} : memref<64x128xf32, #tpu.memory_space<vmem>>, vector<16xf32>,
        tpu.vector_store %arg15[%parallel_loop3A_282, %parallel_loop3A_283], %parallel_loop3A_281 {strides = array<i32>} : memref<64x128xf32, #tpu.memory_space<vmem>>, vector<16xf32>,
        %parallel_loop3A_285 = arith.index_cast %parallel_loop3A_247 : i32 to index
        %parallel_loop3A_286 = arith.constant 80 : index
        %parallel_loop3A_287 = tpu.vector_load %arg15[%parallel_loop3A_285, %parallel_loop3A_286] {strides = array<i32>} : memref<64x128xf32, #tpu.memory_space<vmem>>, vector<16xf32>,
        %parallel_loop3A_288 = arith.mulf %parallel_loop3A_287, %parallel_loop3A_249 : vector<16xf32>
        %parallel_loop3A_289 = arith.index_cast %parallel_loop3A_247 : i32 to index
        %parallel_loop3A_290 = arith.constant 80 : index
        %parallel_loop3A_291 = tpu.vector_load %arg15[%parallel_loop3A_289, %parallel_loop3A_290] {strides = array<i32>} : memref<64x128xf32, #tpu.memory_space<vmem>>, vector<16xf32>,
        tpu.vector_store %arg15[%parallel_loop3A_289, %parallel_loop3A_290], %parallel_loop3A_288 {strides = array<i32>} : memref<64x128xf32, #tpu.memory_space<vmem>>, vector<16xf32>,
        %parallel_loop3A_292 = arith.index_cast %parallel_loop3A_247 : i32 to index
        %parallel_loop3A_293 = arith.constant 96 : index
        %parallel_loop3A_294 = tpu.vector_load %arg15[%parallel_loop3A_292, %parallel_loop3A_293] {strides = array<i32>} : memref<64x128xf32, #tpu.memory_space<vmem>>, vector<16xf32>,
        %parallel_loop3A_295 = arith.mulf %parallel_loop3A_294, %parallel_loop3A_249 : vector<16xf32>
        %parallel_loop3A_296 = arith.index_cast %parallel_loop3A_247 : i32 to index
        %parallel_loop3A_297 = arith.constant 96 : index
        %parallel_loop3A_298 = tpu.vector_load %arg15[%parallel_loop3A_296, %parallel_loop3A_297] {strides = array<i32>} : memref<64x128xf32, #tpu.memory_space<vmem>>, vector<16xf32>,
        tpu.vector_store %arg15[%parallel_loop3A_296, %parallel_loop3A_297], %parallel_loop3A_295 {strides = array<i32>} : memref<64x128xf32, #tpu.memory_space<vmem>>, vector<16xf32>,
        %parallel_loop3A_299 = arith.index_cast %parallel_loop3A_247 : i32 to index
        %parallel_loop3A_300 = arith.constant 112 : index
        %parallel_loop3A_301 = tpu.vector_load %arg15[%parallel_loop3A_299, %parallel_loop3A_300] {strides = array<i32>} : memref<64x128xf32, #tpu.memory_space<vmem>>, vector<16xf32>,
        %parallel_loop3A_302 = arith.mulf %parallel_loop3A_301, %parallel_loop3A_249 : vector<16xf32>
        %parallel_loop3A_303 = arith.index_cast %parallel_loop3A_247 : i32 to index
        %parallel_loop3A_304 = arith.constant 112 : index
        %parallel_loop3A_305 = tpu.vector_load %arg15[%parallel_loop3A_303, %parallel_loop3A_304] {strides = array<i32>} : memref<64x128xf32, #tpu.memory_space<vmem>>, vector<16xf32>,
        tpu.vector_store %arg15[%parallel_loop3A_303, %parallel_loop3A_304], %parallel_loop3A_302 {strides = array<i32>} : memref<64x128xf32, #tpu.memory_space<vmem>>, vector<16xf32>,
      } {sc.loop_unroll_factor = 4 : i64, sc.parallel_access}
      %dma_start3A_167 = arith.constant 0 : i32
      %dma_start3A_168 = arith.constant 0 : i32
      %dma_start3A_169 = tpu.memref_slice %arg26[%dma_start3A_167, %dma_start3A_168] : memref<10240x128xf32, #tpu.memory_space<vmem_shared>> -> memref<10240x128xf32, #tpu.memory_space<vmem_shared>>
      tpu.enqueue_indirect_dma source(%arg15 : memref<64x128xf32, #tpu.memory_space<vmem>>) target(%dma_start3A_169 : memref<10240x128xf32, #tpu.memory_space<vmem_shared>>) offsets(%arg21 : memref<64xi32, #tpu.memory_space<vmem>>) semaphore(%arg38 : memref<!tpu.dma_semaphore, #tpu.memory_space<semaphore_mem>>) {add = true}
      %add3A_170 = arith.constant 2 : i32
      %add3A_171 = arith.addi %add3A_145, %add3A_170 : i32
      %lt3A_172 = arith.constant 160 : i32
      %lt3A_173 = arith.cmpi slt, %add3A_171, %lt3A_172 : i32
      %convert_element_type3A_174 = arith.extui %lt3A_173 : i1 to i32
      %cond3A_175 = arith.constant 0 : i32
      %cond3A_176 = arith.cmpi ne, %convert_element_type3A_174, %cond3A_175 : i32
      scf.if %cond3A_176 {
        %add3A_247 = arith.constant 2 : i32
        %add3A_248 = arith.addi %add3A_145, %add3A_247 : i32
        %min3A = arith.constant 159 : i32
        %min3A_249 = arith.minsi %add3A_248, %min3A : i32
        %dma_start3A_250 = arith.constant 0 : i32
        %dma_start3A_251 = tpu.memref_slice %arg5[%add3A, %min3A_249, %dma_start3A_250] : memref<32x160x64xi32, #tpu.memory_space<hbm>> -> memref<1x1x64xi32, #tpu.memory_space<hbm>>
        %dma_start3A_252 = tpu.memref_squeeze %dma_start3A_251 : memref<1x1x64xi32, #tpu.memory_space<hbm>> -> memref<64xi32, #tpu.memory_space<hbm>>
        %dma_start3A_253 = arith.constant 0 : i32
        %dma_start3A_254 = tpu.memref_slice %arg5[%add3A, %min3A_249, %dma_start3A_253] : memref<32x160x64xi32, #tpu.memory_space<hbm>> -> memref<1x1x64xi32, #tpu.memory_space<hbm>>
        %dma_start3A_255 = tpu.memref_squeeze %dma_start3A_254 : memref<1x1x64xi32, #tpu.memory_space<hbm>> -> memref<64xi32, #tpu.memory_space<hbm>>
        tpu.enqueue_dma source(%dma_start3A_255 : memref<64xi32, #tpu.memory_space<hbm>>) target(%arg19 : memref<64xi32, #tpu.memory_space<vmem>>) target_semaphore(%arg32 : memref<!tpu.dma_semaphore, #tpu.memory_space<semaphore_mem>>)
        %dma_start3A_256 = arith.constant 0 : i32
        %dma_start3A_257 = tpu.memref_slice %arg6[%add3A, %min3A_249, %dma_start3A_256] : memref<32x160x64xi32, #tpu.memory_space<hbm>> -> memref<1x1x64xi32, #tpu.memory_space<hbm>>
        %dma_start3A_258 = tpu.memref_squeeze %dma_start3A_257 : memref<1x1x64xi32, #tpu.memory_space<hbm>> -> memref<64xi32, #tpu.memory_space<hbm>>
        %dma_start3A_259 = arith.constant 0 : i32
        %dma_start3A_260 = tpu.memref_slice %arg6[%add3A, %min3A_249, %dma_start3A_259] : memref<32x160x64xi32, #tpu.memory_space<hbm>> -> memref<1x1x64xi32, #tpu.memory_space<hbm>>
        %dma_start3A_261 = tpu.memref_squeeze %dma_start3A_260 : memref<1x1x64xi32, #tpu.memory_space<hbm>> -> memref<64xi32, #tpu.memory_space<hbm>>
        tpu.enqueue_dma source(%dma_start3A_261 : memref<64xi32, #tpu.memory_space<hbm>>) target(%arg23 : memref<64xi32, #tpu.memory_space<vmem>>) target_semaphore(%arg36 : memref<!tpu.dma_semaphore, #tpu.memory_space<semaphore_mem>>)
      } else {
      }
      %mul3A_177 = arith.constant 4 : i32
      %mul3A_178 = arith.muli %mul3A_177, %scan3A_111 : i32
      %add3A_179 = arith.constant 2 : i32
      %add3A_180 = arith.addi %mul3A_178, %add3A_179 : i32
      %ge3A_181 = arith.constant 1 : i32
      %ge3A_182 = arith.cmpi sge, %add3A_180, %ge3A_181 : i32
      %convert_element_type3A_183 = arith.extui %ge3A_182 : i1 to i32
      %cond3A_184 = arith.constant 0 : i32
      %cond3A_185 = arith.cmpi ne, %convert_element_type3A_183, %cond3A_184 : i32
      scf.if %cond3A_185 {
        %dma_wait3A_247 = arith.constant 0 : i32
        %dma_wait3A_248 = arith.constant 0 : i32
        %dma_wait3A_249 = tpu.memref_slice %arg26[%dma_wait3A_247, %dma_wait3A_248] : memref<10240x128xf32, #tpu.memory_space<vmem_shared>> -> memref<10240x128xf32, #tpu.memory_space<vmem_shared>>
        tpu.wait_indirect_dma semaphore(%arg38 : memref<!tpu.dma_semaphore, #tpu.memory_space<semaphore_mem>>) src(%arg15 : memref<64x128xf32, #tpu.memory_space<vmem>>) dst(%dma_wait3A_249 : memref<10240x128xf32, #tpu.memory_space<vmem_shared>>)
      } else {
      }
      %add3A_186 = arith.constant 1 : i32
      %add3A_187 = arith.addi %add3A_180, %add3A_186 : i32
      %lt3A_188 = arith.constant 160 : i32
      %lt3A_189 = arith.cmpi slt, %add3A_187, %lt3A_188 : i32
      %convert_element_type3A_190 = arith.extui %lt3A_189 : i1 to i32
      %cond3A_191 = arith.constant 0 : i32
      %cond3A_192 = arith.cmpi ne, %convert_element_type3A_190, %cond3A_191 : i32
      scf.if %cond3A_192 {
        %add3A_247 = arith.constant 1 : i32
        %add3A_248 = arith.addi %add3A_180, %add3A_247 : i32
        %min3A = arith.constant 159 : i32
        %min3A_249 = arith.minsi %add3A_248, %min3A : i32
        %dma_wait3A_250 = arith.constant 0 : i32
        %dma_wait3A_251 = tpu.memref_slice %arg5[%add3A, %min3A_249, %dma_wait3A_250] : memref<32x160x64xi32, #tpu.memory_space<hbm>> -> memref<1x1x64xi32, #tpu.memory_space<hbm>>
        %dma_wait3A_252 = tpu.memref_squeeze %dma_wait3A_251 : memref<1x1x64xi32, #tpu.memory_space<hbm>> -> memref<64xi32, #tpu.memory_space<hbm>>
        %dma_wait3A_253 = arith.constant 0 : i32
        %dma_wait3A_254 = tpu.memref_slice %arg5[%add3A, %min3A_249, %dma_wait3A_253] : memref<32x160x64xi32, #tpu.memory_space<hbm>> -> memref<1x1x64xi32, #tpu.memory_space<hbm>>
        %dma_wait3A_255 = tpu.memref_squeeze %dma_wait3A_254 : memref<1x1x64xi32, #tpu.memory_space<hbm>> -> memref<64xi32, #tpu.memory_space<hbm>>
        tpu.wait_dma2 semaphore(%arg32 : memref<!tpu.dma_semaphore, #tpu.memory_space<semaphore_mem>>) src(%dma_wait3A_255 : memref<64xi32, #tpu.memory_space<hbm>>) dst(%arg19 : memref<64xi32, #tpu.memory_space<vmem>>)
        %dma_wait3A_256 = arith.constant 0 : i32
        %dma_wait3A_257 = tpu.memref_slice %arg6[%add3A, %min3A_249, %dma_wait3A_256] : memref<32x160x64xi32, #tpu.memory_space<hbm>> -> memref<1x1x64xi32, #tpu.memory_space<hbm>>
        %dma_wait3A_258 = tpu.memref_squeeze %dma_wait3A_257 : memref<1x1x64xi32, #tpu.memory_space<hbm>> -> memref<64xi32, #tpu.memory_space<hbm>>
        %dma_wait3A_259 = arith.constant 0 : i32
        %dma_wait3A_260 = tpu.memref_slice %arg6[%add3A, %min3A_249, %dma_wait3A_259] : memref<32x160x64xi32, #tpu.memory_space<hbm>> -> memref<1x1x64xi32, #tpu.memory_space<hbm>>
        %dma_wait3A_261 = tpu.memref_squeeze %dma_wait3A_260 : memref<1x1x64xi32, #tpu.memory_space<hbm>> -> memref<64xi32, #tpu.memory_space<hbm>>
        tpu.wait_dma2 semaphore(%arg36 : memref<!tpu.dma_semaphore, #tpu.memory_space<semaphore_mem>>) src(%dma_wait3A_261 : memref<64xi32, #tpu.memory_space<hbm>>) dst(%arg23 : memref<64xi32, #tpu.memory_space<vmem>>)
        %dma_start3A_262 = arith.constant 0 : i32
        %dma_start3A_263 = arith.constant 0 : i32
        %dma_start3A_264 = tpu.memref_slice %arg2[%dma_start3A_262, %dma_start3A_263] : memref<10240x128xf32, #tpu.memory_space<hbm>> -> memref<10240x128xf32, #tpu.memory_space<hbm>>
        tpu.enqueue_indirect_dma source(%dma_start3A_264 : memref<10240x128xf32, #tpu.memory_space<hbm>>) target(%arg15 : memref<64x128xf32, #tpu.memory_space<vmem>>) offsets(%arg19 : memref<64xi32, #tpu.memory_space<vmem>>) semaphore(%arg28 : memref<!tpu.dma_semaphore, #tpu.memory_space<semaphore_mem>>)
      } else {
      }
      %parallel_loop3A_193 = arith.constant 0 : i32
      %parallel_loop3A_194 = arith.constant 4 : i32
      %parallel_loop3A_195 = arith.constant 1 : i32
      scf.for %parallel_loop3A_247 = %parallel_loop3A_193 to %parallel_loop3A_194 step %parallel_loop3A_195  : i32 {
        %parallel_loop3A_248 = arith.constant 16 : i32
        %parallel_loop3A_249 = arith.muli %parallel_loop3A_247, %parallel_loop3A_248 : i32
        %parallel_loop3A_250 = arith.index_cast %parallel_loop3A_249 : i32 to index
        %parallel_loop3A_251 = tpu.vector_load %arg18[%parallel_loop3A_250] {strides = array<i32>} : memref<64xi32, #tpu.memory_space<vmem>>, vector<16xi32>,
        %parallel_loop3A_252 = arith.constant 16 : i32
        %parallel_loop3A_253 = arith.muli %parallel_loop3A_247, %parallel_loop3A_252 : i32
        %parallel_loop3A_254 = arith.index_cast %parallel_loop3A_253 : i32 to index
        %parallel_loop3A_255 = tpu.vector_load %arg22[%parallel_loop3A_254] {strides = array<i32>} : memref<64xi32, #tpu.memory_space<vmem>>, vector<16xi32>,
        %parallel_loop3A_256 = tpu.vector_load_idx %arg10[%parallel_loop3A_251] : memref<10240xf32, #tpu.memory_space<vmem>>[vector<16xi32>], vector<16xf32>,
        %parallel_loop3A_257 = tpu.vector_load_idx %arg11[%parallel_loop3A_255] : memref<10240xf32, #tpu.memory_space<vmem>>[vector<16xi32>], vector<16xf32>,
        %parallel_loop3A_258 = arith.addf %parallel_loop3A_256, %parallel_loop3A_257 : vector<16xf32>
        %parallel_loop3A_259 = arith.constant 2.000000e-01 : f32
        %parallel_loop3A_260 = vector.broadcast %parallel_loop3A_259 : f32 to vector<16xf32>
        %parallel_loop3A_261 = arith.mulf %parallel_loop3A_260, %parallel_loop3A_258 : vector<16xf32>
        %parallel_loop3A_262 = arith.maximumf %parallel_loop3A_258, %parallel_loop3A_261 : vector<16xf32>
        %parallel_loop3A_263 = arith.subf %parallel_loop3A_262, %get3A_96 : vector<16xf32>
        %parallel_loop3A_264 = math.exp %parallel_loop3A_263 : vector<16xf32>
        %parallel_loop3A_265 = arith.constant 16 : i32
        %parallel_loop3A_266 = arith.muli %parallel_loop3A_247, %parallel_loop3A_265 : i32
        %parallel_loop3A_267 = arith.index_cast %parallel_loop3A_266 : i32 to index
        %parallel_loop3A_268 = tpu.vector_load %arg24[%parallel_loop3A_267] {strides = array<i32>} : memref<64xf32, #tpu.memory_space<vmem>>, vector<16xf32>,
        tpu.vector_store %arg24[%parallel_loop3A_267], %parallel_loop3A_264 {strides = array<i32>} : memref<64xf32, #tpu.memory_space<vmem>>, vector<16xf32>,
        tpu.vector_store_idx %arg12[%parallel_loop3A_255], %parallel_loop3A_264 {add = true} : memref<10240xf32, #tpu.memory_space<vmem>>[vector<16xi32>], vector<16xf32>,
      } {sc.loop_unroll_factor = 4 : i64, sc.parallel_access}
      %dma_wait3A_196 = arith.constant 0 : i32
      %dma_wait3A_197 = arith.constant 0 : i32
      %dma_wait3A_198 = tpu.memref_slice %arg2[%dma_wait3A_196, %dma_wait3A_197] : memref<10240x128xf32, #tpu.memory_space<hbm>> -> memref<10240x128xf32, #tpu.memory_space<hbm>>
      tpu.wait_indirect_dma semaphore(%arg27 : memref<!tpu.dma_semaphore, #tpu.memory_space<semaphore_mem>>) src(%dma_wait3A_198 : memref<10240x128xf32, #tpu.memory_space<hbm>>) dst(%arg14 : memref<64x128xf32, #tpu.memory_space<vmem>>)
      %parallel_loop3A_199 = arith.constant 0 : i32
      %parallel_loop3A_200 = arith.constant 64 : i32
      %parallel_loop3A_201 = arith.constant 1 : i32
      scf.for %parallel_loop3A_247 = %parallel_loop3A_199 to %parallel_loop3A_200 step %parallel_loop3A_201  : i32 {
        %parallel_loop3A_248 = vector.broadcast %parallel_loop3A_247 : i32 to vector<16xi32>
        %parallel_loop3A_249 = tpu.vector_load_idx %arg24[%parallel_loop3A_248] : memref<64xf32, #tpu.memory_space<vmem>>[vector<16xi32>], vector<16xf32>,
        %parallel_loop3A_250 = arith.index_cast %parallel_loop3A_247 : i32 to index
        %parallel_loop3A_251 = arith.constant 0 : index
        %parallel_loop3A_252 = tpu.vector_load %arg14[%parallel_loop3A_250, %parallel_loop3A_251] {strides = array<i32>} : memref<64x128xf32, #tpu.memory_space<vmem>>, vector<16xf32>,
        %parallel_loop3A_253 = arith.mulf %parallel_loop3A_252, %parallel_loop3A_249 : vector<16xf32>
        %parallel_loop3A_254 = arith.index_cast %parallel_loop3A_247 : i32 to index
        %parallel_loop3A_255 = arith.constant 0 : index
        %parallel_loop3A_256 = tpu.vector_load %arg14[%parallel_loop3A_254, %parallel_loop3A_255] {strides = array<i32>} : memref<64x128xf32, #tpu.memory_space<vmem>>, vector<16xf32>,
        tpu.vector_store %arg14[%parallel_loop3A_254, %parallel_loop3A_255], %parallel_loop3A_253 {strides = array<i32>} : memref<64x128xf32, #tpu.memory_space<vmem>>, vector<16xf32>,
        %parallel_loop3A_257 = arith.index_cast %parallel_loop3A_247 : i32 to index
        %parallel_loop3A_258 = arith.constant 16 : index
        %parallel_loop3A_259 = tpu.vector_load %arg14[%parallel_loop3A_257, %parallel_loop3A_258] {strides = array<i32>} : memref<64x128xf32, #tpu.memory_space<vmem>>, vector<16xf32>,
        %parallel_loop3A_260 = arith.mulf %parallel_loop3A_259, %parallel_loop3A_249 : vector<16xf32>
        %parallel_loop3A_261 = arith.index_cast %parallel_loop3A_247 : i32 to index
        %parallel_loop3A_262 = arith.constant 16 : index
        %parallel_loop3A_263 = tpu.vector_load %arg14[%parallel_loop3A_261, %parallel_loop3A_262] {strides = array<i32>} : memref<64x128xf32, #tpu.memory_space<vmem>>, vector<16xf32>,
        tpu.vector_store %arg14[%parallel_loop3A_261, %parallel_loop3A_262], %parallel_loop3A_260 {strides = array<i32>} : memref<64x128xf32, #tpu.memory_space<vmem>>, vector<16xf32>,
        %parallel_loop3A_264 = arith.index_cast %parallel_loop3A_247 : i32 to index
        %parallel_loop3A_265 = arith.constant 32 : index
        %parallel_loop3A_266 = tpu.vector_load %arg14[%parallel_loop3A_264, %parallel_loop3A_265] {strides = array<i32>} : memref<64x128xf32, #tpu.memory_space<vmem>>, vector<16xf32>,
        %parallel_loop3A_267 = arith.mulf %parallel_loop3A_266, %parallel_loop3A_249 : vector<16xf32>
        %parallel_loop3A_268 = arith.index_cast %parallel_loop3A_247 : i32 to index
        %parallel_loop3A_269 = arith.constant 32 : index
        %parallel_loop3A_270 = tpu.vector_load %arg14[%parallel_loop3A_268, %parallel_loop3A_269] {strides = array<i32>} : memref<64x128xf32, #tpu.memory_space<vmem>>, vector<16xf32>,
        tpu.vector_store %arg14[%parallel_loop3A_268, %parallel_loop3A_269], %parallel_loop3A_267 {strides = array<i32>} : memref<64x128xf32, #tpu.memory_space<vmem>>, vector<16xf32>,
        %parallel_loop3A_271 = arith.index_cast %parallel_loop3A_247 : i32 to index
        %parallel_loop3A_272 = arith.constant 48 : index
        %parallel_loop3A_273 = tpu.vector_load %arg14[%parallel_loop3A_271, %parallel_loop3A_272] {strides = array<i32>} : memref<64x128xf32, #tpu.memory_space<vmem>>, vector<16xf32>,
        %parallel_loop3A_274 = arith.mulf %parallel_loop3A_273, %parallel_loop3A_249 : vector<16xf32>
        %parallel_loop3A_275 = arith.index_cast %parallel_loop3A_247 : i32 to index
        %parallel_loop3A_276 = arith.constant 48 : index
        %parallel_loop3A_277 = tpu.vector_load %arg14[%parallel_loop3A_275, %parallel_loop3A_276] {strides = array<i32>} : memref<64x128xf32, #tpu.memory_space<vmem>>, vector<16xf32>,
        tpu.vector_store %arg14[%parallel_loop3A_275, %parallel_loop3A_276], %parallel_loop3A_274 {strides = array<i32>} : memref<64x128xf32, #tpu.memory_space<vmem>>, vector<16xf32>,
        %parallel_loop3A_278 = arith.index_cast %parallel_loop3A_247 : i32 to index
        %parallel_loop3A_279 = arith.constant 64 : index
        %parallel_loop3A_280 = tpu.vector_load %arg14[%parallel_loop3A_278, %parallel_loop3A_279] {strides = array<i32>} : memref<64x128xf32, #tpu.memory_space<vmem>>, vector<16xf32>,
        %parallel_loop3A_281 = arith.mulf %parallel_loop3A_280, %parallel_loop3A_249 : vector<16xf32>
        %parallel_loop3A_282 = arith.index_cast %parallel_loop3A_247 : i32 to index
        %parallel_loop3A_283 = arith.constant 64 : index
        %parallel_loop3A_284 = tpu.vector_load %arg14[%parallel_loop3A_282, %parallel_loop3A_283] {strides = array<i32>} : memref<64x128xf32, #tpu.memory_space<vmem>>, vector<16xf32>,
        tpu.vector_store %arg14[%parallel_loop3A_282, %parallel_loop3A_283], %parallel_loop3A_281 {strides = array<i32>} : memref<64x128xf32, #tpu.memory_space<vmem>>, vector<16xf32>,
        %parallel_loop3A_285 = arith.index_cast %parallel_loop3A_247 : i32 to index
        %parallel_loop3A_286 = arith.constant 80 : index
        %parallel_loop3A_287 = tpu.vector_load %arg14[%parallel_loop3A_285, %parallel_loop3A_286] {strides = array<i32>} : memref<64x128xf32, #tpu.memory_space<vmem>>, vector<16xf32>,
        %parallel_loop3A_288 = arith.mulf %parallel_loop3A_287, %parallel_loop3A_249 : vector<16xf32>
        %parallel_loop3A_289 = arith.index_cast %parallel_loop3A_247 : i32 to index
        %parallel_loop3A_290 = arith.constant 80 : index
        %parallel_loop3A_291 = tpu.vector_load %arg14[%parallel_loop3A_289, %parallel_loop3A_290] {strides = array<i32>} : memref<64x128xf32, #tpu.memory_space<vmem>>, vector<16xf32>,
        tpu.vector_store %arg14[%parallel_loop3A_289, %parallel_loop3A_290], %parallel_loop3A_288 {strides = array<i32>} : memref<64x128xf32, #tpu.memory_space<vmem>>, vector<16xf32>,
        %parallel_loop3A_292 = arith.index_cast %parallel_loop3A_247 : i32 to index
        %parallel_loop3A_293 = arith.constant 96 : index
        %parallel_loop3A_294 = tpu.vector_load %arg14[%parallel_loop3A_292, %parallel_loop3A_293] {strides = array<i32>} : memref<64x128xf32, #tpu.memory_space<vmem>>, vector<16xf32>,
        %parallel_loop3A_295 = arith.mulf %parallel_loop3A_294, %parallel_loop3A_249 : vector<16xf32>
        %parallel_loop3A_296 = arith.index_cast %parallel_loop3A_247 : i32 to index
        %parallel_loop3A_297 = arith.constant 96 : index
        %parallel_loop3A_298 = tpu.vector_load %arg14[%parallel_loop3A_296, %parallel_loop3A_297] {strides = array<i32>} : memref<64x128xf32, #tpu.memory_space<vmem>>, vector<16xf32>,
        tpu.vector_store %arg14[%parallel_loop3A_296, %parallel_loop3A_297], %parallel_loop3A_295 {strides = array<i32>} : memref<64x128xf32, #tpu.memory_space<vmem>>, vector<16xf32>,
        %parallel_loop3A_299 = arith.index_cast %parallel_loop3A_247 : i32 to index
        %parallel_loop3A_300 = arith.constant 112 : index
        %parallel_loop3A_301 = tpu.vector_load %arg14[%parallel_loop3A_299, %parallel_loop3A_300] {strides = array<i32>} : memref<64x128xf32, #tpu.memory_space<vmem>>, vector<16xf32>,
        %parallel_loop3A_302 = arith.mulf %parallel_loop3A_301, %parallel_loop3A_249 : vector<16xf32>
        %parallel_loop3A_303 = arith.index_cast %parallel_loop3A_247 : i32 to index
        %parallel_loop3A_304 = arith.constant 112 : index
        %parallel_loop3A_305 = tpu.vector_load %arg14[%parallel_loop3A_303, %parallel_loop3A_304] {strides = array<i32>} : memref<64x128xf32, #tpu.memory_space<vmem>>, vector<16xf32>,
        tpu.vector_store %arg14[%parallel_loop3A_303, %parallel_loop3A_304], %parallel_loop3A_302 {strides = array<i32>} : memref<64x128xf32, #tpu.memory_space<vmem>>, vector<16xf32>,
      } {sc.loop_unroll_factor = 4 : i64, sc.parallel_access}
      %dma_start3A_202 = arith.constant 0 : i32
      %dma_start3A_203 = arith.constant 0 : i32
      %dma_start3A_204 = tpu.memref_slice %arg26[%dma_start3A_202, %dma_start3A_203] : memref<10240x128xf32, #tpu.memory_space<vmem_shared>> -> memref<10240x128xf32, #tpu.memory_space<vmem_shared>>
      tpu.enqueue_indirect_dma source(%arg14 : memref<64x128xf32, #tpu.memory_space<vmem>>) target(%dma_start3A_204 : memref<10240x128xf32, #tpu.memory_space<vmem_shared>>) offsets(%arg22 : memref<64xi32, #tpu.memory_space<vmem>>) semaphore(%arg37 : memref<!tpu.dma_semaphore, #tpu.memory_space<semaphore_mem>>) {add = true}
      %add3A_205 = arith.constant 2 : i32
      %add3A_206 = arith.addi %add3A_180, %add3A_205 : i32
      %lt3A_207 = arith.constant 160 : i32
      %lt3A_208 = arith.cmpi slt, %add3A_206, %lt3A_207 : i32
      %convert_element_type3A_209 = arith.extui %lt3A_208 : i1 to i32
      %cond3A_210 = arith.constant 0 : i32
      %cond3A_211 = arith.cmpi ne, %convert_element_type3A_209, %cond3A_210 : i32
      scf.if %cond3A_211 {
        %add3A_247 = arith.constant 2 : i32
        %add3A_248 = arith.addi %add3A_180, %add3A_247 : i32
        %min3A = arith.constant 159 : i32
        %min3A_249 = arith.minsi %add3A_248, %min3A : i32
        %dma_start3A_250 = arith.constant 0 : i32
        %dma_start3A_251 = tpu.memref_slice %arg5[%add3A, %min3A_249, %dma_start3A_250] : memref<32x160x64xi32, #tpu.memory_space<hbm>> -> memref<1x1x64xi32, #tpu.memory_space<hbm>>
        %dma_start3A_252 = tpu.memref_squeeze %dma_start3A_251 : memref<1x1x64xi32, #tpu.memory_space<hbm>> -> memref<64xi32, #tpu.memory_space<hbm>>
        %dma_start3A_253 = arith.constant 0 : i32
        %dma_start3A_254 = tpu.memref_slice %arg5[%add3A, %min3A_249, %dma_start3A_253] : memref<32x160x64xi32, #tpu.memory_space<hbm>> -> memref<1x1x64xi32, #tpu.memory_space<hbm>>
        %dma_start3A_255 = tpu.memref_squeeze %dma_start3A_254 : memref<1x1x64xi32, #tpu.memory_space<hbm>> -> memref<64xi32, #tpu.memory_space<hbm>>
        tpu.enqueue_dma source(%dma_start3A_255 : memref<64xi32, #tpu.memory_space<hbm>>) target(%arg16 : memref<64xi32, #tpu.memory_space<vmem>>) target_semaphore(%arg29 : memref<!tpu.dma_semaphore, #tpu.memory_space<semaphore_mem>>)
        %dma_start3A_256 = arith.constant 0 : i32
        %dma_start3A_257 = tpu.memref_slice %arg6[%add3A, %min3A_249, %dma_start3A_256] : memref<32x160x64xi32, #tpu.memory_space<hbm>> -> memref<1x1x64xi32, #tpu.memory_space<hbm>>
        %dma_start3A_258 = tpu.memref_squeeze %dma_start3A_257 : memref<1x1x64xi32, #tpu.memory_space<hbm>> -> memref<64xi32, #tpu.memory_space<hbm>>
        %dma_start3A_259 = arith.constant 0 : i32
        %dma_start3A_260 = tpu.memref_slice %arg6[%add3A, %min3A_249, %dma_start3A_259] : memref<32x160x64xi32, #tpu.memory_space<hbm>> -> memref<1x1x64xi32, #tpu.memory_space<hbm>>
        %dma_start3A_261 = tpu.memref_squeeze %dma_start3A_260 : memref<1x1x64xi32, #tpu.memory_space<hbm>> -> memref<64xi32, #tpu.memory_space<hbm>>
        tpu.enqueue_dma source(%dma_start3A_261 : memref<64xi32, #tpu.memory_space<hbm>>) target(%arg20 : memref<64xi32, #tpu.memory_space<vmem>>) target_semaphore(%arg33 : memref<!tpu.dma_semaphore, #tpu.memory_space<semaphore_mem>>)
      } else {
      }
      %mul3A_212 = arith.constant 4 : i32
      %mul3A_213 = arith.muli %mul3A_212, %scan3A_111 : i32
      %add3A_214 = arith.constant 3 : i32
      %add3A_215 = arith.addi %mul3A_213, %add3A_214 : i32
      %ge3A_216 = arith.constant 1 : i32
      %ge3A_217 = arith.cmpi sge, %add3A_215, %ge3A_216 : i32
      %convert_element_type3A_218 = arith.extui %ge3A_217 : i1 to i32
      %cond3A_219 = arith.constant 0 : i32
      %cond3A_220 = arith.cmpi ne, %convert_element_type3A_218, %cond3A_219 : i32
      scf.if %cond3A_220 {
        %dma_wait3A_247 = arith.constant 0 : i32
        %dma_wait3A_248 = arith.constant 0 : i32
        %dma_wait3A_249 = tpu.memref_slice %arg26[%dma_wait3A_247, %dma_wait3A_248] : memref<10240x128xf32, #tpu.memory_space<vmem_shared>> -> memref<10240x128xf32, #tpu.memory_space<vmem_shared>>
        tpu.wait_indirect_dma semaphore(%arg37 : memref<!tpu.dma_semaphore, #tpu.memory_space<semaphore_mem>>) src(%arg14 : memref<64x128xf32, #tpu.memory_space<vmem>>) dst(%dma_wait3A_249 : memref<10240x128xf32, #tpu.memory_space<vmem_shared>>)
      } else {
      }
      %add3A_221 = arith.constant 1 : i32
      %add3A_222 = arith.addi %add3A_215, %add3A_221 : i32
      %lt3A_223 = arith.constant 160 : i32
      %lt3A_224 = arith.cmpi slt, %add3A_222, %lt3A_223 : i32
      %convert_element_type3A_225 = arith.extui %lt3A_224 : i1 to i32
      %cond3A_226 = arith.constant 0 : i32
      %cond3A_227 = arith.cmpi ne, %convert_element_type3A_225, %cond3A_226 : i32
      scf.if %cond3A_227 {
        %add3A_247 = arith.constant 1 : i32
        %add3A_248 = arith.addi %add3A_215, %add3A_247 : i32
        %min3A = arith.constant 159 : i32
        %min3A_249 = arith.minsi %add3A_248, %min3A : i32
        %dma_wait3A_250 = arith.constant 0 : i32
        %dma_wait3A_251 = tpu.memref_slice %arg5[%add3A, %min3A_249, %dma_wait3A_250] : memref<32x160x64xi32, #tpu.memory_space<hbm>> -> memref<1x1x64xi32, #tpu.memory_space<hbm>>
        %dma_wait3A_252 = tpu.memref_squeeze %dma_wait3A_251 : memref<1x1x64xi32, #tpu.memory_space<hbm>> -> memref<64xi32, #tpu.memory_space<hbm>>
        %dma_wait3A_253 = arith.constant 0 : i32
        %dma_wait3A_254 = tpu.memref_slice %arg5[%add3A, %min3A_249, %dma_wait3A_253] : memref<32x160x64xi32, #tpu.memory_space<hbm>> -> memref<1x1x64xi32, #tpu.memory_space<hbm>>
        %dma_wait3A_255 = tpu.memref_squeeze %dma_wait3A_254 : memref<1x1x64xi32, #tpu.memory_space<hbm>> -> memref<64xi32, #tpu.memory_space<hbm>>
        tpu.wait_dma2 semaphore(%arg29 : memref<!tpu.dma_semaphore, #tpu.memory_space<semaphore_mem>>) src(%dma_wait3A_255 : memref<64xi32, #tpu.memory_space<hbm>>) dst(%arg16 : memref<64xi32, #tpu.memory_space<vmem>>)
        %dma_wait3A_256 = arith.constant 0 : i32
        %dma_wait3A_257 = tpu.memref_slice %arg6[%add3A, %min3A_249, %dma_wait3A_256] : memref<32x160x64xi32, #tpu.memory_space<hbm>> -> memref<1x1x64xi32, #tpu.memory_space<hbm>>
        %dma_wait3A_258 = tpu.memref_squeeze %dma_wait3A_257 : memref<1x1x64xi32, #tpu.memory_space<hbm>> -> memref<64xi32, #tpu.memory_space<hbm>>
        %dma_wait3A_259 = arith.constant 0 : i32
        %dma_wait3A_260 = tpu.memref_slice %arg6[%add3A, %min3A_249, %dma_wait3A_259] : memref<32x160x64xi32, #tpu.memory_space<hbm>> -> memref<1x1x64xi32, #tpu.memory_space<hbm>>
        %dma_wait3A_261 = tpu.memref_squeeze %dma_wait3A_260 : memref<1x1x64xi32, #tpu.memory_space<hbm>> -> memref<64xi32, #tpu.memory_space<hbm>>
        tpu.wait_dma2 semaphore(%arg33 : memref<!tpu.dma_semaphore, #tpu.memory_space<semaphore_mem>>) src(%dma_wait3A_261 : memref<64xi32, #tpu.memory_space<hbm>>) dst(%arg20 : memref<64xi32, #tpu.memory_space<vmem>>)
        %dma_start3A_262 = arith.constant 0 : i32
        %dma_start3A_263 = arith.constant 0 : i32
        %dma_start3A_264 = tpu.memref_slice %arg2[%dma_start3A_262, %dma_start3A_263] : memref<10240x128xf32, #tpu.memory_space<hbm>> -> memref<10240x128xf32, #tpu.memory_space<hbm>>
        tpu.enqueue_indirect_dma source(%dma_start3A_264 : memref<10240x128xf32, #tpu.memory_space<hbm>>) target(%arg14 : memref<64x128xf32, #tpu.memory_space<vmem>>) offsets(%arg16 : memref<64xi32, #tpu.memory_space<vmem>>) semaphore(%arg27 : memref<!tpu.dma_semaphore, #tpu.memory_space<semaphore_mem>>)
      } else {
      }
      %parallel_loop3A_228 = arith.constant 0 : i32
      %parallel_loop3A_229 = arith.constant 4 : i32
      %parallel_loop3A_230 = arith.constant 1 : i32
      scf.for %parallel_loop3A_247 = %parallel_loop3A_228 to %parallel_loop3A_229 step %parallel_loop3A_230  : i32 {
        %parallel_loop3A_248 = arith.constant 16 : i32
        %parallel_loop3A_249 = arith.muli %parallel_loop3A_247, %parallel_loop3A_248 : i32
        %parallel_loop3A_250 = arith.index_cast %parallel_loop3A_249 : i32 to index
        %parallel_loop3A_251 = tpu.vector_load %arg19[%parallel_loop3A_250] {strides = array<i32>} : memref<64xi32, #tpu.memory_space<vmem>>, vector<16xi32>,
        %parallel_loop3A_252 = arith.constant 16 : i32
        %parallel_loop3A_253 = arith.muli %parallel_loop3A_247, %parallel_loop3A_252 : i32
        %parallel_loop3A_254 = arith.index_cast %parallel_loop3A_253 : i32 to index
        %parallel_loop3A_255 = tpu.vector_load %arg23[%parallel_loop3A_254] {strides = array<i32>} : memref<64xi32, #tpu.memory_space<vmem>>, vector<16xi32>,
        %parallel_loop3A_256 = tpu.vector_load_idx %arg10[%parallel_loop3A_251] : memref<10240xf32, #tpu.memory_space<vmem>>[vector<16xi32>], vector<16xf32>,
        %parallel_loop3A_257 = tpu.vector_load_idx %arg11[%parallel_loop3A_255] : memref<10240xf32, #tpu.memory_space<vmem>>[vector<16xi32>], vector<16xf32>,
        %parallel_loop3A_258 = arith.addf %parallel_loop3A_256, %parallel_loop3A_257 : vector<16xf32>
        %parallel_loop3A_259 = arith.constant 2.000000e-01 : f32
        %parallel_loop3A_260 = vector.broadcast %parallel_loop3A_259 : f32 to vector<16xf32>
        %parallel_loop3A_261 = arith.mulf %parallel_loop3A_260, %parallel_loop3A_258 : vector<16xf32>
        %parallel_loop3A_262 = arith.maximumf %parallel_loop3A_258, %parallel_loop3A_261 : vector<16xf32>
        %parallel_loop3A_263 = arith.subf %parallel_loop3A_262, %get3A_96 : vector<16xf32>
        %parallel_loop3A_264 = math.exp %parallel_loop3A_263 : vector<16xf32>
        %parallel_loop3A_265 = arith.constant 16 : i32
        %parallel_loop3A_266 = arith.muli %parallel_loop3A_247, %parallel_loop3A_265 : i32
        %parallel_loop3A_267 = arith.index_cast %parallel_loop3A_266 : i32 to index
        %parallel_loop3A_268 = tpu.vector_load %arg25[%parallel_loop3A_267] {strides = array<i32>} : memref<64xf32, #tpu.memory_space<vmem>>, vector<16xf32>,
        tpu.vector_store %arg25[%parallel_loop3A_267], %parallel_loop3A_264 {strides = array<i32>} : memref<64xf32, #tpu.memory_space<vmem>>, vector<16xf32>,
        tpu.vector_store_idx %arg12[%parallel_loop3A_255], %parallel_loop3A_264 {add = true} : memref<10240xf32, #tpu.memory_space<vmem>>[vector<16xi32>], vector<16xf32>,
      } {sc.loop_unroll_factor = 4 : i64, sc.parallel_access}
      %dma_wait3A_231 = arith.constant 0 : i32
      %dma_wait3A_232 = arith.constant 0 : i32
      %dma_wait3A_233 = tpu.memref_slice %arg2[%dma_wait3A_231, %dma_wait3A_232] : memref<10240x128xf32, #tpu.memory_space<hbm>> -> memref<10240x128xf32, #tpu.memory_space<hbm>>
      tpu.wait_indirect_dma semaphore(%arg28 : memref<!tpu.dma_semaphore, #tpu.memory_space<semaphore_mem>>) src(%dma_wait3A_233 : memref<10240x128xf32, #tpu.memory_space<hbm>>) dst(%arg15 : memref<64x128xf32, #tpu.memory_space<vmem>>)
      %parallel_loop3A_234 = arith.constant 0 : i32
      %parallel_loop3A_235 = arith.constant 64 : i32
      %parallel_loop3A_236 = arith.constant 1 : i32
      scf.for %parallel_loop3A_247 = %parallel_loop3A_234 to %parallel_loop3A_235 step %parallel_loop3A_236  : i32 {
        %parallel_loop3A_248 = vector.broadcast %parallel_loop3A_247 : i32 to vector<16xi32>
        %parallel_loop3A_249 = tpu.vector_load_idx %arg25[%parallel_loop3A_248] : memref<64xf32, #tpu.memory_space<vmem>>[vector<16xi32>], vector<16xf32>,
        %parallel_loop3A_250 = arith.index_cast %parallel_loop3A_247 : i32 to index
        %parallel_loop3A_251 = arith.constant 0 : index
        %parallel_loop3A_252 = tpu.vector_load %arg15[%parallel_loop3A_250, %parallel_loop3A_251] {strides = array<i32>} : memref<64x128xf32, #tpu.memory_space<vmem>>, vector<16xf32>,
        %parallel_loop3A_253 = arith.mulf %parallel_loop3A_252, %parallel_loop3A_249 : vector<16xf32>
        %parallel_loop3A_254 = arith.index_cast %parallel_loop3A_247 : i32 to index
        %parallel_loop3A_255 = arith.constant 0 : index
        %parallel_loop3A_256 = tpu.vector_load %arg15[%parallel_loop3A_254, %parallel_loop3A_255] {strides = array<i32>} : memref<64x128xf32, #tpu.memory_space<vmem>>, vector<16xf32>,
        tpu.vector_store %arg15[%parallel_loop3A_254, %parallel_loop3A_255], %parallel_loop3A_253 {strides = array<i32>} : memref<64x128xf32, #tpu.memory_space<vmem>>, vector<16xf32>,
        %parallel_loop3A_257 = arith.index_cast %parallel_loop3A_247 : i32 to index
        %parallel_loop3A_258 = arith.constant 16 : index
        %parallel_loop3A_259 = tpu.vector_load %arg15[%parallel_loop3A_257, %parallel_loop3A_258] {strides = array<i32>} : memref<64x128xf32, #tpu.memory_space<vmem>>, vector<16xf32>,
        %parallel_loop3A_260 = arith.mulf %parallel_loop3A_259, %parallel_loop3A_249 : vector<16xf32>
        %parallel_loop3A_261 = arith.index_cast %parallel_loop3A_247 : i32 to index
        %parallel_loop3A_262 = arith.constant 16 : index
        %parallel_loop3A_263 = tpu.vector_load %arg15[%parallel_loop3A_261, %parallel_loop3A_262] {strides = array<i32>} : memref<64x128xf32, #tpu.memory_space<vmem>>, vector<16xf32>,
        tpu.vector_store %arg15[%parallel_loop3A_261, %parallel_loop3A_262], %parallel_loop3A_260 {strides = array<i32>} : memref<64x128xf32, #tpu.memory_space<vmem>>, vector<16xf32>,
        %parallel_loop3A_264 = arith.index_cast %parallel_loop3A_247 : i32 to index
        %parallel_loop3A_265 = arith.constant 32 : index
        %parallel_loop3A_266 = tpu.vector_load %arg15[%parallel_loop3A_264, %parallel_loop3A_265] {strides = array<i32>} : memref<64x128xf32, #tpu.memory_space<vmem>>, vector<16xf32>,
        %parallel_loop3A_267 = arith.mulf %parallel_loop3A_266, %parallel_loop3A_249 : vector<16xf32>
        %parallel_loop3A_268 = arith.index_cast %parallel_loop3A_247 : i32 to index
        %parallel_loop3A_269 = arith.constant 32 : index
        %parallel_loop3A_270 = tpu.vector_load %arg15[%parallel_loop3A_268, %parallel_loop3A_269] {strides = array<i32>} : memref<64x128xf32, #tpu.memory_space<vmem>>, vector<16xf32>,
        tpu.vector_store %arg15[%parallel_loop3A_268, %parallel_loop3A_269], %parallel_loop3A_267 {strides = array<i32>} : memref<64x128xf32, #tpu.memory_space<vmem>>, vector<16xf32>,
        %parallel_loop3A_271 = arith.index_cast %parallel_loop3A_247 : i32 to index
        %parallel_loop3A_272 = arith.constant 48 : index
        %parallel_loop3A_273 = tpu.vector_load %arg15[%parallel_loop3A_271, %parallel_loop3A_272] {strides = array<i32>} : memref<64x128xf32, #tpu.memory_space<vmem>>, vector<16xf32>,
        %parallel_loop3A_274 = arith.mulf %parallel_loop3A_273, %parallel_loop3A_249 : vector<16xf32>
        %parallel_loop3A_275 = arith.index_cast %parallel_loop3A_247 : i32 to index
        %parallel_loop3A_276 = arith.constant 48 : index
        %parallel_loop3A_277 = tpu.vector_load %arg15[%parallel_loop3A_275, %parallel_loop3A_276] {strides = array<i32>} : memref<64x128xf32, #tpu.memory_space<vmem>>, vector<16xf32>,
        tpu.vector_store %arg15[%parallel_loop3A_275, %parallel_loop3A_276], %parallel_loop3A_274 {strides = array<i32>} : memref<64x128xf32, #tpu.memory_space<vmem>>, vector<16xf32>,
        %parallel_loop3A_278 = arith.index_cast %parallel_loop3A_247 : i32 to index
        %parallel_loop3A_279 = arith.constant 64 : index
        %parallel_loop3A_280 = tpu.vector_load %arg15[%parallel_loop3A_278, %parallel_loop3A_279] {strides = array<i32>} : memref<64x128xf32, #tpu.memory_space<vmem>>, vector<16xf32>,
        %parallel_loop3A_281 = arith.mulf %parallel_loop3A_280, %parallel_loop3A_249 : vector<16xf32>
        %parallel_loop3A_282 = arith.index_cast %parallel_loop3A_247 : i32 to index
        %parallel_loop3A_283 = arith.constant 64 : index
        %parallel_loop3A_284 = tpu.vector_load %arg15[%parallel_loop3A_282, %parallel_loop3A_283] {strides = array<i32>} : memref<64x128xf32, #tpu.memory_space<vmem>>, vector<16xf32>,
        tpu.vector_store %arg15[%parallel_loop3A_282, %parallel_loop3A_283], %parallel_loop3A_281 {strides = array<i32>} : memref<64x128xf32, #tpu.memory_space<vmem>>, vector<16xf32>,
        %parallel_loop3A_285 = arith.index_cast %parallel_loop3A_247 : i32 to index
        %parallel_loop3A_286 = arith.constant 80 : index
        %parallel_loop3A_287 = tpu.vector_load %arg15[%parallel_loop3A_285, %parallel_loop3A_286] {strides = array<i32>} : memref<64x128xf32, #tpu.memory_space<vmem>>, vector<16xf32>,
        %parallel_loop3A_288 = arith.mulf %parallel_loop3A_287, %parallel_loop3A_249 : vector<16xf32>
        %parallel_loop3A_289 = arith.index_cast %parallel_loop3A_247 : i32 to index
        %parallel_loop3A_290 = arith.constant 80 : index
        %parallel_loop3A_291 = tpu.vector_load %arg15[%parallel_loop3A_289, %parallel_loop3A_290] {strides = array<i32>} : memref<64x128xf32, #tpu.memory_space<vmem>>, vector<16xf32>,
        tpu.vector_store %arg15[%parallel_loop3A_289, %parallel_loop3A_290], %parallel_loop3A_288 {strides = array<i32>} : memref<64x128xf32, #tpu.memory_space<vmem>>, vector<16xf32>,
        %parallel_loop3A_292 = arith.index_cast %parallel_loop3A_247 : i32 to index
        %parallel_loop3A_293 = arith.constant 96 : index
        %parallel_loop3A_294 = tpu.vector_load %arg15[%parallel_loop3A_292, %parallel_loop3A_293] {strides = array<i32>} : memref<64x128xf32, #tpu.memory_space<vmem>>, vector<16xf32>,
        %parallel_loop3A_295 = arith.mulf %parallel_loop3A_294, %parallel_loop3A_249 : vector<16xf32>
        %parallel_loop3A_296 = arith.index_cast %parallel_loop3A_247 : i32 to index
        %parallel_loop3A_297 = arith.constant 96 : index
        %parallel_loop3A_298 = tpu.vector_load %arg15[%parallel_loop3A_296, %parallel_loop3A_297] {strides = array<i32>} : memref<64x128xf32, #tpu.memory_space<vmem>>, vector<16xf32>,
        tpu.vector_store %arg15[%parallel_loop3A_296, %parallel_loop3A_297], %parallel_loop3A_295 {strides = array<i32>} : memref<64x128xf32, #tpu.memory_space<vmem>>, vector<16xf32>,
        %parallel_loop3A_299 = arith.index_cast %parallel_loop3A_247 : i32 to index
        %parallel_loop3A_300 = arith.constant 112 : index
        %parallel_loop3A_301 = tpu.vector_load %arg15[%parallel_loop3A_299, %parallel_loop3A_300] {strides = array<i32>} : memref<64x128xf32, #tpu.memory_space<vmem>>, vector<16xf32>,
        %parallel_loop3A_302 = arith.mulf %parallel_loop3A_301, %parallel_loop3A_249 : vector<16xf32>
        %parallel_loop3A_303 = arith.index_cast %parallel_loop3A_247 : i32 to index
        %parallel_loop3A_304 = arith.constant 112 : index
        %parallel_loop3A_305 = tpu.vector_load %arg15[%parallel_loop3A_303, %parallel_loop3A_304] {strides = array<i32>} : memref<64x128xf32, #tpu.memory_space<vmem>>, vector<16xf32>,
        tpu.vector_store %arg15[%parallel_loop3A_303, %parallel_loop3A_304], %parallel_loop3A_302 {strides = array<i32>} : memref<64x128xf32, #tpu.memory_space<vmem>>, vector<16xf32>,
      } {sc.loop_unroll_factor = 4 : i64, sc.parallel_access}
      %dma_start3A_237 = arith.constant 0 : i32
      %dma_start3A_238 = arith.constant 0 : i32
      %dma_start3A_239 = tpu.memref_slice %arg26[%dma_start3A_237, %dma_start3A_238] : memref<10240x128xf32, #tpu.memory_space<vmem_shared>> -> memref<10240x128xf32, #tpu.memory_space<vmem_shared>>
      tpu.enqueue_indirect_dma source(%arg15 : memref<64x128xf32, #tpu.memory_space<vmem>>) target(%dma_start3A_239 : memref<10240x128xf32, #tpu.memory_space<vmem_shared>>) offsets(%arg23 : memref<64xi32, #tpu.memory_space<vmem>>) semaphore(%arg38 : memref<!tpu.dma_semaphore, #tpu.memory_space<semaphore_mem>>) {add = true}
      %add3A_240 = arith.constant 2 : i32
      %add3A_241 = arith.addi %add3A_215, %add3A_240 : i32
      %lt3A_242 = arith.constant 160 : i32
      %lt3A_243 = arith.cmpi slt, %add3A_241, %lt3A_242 : i32
      %convert_element_type3A_244 = arith.extui %lt3A_243 : i1 to i32
      %cond3A_245 = arith.constant 0 : i32
      %cond3A_246 = arith.cmpi ne, %convert_element_type3A_244, %cond3A_245 : i32
      scf.if %cond3A_246 {
        %add3A_247 = arith.constant 2 : i32
        %add3A_248 = arith.addi %add3A_215, %add3A_247 : i32
        %min3A = arith.constant 159 : i32
        %min3A_249 = arith.minsi %add3A_248, %min3A : i32
        %dma_start3A_250 = arith.constant 0 : i32
        %dma_start3A_251 = tpu.memref_slice %arg5[%add3A, %min3A_249, %dma_start3A_250] : memref<32x160x64xi32, #tpu.memory_space<hbm>> -> memref<1x1x64xi32, #tpu.memory_space<hbm>>
        %dma_start3A_252 = tpu.memref_squeeze %dma_start3A_251 : memref<1x1x64xi32, #tpu.memory_space<hbm>> -> memref<64xi32, #tpu.memory_space<hbm>>
        %dma_start3A_253 = arith.constant 0 : i32
        %dma_start3A_254 = tpu.memref_slice %arg5[%add3A, %min3A_249, %dma_start3A_253] : memref<32x160x64xi32, #tpu.memory_space<hbm>> -> memref<1x1x64xi32, #tpu.memory_space<hbm>>
        %dma_start3A_255 = tpu.memref_squeeze %dma_start3A_254 : memref<1x1x64xi32, #tpu.memory_space<hbm>> -> memref<64xi32, #tpu.memory_space<hbm>>
        tpu.enqueue_dma source(%dma_start3A_255 : memref<64xi32, #tpu.memory_space<hbm>>) target(%arg17 : memref<64xi32, #tpu.memory_space<vmem>>) target_semaphore(%arg30 : memref<!tpu.dma_semaphore, #tpu.memory_space<semaphore_mem>>)
        %dma_start3A_256 = arith.constant 0 : i32
        %dma_start3A_257 = tpu.memref_slice %arg6[%add3A, %min3A_249, %dma_start3A_256] : memref<32x160x64xi32, #tpu.memory_space<hbm>> -> memref<1x1x64xi32, #tpu.memory_space<hbm>>
        %dma_start3A_258 = tpu.memref_squeeze %dma_start3A_257 : memref<1x1x64xi32, #tpu.memory_space<hbm>> -> memref<64xi32, #tpu.memory_space<hbm>>
        %dma_start3A_259 = arith.constant 0 : i32
        %dma_start3A_260 = tpu.memref_slice %arg6[%add3A, %min3A_249, %dma_start3A_259] : memref<32x160x64xi32, #tpu.memory_space<hbm>> -> memref<1x1x64xi32, #tpu.memory_space<hbm>>
        %dma_start3A_261 = tpu.memref_squeeze %dma_start3A_260 : memref<1x1x64xi32, #tpu.memory_space<hbm>> -> memref<64xi32, #tpu.memory_space<hbm>>
        tpu.enqueue_dma source(%dma_start3A_261 : memref<64xi32, #tpu.memory_space<hbm>>) target(%arg21 : memref<64xi32, #tpu.memory_space<vmem>>) target_semaphore(%arg34 : memref<!tpu.dma_semaphore, #tpu.memory_space<semaphore_mem>>)
      } else {
      }
    }
    %scan3A_102 = arith.constant 40 : i32
    %dma_wait3A_103 = arith.constant 0 : i32
    %dma_wait3A_104 = arith.constant 0 : i32
    %dma_wait3A_105 = tpu.memref_slice %arg26[%dma_wait3A_103, %dma_wait3A_104] : memref<10240x128xf32, #tpu.memory_space<vmem_shared>> -> memref<10240x128xf32, #tpu.memory_space<vmem_shared>>
    tpu.wait_indirect_dma semaphore(%arg38 : memref<!tpu.dma_semaphore, #tpu.memory_space<semaphore_mem>>) src(%arg15 : memref<64x128xf32, #tpu.memory_space<vmem>>) dst(%dma_wait3A_105 : memref<10240x128xf32, #tpu.memory_space<vmem_shared>>)
    "tpu.region"() ({
      %run_scoped3A = tpu.sem_alloc : memref<!tpu.dma_semaphore, #tpu.memory_space<semaphore_mem>>
      %dma_start3A_111 = arith.constant 0 : i32
      %dma_start3A_112 = tpu.memref_slice %arg9[%add3A, %dma_start3A_111] : memref<32x10240xf32, #tpu.memory_space<hbm>> -> memref<1x10240xf32, #tpu.memory_space<hbm>>
      %dma_start3A_113 = tpu.memref_squeeze %dma_start3A_112 : memref<1x10240xf32, #tpu.memory_space<hbm>> -> memref<10240xf32, #tpu.memory_space<hbm>>
      %dma_start3A_114 = arith.constant 0 : i32
      %dma_start3A_115 = tpu.memref_slice %arg9[%add3A, %dma_start3A_114] : memref<32x10240xf32, #tpu.memory_space<hbm>> -> memref<1x10240xf32, #tpu.memory_space<hbm>>
      %dma_start3A_116 = tpu.memref_squeeze %dma_start3A_115 : memref<1x10240xf32, #tpu.memory_space<hbm>> -> memref<10240xf32, #tpu.memory_space<hbm>>
      tpu.enqueue_dma source(%arg12 : memref<10240xf32, #tpu.memory_space<vmem>>) target(%dma_start3A_116 : memref<10240xf32, #tpu.memory_space<hbm>>) target_semaphore(%run_scoped3A : memref<!tpu.dma_semaphore, #tpu.memory_space<semaphore_mem>>)
      %dma_wait3A_117 = arith.constant 0 : i32
      %dma_wait3A_118 = tpu.memref_slice %arg9[%add3A, %dma_wait3A_117] : memref<32x10240xf32, #tpu.memory_space<hbm>> -> memref<1x10240xf32, #tpu.memory_space<hbm>>
      %dma_wait3A_119 = tpu.memref_squeeze %dma_wait3A_118 : memref<1x10240xf32, #tpu.memory_space<hbm>> -> memref<10240xf32, #tpu.memory_space<hbm>>
      %dma_wait3A_120 = arith.constant 0 : i32
      %dma_wait3A_121 = tpu.memref_slice %arg9[%add3A, %dma_wait3A_120] : memref<32x10240xf32, #tpu.memory_space<hbm>> -> memref<1x10240xf32, #tpu.memory_space<hbm>>
      %dma_wait3A_122 = tpu.memref_squeeze %dma_wait3A_121 : memref<1x10240xf32, #tpu.memory_space<hbm>> -> memref<10240xf32, #tpu.memory_space<hbm>>
      tpu.wait_dma2 semaphore(%run_scoped3A : memref<!tpu.dma_semaphore, #tpu.memory_space<semaphore_mem>>) src(%arg12 : memref<10240xf32, #tpu.memory_space<vmem>>) dst(%dma_wait3A_122 : memref<10240xf32, #tpu.memory_space<hbm>>)
      tpu.yield
    }) : () -> ()
    %barrier3A_106 = arith.constant 0 : index
    tpu.barrier barrier_id(%barrier3A_106)
    %mul3A_107 = arith.constant 640 : i32
    %mul3A_108 = arith.muli %arg1, %mul3A_107 : i32
    %mul3A_109 = arith.constant 640 : i32
    %mul3A_110 = arith.muli %arg1, %mul3A_109 : i32
    "tpu.region"() ({
      %run_scoped3A = tpu.sem_alloc : memref<!tpu.dma_semaphore, #tpu.memory_space<semaphore_mem>>
      %dma_start3A_111 = arith.constant 0 : i32
      %dma_start3A_112 = tpu.memref_slice %arg8[%arg0, %mul3A_110, %dma_start3A_111] : memref<2x10240x128xf32, #tpu.memory_space<hbm>> -> memref<1x640x128xf32, #tpu.memory_space<hbm>>
      %dma_start3A_113 = tpu.memref_squeeze %dma_start3A_112 : memref<1x640x128xf32, #tpu.memory_space<hbm>> -> memref<640x128xf32, #tpu.memory_space<hbm>>
      %dma_start3A_114 = arith.constant 0 : i32
      %dma_start3A_115 = tpu.memref_slice %arg26[%mul3A_108, %dma_start3A_114] : memref<10240x128xf32, #tpu.memory_space<vmem_shared>> -> memref<640x128xf32, #tpu.memory_space<vmem_shared>>
      tpu.enqueue_dma source(%dma_start3A_115 : memref<640x128xf32, #tpu.memory_space<vmem_shared>>) target(%dma_start3A_113 : memref<640x128xf32, #tpu.memory_space<hbm>>) target_semaphore(%run_scoped3A : memref<!tpu.dma_semaphore, #tpu.memory_space<semaphore_mem>>)
      %dma_wait3A_116 = arith.constant 0 : i32
      %dma_wait3A_117 = tpu.memref_slice %arg8[%arg0, %mul3A_110, %dma_wait3A_116] : memref<2x10240x128xf32, #tpu.memory_space<hbm>> -> memref<1x640x128xf32, #tpu.memory_space<hbm>>
      %dma_wait3A_118 = tpu.memref_squeeze %dma_wait3A_117 : memref<1x640x128xf32, #tpu.memory_space<hbm>> -> memref<640x128xf32, #tpu.memory_space<hbm>>
      %dma_wait3A_119 = arith.constant 0 : i32
      %dma_wait3A_120 = tpu.memref_slice %arg26[%mul3A_108, %dma_wait3A_119] : memref<10240x128xf32, #tpu.memory_space<vmem_shared>> -> memref<640x128xf32, #tpu.memory_space<vmem_shared>>
      tpu.wait_dma2 semaphore(%run_scoped3A : memref<!tpu.dma_semaphore, #tpu.memory_space<semaphore_mem>>) src(%dma_wait3A_120 : memref<640x128xf32, #tpu.memory_space<vmem_shared>>) dst(%dma_wait3A_118 : memref<640x128xf32, #tpu.memory_space<hbm>>)
      tpu.yield
    }) : () -> ()
    return
  }
}

#map = affine_map<(d0, d1) -> (0, 0)>
#map1 = affine_map<(d0, d1) -> (0)>
#map2 = affine_map<(d0, d1) -> (0, 0, 0)>
module attributes {stable_mosaic.version = 14 : i64} {
  func.func @_sc_body(%arg0: i32, %arg1: i32, %arg2: memref<10240x128xf32, #tpu.memory_space<hbm>>, %arg3: memref<10240xf32, #tpu.memory_space<hbm>>, %arg4: memref<10240xf32, #tpu.memory_space<hbm>>, %arg5: memref<32x160x64xi32, #tpu.memory_space<hbm>>, %arg6: memref<32x160x64xi32, #tpu.memory_space<hbm>>, %arg7: memref<16xf32, #tpu.memory_space<hbm>>, %arg8: memref<2x10240x128xf32, #tpu.memory_space<hbm>>, %arg9: memref<32x10240xf32, #tpu.memory_space<hbm>>, %arg10: memref<10240xf32, #tpu.memory_space<vmem>>, %arg11: memref<10240xf32, #tpu.memory_space<vmem>>, %arg12: memref<10240xf32, #tpu.memory_space<vmem>>, %arg13: memref<16xf32, #tpu.memory_space<vmem>>, %arg14: memref<64x128xf32, #tpu.memory_space<vmem>>, %arg15: memref<64x128xf32, #tpu.memory_space<vmem>>, %arg16: memref<64xi32, #tpu.memory_space<vmem>>, %arg17: memref<64xi32, #tpu.memory_space<vmem>>, %arg18: memref<64xi32, #tpu.memory_space<vmem>>, %arg19: memref<64xi32, #tpu.memory_space<vmem>>, %arg20: memref<64xi32, #tpu.memory_space<vmem>>, %arg21: memref<64xi32, #tpu.memory_space<vmem>>, %arg22: memref<64xi32, #tpu.memory_space<vmem>>, %arg23: memref<64xi32, #tpu.memory_space<vmem>>, %arg24: memref<64xf32, #tpu.memory_space<vmem>>, %arg25: memref<64xf32, #tpu.memory_space<vmem>>, %arg26: memref<10240x128xf32, #tpu.memory_space<vmem_shared>>, %arg27: memref<!tpu.dma_semaphore, #tpu.memory_space<semaphore_mem>>, %arg28: memref<!tpu.dma_semaphore, #tpu.memory_space<semaphore_mem>>, %arg29: memref<!tpu.dma_semaphore, #tpu.memory_space<semaphore_mem>>, %arg30: memref<!tpu.dma_semaphore, #tpu.memory_space<semaphore_mem>>, %arg31: memref<!tpu.dma_semaphore, #tpu.memory_space<semaphore_mem>>, %arg32: memref<!tpu.dma_semaphore, #tpu.memory_space<semaphore_mem>>, %arg33: memref<!tpu.dma_semaphore, #tpu.memory_space<semaphore_mem>>, %arg34: memref<!tpu.dma_semaphore, #tpu.memory_space<semaphore_mem>>, %arg35: memref<!tpu.dma_semaphore, #tpu.memory_space<semaphore_mem>>, %arg36: memref<!tpu.dma_semaphore, #tpu.memory_space<semaphore_mem>>, %arg37: memref<!tpu.dma_semaphore, #tpu.memory_space<semaphore_mem>>, %arg38: memref<!tpu.dma_semaphore, #tpu.memory_space<semaphore_mem>>) attributes {dimension_semantics = [#tpu.dimension_semantics<core_parallel>, #tpu.dimension_semantics<subcore_parallel>], iteration_bounds = array<i64: 2, 16>, scalar_prefetch = 0 : i64, scratch_operands = 29 : i64, tpu.core_type = #tpu.core_type<sc_vector_subcore>, window_params = [{transform_indices = #map}, {transform_indices = #map1}, {transform_indices = #map1}, {transform_indices = #map2}, {transform_indices = #map2}, {transform_indices = #map1}, {transform_indices = #map2}, {transform_indices = #map}]} {
    %mul3A = arith.constant 16 : i32
    %mul3A_0 = arith.muli %arg0, %mul3A : i32
    %add3A = arith.addi %mul3A_0, %arg1 : i32
    "tpu.region"() ({
      %run_scoped3A = tpu.sem_alloc : memref<!tpu.dma_semaphore, #tpu.memory_space<semaphore_mem>>
      tpu.enqueue_dma source(%arg3 : memref<10240xf32, #tpu.memory_space<hbm>>) target(%arg10 : memref<10240xf32, #tpu.memory_space<vmem>>) target_semaphore(%run_scoped3A : memref<!tpu.dma_semaphore, #tpu.memory_space<semaphore_mem>>)
      tpu.wait_dma2 semaphore(%run_scoped3A : memref<!tpu.dma_semaphore, #tpu.memory_space<semaphore_mem>>) src(%arg3 : memref<10240xf32, #tpu.memory_space<hbm>>) dst(%arg10 : memref<10240xf32, #tpu.memory_space<vmem>>)
      tpu.yield
    }) : () -> ()
    "tpu.region"() ({
      %run_scoped3A = tpu.sem_alloc : memref<!tpu.dma_semaphore, #tpu.memory_space<semaphore_mem>>
      tpu.enqueue_dma source(%arg4 : memref<10240xf32, #tpu.memory_space<hbm>>) target(%arg11 : memref<10240xf32, #tpu.memory_space<vmem>>) target_semaphore(%run_scoped3A : memref<!tpu.dma_semaphore, #tpu.memory_space<semaphore_mem>>)
      tpu.wait_dma2 semaphore(%run_scoped3A : memref<!tpu.dma_semaphore, #tpu.memory_space<semaphore_mem>>) src(%arg4 : memref<10240xf32, #tpu.memory_space<hbm>>) dst(%arg11 : memref<10240xf32, #tpu.memory_space<vmem>>)
      tpu.yield
    }) : () -> ()
    "tpu.region"() ({
      %run_scoped3A = tpu.sem_alloc : memref<!tpu.dma_semaphore, #tpu.memory_space<semaphore_mem>>
      tpu.enqueue_dma source(%arg7 : memref<16xf32, #tpu.memory_space<hbm>>) target(%arg13 : memref<16xf32, #tpu.memory_space<vmem>>) target_semaphore(%run_scoped3A : memref<!tpu.dma_semaphore, #tpu.memory_space<semaphore_mem>>)
      tpu.wait_dma2 semaphore(%run_scoped3A : memref<!tpu.dma_semaphore, #tpu.memory_space<semaphore_mem>>) src(%arg7 : memref<16xf32, #tpu.memory_space<hbm>>) dst(%arg13 : memref<16xf32, #tpu.memory_space<vmem>>)
      tpu.yield
    }) : () -> ()
    %broadcast_in_dim3A = arith.constant 0.000000e+00 : f32
    %broadcast_in_dim3A_1 = vector.broadcast %broadcast_in_dim3A : f32 to vector<16xf32>
    %scan3A = arith.constant 0 : i32
    %scan3A_2 = arith.constant 0 : i32
    %scan3A_3 = arith.constant 64 : i32
    %scan3A_4 = arith.addi %scan3A_2, %scan3A_3 : i32
    %scan3A_5 = arith.constant 1 : i32
    scf.for %scan3A_111 = %scan3A_2 to %scan3A_4 step %scan3A_5  : i32 {
      %swap3A = arith.index_cast %scan3A_111 : i32 to index
      %swap3A_112 = arith.constant 0 : index
      %swap3A_113 = tpu.vector_load %arg14[%swap3A, %swap3A_112] {strides = array<i32>} : memref<64x128xf32, #tpu.memory_space<vmem>>, vector<16xf32>,
      tpu.vector_store %arg14[%swap3A, %swap3A_112], %broadcast_in_dim3A_1 {strides = array<i32>} : memref<64x128xf32, #tpu.memory_space<vmem>>, vector<16xf32>,
      %swap3A_114 = arith.index_cast %scan3A_111 : i32 to index
      %swap3A_115 = arith.constant 16 : index
      %swap3A_116 = tpu.vector_load %arg14[%swap3A_114, %swap3A_115] {strides = array<i32>} : memref<64x128xf32, #tpu.memory_space<vmem>>, vector<16xf32>,
      tpu.vector_store %arg14[%swap3A_114, %swap3A_115], %broadcast_in_dim3A_1 {strides = array<i32>} : memref<64x128xf32, #tpu.memory_space<vmem>>, vector<16xf32>,
      %swap3A_117 = arith.index_cast %scan3A_111 : i32 to index
      %swap3A_118 = arith.constant 32 : index
      %swap3A_119 = tpu.vector_load %arg14[%swap3A_117, %swap3A_118] {strides = array<i32>} : memref<64x128xf32, #tpu.memory_space<vmem>>, vector<16xf32>,
      tpu.vector_store %arg14[%swap3A_117, %swap3A_118], %broadcast_in_dim3A_1 {strides = array<i32>} : memref<64x128xf32, #tpu.memory_space<vmem>>, vector<16xf32>,
      %swap3A_120 = arith.index_cast %scan3A_111 : i32 to index
      %swap3A_121 = arith.constant 48 : index
      %swap3A_122 = tpu.vector_load %arg14[%swap3A_120, %swap3A_121] {strides = array<i32>} : memref<64x128xf32, #tpu.memory_space<vmem>>, vector<16xf32>,
      tpu.vector_store %arg14[%swap3A_120, %swap3A_121], %broadcast_in_dim3A_1 {strides = array<i32>} : memref<64x128xf32, #tpu.memory_space<vmem>>, vector<16xf32>,
      %swap3A_123 = arith.index_cast %scan3A_111 : i32 to index
      %swap3A_124 = arith.constant 64 : index
      %swap3A_125 = tpu.vector_load %arg14[%swap3A_123, %swap3A_124] {strides = array<i32>} : memref<64x128xf32, #tpu.memory_space<vmem>>, vector<16xf32>,
      tpu.vector_store %arg14[%swap3A_123, %swap3A_124], %broadcast_in_dim3A_1 {strides = array<i32>} : memref<64x128xf32, #tpu.memory_space<vmem>>, vector<16xf32>,
      %swap3A_126 = arith.index_cast %scan3A_111 : i32 to index
      %swap3A_127 = arith.constant 80 : index
      %swap3A_128 = tpu.vector_load %arg14[%swap3A_126, %swap3A_127] {strides = array<i32>} : memref<64x128xf32, #tpu.memory_space<vmem>>, vector<16xf32>,
      tpu.vector_store %arg14[%swap3A_126, %swap3A_127], %broadcast_in_dim3A_1 {strides = array<i32>} : memref<64x128xf32, #tpu.memory_space<vmem>>, vector<16xf32>,
      %swap3A_129 = arith.index_cast %scan3A_111 : i32 to index
      %swap3A_130 = arith.constant 96 : index
      %swap3A_131 = tpu.vector_load %arg14[%swap3A_129, %swap3A_130] {strides = array<i32>} : memref<64x128xf32, #tpu.memory_space<vmem>>, vector<16xf32>,
      tpu.vector_store %arg14[%swap3A_129, %swap3A_130], %broadcast_in_dim3A_1 {strides = array<i32>} : memref<64x128xf32, #tpu.memory_space<vmem>>, vector<16xf32>,
      %swap3A_132 = arith.index_cast %scan3A_111 : i32 to index
      %swap3A_133 = arith.constant 112 : index
      %swap3A_134 = tpu.vector_load %arg14[%swap3A_132, %swap3A_133] {strides = array<i32>} : memref<64x128xf32, #tpu.memory_space<vmem>>, vector<16xf32>,
      tpu.vector_store %arg14[%swap3A_132, %swap3A_133], %broadcast_in_dim3A_1 {strides = array<i32>} : memref<64x128xf32, #tpu.memory_space<vmem>>, vector<16xf32>,
    }
    %scan3A_6 = arith.constant 64 : i32
    %mul3A_7 = arith.constant 640 : i32
    %mul3A_8 = arith.muli %arg1, %mul3A_7 : i32
    %add3A_9 = arith.constant 0 : i32
    %add3A_10 = arith.addi %mul3A_8, %add3A_9 : i32
    "tpu.region"() ({
      %run_scoped3A = tpu.sem_alloc : memref<!tpu.dma_semaphore, #tpu.memory_space<semaphore_mem>>
      %dma_start3A_111 = arith.constant 0 : i32
      %dma_start3A_112 = tpu.memref_slice %arg26[%add3A_10, %dma_start3A_111] : memref<10240x128xf32, #tpu.memory_space<vmem_shared>> -> memref<64x128xf32, #tpu.memory_space<vmem_shared>>
      %dma_start3A_113 = arith.constant 0 : i32
      %dma_start3A_114 = tpu.memref_slice %arg26[%add3A_10, %dma_start3A_113] : memref<10240x128xf32, #tpu.memory_space<vmem_shared>> -> memref<64x128xf32, #tpu.memory_space<vmem_shared>>
      tpu.enqueue_dma source(%arg14 : memref<64x128xf32, #tpu.memory_space<vmem>>) target(%dma_start3A_114 : memref<64x128xf32, #tpu.memory_space<vmem_shared>>) target_semaphore(%run_scoped3A : memref<!tpu.dma_semaphore, #tpu.memory_space<semaphore_mem>>)
      %dma_wait3A_115 = arith.constant 0 : i32
      %dma_wait3A_116 = tpu.memref_slice %arg26[%add3A_10, %dma_wait3A_115] : memref<10240x128xf32, #tpu.memory_space<vmem_shared>> -> memref<64x128xf32, #tpu.memory_space<vmem_shared>>
      %dma_wait3A_117 = arith.constant 0 : i32
      %dma_wait3A_118 = tpu.memref_slice %arg26[%add3A_10, %dma_wait3A_117] : memref<10240x128xf32, #tpu.memory_space<vmem_shared>> -> memref<64x128xf32, #tpu.memory_space<vmem_shared>>
      tpu.wait_dma2 semaphore(%run_scoped3A : memref<!tpu.dma_semaphore, #tpu.memory_space<semaphore_mem>>) src(%arg14 : memref<64x128xf32, #tpu.memory_space<vmem>>) dst(%dma_wait3A_118 : memref<64x128xf32, #tpu.memory_space<vmem_shared>>)
      tpu.yield
    }) : () -> ()
    %mul3A_11 = arith.constant 640 : i32
    %mul3A_12 = arith.muli %arg1, %mul3A_11 : i32
    %add3A_13 = arith.constant 64 : i32
    %add3A_14 = arith.addi %mul3A_12, %add3A_13 : i32
    "tpu.region"() ({
      %run_scoped3A = tpu.sem_alloc : memref<!tpu.dma_semaphore, #tpu.memory_space<semaphore_mem>>
      %dma_start3A_111 = arith.constant 0 : i32
      %dma_start3A_112 = tpu.memref_slice %arg26[%add3A_14, %dma_start3A_111] : memref<10240x128xf32, #tpu.memory_space<vmem_shared>> -> memref<64x128xf32, #tpu.memory_space<vmem_shared>>
      %dma_start3A_113 = arith.constant 0 : i32
      %dma_start3A_114 = tpu.memref_slice %arg26[%add3A_14, %dma_start3A_113] : memref<10240x128xf32, #tpu.memory_space<vmem_shared>> -> memref<64x128xf32, #tpu.memory_space<vmem_shared>>
      tpu.enqueue_dma source(%arg14 : memref<64x128xf32, #tpu.memory_space<vmem>>) target(%dma_start3A_114 : memref<64x128xf32, #tpu.memory_space<vmem_shared>>) target_semaphore(%run_scoped3A : memref<!tpu.dma_semaphore, #tpu.memory_space<semaphore_mem>>)
      %dma_wait3A_115 = arith.constant 0 : i32
      %dma_wait3A_116 = tpu.memref_slice %arg26[%add3A_14, %dma_wait3A_115] : memref<10240x128xf32, #tpu.memory_space<vmem_shared>> -> memref<64x128xf32, #tpu.memory_space<vmem_shared>>
      %dma_wait3A_117 = arith.constant 0 : i32
      %dma_wait3A_118 = tpu.memref_slice %arg26[%add3A_14, %dma_wait3A_117] : memref<10240x128xf32, #tpu.memory_space<vmem_shared>> -> memref<64x128xf32, #tpu.memory_space<vmem_shared>>
      tpu.wait_dma2 semaphore(%run_scoped3A : memref<!tpu.dma_semaphore, #tpu.memory_space<semaphore_mem>>) src(%arg14 : memref<64x128xf32, #tpu.memory_space<vmem>>) dst(%dma_wait3A_118 : memref<64x128xf32, #tpu.memory_space<vmem_shared>>)
      tpu.yield
    }) : () -> ()
    %mul3A_15 = arith.constant 640 : i32
    %mul3A_16 = arith.muli %arg1, %mul3A_15 : i32
    %add3A_17 = arith.constant 128 : i32
    %add3A_18 = arith.addi %mul3A_16, %add3A_17 : i32
    "tpu.region"() ({
      %run_scoped3A = tpu.sem_alloc : memref<!tpu.dma_semaphore, #tpu.memory_space<semaphore_mem>>
      %dma_start3A_111 = arith.constant 0 : i32
      %dma_start3A_112 = tpu.memref_slice %arg26[%add3A_18, %dma_start3A_111] : memref<10240x128xf32, #tpu.memory_space<vmem_shared>> -> memref<64x128xf32, #tpu.memory_space<vmem_shared>>
      %dma_start3A_113 = arith.constant 0 : i32
      %dma_start3A_114 = tpu.memref_slice %arg26[%add3A_18, %dma_start3A_113] : memref<10240x128xf32, #tpu.memory_space<vmem_shared>> -> memref<64x128xf32, #tpu.memory_space<vmem_shared>>
      tpu.enqueue_dma source(%arg14 : memref<64x128xf32, #tpu.memory_space<vmem>>) target(%dma_start3A_114 : memref<64x128xf32, #tpu.memory_space<vmem_shared>>) target_semaphore(%run_scoped3A : memref<!tpu.dma_semaphore, #tpu.memory_space<semaphore_mem>>)
      %dma_wait3A_115 = arith.constant 0 : i32
      %dma_wait3A_116 = tpu.memref_slice %arg26[%add3A_18, %dma_wait3A_115] : memref<10240x128xf32, #tpu.memory_space<vmem_shared>> -> memref<64x128xf32, #tpu.memory_space<vmem_shared>>
      %dma_wait3A_117 = arith.constant 0 : i32
      %dma_wait3A_118 = tpu.memref_slice %arg26[%add3A_18, %dma_wait3A_117] : memref<10240x128xf32, #tpu.memory_space<vmem_shared>> -> memref<64x128xf32, #tpu.memory_space<vmem_shared>>
      tpu.wait_dma2 semaphore(%run_scoped3A : memref<!tpu.dma_semaphore, #tpu.memory_space<semaphore_mem>>) src(%arg14 : memref<64x128xf32, #tpu.memory_space<vmem>>) dst(%dma_wait3A_118 : memref<64x128xf32, #tpu.memory_space<vmem_shared>>)
      tpu.yield
    }) : () -> ()
    %mul3A_19 = arith.constant 640 : i32
    %mul3A_20 = arith.muli %arg1, %mul3A_19 : i32
    %add3A_21 = arith.constant 192 : i32
    %add3A_22 = arith.addi %mul3A_20, %add3A_21 : i32
    "tpu.region"() ({
      %run_scoped3A = tpu.sem_alloc : memref<!tpu.dma_semaphore, #tpu.memory_space<semaphore_mem>>
      %dma_start3A_111 = arith.constant 0 : i32
      %dma_start3A_112 = tpu.memref_slice %arg26[%add3A_22, %dma_start3A_111] : memref<10240x128xf32, #tpu.memory_space<vmem_shared>> -> memref<64x128xf32, #tpu.memory_space<vmem_shared>>
      %dma_start3A_113 = arith.constant 0 : i32
      %dma_start3A_114 = tpu.memref_slice %arg26[%add3A_22, %dma_start3A_113] : memref<10240x128xf32, #tpu.memory_space<vmem_shared>> -> memref<64x128xf32, #tpu.memory_space<vmem_shared>>
      tpu.enqueue_dma source(%arg14 : memref<64x128xf32, #tpu.memory_space<vmem>>) target(%dma_start3A_114 : memref<64x128xf32, #tpu.memory_space<vmem_shared>>) target_semaphore(%run_scoped3A : memref<!tpu.dma_semaphore, #tpu.memory_space<semaphore_mem>>)
      %dma_wait3A_115 = arith.constant 0 : i32
      %dma_wait3A_116 = tpu.memref_slice %arg26[%add3A_22, %dma_wait3A_115] : memref<10240x128xf32, #tpu.memory_space<vmem_shared>> -> memref<64x128xf32, #tpu.memory_space<vmem_shared>>
      %dma_wait3A_117 = arith.constant 0 : i32
      %dma_wait3A_118 = tpu.memref_slice %arg26[%add3A_22, %dma_wait3A_117] : memref<10240x128xf32, #tpu.memory_space<vmem_shared>> -> memref<64x128xf32, #tpu.memory_space<vmem_shared>>
      tpu.wait_dma2 semaphore(%run_scoped3A : memref<!tpu.dma_semaphore, #tpu.memory_space<semaphore_mem>>) src(%arg14 : memref<64x128xf32, #tpu.memory_space<vmem>>) dst(%dma_wait3A_118 : memref<64x128xf32, #tpu.memory_space<vmem_shared>>)
      tpu.yield
    }) : () -> ()
    %mul3A_23 = arith.constant 640 : i32
    %mul3A_24 = arith.muli %arg1, %mul3A_23 : i32
    %add3A_25 = arith.constant 256 : i32
    %add3A_26 = arith.addi %mul3A_24, %add3A_25 : i32
    "tpu.region"() ({
      %run_scoped3A = tpu.sem_alloc : memref<!tpu.dma_semaphore, #tpu.memory_space<semaphore_mem>>
      %dma_start3A_111 = arith.constant 0 : i32
      %dma_start3A_112 = tpu.memref_slice %arg26[%add3A_26, %dma_start3A_111] : memref<10240x128xf32, #tpu.memory_space<vmem_shared>> -> memref<64x128xf32, #tpu.memory_space<vmem_shared>>
      %dma_start3A_113 = arith.constant 0 : i32
      %dma_start3A_114 = tpu.memref_slice %arg26[%add3A_26, %dma_start3A_113] : memref<10240x128xf32, #tpu.memory_space<vmem_shared>> -> memref<64x128xf32, #tpu.memory_space<vmem_shared>>
      tpu.enqueue_dma source(%arg14 : memref<64x128xf32, #tpu.memory_space<vmem>>) target(%dma_start3A_114 : memref<64x128xf32, #tpu.memory_space<vmem_shared>>) target_semaphore(%run_scoped3A : memref<!tpu.dma_semaphore, #tpu.memory_space<semaphore_mem>>)
      %dma_wait3A_115 = arith.constant 0 : i32
      %dma_wait3A_116 = tpu.memref_slice %arg26[%add3A_26, %dma_wait3A_115] : memref<10240x128xf32, #tpu.memory_space<vmem_shared>> -> memref<64x128xf32, #tpu.memory_space<vmem_shared>>
      %dma_wait3A_117 = arith.constant 0 : i32
      %dma_wait3A_118 = tpu.memref_slice %arg26[%add3A_26, %dma_wait3A_117] : memref<10240x128xf32, #tpu.memory_space<vmem_shared>> -> memref<64x128xf32, #tpu.memory_space<vmem_shared>>
      tpu.wait_dma2 semaphore(%run_scoped3A : memref<!tpu.dma_semaphore, #tpu.memory_space<semaphore_mem>>) src(%arg14 : memref<64x128xf32, #tpu.memory_space<vmem>>) dst(%dma_wait3A_118 : memref<64x128xf32, #tpu.memory_space<vmem_shared>>)
      tpu.yield
    }) : () -> ()
    %mul3A_27 = arith.constant 640 : i32
    %mul3A_28 = arith.muli %arg1, %mul3A_27 : i32
    %add3A_29 = arith.constant 320 : i32
    %add3A_30 = arith.addi %mul3A_28, %add3A_29 : i32
    "tpu.region"() ({
      %run_scoped3A = tpu.sem_alloc : memref<!tpu.dma_semaphore, #tpu.memory_space<semaphore_mem>>
      %dma_start3A_111 = arith.constant 0 : i32
      %dma_start3A_112 = tpu.memref_slice %arg26[%add3A_30, %dma_start3A_111] : memref<10240x128xf32, #tpu.memory_space<vmem_shared>> -> memref<64x128xf32, #tpu.memory_space<vmem_shared>>
      %dma_start3A_113 = arith.constant 0 : i32
      %dma_start3A_114 = tpu.memref_slice %arg26[%add3A_30, %dma_start3A_113] : memref<10240x128xf32, #tpu.memory_space<vmem_shared>> -> memref<64x128xf32, #tpu.memory_space<vmem_shared>>
      tpu.enqueue_dma source(%arg14 : memref<64x128xf32, #tpu.memory_space<vmem>>) target(%dma_start3A_114 : memref<64x128xf32, #tpu.memory_space<vmem_shared>>) target_semaphore(%run_scoped3A : memref<!tpu.dma_semaphore, #tpu.memory_space<semaphore_mem>>)
      %dma_wait3A_115 = arith.constant 0 : i32
      %dma_wait3A_116 = tpu.memref_slice %arg26[%add3A_30, %dma_wait3A_115] : memref<10240x128xf32, #tpu.memory_space<vmem_shared>> -> memref<64x128xf32, #tpu.memory_space<vmem_shared>>
      %dma_wait3A_117 = arith.constant 0 : i32
      %dma_wait3A_118 = tpu.memref_slice %arg26[%add3A_30, %dma_wait3A_117] : memref<10240x128xf32, #tpu.memory_space<vmem_shared>> -> memref<64x128xf32, #tpu.memory_space<vmem_shared>>
      tpu.wait_dma2 semaphore(%run_scoped3A : memref<!tpu.dma_semaphore, #tpu.memory_space<semaphore_mem>>) src(%arg14 : memref<64x128xf32, #tpu.memory_space<vmem>>) dst(%dma_wait3A_118 : memref<64x128xf32, #tpu.memory_space<vmem_shared>>)
      tpu.yield
    }) : () -> ()
    %mul3A_31 = arith.constant 640 : i32
    %mul3A_32 = arith.muli %arg1, %mul3A_31 : i32
    %add3A_33 = arith.constant 384 : i32
    %add3A_34 = arith.addi %mul3A_32, %add3A_33 : i32
    "tpu.region"() ({
      %run_scoped3A = tpu.sem_alloc : memref<!tpu.dma_semaphore, #tpu.memory_space<semaphore_mem>>
      %dma_start3A_111 = arith.constant 0 : i32
      %dma_start3A_112 = tpu.memref_slice %arg26[%add3A_34, %dma_start3A_111] : memref<10240x128xf32, #tpu.memory_space<vmem_shared>> -> memref<64x128xf32, #tpu.memory_space<vmem_shared>>
      %dma_start3A_113 = arith.constant 0 : i32
      %dma_start3A_114 = tpu.memref_slice %arg26[%add3A_34, %dma_start3A_113] : memref<10240x128xf32, #tpu.memory_space<vmem_shared>> -> memref<64x128xf32, #tpu.memory_space<vmem_shared>>
      tpu.enqueue_dma source(%arg14 : memref<64x128xf32, #tpu.memory_space<vmem>>) target(%dma_start3A_114 : memref<64x128xf32, #tpu.memory_space<vmem_shared>>) target_semaphore(%run_scoped3A : memref<!tpu.dma_semaphore, #tpu.memory_space<semaphore_mem>>)
      %dma_wait3A_115 = arith.constant 0 : i32
      %dma_wait3A_116 = tpu.memref_slice %arg26[%add3A_34, %dma_wait3A_115] : memref<10240x128xf32, #tpu.memory_space<vmem_shared>> -> memref<64x128xf32, #tpu.memory_space<vmem_shared>>
      %dma_wait3A_117 = arith.constant 0 : i32
      %dma_wait3A_118 = tpu.memref_slice %arg26[%add3A_34, %dma_wait3A_117] : memref<10240x128xf32, #tpu.memory_space<vmem_shared>> -> memref<64x128xf32, #tpu.memory_space<vmem_shared>>
      tpu.wait_dma2 semaphore(%run_scoped3A : memref<!tpu.dma_semaphore, #tpu.memory_space<semaphore_mem>>) src(%arg14 : memref<64x128xf32, #tpu.memory_space<vmem>>) dst(%dma_wait3A_118 : memref<64x128xf32, #tpu.memory_space<vmem_shared>>)
      tpu.yield
    }) : () -> ()
    %mul3A_35 = arith.constant 640 : i32
    %mul3A_36 = arith.muli %arg1, %mul3A_35 : i32
    %add3A_37 = arith.constant 448 : i32
    %add3A_38 = arith.addi %mul3A_36, %add3A_37 : i32
    "tpu.region"() ({
      %run_scoped3A = tpu.sem_alloc : memref<!tpu.dma_semaphore, #tpu.memory_space<semaphore_mem>>
      %dma_start3A_111 = arith.constant 0 : i32
      %dma_start3A_112 = tpu.memref_slice %arg26[%add3A_38, %dma_start3A_111] : memref<10240x128xf32, #tpu.memory_space<vmem_shared>> -> memref<64x128xf32, #tpu.memory_space<vmem_shared>>
      %dma_start3A_113 = arith.constant 0 : i32
      %dma_start3A_114 = tpu.memref_slice %arg26[%add3A_38, %dma_start3A_113] : memref<10240x128xf32, #tpu.memory_space<vmem_shared>> -> memref<64x128xf32, #tpu.memory_space<vmem_shared>>
      tpu.enqueue_dma source(%arg14 : memref<64x128xf32, #tpu.memory_space<vmem>>) target(%dma_start3A_114 : memref<64x128xf32, #tpu.memory_space<vmem_shared>>) target_semaphore(%run_scoped3A : memref<!tpu.dma_semaphore, #tpu.memory_space<semaphore_mem>>)
      %dma_wait3A_115 = arith.constant 0 : i32
      %dma_wait3A_116 = tpu.memref_slice %arg26[%add3A_38, %dma_wait3A_115] : memref<10240x128xf32, #tpu.memory_space<vmem_shared>> -> memref<64x128xf32, #tpu.memory_space<vmem_shared>>
      %dma_wait3A_117 = arith.constant 0 : i32
      %dma_wait3A_118 = tpu.memref_slice %arg26[%add3A_38, %dma_wait3A_117] : memref<10240x128xf32, #tpu.memory_space<vmem_shared>> -> memref<64x128xf32, #tpu.memory_space<vmem_shared>>
      tpu.wait_dma2 semaphore(%run_scoped3A : memref<!tpu.dma_semaphore, #tpu.memory_space<semaphore_mem>>) src(%arg14 : memref<64x128xf32, #tpu.memory_space<vmem>>) dst(%dma_wait3A_118 : memref<64x128xf32, #tpu.memory_space<vmem_shared>>)
      tpu.yield
    }) : () -> ()
    %mul3A_39 = arith.constant 640 : i32
    %mul3A_40 = arith.muli %arg1, %mul3A_39 : i32
    %add3A_41 = arith.constant 512 : i32
    %add3A_42 = arith.addi %mul3A_40, %add3A_41 : i32
    "tpu.region"() ({
      %run_scoped3A = tpu.sem_alloc : memref<!tpu.dma_semaphore, #tpu.memory_space<semaphore_mem>>
      %dma_start3A_111 = arith.constant 0 : i32
      %dma_start3A_112 = tpu.memref_slice %arg26[%add3A_42, %dma_start3A_111] : memref<10240x128xf32, #tpu.memory_space<vmem_shared>> -> memref<64x128xf32, #tpu.memory_space<vmem_shared>>
      %dma_start3A_113 = arith.constant 0 : i32
      %dma_start3A_114 = tpu.memref_slice %arg26[%add3A_42, %dma_start3A_113] : memref<10240x128xf32, #tpu.memory_space<vmem_shared>> -> memref<64x128xf32, #tpu.memory_space<vmem_shared>>
      tpu.enqueue_dma source(%arg14 : memref<64x128xf32, #tpu.memory_space<vmem>>) target(%dma_start3A_114 : memref<64x128xf32, #tpu.memory_space<vmem_shared>>) target_semaphore(%run_scoped3A : memref<!tpu.dma_semaphore, #tpu.memory_space<semaphore_mem>>)
      %dma_wait3A_115 = arith.constant 0 : i32
      %dma_wait3A_116 = tpu.memref_slice %arg26[%add3A_42, %dma_wait3A_115] : memref<10240x128xf32, #tpu.memory_space<vmem_shared>> -> memref<64x128xf32, #tpu.memory_space<vmem_shared>>
      %dma_wait3A_117 = arith.constant 0 : i32
      %dma_wait3A_118 = tpu.memref_slice %arg26[%add3A_42, %dma_wait3A_117] : memref<10240x128xf32, #tpu.memory_space<vmem_shared>> -> memref<64x128xf32, #tpu.memory_space<vmem_shared>>
      tpu.wait_dma2 semaphore(%run_scoped3A : memref<!tpu.dma_semaphore, #tpu.memory_space<semaphore_mem>>) src(%arg14 : memref<64x128xf32, #tpu.memory_space<vmem>>) dst(%dma_wait3A_118 : memref<64x128xf32, #tpu.memory_space<vmem_shared>>)
      tpu.yield
    }) : () -> ()
    %mul3A_43 = arith.constant 640 : i32
    %mul3A_44 = arith.muli %arg1, %mul3A_43 : i32
    %add3A_45 = arith.constant 576 : i32
    %add3A_46 = arith.addi %mul3A_44, %add3A_45 : i32
    "tpu.region"() ({
      %run_scoped3A = tpu.sem_alloc : memref<!tpu.dma_semaphore, #tpu.memory_space<semaphore_mem>>
      %dma_start3A_111 = arith.constant 0 : i32
      %dma_start3A_112 = tpu.memref_slice %arg26[%add3A_46, %dma_start3A_111] : memref<10240x128xf32, #tpu.memory_space<vmem_shared>> -> memref<64x128xf32, #tpu.memory_space<vmem_shared>>
      %dma_start3A_113 = arith.constant 0 : i32
      %dma_start3A_114 = tpu.memref_slice %arg26[%add3A_46, %dma_start3A_113] : memref<10240x128xf32, #tpu.memory_space<vmem_shared>> -> memref<64x128xf32, #tpu.memory_space<vmem_shared>>
      tpu.enqueue_dma source(%arg14 : memref<64x128xf32, #tpu.memory_space<vmem>>) target(%dma_start3A_114 : memref<64x128xf32, #tpu.memory_space<vmem_shared>>) target_semaphore(%run_scoped3A : memref<!tpu.dma_semaphore, #tpu.memory_space<semaphore_mem>>)
      %dma_wait3A_115 = arith.constant 0 : i32
      %dma_wait3A_116 = tpu.memref_slice %arg26[%add3A_46, %dma_wait3A_115] : memref<10240x128xf32, #tpu.memory_space<vmem_shared>> -> memref<64x128xf32, #tpu.memory_space<vmem_shared>>
      %dma_wait3A_117 = arith.constant 0 : i32
      %dma_wait3A_118 = tpu.memref_slice %arg26[%add3A_46, %dma_wait3A_117] : memref<10240x128xf32, #tpu.memory_space<vmem_shared>> -> memref<64x128xf32, #tpu.memory_space<vmem_shared>>
      tpu.wait_dma2 semaphore(%run_scoped3A : memref<!tpu.dma_semaphore, #tpu.memory_space<semaphore_mem>>) src(%arg14 : memref<64x128xf32, #tpu.memory_space<vmem>>) dst(%dma_wait3A_118 : memref<64x128xf32, #tpu.memory_space<vmem_shared>>)
      tpu.yield
    }) : () -> ()
    %scan3A_47 = arith.constant 0 : i32
    %scan3A_48 = arith.constant 0 : i32
    %scan3A_49 = arith.constant 640 : i32
    %scan3A_50 = arith.addi %scan3A_48, %scan3A_49 : i32
    %scan3A_51 = arith.constant 1 : i32
    scf.for %scan3A_111 = %scan3A_48 to %scan3A_50 step %scan3A_51  : i32 {
      %mul3A_112 = arith.constant 16 : i32
      %mul3A_113 = arith.muli %scan3A_111, %mul3A_112 : i32
      %swap3A = arith.index_cast %mul3A_113 : i32 to index
      %swap3A_114 = tpu.vector_load %arg12[%swap3A] {strides = array<i32>} : memref<10240xf32, #tpu.memory_space<vmem>>, vector<16xf32>,
      tpu.vector_store %arg12[%swap3A], %broadcast_in_dim3A_1 {strides = array<i32>} : memref<10240xf32, #tpu.memory_space<vmem>>, vector<16xf32>,
    }
    %scan3A_52 = arith.constant 640 : i32
    %barrier3A = arith.constant 0 : index
    tpu.barrier barrier_id(%barrier3A)
    %dma_start3A = arith.constant 0 : i32
    %dma_start3A_53 = arith.constant 0 : i32
    %dma_start3A_54 = tpu.memref_slice %arg5[%add3A, %dma_start3A, %dma_start3A_53] : memref<32x160x64xi32, #tpu.memory_space<hbm>> -> memref<1x1x64xi32, #tpu.memory_space<hbm>>
    %dma_start3A_55 = tpu.memref_squeeze %dma_start3A_54 : memref<1x1x64xi32, #tpu.memory_space<hbm>> -> memref<64xi32, #tpu.memory_space<hbm>>
    %dma_start3A_56 = arith.constant 0 : i32
    %dma_start3A_57 = tpu.memref_slice %arg5[%add3A, %dma_start3A, %dma_start3A_56] : memref<32x160x64xi32, #tpu.memory_space<hbm>> -> memref<1x1x64xi32, #tpu.memory_space<hbm>>
    %dma_start3A_58 = tpu.memref_squeeze %dma_start3A_57 : memref<1x1x64xi32, #tpu.memory_space<hbm>> -> memref<64xi32, #tpu.memory_space<hbm>>
    tpu.enqueue_dma source(%dma_start3A_58 : memref<64xi32, #tpu.memory_space<hbm>>) target(%arg16 : memref<64xi32, #tpu.memory_space<vmem>>) target_semaphore(%arg29 : memref<!tpu.dma_semaphore, #tpu.memory_space<semaphore_mem>>)
    %dma_start3A_59 = arith.constant 0 : i32
    %dma_start3A_60 = arith.constant 0 : i32
    %dma_start3A_61 = tpu.memref_slice %arg6[%add3A, %dma_start3A_59, %dma_start3A_60] : memref<32x160x64xi32, #tpu.memory_space<hbm>> -> memref<1x1x64xi32, #tpu.memory_space<hbm>>
    %dma_start3A_62 = tpu.memref_squeeze %dma_start3A_61 : memref<1x1x64xi32, #tpu.memory_space<hbm>> -> memref<64xi32, #tpu.memory_space<hbm>>
    %dma_start3A_63 = arith.constant 0 : i32
    %dma_start3A_64 = tpu.memref_slice %arg6[%add3A, %dma_start3A_59, %dma_start3A_63] : memref<32x160x64xi32, #tpu.memory_space<hbm>> -> memref<1x1x64xi32, #tpu.memory_space<hbm>>
    %dma_start3A_65 = tpu.memref_squeeze %dma_start3A_64 : memref<1x1x64xi32, #tpu.memory_space<hbm>> -> memref<64xi32, #tpu.memory_space<hbm>>
    tpu.enqueue_dma source(%dma_start3A_65 : memref<64xi32, #tpu.memory_space<hbm>>) target(%arg20 : memref<64xi32, #tpu.memory_space<vmem>>) target_semaphore(%arg33 : memref<!tpu.dma_semaphore, #tpu.memory_space<semaphore_mem>>)
    %dma_start3A_66 = arith.constant 1 : i32
    %dma_start3A_67 = arith.constant 0 : i32
    %dma_start3A_68 = tpu.memref_slice %arg5[%add3A, %dma_start3A_66, %dma_start3A_67] : memref<32x160x64xi32, #tpu.memory_space<hbm>> -> memref<1x1x64xi32, #tpu.memory_space<hbm>>
    %dma_start3A_69 = tpu.memref_squeeze %dma_start3A_68 : memref<1x1x64xi32, #tpu.memory_space<hbm>> -> memref<64xi32, #tpu.memory_space<hbm>>
    %dma_start3A_70 = arith.constant 0 : i32
    %dma_start3A_71 = tpu.memref_slice %arg5[%add3A, %dma_start3A_66, %dma_start3A_70] : memref<32x160x64xi32, #tpu.memory_space<hbm>> -> memref<1x1x64xi32, #tpu.memory_space<hbm>>
    %dma_start3A_72 = tpu.memref_squeeze %dma_start3A_71 : memref<1x1x64xi32, #tpu.memory_space<hbm>> -> memref<64xi32, #tpu.memory_space<hbm>>
    tpu.enqueue_dma source(%dma_start3A_72 : memref<64xi32, #tpu.memory_space<hbm>>) target(%arg17 : memref<64xi32, #tpu.memory_space<vmem>>) target_semaphore(%arg30 : memref<!tpu.dma_semaphore, #tpu.memory_space<semaphore_mem>>)
    %dma_start3A_73 = arith.constant 1 : i32
    %dma_start3A_74 = arith.constant 0 : i32
    %dma_start3A_75 = tpu.memref_slice %arg6[%add3A, %dma_start3A_73, %dma_start3A_74] : memref<32x160x64xi32, #tpu.memory_space<hbm>> -> memref<1x1x64xi32, #tpu.memory_space<hbm>>
    %dma_start3A_76 = tpu.memref_squeeze %dma_start3A_75 : memref<1x1x64xi32, #tpu.memory_space<hbm>> -> memref<64xi32, #tpu.memory_space<hbm>>
    %dma_start3A_77 = arith.constant 0 : i32
    %dma_start3A_78 = tpu.memref_slice %arg6[%add3A, %dma_start3A_73, %dma_start3A_77] : memref<32x160x64xi32, #tpu.memory_space<hbm>> -> memref<1x1x64xi32, #tpu.memory_space<hbm>>
    %dma_start3A_79 = tpu.memref_squeeze %dma_start3A_78 : memref<1x1x64xi32, #tpu.memory_space<hbm>> -> memref<64xi32, #tpu.memory_space<hbm>>
    tpu.enqueue_dma source(%dma_start3A_79 : memref<64xi32, #tpu.memory_space<hbm>>) target(%arg21 : memref<64xi32, #tpu.memory_space<vmem>>) target_semaphore(%arg34 : memref<!tpu.dma_semaphore, #tpu.memory_space<semaphore_mem>>)
    %dma_wait3A = arith.constant 0 : i32
    %dma_wait3A_80 = arith.constant 0 : i32
    %dma_wait3A_81 = tpu.memref_slice %arg5[%add3A, %dma_wait3A, %dma_wait3A_80] : memref<32x160x64xi32, #tpu.memory_space<hbm>> -> memref<1x1x64xi32, #tpu.memory_space<hbm>>
    %dma_wait3A_82 = tpu.memref_squeeze %dma_wait3A_81 : memref<1x1x64xi32, #tpu.memory_space<hbm>> -> memref<64xi32, #tpu.memory_space<hbm>>
    %dma_wait3A_83 = arith.constant 0 : i32
    %dma_wait3A_84 = tpu.memref_slice %arg5[%add3A, %dma_wait3A, %dma_wait3A_83] : memref<32x160x64xi32, #tpu.memory_space<hbm>> -> memref<1x1x64xi32, #tpu.memory_space<hbm>>
    %dma_wait3A_85 = tpu.memref_squeeze %dma_wait3A_84 : memref<1x1x64xi32, #tpu.memory_space<hbm>> -> memref<64xi32, #tpu.memory_space<hbm>>
    tpu.wait_dma2 semaphore(%arg29 : memref<!tpu.dma_semaphore, #tpu.memory_space<semaphore_mem>>) src(%dma_wait3A_85 : memref<64xi32, #tpu.memory_space<hbm>>) dst(%arg16 : memref<64xi32, #tpu.memory_space<vmem>>)
    %dma_wait3A_86 = arith.constant 0 : i32
    %dma_wait3A_87 = arith.constant 0 : i32
    %dma_wait3A_88 = tpu.memref_slice %arg6[%add3A, %dma_wait3A_86, %dma_wait3A_87] : memref<32x160x64xi32, #tpu.memory_space<hbm>> -> memref<1x1x64xi32, #tpu.memory_space<hbm>>
    %dma_wait3A_89 = tpu.memref_squeeze %dma_wait3A_88 : memref<1x1x64xi32, #tpu.memory_space<hbm>> -> memref<64xi32, #tpu.memory_space<hbm>>
    %dma_wait3A_90 = arith.constant 0 : i32
    %dma_wait3A_91 = tpu.memref_slice %arg6[%add3A, %dma_wait3A_86, %dma_wait3A_90] : memref<32x160x64xi32, #tpu.memory_space<hbm>> -> memref<1x1x64xi32, #tpu.memory_space<hbm>>
    %dma_wait3A_92 = tpu.memref_squeeze %dma_wait3A_91 : memref<1x1x64xi32, #tpu.memory_space<hbm>> -> memref<64xi32, #tpu.memory_space<hbm>>
    tpu.wait_dma2 semaphore(%arg33 : memref<!tpu.dma_semaphore, #tpu.memory_space<semaphore_mem>>) src(%dma_wait3A_92 : memref<64xi32, #tpu.memory_space<hbm>>) dst(%arg20 : memref<64xi32, #tpu.memory_space<vmem>>)
    %dma_start3A_93 = arith.constant 0 : i32
    %dma_start3A_94 = arith.constant 0 : i32
    %dma_start3A_95 = tpu.memref_slice %arg2[%dma_start3A_93, %dma_start3A_94] : memref<10240x128xf32, #tpu.memory_space<hbm>> -> memref<10240x128xf32, #tpu.memory_space<hbm>>
    tpu.enqueue_indirect_dma source(%dma_start3A_95 : memref<10240x128xf32, #tpu.memory_space<hbm>>) target(%arg14 : memref<64x128xf32, #tpu.memory_space<vmem>>) offsets(%arg16 : memref<64xi32, #tpu.memory_space<vmem>>) semaphore(%arg27 : memref<!tpu.dma_semaphore, #tpu.memory_space<semaphore_mem>>)
    %get3A = arith.constant 0 : index
    %get3A_96 = tpu.vector_load %arg13[%get3A] {strides = array<i32>} : memref<16xf32, #tpu.memory_space<vmem>>, vector<16xf32>,
    %scan3A_97 = arith.constant 0 : i32
    %scan3A_98 = arith.constant 0 : i32
    %scan3A_99 = arith.constant 40 : i32
    %scan3A_100 = arith.addi %scan3A_98, %scan3A_99 : i32
    %scan3A_101 = arith.constant 1 : i32
    scf.for %scan3A_111 = %scan3A_98 to %scan3A_100 step %scan3A_101  : i32 {
      %mul3A_112 = arith.constant 4 : i32
      %mul3A_113 = arith.muli %mul3A_112, %scan3A_111 : i32
      %add3A_114 = arith.constant 0 : i32
      %add3A_115 = arith.addi %mul3A_113, %add3A_114 : i32
      %ge3A = arith.constant 1 : i32
      %ge3A_116 = arith.cmpi sge, %add3A_115, %ge3A : i32
      %convert_element_type3A = arith.extui %ge3A_116 : i1 to i32
      %cond3A = arith.constant 0 : i32
      %cond3A_117 = arith.cmpi ne, %convert_element_type3A, %cond3A : i32
      scf.if %cond3A_117 {
        %dma_wait3A_247 = arith.constant 0 : i32
        %dma_wait3A_248 = arith.constant 0 : i32
        %dma_wait3A_249 = tpu.memref_slice %arg26[%dma_wait3A_247, %dma_wait3A_248] : memref<10240x128xf32, #tpu.memory_space<vmem_shared>> -> memref<10240x128xf32, #tpu.memory_space<vmem_shared>>
        tpu.wait_indirect_dma semaphore(%arg38 : memref<!tpu.dma_semaphore, #tpu.memory_space<semaphore_mem>>) src(%arg15 : memref<64x128xf32, #tpu.memory_space<vmem>>) dst(%dma_wait3A_249 : memref<10240x128xf32, #tpu.memory_space<vmem_shared>>)
      } else {
      }
      %add3A_118 = arith.constant 1 : i32
      %add3A_119 = arith.addi %add3A_115, %add3A_118 : i32
      %lt3A = arith.constant 160 : i32
      %lt3A_120 = arith.cmpi slt, %add3A_119, %lt3A : i32
      %convert_element_type3A_121 = arith.extui %lt3A_120 : i1 to i32
      %cond3A_122 = arith.constant 0 : i32
      %cond3A_123 = arith.cmpi ne, %convert_element_type3A_121, %cond3A_122 : i32
      scf.if %cond3A_123 {
        %add3A_247 = arith.constant 1 : i32
        %add3A_248 = arith.addi %add3A_115, %add3A_247 : i32
        %min3A = arith.constant 159 : i32
        %min3A_249 = arith.minsi %add3A_248, %min3A : i32
        %dma_wait3A_250 = arith.constant 0 : i32
        %dma_wait3A_251 = tpu.memref_slice %arg5[%add3A, %min3A_249, %dma_wait3A_250] : memref<32x160x64xi32, #tpu.memory_space<hbm>> -> memref<1x1x64xi32, #tpu.memory_space<hbm>>
        %dma_wait3A_252 = tpu.memref_squeeze %dma_wait3A_251 : memref<1x1x64xi32, #tpu.memory_space<hbm>> -> memref<64xi32, #tpu.memory_space<hbm>>
        %dma_wait3A_253 = arith.constant 0 : i32
        %dma_wait3A_254 = tpu.memref_slice %arg5[%add3A, %min3A_249, %dma_wait3A_253] : memref<32x160x64xi32, #tpu.memory_space<hbm>> -> memref<1x1x64xi32, #tpu.memory_space<hbm>>
        %dma_wait3A_255 = tpu.memref_squeeze %dma_wait3A_254 : memref<1x1x64xi32, #tpu.memory_space<hbm>> -> memref<64xi32, #tpu.memory_space<hbm>>
        tpu.wait_dma2 semaphore(%arg30 : memref<!tpu.dma_semaphore, #tpu.memory_space<semaphore_mem>>) src(%dma_wait3A_255 : memref<64xi32, #tpu.memory_space<hbm>>) dst(%arg17 : memref<64xi32, #tpu.memory_space<vmem>>)
        %dma_wait3A_256 = arith.constant 0 : i32
        %dma_wait3A_257 = tpu.memref_slice %arg6[%add3A, %min3A_249, %dma_wait3A_256] : memref<32x160x64xi32, #tpu.memory_space<hbm>> -> memref<1x1x64xi32, #tpu.memory_space<hbm>>
        %dma_wait3A_258 = tpu.memref_squeeze %dma_wait3A_257 : memref<1x1x64xi32, #tpu.memory_space<hbm>> -> memref<64xi32, #tpu.memory_space<hbm>>
        %dma_wait3A_259 = arith.constant 0 : i32
        %dma_wait3A_260 = tpu.memref_slice %arg6[%add3A, %min3A_249, %dma_wait3A_259] : memref<32x160x64xi32, #tpu.memory_space<hbm>> -> memref<1x1x64xi32, #tpu.memory_space<hbm>>
        %dma_wait3A_261 = tpu.memref_squeeze %dma_wait3A_260 : memref<1x1x64xi32, #tpu.memory_space<hbm>> -> memref<64xi32, #tpu.memory_space<hbm>>
        tpu.wait_dma2 semaphore(%arg34 : memref<!tpu.dma_semaphore, #tpu.memory_space<semaphore_mem>>) src(%dma_wait3A_261 : memref<64xi32, #tpu.memory_space<hbm>>) dst(%arg21 : memref<64xi32, #tpu.memory_space<vmem>>)
        %dma_start3A_262 = arith.constant 0 : i32
        %dma_start3A_263 = arith.constant 0 : i32
        %dma_start3A_264 = tpu.memref_slice %arg2[%dma_start3A_262, %dma_start3A_263] : memref<10240x128xf32, #tpu.memory_space<hbm>> -> memref<10240x128xf32, #tpu.memory_space<hbm>>
        tpu.enqueue_indirect_dma source(%dma_start3A_264 : memref<10240x128xf32, #tpu.memory_space<hbm>>) target(%arg15 : memref<64x128xf32, #tpu.memory_space<vmem>>) offsets(%arg17 : memref<64xi32, #tpu.memory_space<vmem>>) semaphore(%arg28 : memref<!tpu.dma_semaphore, #tpu.memory_space<semaphore_mem>>)
      } else {
      }
      %parallel_loop3A = arith.constant 0 : i32
      %parallel_loop3A_124 = arith.constant 4 : i32
      %parallel_loop3A_125 = arith.constant 1 : i32
      scf.for %parallel_loop3A_247 = %parallel_loop3A to %parallel_loop3A_124 step %parallel_loop3A_125  : i32 {
        %parallel_loop3A_248 = arith.constant 16 : i32
        %parallel_loop3A_249 = arith.muli %parallel_loop3A_247, %parallel_loop3A_248 : i32
        %parallel_loop3A_250 = arith.index_cast %parallel_loop3A_249 : i32 to index
        %parallel_loop3A_251 = tpu.vector_load %arg16[%parallel_loop3A_250] {strides = array<i32>} : memref<64xi32, #tpu.memory_space<vmem>>, vector<16xi32>,
        %parallel_loop3A_252 = arith.constant 16 : i32
        %parallel_loop3A_253 = arith.muli %parallel_loop3A_247, %parallel_loop3A_252 : i32
        %parallel_loop3A_254 = arith.index_cast %parallel_loop3A_253 : i32 to index
        %parallel_loop3A_255 = tpu.vector_load %arg20[%parallel_loop3A_254] {strides = array<i32>} : memref<64xi32, #tpu.memory_space<vmem>>, vector<16xi32>,
        %parallel_loop3A_256 = tpu.vector_load_idx %arg10[%parallel_loop3A_251] : memref<10240xf32, #tpu.memory_space<vmem>>[vector<16xi32>], vector<16xf32>,
        %parallel_loop3A_257 = tpu.vector_load_idx %arg11[%parallel_loop3A_255] : memref<10240xf32, #tpu.memory_space<vmem>>[vector<16xi32>], vector<16xf32>,
        %parallel_loop3A_258 = arith.addf %parallel_loop3A_256, %parallel_loop3A_257 : vector<16xf32>
        %parallel_loop3A_259 = arith.constant 2.000000e-01 : f32
        %parallel_loop3A_260 = vector.broadcast %parallel_loop3A_259 : f32 to vector<16xf32>
        %parallel_loop3A_261 = arith.mulf %parallel_loop3A_260, %parallel_loop3A_258 : vector<16xf32>
        %parallel_loop3A_262 = arith.maximumf %parallel_loop3A_258, %parallel_loop3A_261 : vector<16xf32>
        %parallel_loop3A_263 = arith.subf %parallel_loop3A_262, %get3A_96 : vector<16xf32>
        %parallel_loop3A_264 = math.exp %parallel_loop3A_263 : vector<16xf32>
        %parallel_loop3A_265 = arith.constant 16 : i32
        %parallel_loop3A_266 = arith.muli %parallel_loop3A_247, %parallel_loop3A_265 : i32
        %parallel_loop3A_267 = arith.index_cast %parallel_loop3A_266 : i32 to index
        %parallel_loop3A_268 = tpu.vector_load %arg24[%parallel_loop3A_267] {strides = array<i32>} : memref<64xf32, #tpu.memory_space<vmem>>, vector<16xf32>,
        tpu.vector_store %arg24[%parallel_loop3A_267], %parallel_loop3A_264 {strides = array<i32>} : memref<64xf32, #tpu.memory_space<vmem>>, vector<16xf32>,
        tpu.vector_store_idx %arg12[%parallel_loop3A_255], %parallel_loop3A_264 {add = true} : memref<10240xf32, #tpu.memory_space<vmem>>[vector<16xi32>], vector<16xf32>,
      } {sc.loop_unroll_factor = 4 : i64, sc.parallel_access}
      %dma_wait3A_126 = arith.constant 0 : i32
      %dma_wait3A_127 = arith.constant 0 : i32
      %dma_wait3A_128 = tpu.memref_slice %arg2[%dma_wait3A_126, %dma_wait3A_127] : memref<10240x128xf32, #tpu.memory_space<hbm>> -> memref<10240x128xf32, #tpu.memory_space<hbm>>
      tpu.wait_indirect_dma semaphore(%arg27 : memref<!tpu.dma_semaphore, #tpu.memory_space<semaphore_mem>>) src(%dma_wait3A_128 : memref<10240x128xf32, #tpu.memory_space<hbm>>) dst(%arg14 : memref<64x128xf32, #tpu.memory_space<vmem>>)
      %parallel_loop3A_129 = arith.constant 0 : i32
      %parallel_loop3A_130 = arith.constant 64 : i32
      %parallel_loop3A_131 = arith.constant 1 : i32
      scf.for %parallel_loop3A_247 = %parallel_loop3A_129 to %parallel_loop3A_130 step %parallel_loop3A_131  : i32 {
        %parallel_loop3A_248 = vector.broadcast %parallel_loop3A_247 : i32 to vector<16xi32>
        %parallel_loop3A_249 = tpu.vector_load_idx %arg24[%parallel_loop3A_248] : memref<64xf32, #tpu.memory_space<vmem>>[vector<16xi32>], vector<16xf32>,
        %parallel_loop3A_250 = arith.index_cast %parallel_loop3A_247 : i32 to index
        %parallel_loop3A_251 = arith.constant 0 : index
        %parallel_loop3A_252 = tpu.vector_load %arg14[%parallel_loop3A_250, %parallel_loop3A_251] {strides = array<i32>} : memref<64x128xf32, #tpu.memory_space<vmem>>, vector<16xf32>,
        %parallel_loop3A_253 = arith.mulf %parallel_loop3A_252, %parallel_loop3A_249 : vector<16xf32>
        %parallel_loop3A_254 = arith.index_cast %parallel_loop3A_247 : i32 to index
        %parallel_loop3A_255 = arith.constant 0 : index
        %parallel_loop3A_256 = tpu.vector_load %arg14[%parallel_loop3A_254, %parallel_loop3A_255] {strides = array<i32>} : memref<64x128xf32, #tpu.memory_space<vmem>>, vector<16xf32>,
        tpu.vector_store %arg14[%parallel_loop3A_254, %parallel_loop3A_255], %parallel_loop3A_253 {strides = array<i32>} : memref<64x128xf32, #tpu.memory_space<vmem>>, vector<16xf32>,
        %parallel_loop3A_257 = arith.index_cast %parallel_loop3A_247 : i32 to index
        %parallel_loop3A_258 = arith.constant 16 : index
        %parallel_loop3A_259 = tpu.vector_load %arg14[%parallel_loop3A_257, %parallel_loop3A_258] {strides = array<i32>} : memref<64x128xf32, #tpu.memory_space<vmem>>, vector<16xf32>,
        %parallel_loop3A_260 = arith.mulf %parallel_loop3A_259, %parallel_loop3A_249 : vector<16xf32>
        %parallel_loop3A_261 = arith.index_cast %parallel_loop3A_247 : i32 to index
        %parallel_loop3A_262 = arith.constant 16 : index
        %parallel_loop3A_263 = tpu.vector_load %arg14[%parallel_loop3A_261, %parallel_loop3A_262] {strides = array<i32>} : memref<64x128xf32, #tpu.memory_space<vmem>>, vector<16xf32>,
        tpu.vector_store %arg14[%parallel_loop3A_261, %parallel_loop3A_262], %parallel_loop3A_260 {strides = array<i32>} : memref<64x128xf32, #tpu.memory_space<vmem>>, vector<16xf32>,
        %parallel_loop3A_264 = arith.index_cast %parallel_loop3A_247 : i32 to index
        %parallel_loop3A_265 = arith.constant 32 : index
        %parallel_loop3A_266 = tpu.vector_load %arg14[%parallel_loop3A_264, %parallel_loop3A_265] {strides = array<i32>} : memref<64x128xf32, #tpu.memory_space<vmem>>, vector<16xf32>,
        %parallel_loop3A_267 = arith.mulf %parallel_loop3A_266, %parallel_loop3A_249 : vector<16xf32>
        %parallel_loop3A_268 = arith.index_cast %parallel_loop3A_247 : i32 to index
        %parallel_loop3A_269 = arith.constant 32 : index
        %parallel_loop3A_270 = tpu.vector_load %arg14[%parallel_loop3A_268, %parallel_loop3A_269] {strides = array<i32>} : memref<64x128xf32, #tpu.memory_space<vmem>>, vector<16xf32>,
        tpu.vector_store %arg14[%parallel_loop3A_268, %parallel_loop3A_269], %parallel_loop3A_267 {strides = array<i32>} : memref<64x128xf32, #tpu.memory_space<vmem>>, vector<16xf32>,
        %parallel_loop3A_271 = arith.index_cast %parallel_loop3A_247 : i32 to index
        %parallel_loop3A_272 = arith.constant 48 : index
        %parallel_loop3A_273 = tpu.vector_load %arg14[%parallel_loop3A_271, %parallel_loop3A_272] {strides = array<i32>} : memref<64x128xf32, #tpu.memory_space<vmem>>, vector<16xf32>,
        %parallel_loop3A_274 = arith.mulf %parallel_loop3A_273, %parallel_loop3A_249 : vector<16xf32>
        %parallel_loop3A_275 = arith.index_cast %parallel_loop3A_247 : i32 to index
        %parallel_loop3A_276 = arith.constant 48 : index
        %parallel_loop3A_277 = tpu.vector_load %arg14[%parallel_loop3A_275, %parallel_loop3A_276] {strides = array<i32>} : memref<64x128xf32, #tpu.memory_space<vmem>>, vector<16xf32>,
        tpu.vector_store %arg14[%parallel_loop3A_275, %parallel_loop3A_276], %parallel_loop3A_274 {strides = array<i32>} : memref<64x128xf32, #tpu.memory_space<vmem>>, vector<16xf32>,
        %parallel_loop3A_278 = arith.index_cast %parallel_loop3A_247 : i32 to index
        %parallel_loop3A_279 = arith.constant 64 : index
        %parallel_loop3A_280 = tpu.vector_load %arg14[%parallel_loop3A_278, %parallel_loop3A_279] {strides = array<i32>} : memref<64x128xf32, #tpu.memory_space<vmem>>, vector<16xf32>,
        %parallel_loop3A_281 = arith.mulf %parallel_loop3A_280, %parallel_loop3A_249 : vector<16xf32>
        %parallel_loop3A_282 = arith.index_cast %parallel_loop3A_247 : i32 to index
        %parallel_loop3A_283 = arith.constant 64 : index
        %parallel_loop3A_284 = tpu.vector_load %arg14[%parallel_loop3A_282, %parallel_loop3A_283] {strides = array<i32>} : memref<64x128xf32, #tpu.memory_space<vmem>>, vector<16xf32>,
        tpu.vector_store %arg14[%parallel_loop3A_282, %parallel_loop3A_283], %parallel_loop3A_281 {strides = array<i32>} : memref<64x128xf32, #tpu.memory_space<vmem>>, vector<16xf32>,
        %parallel_loop3A_285 = arith.index_cast %parallel_loop3A_247 : i32 to index
        %parallel_loop3A_286 = arith.constant 80 : index
        %parallel_loop3A_287 = tpu.vector_load %arg14[%parallel_loop3A_285, %parallel_loop3A_286] {strides = array<i32>} : memref<64x128xf32, #tpu.memory_space<vmem>>, vector<16xf32>,
        %parallel_loop3A_288 = arith.mulf %parallel_loop3A_287, %parallel_loop3A_249 : vector<16xf32>
        %parallel_loop3A_289 = arith.index_cast %parallel_loop3A_247 : i32 to index
        %parallel_loop3A_290 = arith.constant 80 : index
        %parallel_loop3A_291 = tpu.vector_load %arg14[%parallel_loop3A_289, %parallel_loop3A_290] {strides = array<i32>} : memref<64x128xf32, #tpu.memory_space<vmem>>, vector<16xf32>,
        tpu.vector_store %arg14[%parallel_loop3A_289, %parallel_loop3A_290], %parallel_loop3A_288 {strides = array<i32>} : memref<64x128xf32, #tpu.memory_space<vmem>>, vector<16xf32>,
        %parallel_loop3A_292 = arith.index_cast %parallel_loop3A_247 : i32 to index
        %parallel_loop3A_293 = arith.constant 96 : index
        %parallel_loop3A_294 = tpu.vector_load %arg14[%parallel_loop3A_292, %parallel_loop3A_293] {strides = array<i32>} : memref<64x128xf32, #tpu.memory_space<vmem>>, vector<16xf32>,
        %parallel_loop3A_295 = arith.mulf %parallel_loop3A_294, %parallel_loop3A_249 : vector<16xf32>
        %parallel_loop3A_296 = arith.index_cast %parallel_loop3A_247 : i32 to index
        %parallel_loop3A_297 = arith.constant 96 : index
        %parallel_loop3A_298 = tpu.vector_load %arg14[%parallel_loop3A_296, %parallel_loop3A_297] {strides = array<i32>} : memref<64x128xf32, #tpu.memory_space<vmem>>, vector<16xf32>,
        tpu.vector_store %arg14[%parallel_loop3A_296, %parallel_loop3A_297], %parallel_loop3A_295 {strides = array<i32>} : memref<64x128xf32, #tpu.memory_space<vmem>>, vector<16xf32>,
        %parallel_loop3A_299 = arith.index_cast %parallel_loop3A_247 : i32 to index
        %parallel_loop3A_300 = arith.constant 112 : index
        %parallel_loop3A_301 = tpu.vector_load %arg14[%parallel_loop3A_299, %parallel_loop3A_300] {strides = array<i32>} : memref<64x128xf32, #tpu.memory_space<vmem>>, vector<16xf32>,
        %parallel_loop3A_302 = arith.mulf %parallel_loop3A_301, %parallel_loop3A_249 : vector<16xf32>
        %parallel_loop3A_303 = arith.index_cast %parallel_loop3A_247 : i32 to index
        %parallel_loop3A_304 = arith.constant 112 : index
        %parallel_loop3A_305 = tpu.vector_load %arg14[%parallel_loop3A_303, %parallel_loop3A_304] {strides = array<i32>} : memref<64x128xf32, #tpu.memory_space<vmem>>, vector<16xf32>,
        tpu.vector_store %arg14[%parallel_loop3A_303, %parallel_loop3A_304], %parallel_loop3A_302 {strides = array<i32>} : memref<64x128xf32, #tpu.memory_space<vmem>>, vector<16xf32>,
      } {sc.loop_unroll_factor = 4 : i64, sc.parallel_access}
      %dma_start3A_132 = arith.constant 0 : i32
      %dma_start3A_133 = arith.constant 0 : i32
      %dma_start3A_134 = tpu.memref_slice %arg26[%dma_start3A_132, %dma_start3A_133] : memref<10240x128xf32, #tpu.memory_space<vmem_shared>> -> memref<10240x128xf32, #tpu.memory_space<vmem_shared>>
      tpu.enqueue_indirect_dma source(%arg14 : memref<64x128xf32, #tpu.memory_space<vmem>>) target(%dma_start3A_134 : memref<10240x128xf32, #tpu.memory_space<vmem_shared>>) offsets(%arg20 : memref<64xi32, #tpu.memory_space<vmem>>) semaphore(%arg37 : memref<!tpu.dma_semaphore, #tpu.memory_space<semaphore_mem>>) {add = true}
      %add3A_135 = arith.constant 2 : i32
      %add3A_136 = arith.addi %add3A_115, %add3A_135 : i32
      %lt3A_137 = arith.constant 160 : i32
      %lt3A_138 = arith.cmpi slt, %add3A_136, %lt3A_137 : i32
      %convert_element_type3A_139 = arith.extui %lt3A_138 : i1 to i32
      %cond3A_140 = arith.constant 0 : i32
      %cond3A_141 = arith.cmpi ne, %convert_element_type3A_139, %cond3A_140 : i32
      scf.if %cond3A_141 {
        %add3A_247 = arith.constant 2 : i32
        %add3A_248 = arith.addi %add3A_115, %add3A_247 : i32
        %min3A = arith.constant 159 : i32
        %min3A_249 = arith.minsi %add3A_248, %min3A : i32
        %dma_start3A_250 = arith.constant 0 : i32
        %dma_start3A_251 = tpu.memref_slice %arg5[%add3A, %min3A_249, %dma_start3A_250] : memref<32x160x64xi32, #tpu.memory_space<hbm>> -> memref<1x1x64xi32, #tpu.memory_space<hbm>>
        %dma_start3A_252 = tpu.memref_squeeze %dma_start3A_251 : memref<1x1x64xi32, #tpu.memory_space<hbm>> -> memref<64xi32, #tpu.memory_space<hbm>>
        %dma_start3A_253 = arith.constant 0 : i32
        %dma_start3A_254 = tpu.memref_slice %arg5[%add3A, %min3A_249, %dma_start3A_253] : memref<32x160x64xi32, #tpu.memory_space<hbm>> -> memref<1x1x64xi32, #tpu.memory_space<hbm>>
        %dma_start3A_255 = tpu.memref_squeeze %dma_start3A_254 : memref<1x1x64xi32, #tpu.memory_space<hbm>> -> memref<64xi32, #tpu.memory_space<hbm>>
        tpu.enqueue_dma source(%dma_start3A_255 : memref<64xi32, #tpu.memory_space<hbm>>) target(%arg18 : memref<64xi32, #tpu.memory_space<vmem>>) target_semaphore(%arg31 : memref<!tpu.dma_semaphore, #tpu.memory_space<semaphore_mem>>)
        %dma_start3A_256 = arith.constant 0 : i32
        %dma_start3A_257 = tpu.memref_slice %arg6[%add3A, %min3A_249, %dma_start3A_256] : memref<32x160x64xi32, #tpu.memory_space<hbm>> -> memref<1x1x64xi32, #tpu.memory_space<hbm>>
        %dma_start3A_258 = tpu.memref_squeeze %dma_start3A_257 : memref<1x1x64xi32, #tpu.memory_space<hbm>> -> memref<64xi32, #tpu.memory_space<hbm>>
        %dma_start3A_259 = arith.constant 0 : i32
        %dma_start3A_260 = tpu.memref_slice %arg6[%add3A, %min3A_249, %dma_start3A_259] : memref<32x160x64xi32, #tpu.memory_space<hbm>> -> memref<1x1x64xi32, #tpu.memory_space<hbm>>
        %dma_start3A_261 = tpu.memref_squeeze %dma_start3A_260 : memref<1x1x64xi32, #tpu.memory_space<hbm>> -> memref<64xi32, #tpu.memory_space<hbm>>
        tpu.enqueue_dma source(%dma_start3A_261 : memref<64xi32, #tpu.memory_space<hbm>>) target(%arg22 : memref<64xi32, #tpu.memory_space<vmem>>) target_semaphore(%arg35 : memref<!tpu.dma_semaphore, #tpu.memory_space<semaphore_mem>>)
      } else {
      }
      %mul3A_142 = arith.constant 4 : i32
      %mul3A_143 = arith.muli %mul3A_142, %scan3A_111 : i32
      %add3A_144 = arith.constant 1 : i32
      %add3A_145 = arith.addi %mul3A_143, %add3A_144 : i32
      %ge3A_146 = arith.constant 1 : i32
      %ge3A_147 = arith.cmpi sge, %add3A_145, %ge3A_146 : i32
      %convert_element_type3A_148 = arith.extui %ge3A_147 : i1 to i32
      %cond3A_149 = arith.constant 0 : i32
      %cond3A_150 = arith.cmpi ne, %convert_element_type3A_148, %cond3A_149 : i32
      scf.if %cond3A_150 {
        %dma_wait3A_247 = arith.constant 0 : i32
        %dma_wait3A_248 = arith.constant 0 : i32
        %dma_wait3A_249 = tpu.memref_slice %arg26[%dma_wait3A_247, %dma_wait3A_248] : memref<10240x128xf32, #tpu.memory_space<vmem_shared>> -> memref<10240x128xf32, #tpu.memory_space<vmem_shared>>
        tpu.wait_indirect_dma semaphore(%arg37 : memref<!tpu.dma_semaphore, #tpu.memory_space<semaphore_mem>>) src(%arg14 : memref<64x128xf32, #tpu.memory_space<vmem>>) dst(%dma_wait3A_249 : memref<10240x128xf32, #tpu.memory_space<vmem_shared>>)
      } else {
      }
      %add3A_151 = arith.constant 1 : i32
      %add3A_152 = arith.addi %add3A_145, %add3A_151 : i32
      %lt3A_153 = arith.constant 160 : i32
      %lt3A_154 = arith.cmpi slt, %add3A_152, %lt3A_153 : i32
      %convert_element_type3A_155 = arith.extui %lt3A_154 : i1 to i32
      %cond3A_156 = arith.constant 0 : i32
      %cond3A_157 = arith.cmpi ne, %convert_element_type3A_155, %cond3A_156 : i32
      scf.if %cond3A_157 {
        %add3A_247 = arith.constant 1 : i32
        %add3A_248 = arith.addi %add3A_145, %add3A_247 : i32
        %min3A = arith.constant 159 : i32
        %min3A_249 = arith.minsi %add3A_248, %min3A : i32
        %dma_wait3A_250 = arith.constant 0 : i32
        %dma_wait3A_251 = tpu.memref_slice %arg5[%add3A, %min3A_249, %dma_wait3A_250] : memref<32x160x64xi32, #tpu.memory_space<hbm>> -> memref<1x1x64xi32, #tpu.memory_space<hbm>>
        %dma_wait3A_252 = tpu.memref_squeeze %dma_wait3A_251 : memref<1x1x64xi32, #tpu.memory_space<hbm>> -> memref<64xi32, #tpu.memory_space<hbm>>
        %dma_wait3A_253 = arith.constant 0 : i32
        %dma_wait3A_254 = tpu.memref_slice %arg5[%add3A, %min3A_249, %dma_wait3A_253] : memref<32x160x64xi32, #tpu.memory_space<hbm>> -> memref<1x1x64xi32, #tpu.memory_space<hbm>>
        %dma_wait3A_255 = tpu.memref_squeeze %dma_wait3A_254 : memref<1x1x64xi32, #tpu.memory_space<hbm>> -> memref<64xi32, #tpu.memory_space<hbm>>
        tpu.wait_dma2 semaphore(%arg31 : memref<!tpu.dma_semaphore, #tpu.memory_space<semaphore_mem>>) src(%dma_wait3A_255 : memref<64xi32, #tpu.memory_space<hbm>>) dst(%arg18 : memref<64xi32, #tpu.memory_space<vmem>>)
        %dma_wait3A_256 = arith.constant 0 : i32
        %dma_wait3A_257 = tpu.memref_slice %arg6[%add3A, %min3A_249, %dma_wait3A_256] : memref<32x160x64xi32, #tpu.memory_space<hbm>> -> memref<1x1x64xi32, #tpu.memory_space<hbm>>
        %dma_wait3A_258 = tpu.memref_squeeze %dma_wait3A_257 : memref<1x1x64xi32, #tpu.memory_space<hbm>> -> memref<64xi32, #tpu.memory_space<hbm>>
        %dma_wait3A_259 = arith.constant 0 : i32
        %dma_wait3A_260 = tpu.memref_slice %arg6[%add3A, %min3A_249, %dma_wait3A_259] : memref<32x160x64xi32, #tpu.memory_space<hbm>> -> memref<1x1x64xi32, #tpu.memory_space<hbm>>
        %dma_wait3A_261 = tpu.memref_squeeze %dma_wait3A_260 : memref<1x1x64xi32, #tpu.memory_space<hbm>> -> memref<64xi32, #tpu.memory_space<hbm>>
        tpu.wait_dma2 semaphore(%arg35 : memref<!tpu.dma_semaphore, #tpu.memory_space<semaphore_mem>>) src(%dma_wait3A_261 : memref<64xi32, #tpu.memory_space<hbm>>) dst(%arg22 : memref<64xi32, #tpu.memory_space<vmem>>)
        %dma_start3A_262 = arith.constant 0 : i32
        %dma_start3A_263 = arith.constant 0 : i32
        %dma_start3A_264 = tpu.memref_slice %arg2[%dma_start3A_262, %dma_start3A_263] : memref<10240x128xf32, #tpu.memory_space<hbm>> -> memref<10240x128xf32, #tpu.memory_space<hbm>>
        tpu.enqueue_indirect_dma source(%dma_start3A_264 : memref<10240x128xf32, #tpu.memory_space<hbm>>) target(%arg14 : memref<64x128xf32, #tpu.memory_space<vmem>>) offsets(%arg18 : memref<64xi32, #tpu.memory_space<vmem>>) semaphore(%arg27 : memref<!tpu.dma_semaphore, #tpu.memory_space<semaphore_mem>>)
      } else {
      }
      %parallel_loop3A_158 = arith.constant 0 : i32
      %parallel_loop3A_159 = arith.constant 4 : i32
      %parallel_loop3A_160 = arith.constant 1 : i32
      scf.for %parallel_loop3A_247 = %parallel_loop3A_158 to %parallel_loop3A_159 step %parallel_loop3A_160  : i32 {
        %parallel_loop3A_248 = arith.constant 16 : i32
        %parallel_loop3A_249 = arith.muli %parallel_loop3A_247, %parallel_loop3A_248 : i32
        %parallel_loop3A_250 = arith.index_cast %parallel_loop3A_249 : i32 to index
        %parallel_loop3A_251 = tpu.vector_load %arg17[%parallel_loop3A_250] {strides = array<i32>} : memref<64xi32, #tpu.memory_space<vmem>>, vector<16xi32>,
        %parallel_loop3A_252 = arith.constant 16 : i32
        %parallel_loop3A_253 = arith.muli %parallel_loop3A_247, %parallel_loop3A_252 : i32
        %parallel_loop3A_254 = arith.index_cast %parallel_loop3A_253 : i32 to index
        %parallel_loop3A_255 = tpu.vector_load %arg21[%parallel_loop3A_254] {strides = array<i32>} : memref<64xi32, #tpu.memory_space<vmem>>, vector<16xi32>,
        %parallel_loop3A_256 = tpu.vector_load_idx %arg10[%parallel_loop3A_251] : memref<10240xf32, #tpu.memory_space<vmem>>[vector<16xi32>], vector<16xf32>,
        %parallel_loop3A_257 = tpu.vector_load_idx %arg11[%parallel_loop3A_255] : memref<10240xf32, #tpu.memory_space<vmem>>[vector<16xi32>], vector<16xf32>,
        %parallel_loop3A_258 = arith.addf %parallel_loop3A_256, %parallel_loop3A_257 : vector<16xf32>
        %parallel_loop3A_259 = arith.constant 2.000000e-01 : f32
        %parallel_loop3A_260 = vector.broadcast %parallel_loop3A_259 : f32 to vector<16xf32>
        %parallel_loop3A_261 = arith.mulf %parallel_loop3A_260, %parallel_loop3A_258 : vector<16xf32>
        %parallel_loop3A_262 = arith.maximumf %parallel_loop3A_258, %parallel_loop3A_261 : vector<16xf32>
        %parallel_loop3A_263 = arith.subf %parallel_loop3A_262, %get3A_96 : vector<16xf32>
        %parallel_loop3A_264 = math.exp %parallel_loop3A_263 : vector<16xf32>
        %parallel_loop3A_265 = arith.constant 16 : i32
        %parallel_loop3A_266 = arith.muli %parallel_loop3A_247, %parallel_loop3A_265 : i32
        %parallel_loop3A_267 = arith.index_cast %parallel_loop3A_266 : i32 to index
        %parallel_loop3A_268 = tpu.vector_load %arg25[%parallel_loop3A_267] {strides = array<i32>} : memref<64xf32, #tpu.memory_space<vmem>>, vector<16xf32>,
        tpu.vector_store %arg25[%parallel_loop3A_267], %parallel_loop3A_264 {strides = array<i32>} : memref<64xf32, #tpu.memory_space<vmem>>, vector<16xf32>,
        tpu.vector_store_idx %arg12[%parallel_loop3A_255], %parallel_loop3A_264 {add = true} : memref<10240xf32, #tpu.memory_space<vmem>>[vector<16xi32>], vector<16xf32>,
      } {sc.loop_unroll_factor = 4 : i64, sc.parallel_access}
      %dma_wait3A_161 = arith.constant 0 : i32
      %dma_wait3A_162 = arith.constant 0 : i32
      %dma_wait3A_163 = tpu.memref_slice %arg2[%dma_wait3A_161, %dma_wait3A_162] : memref<10240x128xf32, #tpu.memory_space<hbm>> -> memref<10240x128xf32, #tpu.memory_space<hbm>>
      tpu.wait_indirect_dma semaphore(%arg28 : memref<!tpu.dma_semaphore, #tpu.memory_space<semaphore_mem>>) src(%dma_wait3A_163 : memref<10240x128xf32, #tpu.memory_space<hbm>>) dst(%arg15 : memref<64x128xf32, #tpu.memory_space<vmem>>)
      %parallel_loop3A_164 = arith.constant 0 : i32
      %parallel_loop3A_165 = arith.constant 64 : i32
      %parallel_loop3A_166 = arith.constant 1 : i32
      scf.for %parallel_loop3A_247 = %parallel_loop3A_164 to %parallel_loop3A_165 step %parallel_loop3A_166  : i32 {
        %parallel_loop3A_248 = vector.broadcast %parallel_loop3A_247 : i32 to vector<16xi32>
        %parallel_loop3A_249 = tpu.vector_load_idx %arg25[%parallel_loop3A_248] : memref<64xf32, #tpu.memory_space<vmem>>[vector<16xi32>], vector<16xf32>,
        %parallel_loop3A_250 = arith.index_cast %parallel_loop3A_247 : i32 to index
        %parallel_loop3A_251 = arith.constant 0 : index
        %parallel_loop3A_252 = tpu.vector_load %arg15[%parallel_loop3A_250, %parallel_loop3A_251] {strides = array<i32>} : memref<64x128xf32, #tpu.memory_space<vmem>>, vector<16xf32>,
        %parallel_loop3A_253 = arith.mulf %parallel_loop3A_252, %parallel_loop3A_249 : vector<16xf32>
        %parallel_loop3A_254 = arith.index_cast %parallel_loop3A_247 : i32 to index
        %parallel_loop3A_255 = arith.constant 0 : index
        %parallel_loop3A_256 = tpu.vector_load %arg15[%parallel_loop3A_254, %parallel_loop3A_255] {strides = array<i32>} : memref<64x128xf32, #tpu.memory_space<vmem>>, vector<16xf32>,
        tpu.vector_store %arg15[%parallel_loop3A_254, %parallel_loop3A_255], %parallel_loop3A_253 {strides = array<i32>} : memref<64x128xf32, #tpu.memory_space<vmem>>, vector<16xf32>,
        %parallel_loop3A_257 = arith.index_cast %parallel_loop3A_247 : i32 to index
        %parallel_loop3A_258 = arith.constant 16 : index
        %parallel_loop3A_259 = tpu.vector_load %arg15[%parallel_loop3A_257, %parallel_loop3A_258] {strides = array<i32>} : memref<64x128xf32, #tpu.memory_space<vmem>>, vector<16xf32>,
        %parallel_loop3A_260 = arith.mulf %parallel_loop3A_259, %parallel_loop3A_249 : vector<16xf32>
        %parallel_loop3A_261 = arith.index_cast %parallel_loop3A_247 : i32 to index
        %parallel_loop3A_262 = arith.constant 16 : index
        %parallel_loop3A_263 = tpu.vector_load %arg15[%parallel_loop3A_261, %parallel_loop3A_262] {strides = array<i32>} : memref<64x128xf32, #tpu.memory_space<vmem>>, vector<16xf32>,
        tpu.vector_store %arg15[%parallel_loop3A_261, %parallel_loop3A_262], %parallel_loop3A_260 {strides = array<i32>} : memref<64x128xf32, #tpu.memory_space<vmem>>, vector<16xf32>,
        %parallel_loop3A_264 = arith.index_cast %parallel_loop3A_247 : i32 to index
        %parallel_loop3A_265 = arith.constant 32 : index
        %parallel_loop3A_266 = tpu.vector_load %arg15[%parallel_loop3A_264, %parallel_loop3A_265] {strides = array<i32>} : memref<64x128xf32, #tpu.memory_space<vmem>>, vector<16xf32>,
        %parallel_loop3A_267 = arith.mulf %parallel_loop3A_266, %parallel_loop3A_249 : vector<16xf32>
        %parallel_loop3A_268 = arith.index_cast %parallel_loop3A_247 : i32 to index
        %parallel_loop3A_269 = arith.constant 32 : index
        %parallel_loop3A_270 = tpu.vector_load %arg15[%parallel_loop3A_268, %parallel_loop3A_269] {strides = array<i32>} : memref<64x128xf32, #tpu.memory_space<vmem>>, vector<16xf32>,
        tpu.vector_store %arg15[%parallel_loop3A_268, %parallel_loop3A_269], %parallel_loop3A_267 {strides = array<i32>} : memref<64x128xf32, #tpu.memory_space<vmem>>, vector<16xf32>,
        %parallel_loop3A_271 = arith.index_cast %parallel_loop3A_247 : i32 to index
        %parallel_loop3A_272 = arith.constant 48 : index
        %parallel_loop3A_273 = tpu.vector_load %arg15[%parallel_loop3A_271, %parallel_loop3A_272] {strides = array<i32>} : memref<64x128xf32, #tpu.memory_space<vmem>>, vector<16xf32>,
        %parallel_loop3A_274 = arith.mulf %parallel_loop3A_273, %parallel_loop3A_249 : vector<16xf32>
        %parallel_loop3A_275 = arith.index_cast %parallel_loop3A_247 : i32 to index
        %parallel_loop3A_276 = arith.constant 48 : index
        %parallel_loop3A_277 = tpu.vector_load %arg15[%parallel_loop3A_275, %parallel_loop3A_276] {strides = array<i32>} : memref<64x128xf32, #tpu.memory_space<vmem>>, vector<16xf32>,
        tpu.vector_store %arg15[%parallel_loop3A_275, %parallel_loop3A_276], %parallel_loop3A_274 {strides = array<i32>} : memref<64x128xf32, #tpu.memory_space<vmem>>, vector<16xf32>,
        %parallel_loop3A_278 = arith.index_cast %parallel_loop3A_247 : i32 to index
        %parallel_loop3A_279 = arith.constant 64 : index
        %parallel_loop3A_280 = tpu.vector_load %arg15[%parallel_loop3A_278, %parallel_loop3A_279] {strides = array<i32>} : memref<64x128xf32, #tpu.memory_space<vmem>>, vector<16xf32>,
        %parallel_loop3A_281 = arith.mulf %parallel_loop3A_280, %parallel_loop3A_249 : vector<16xf32>
        %parallel_loop3A_282 = arith.index_cast %parallel_loop3A_247 : i32 to index
        %parallel_loop3A_283 = arith.constant 64 : index
        %parallel_loop3A_284 = tpu.vector_load %arg15[%parallel_loop3A_282, %parallel_loop3A_283] {strides = array<i32>} : memref<64x128xf32, #tpu.memory_space<vmem>>, vector<16xf32>,
        tpu.vector_store %arg15[%parallel_loop3A_282, %parallel_loop3A_283], %parallel_loop3A_281 {strides = array<i32>} : memref<64x128xf32, #tpu.memory_space<vmem>>, vector<16xf32>,
        %parallel_loop3A_285 = arith.index_cast %parallel_loop3A_247 : i32 to index
        %parallel_loop3A_286 = arith.constant 80 : index
        %parallel_loop3A_287 = tpu.vector_load %arg15[%parallel_loop3A_285, %parallel_loop3A_286] {strides = array<i32>} : memref<64x128xf32, #tpu.memory_space<vmem>>, vector<16xf32>,
        %parallel_loop3A_288 = arith.mulf %parallel_loop3A_287, %parallel_loop3A_249 : vector<16xf32>
        %parallel_loop3A_289 = arith.index_cast %parallel_loop3A_247 : i32 to index
        %parallel_loop3A_290 = arith.constant 80 : index
        %parallel_loop3A_291 = tpu.vector_load %arg15[%parallel_loop3A_289, %parallel_loop3A_290] {strides = array<i32>} : memref<64x128xf32, #tpu.memory_space<vmem>>, vector<16xf32>,
        tpu.vector_store %arg15[%parallel_loop3A_289, %parallel_loop3A_290], %parallel_loop3A_288 {strides = array<i32>} : memref<64x128xf32, #tpu.memory_space<vmem>>, vector<16xf32>,
        %parallel_loop3A_292 = arith.index_cast %parallel_loop3A_247 : i32 to index
        %parallel_loop3A_293 = arith.constant 96 : index
        %parallel_loop3A_294 = tpu.vector_load %arg15[%parallel_loop3A_292, %parallel_loop3A_293] {strides = array<i32>} : memref<64x128xf32, #tpu.memory_space<vmem>>, vector<16xf32>,
        %parallel_loop3A_295 = arith.mulf %parallel_loop3A_294, %parallel_loop3A_249 : vector<16xf32>
        %parallel_loop3A_296 = arith.index_cast %parallel_loop3A_247 : i32 to index
        %parallel_loop3A_297 = arith.constant 96 : index
        %parallel_loop3A_298 = tpu.vector_load %arg15[%parallel_loop3A_296, %parallel_loop3A_297] {strides = array<i32>} : memref<64x128xf32, #tpu.memory_space<vmem>>, vector<16xf32>,
        tpu.vector_store %arg15[%parallel_loop3A_296, %parallel_loop3A_297], %parallel_loop3A_295 {strides = array<i32>} : memref<64x128xf32, #tpu.memory_space<vmem>>, vector<16xf32>,
        %parallel_loop3A_299 = arith.index_cast %parallel_loop3A_247 : i32 to index
        %parallel_loop3A_300 = arith.constant 112 : index
        %parallel_loop3A_301 = tpu.vector_load %arg15[%parallel_loop3A_299, %parallel_loop3A_300] {strides = array<i32>} : memref<64x128xf32, #tpu.memory_space<vmem>>, vector<16xf32>,
        %parallel_loop3A_302 = arith.mulf %parallel_loop3A_301, %parallel_loop3A_249 : vector<16xf32>
        %parallel_loop3A_303 = arith.index_cast %parallel_loop3A_247 : i32 to index
        %parallel_loop3A_304 = arith.constant 112 : index
        %parallel_loop3A_305 = tpu.vector_load %arg15[%parallel_loop3A_303, %parallel_loop3A_304] {strides = array<i32>} : memref<64x128xf32, #tpu.memory_space<vmem>>, vector<16xf32>,
        tpu.vector_store %arg15[%parallel_loop3A_303, %parallel_loop3A_304], %parallel_loop3A_302 {strides = array<i32>} : memref<64x128xf32, #tpu.memory_space<vmem>>, vector<16xf32>,
      } {sc.loop_unroll_factor = 4 : i64, sc.parallel_access}
      %dma_start3A_167 = arith.constant 0 : i32
      %dma_start3A_168 = arith.constant 0 : i32
      %dma_start3A_169 = tpu.memref_slice %arg26[%dma_start3A_167, %dma_start3A_168] : memref<10240x128xf32, #tpu.memory_space<vmem_shared>> -> memref<10240x128xf32, #tpu.memory_space<vmem_shared>>
      tpu.enqueue_indirect_dma source(%arg15 : memref<64x128xf32, #tpu.memory_space<vmem>>) target(%dma_start3A_169 : memref<10240x128xf32, #tpu.memory_space<vmem_shared>>) offsets(%arg21 : memref<64xi32, #tpu.memory_space<vmem>>) semaphore(%arg38 : memref<!tpu.dma_semaphore, #tpu.memory_space<semaphore_mem>>) {add = true}
      %add3A_170 = arith.constant 2 : i32
      %add3A_171 = arith.addi %add3A_145, %add3A_170 : i32
      %lt3A_172 = arith.constant 160 : i32
      %lt3A_173 = arith.cmpi slt, %add3A_171, %lt3A_172 : i32
      %convert_element_type3A_174 = arith.extui %lt3A_173 : i1 to i32
      %cond3A_175 = arith.constant 0 : i32
      %cond3A_176 = arith.cmpi ne, %convert_element_type3A_174, %cond3A_175 : i32
      scf.if %cond3A_176 {
        %add3A_247 = arith.constant 2 : i32
        %add3A_248 = arith.addi %add3A_145, %add3A_247 : i32
        %min3A = arith.constant 159 : i32
        %min3A_249 = arith.minsi %add3A_248, %min3A : i32
        %dma_start3A_250 = arith.constant 0 : i32
        %dma_start3A_251 = tpu.memref_slice %arg5[%add3A, %min3A_249, %dma_start3A_250] : memref<32x160x64xi32, #tpu.memory_space<hbm>> -> memref<1x1x64xi32, #tpu.memory_space<hbm>>
        %dma_start3A_252 = tpu.memref_squeeze %dma_start3A_251 : memref<1x1x64xi32, #tpu.memory_space<hbm>> -> memref<64xi32, #tpu.memory_space<hbm>>
        %dma_start3A_253 = arith.constant 0 : i32
        %dma_start3A_254 = tpu.memref_slice %arg5[%add3A, %min3A_249, %dma_start3A_253] : memref<32x160x64xi32, #tpu.memory_space<hbm>> -> memref<1x1x64xi32, #tpu.memory_space<hbm>>
        %dma_start3A_255 = tpu.memref_squeeze %dma_start3A_254 : memref<1x1x64xi32, #tpu.memory_space<hbm>> -> memref<64xi32, #tpu.memory_space<hbm>>
        tpu.enqueue_dma source(%dma_start3A_255 : memref<64xi32, #tpu.memory_space<hbm>>) target(%arg19 : memref<64xi32, #tpu.memory_space<vmem>>) target_semaphore(%arg32 : memref<!tpu.dma_semaphore, #tpu.memory_space<semaphore_mem>>)
        %dma_start3A_256 = arith.constant 0 : i32
        %dma_start3A_257 = tpu.memref_slice %arg6[%add3A, %min3A_249, %dma_start3A_256] : memref<32x160x64xi32, #tpu.memory_space<hbm>> -> memref<1x1x64xi32, #tpu.memory_space<hbm>>
        %dma_start3A_258 = tpu.memref_squeeze %dma_start3A_257 : memref<1x1x64xi32, #tpu.memory_space<hbm>> -> memref<64xi32, #tpu.memory_space<hbm>>
        %dma_start3A_259 = arith.constant 0 : i32
        %dma_start3A_260 = tpu.memref_slice %arg6[%add3A, %min3A_249, %dma_start3A_259] : memref<32x160x64xi32, #tpu.memory_space<hbm>> -> memref<1x1x64xi32, #tpu.memory_space<hbm>>
        %dma_start3A_261 = tpu.memref_squeeze %dma_start3A_260 : memref<1x1x64xi32, #tpu.memory_space<hbm>> -> memref<64xi32, #tpu.memory_space<hbm>>
        tpu.enqueue_dma source(%dma_start3A_261 : memref<64xi32, #tpu.memory_space<hbm>>) target(%arg23 : memref<64xi32, #tpu.memory_space<vmem>>) target_semaphore(%arg36 : memref<!tpu.dma_semaphore, #tpu.memory_space<semaphore_mem>>)
      } else {
      }
      %mul3A_177 = arith.constant 4 : i32
      %mul3A_178 = arith.muli %mul3A_177, %scan3A_111 : i32
      %add3A_179 = arith.constant 2 : i32
      %add3A_180 = arith.addi %mul3A_178, %add3A_179 : i32
      %ge3A_181 = arith.constant 1 : i32
      %ge3A_182 = arith.cmpi sge, %add3A_180, %ge3A_181 : i32
      %convert_element_type3A_183 = arith.extui %ge3A_182 : i1 to i32
      %cond3A_184 = arith.constant 0 : i32
      %cond3A_185 = arith.cmpi ne, %convert_element_type3A_183, %cond3A_184 : i32
      scf.if %cond3A_185 {
        %dma_wait3A_247 = arith.constant 0 : i32
        %dma_wait3A_248 = arith.constant 0 : i32
        %dma_wait3A_249 = tpu.memref_slice %arg26[%dma_wait3A_247, %dma_wait3A_248] : memref<10240x128xf32, #tpu.memory_space<vmem_shared>> -> memref<10240x128xf32, #tpu.memory_space<vmem_shared>>
        tpu.wait_indirect_dma semaphore(%arg38 : memref<!tpu.dma_semaphore, #tpu.memory_space<semaphore_mem>>) src(%arg15 : memref<64x128xf32, #tpu.memory_space<vmem>>) dst(%dma_wait3A_249 : memref<10240x128xf32, #tpu.memory_space<vmem_shared>>)
      } else {
      }
      %add3A_186 = arith.constant 1 : i32
      %add3A_187 = arith.addi %add3A_180, %add3A_186 : i32
      %lt3A_188 = arith.constant 160 : i32
      %lt3A_189 = arith.cmpi slt, %add3A_187, %lt3A_188 : i32
      %convert_element_type3A_190 = arith.extui %lt3A_189 : i1 to i32
      %cond3A_191 = arith.constant 0 : i32
      %cond3A_192 = arith.cmpi ne, %convert_element_type3A_190, %cond3A_191 : i32
      scf.if %cond3A_192 {
        %add3A_247 = arith.constant 1 : i32
        %add3A_248 = arith.addi %add3A_180, %add3A_247 : i32
        %min3A = arith.constant 159 : i32
        %min3A_249 = arith.minsi %add3A_248, %min3A : i32
        %dma_wait3A_250 = arith.constant 0 : i32
        %dma_wait3A_251 = tpu.memref_slice %arg5[%add3A, %min3A_249, %dma_wait3A_250] : memref<32x160x64xi32, #tpu.memory_space<hbm>> -> memref<1x1x64xi32, #tpu.memory_space<hbm>>
        %dma_wait3A_252 = tpu.memref_squeeze %dma_wait3A_251 : memref<1x1x64xi32, #tpu.memory_space<hbm>> -> memref<64xi32, #tpu.memory_space<hbm>>
        %dma_wait3A_253 = arith.constant 0 : i32
        %dma_wait3A_254 = tpu.memref_slice %arg5[%add3A, %min3A_249, %dma_wait3A_253] : memref<32x160x64xi32, #tpu.memory_space<hbm>> -> memref<1x1x64xi32, #tpu.memory_space<hbm>>
        %dma_wait3A_255 = tpu.memref_squeeze %dma_wait3A_254 : memref<1x1x64xi32, #tpu.memory_space<hbm>> -> memref<64xi32, #tpu.memory_space<hbm>>
        tpu.wait_dma2 semaphore(%arg32 : memref<!tpu.dma_semaphore, #tpu.memory_space<semaphore_mem>>) src(%dma_wait3A_255 : memref<64xi32, #tpu.memory_space<hbm>>) dst(%arg19 : memref<64xi32, #tpu.memory_space<vmem>>)
        %dma_wait3A_256 = arith.constant 0 : i32
        %dma_wait3A_257 = tpu.memref_slice %arg6[%add3A, %min3A_249, %dma_wait3A_256] : memref<32x160x64xi32, #tpu.memory_space<hbm>> -> memref<1x1x64xi32, #tpu.memory_space<hbm>>
        %dma_wait3A_258 = tpu.memref_squeeze %dma_wait3A_257 : memref<1x1x64xi32, #tpu.memory_space<hbm>> -> memref<64xi32, #tpu.memory_space<hbm>>
        %dma_wait3A_259 = arith.constant 0 : i32
        %dma_wait3A_260 = tpu.memref_slice %arg6[%add3A, %min3A_249, %dma_wait3A_259] : memref<32x160x64xi32, #tpu.memory_space<hbm>> -> memref<1x1x64xi32, #tpu.memory_space<hbm>>
        %dma_wait3A_261 = tpu.memref_squeeze %dma_wait3A_260 : memref<1x1x64xi32, #tpu.memory_space<hbm>> -> memref<64xi32, #tpu.memory_space<hbm>>
        tpu.wait_dma2 semaphore(%arg36 : memref<!tpu.dma_semaphore, #tpu.memory_space<semaphore_mem>>) src(%dma_wait3A_261 : memref<64xi32, #tpu.memory_space<hbm>>) dst(%arg23 : memref<64xi32, #tpu.memory_space<vmem>>)
        %dma_start3A_262 = arith.constant 0 : i32
        %dma_start3A_263 = arith.constant 0 : i32
        %dma_start3A_264 = tpu.memref_slice %arg2[%dma_start3A_262, %dma_start3A_263] : memref<10240x128xf32, #tpu.memory_space<hbm>> -> memref<10240x128xf32, #tpu.memory_space<hbm>>
        tpu.enqueue_indirect_dma source(%dma_start3A_264 : memref<10240x128xf32, #tpu.memory_space<hbm>>) target(%arg15 : memref<64x128xf32, #tpu.memory_space<vmem>>) offsets(%arg19 : memref<64xi32, #tpu.memory_space<vmem>>) semaphore(%arg28 : memref<!tpu.dma_semaphore, #tpu.memory_space<semaphore_mem>>)
      } else {
      }
      %parallel_loop3A_193 = arith.constant 0 : i32
      %parallel_loop3A_194 = arith.constant 4 : i32
      %parallel_loop3A_195 = arith.constant 1 : i32
      scf.for %parallel_loop3A_247 = %parallel_loop3A_193 to %parallel_loop3A_194 step %parallel_loop3A_195  : i32 {
        %parallel_loop3A_248 = arith.constant 16 : i32
        %parallel_loop3A_249 = arith.muli %parallel_loop3A_247, %parallel_loop3A_248 : i32
        %parallel_loop3A_250 = arith.index_cast %parallel_loop3A_249 : i32 to index
        %parallel_loop3A_251 = tpu.vector_load %arg18[%parallel_loop3A_250] {strides = array<i32>} : memref<64xi32, #tpu.memory_space<vmem>>, vector<16xi32>,
        %parallel_loop3A_252 = arith.constant 16 : i32
        %parallel_loop3A_253 = arith.muli %parallel_loop3A_247, %parallel_loop3A_252 : i32
        %parallel_loop3A_254 = arith.index_cast %parallel_loop3A_253 : i32 to index
        %parallel_loop3A_255 = tpu.vector_load %arg22[%parallel_loop3A_254] {strides = array<i32>} : memref<64xi32, #tpu.memory_space<vmem>>, vector<16xi32>,
        %parallel_loop3A_256 = tpu.vector_load_idx %arg10[%parallel_loop3A_251] : memref<10240xf32, #tpu.memory_space<vmem>>[vector<16xi32>], vector<16xf32>,
        %parallel_loop3A_257 = tpu.vector_load_idx %arg11[%parallel_loop3A_255] : memref<10240xf32, #tpu.memory_space<vmem>>[vector<16xi32>], vector<16xf32>,
        %parallel_loop3A_258 = arith.addf %parallel_loop3A_256, %parallel_loop3A_257 : vector<16xf32>
        %parallel_loop3A_259 = arith.constant 2.000000e-01 : f32
        %parallel_loop3A_260 = vector.broadcast %parallel_loop3A_259 : f32 to vector<16xf32>
        %parallel_loop3A_261 = arith.mulf %parallel_loop3A_260, %parallel_loop3A_258 : vector<16xf32>
        %parallel_loop3A_262 = arith.maximumf %parallel_loop3A_258, %parallel_loop3A_261 : vector<16xf32>
        %parallel_loop3A_263 = arith.subf %parallel_loop3A_262, %get3A_96 : vector<16xf32>
        %parallel_loop3A_264 = math.exp %parallel_loop3A_263 : vector<16xf32>
        %parallel_loop3A_265 = arith.constant 16 : i32
        %parallel_loop3A_266 = arith.muli %parallel_loop3A_247, %parallel_loop3A_265 : i32
        %parallel_loop3A_267 = arith.index_cast %parallel_loop3A_266 : i32 to index
        %parallel_loop3A_268 = tpu.vector_load %arg24[%parallel_loop3A_267] {strides = array<i32>} : memref<64xf32, #tpu.memory_space<vmem>>, vector<16xf32>,
        tpu.vector_store %arg24[%parallel_loop3A_267], %parallel_loop3A_264 {strides = array<i32>} : memref<64xf32, #tpu.memory_space<vmem>>, vector<16xf32>,
        tpu.vector_store_idx %arg12[%parallel_loop3A_255], %parallel_loop3A_264 {add = true} : memref<10240xf32, #tpu.memory_space<vmem>>[vector<16xi32>], vector<16xf32>,
      } {sc.loop_unroll_factor = 4 : i64, sc.parallel_access}
      %dma_wait3A_196 = arith.constant 0 : i32
      %dma_wait3A_197 = arith.constant 0 : i32
      %dma_wait3A_198 = tpu.memref_slice %arg2[%dma_wait3A_196, %dma_wait3A_197] : memref<10240x128xf32, #tpu.memory_space<hbm>> -> memref<10240x128xf32, #tpu.memory_space<hbm>>
      tpu.wait_indirect_dma semaphore(%arg27 : memref<!tpu.dma_semaphore, #tpu.memory_space<semaphore_mem>>) src(%dma_wait3A_198 : memref<10240x128xf32, #tpu.memory_space<hbm>>) dst(%arg14 : memref<64x128xf32, #tpu.memory_space<vmem>>)
      %parallel_loop3A_199 = arith.constant 0 : i32
      %parallel_loop3A_200 = arith.constant 64 : i32
      %parallel_loop3A_201 = arith.constant 1 : i32
      scf.for %parallel_loop3A_247 = %parallel_loop3A_199 to %parallel_loop3A_200 step %parallel_loop3A_201  : i32 {
        %parallel_loop3A_248 = vector.broadcast %parallel_loop3A_247 : i32 to vector<16xi32>
        %parallel_loop3A_249 = tpu.vector_load_idx %arg24[%parallel_loop3A_248] : memref<64xf32, #tpu.memory_space<vmem>>[vector<16xi32>], vector<16xf32>,
        %parallel_loop3A_250 = arith.index_cast %parallel_loop3A_247 : i32 to index
        %parallel_loop3A_251 = arith.constant 0 : index
        %parallel_loop3A_252 = tpu.vector_load %arg14[%parallel_loop3A_250, %parallel_loop3A_251] {strides = array<i32>} : memref<64x128xf32, #tpu.memory_space<vmem>>, vector<16xf32>,
        %parallel_loop3A_253 = arith.mulf %parallel_loop3A_252, %parallel_loop3A_249 : vector<16xf32>
        %parallel_loop3A_254 = arith.index_cast %parallel_loop3A_247 : i32 to index
        %parallel_loop3A_255 = arith.constant 0 : index
        %parallel_loop3A_256 = tpu.vector_load %arg14[%parallel_loop3A_254, %parallel_loop3A_255] {strides = array<i32>} : memref<64x128xf32, #tpu.memory_space<vmem>>, vector<16xf32>,
        tpu.vector_store %arg14[%parallel_loop3A_254, %parallel_loop3A_255], %parallel_loop3A_253 {strides = array<i32>} : memref<64x128xf32, #tpu.memory_space<vmem>>, vector<16xf32>,
        %parallel_loop3A_257 = arith.index_cast %parallel_loop3A_247 : i32 to index
        %parallel_loop3A_258 = arith.constant 16 : index
        %parallel_loop3A_259 = tpu.vector_load %arg14[%parallel_loop3A_257, %parallel_loop3A_258] {strides = array<i32>} : memref<64x128xf32, #tpu.memory_space<vmem>>, vector<16xf32>,
        %parallel_loop3A_260 = arith.mulf %parallel_loop3A_259, %parallel_loop3A_249 : vector<16xf32>
        %parallel_loop3A_261 = arith.index_cast %parallel_loop3A_247 : i32 to index
        %parallel_loop3A_262 = arith.constant 16 : index
        %parallel_loop3A_263 = tpu.vector_load %arg14[%parallel_loop3A_261, %parallel_loop3A_262] {strides = array<i32>} : memref<64x128xf32, #tpu.memory_space<vmem>>, vector<16xf32>,
        tpu.vector_store %arg14[%parallel_loop3A_261, %parallel_loop3A_262], %parallel_loop3A_260 {strides = array<i32>} : memref<64x128xf32, #tpu.memory_space<vmem>>, vector<16xf32>,
        %parallel_loop3A_264 = arith.index_cast %parallel_loop3A_247 : i32 to index
        %parallel_loop3A_265 = arith.constant 32 : index
        %parallel_loop3A_266 = tpu.vector_load %arg14[%parallel_loop3A_264, %parallel_loop3A_265] {strides = array<i32>} : memref<64x128xf32, #tpu.memory_space<vmem>>, vector<16xf32>,
        %parallel_loop3A_267 = arith.mulf %parallel_loop3A_266, %parallel_loop3A_249 : vector<16xf32>
        %parallel_loop3A_268 = arith.index_cast %parallel_loop3A_247 : i32 to index
        %parallel_loop3A_269 = arith.constant 32 : index
        %parallel_loop3A_270 = tpu.vector_load %arg14[%parallel_loop3A_268, %parallel_loop3A_269] {strides = array<i32>} : memref<64x128xf32, #tpu.memory_space<vmem>>, vector<16xf32>,
        tpu.vector_store %arg14[%parallel_loop3A_268, %parallel_loop3A_269], %parallel_loop3A_267 {strides = array<i32>} : memref<64x128xf32, #tpu.memory_space<vmem>>, vector<16xf32>,
        %parallel_loop3A_271 = arith.index_cast %parallel_loop3A_247 : i32 to index
        %parallel_loop3A_272 = arith.constant 48 : index
        %parallel_loop3A_273 = tpu.vector_load %arg14[%parallel_loop3A_271, %parallel_loop3A_272] {strides = array<i32>} : memref<64x128xf32, #tpu.memory_space<vmem>>, vector<16xf32>,
        %parallel_loop3A_274 = arith.mulf %parallel_loop3A_273, %parallel_loop3A_249 : vector<16xf32>
        %parallel_loop3A_275 = arith.index_cast %parallel_loop3A_247 : i32 to index
        %parallel_loop3A_276 = arith.constant 48 : index
        %parallel_loop3A_277 = tpu.vector_load %arg14[%parallel_loop3A_275, %parallel_loop3A_276] {strides = array<i32>} : memref<64x128xf32, #tpu.memory_space<vmem>>, vector<16xf32>,
        tpu.vector_store %arg14[%parallel_loop3A_275, %parallel_loop3A_276], %parallel_loop3A_274 {strides = array<i32>} : memref<64x128xf32, #tpu.memory_space<vmem>>, vector<16xf32>,
        %parallel_loop3A_278 = arith.index_cast %parallel_loop3A_247 : i32 to index
        %parallel_loop3A_279 = arith.constant 64 : index
        %parallel_loop3A_280 = tpu.vector_load %arg14[%parallel_loop3A_278, %parallel_loop3A_279] {strides = array<i32>} : memref<64x128xf32, #tpu.memory_space<vmem>>, vector<16xf32>,
        %parallel_loop3A_281 = arith.mulf %parallel_loop3A_280, %parallel_loop3A_249 : vector<16xf32>
        %parallel_loop3A_282 = arith.index_cast %parallel_loop3A_247 : i32 to index
        %parallel_loop3A_283 = arith.constant 64 : index
        %parallel_loop3A_284 = tpu.vector_load %arg14[%parallel_loop3A_282, %parallel_loop3A_283] {strides = array<i32>} : memref<64x128xf32, #tpu.memory_space<vmem>>, vector<16xf32>,
        tpu.vector_store %arg14[%parallel_loop3A_282, %parallel_loop3A_283], %parallel_loop3A_281 {strides = array<i32>} : memref<64x128xf32, #tpu.memory_space<vmem>>, vector<16xf32>,
        %parallel_loop3A_285 = arith.index_cast %parallel_loop3A_247 : i32 to index
        %parallel_loop3A_286 = arith.constant 80 : index
        %parallel_loop3A_287 = tpu.vector_load %arg14[%parallel_loop3A_285, %parallel_loop3A_286] {strides = array<i32>} : memref<64x128xf32, #tpu.memory_space<vmem>>, vector<16xf32>,
        %parallel_loop3A_288 = arith.mulf %parallel_loop3A_287, %parallel_loop3A_249 : vector<16xf32>
        %parallel_loop3A_289 = arith.index_cast %parallel_loop3A_247 : i32 to index
        %parallel_loop3A_290 = arith.constant 80 : index
        %parallel_loop3A_291 = tpu.vector_load %arg14[%parallel_loop3A_289, %parallel_loop3A_290] {strides = array<i32>} : memref<64x128xf32, #tpu.memory_space<vmem>>, vector<16xf32>,
        tpu.vector_store %arg14[%parallel_loop3A_289, %parallel_loop3A_290], %parallel_loop3A_288 {strides = array<i32>} : memref<64x128xf32, #tpu.memory_space<vmem>>, vector<16xf32>,
        %parallel_loop3A_292 = arith.index_cast %parallel_loop3A_247 : i32 to index
        %parallel_loop3A_293 = arith.constant 96 : index
        %parallel_loop3A_294 = tpu.vector_load %arg14[%parallel_loop3A_292, %parallel_loop3A_293] {strides = array<i32>} : memref<64x128xf32, #tpu.memory_space<vmem>>, vector<16xf32>,
        %parallel_loop3A_295 = arith.mulf %parallel_loop3A_294, %parallel_loop3A_249 : vector<16xf32>
        %parallel_loop3A_296 = arith.index_cast %parallel_loop3A_247 : i32 to index
        %parallel_loop3A_297 = arith.constant 96 : index
        %parallel_loop3A_298 = tpu.vector_load %arg14[%parallel_loop3A_296, %parallel_loop3A_297] {strides = array<i32>} : memref<64x128xf32, #tpu.memory_space<vmem>>, vector<16xf32>,
        tpu.vector_store %arg14[%parallel_loop3A_296, %parallel_loop3A_297], %parallel_loop3A_295 {strides = array<i32>} : memref<64x128xf32, #tpu.memory_space<vmem>>, vector<16xf32>,
        %parallel_loop3A_299 = arith.index_cast %parallel_loop3A_247 : i32 to index
        %parallel_loop3A_300 = arith.constant 112 : index
        %parallel_loop3A_301 = tpu.vector_load %arg14[%parallel_loop3A_299, %parallel_loop3A_300] {strides = array<i32>} : memref<64x128xf32, #tpu.memory_space<vmem>>, vector<16xf32>,
        %parallel_loop3A_302 = arith.mulf %parallel_loop3A_301, %parallel_loop3A_249 : vector<16xf32>
        %parallel_loop3A_303 = arith.index_cast %parallel_loop3A_247 : i32 to index
        %parallel_loop3A_304 = arith.constant 112 : index
        %parallel_loop3A_305 = tpu.vector_load %arg14[%parallel_loop3A_303, %parallel_loop3A_304] {strides = array<i32>} : memref<64x128xf32, #tpu.memory_space<vmem>>, vector<16xf32>,
        tpu.vector_store %arg14[%parallel_loop3A_303, %parallel_loop3A_304], %parallel_loop3A_302 {strides = array<i32>} : memref<64x128xf32, #tpu.memory_space<vmem>>, vector<16xf32>,
      } {sc.loop_unroll_factor = 4 : i64, sc.parallel_access}
      %dma_start3A_202 = arith.constant 0 : i32
      %dma_start3A_203 = arith.constant 0 : i32
      %dma_start3A_204 = tpu.memref_slice %arg26[%dma_start3A_202, %dma_start3A_203] : memref<10240x128xf32, #tpu.memory_space<vmem_shared>> -> memref<10240x128xf32, #tpu.memory_space<vmem_shared>>
      tpu.enqueue_indirect_dma source(%arg14 : memref<64x128xf32, #tpu.memory_space<vmem>>) target(%dma_start3A_204 : memref<10240x128xf32, #tpu.memory_space<vmem_shared>>) offsets(%arg22 : memref<64xi32, #tpu.memory_space<vmem>>) semaphore(%arg37 : memref<!tpu.dma_semaphore, #tpu.memory_space<semaphore_mem>>) {add = true}
      %add3A_205 = arith.constant 2 : i32
      %add3A_206 = arith.addi %add3A_180, %add3A_205 : i32
      %lt3A_207 = arith.constant 160 : i32
      %lt3A_208 = arith.cmpi slt, %add3A_206, %lt3A_207 : i32
      %convert_element_type3A_209 = arith.extui %lt3A_208 : i1 to i32
      %cond3A_210 = arith.constant 0 : i32
      %cond3A_211 = arith.cmpi ne, %convert_element_type3A_209, %cond3A_210 : i32
      scf.if %cond3A_211 {
        %add3A_247 = arith.constant 2 : i32
        %add3A_248 = arith.addi %add3A_180, %add3A_247 : i32
        %min3A = arith.constant 159 : i32
        %min3A_249 = arith.minsi %add3A_248, %min3A : i32
        %dma_start3A_250 = arith.constant 0 : i32
        %dma_start3A_251 = tpu.memref_slice %arg5[%add3A, %min3A_249, %dma_start3A_250] : memref<32x160x64xi32, #tpu.memory_space<hbm>> -> memref<1x1x64xi32, #tpu.memory_space<hbm>>
        %dma_start3A_252 = tpu.memref_squeeze %dma_start3A_251 : memref<1x1x64xi32, #tpu.memory_space<hbm>> -> memref<64xi32, #tpu.memory_space<hbm>>
        %dma_start3A_253 = arith.constant 0 : i32
        %dma_start3A_254 = tpu.memref_slice %arg5[%add3A, %min3A_249, %dma_start3A_253] : memref<32x160x64xi32, #tpu.memory_space<hbm>> -> memref<1x1x64xi32, #tpu.memory_space<hbm>>
        %dma_start3A_255 = tpu.memref_squeeze %dma_start3A_254 : memref<1x1x64xi32, #tpu.memory_space<hbm>> -> memref<64xi32, #tpu.memory_space<hbm>>
        tpu.enqueue_dma source(%dma_start3A_255 : memref<64xi32, #tpu.memory_space<hbm>>) target(%arg16 : memref<64xi32, #tpu.memory_space<vmem>>) target_semaphore(%arg29 : memref<!tpu.dma_semaphore, #tpu.memory_space<semaphore_mem>>)
        %dma_start3A_256 = arith.constant 0 : i32
        %dma_start3A_257 = tpu.memref_slice %arg6[%add3A, %min3A_249, %dma_start3A_256] : memref<32x160x64xi32, #tpu.memory_space<hbm>> -> memref<1x1x64xi32, #tpu.memory_space<hbm>>
        %dma_start3A_258 = tpu.memref_squeeze %dma_start3A_257 : memref<1x1x64xi32, #tpu.memory_space<hbm>> -> memref<64xi32, #tpu.memory_space<hbm>>
        %dma_start3A_259 = arith.constant 0 : i32
        %dma_start3A_260 = tpu.memref_slice %arg6[%add3A, %min3A_249, %dma_start3A_259] : memref<32x160x64xi32, #tpu.memory_space<hbm>> -> memref<1x1x64xi32, #tpu.memory_space<hbm>>
        %dma_start3A_261 = tpu.memref_squeeze %dma_start3A_260 : memref<1x1x64xi32, #tpu.memory_space<hbm>> -> memref<64xi32, #tpu.memory_space<hbm>>
        tpu.enqueue_dma source(%dma_start3A_261 : memref<64xi32, #tpu.memory_space<hbm>>) target(%arg20 : memref<64xi32, #tpu.memory_space<vmem>>) target_semaphore(%arg33 : memref<!tpu.dma_semaphore, #tpu.memory_space<semaphore_mem>>)
      } else {
      }
      %mul3A_212 = arith.constant 4 : i32
      %mul3A_213 = arith.muli %mul3A_212, %scan3A_111 : i32
      %add3A_214 = arith.constant 3 : i32
      %add3A_215 = arith.addi %mul3A_213, %add3A_214 : i32
      %ge3A_216 = arith.constant 1 : i32
      %ge3A_217 = arith.cmpi sge, %add3A_215, %ge3A_216 : i32
      %convert_element_type3A_218 = arith.extui %ge3A_217 : i1 to i32
      %cond3A_219 = arith.constant 0 : i32
      %cond3A_220 = arith.cmpi ne, %convert_element_type3A_218, %cond3A_219 : i32
      scf.if %cond3A_220 {
        %dma_wait3A_247 = arith.constant 0 : i32
        %dma_wait3A_248 = arith.constant 0 : i32
        %dma_wait3A_249 = tpu.memref_slice %arg26[%dma_wait3A_247, %dma_wait3A_248] : memref<10240x128xf32, #tpu.memory_space<vmem_shared>> -> memref<10240x128xf32, #tpu.memory_space<vmem_shared>>
        tpu.wait_indirect_dma semaphore(%arg37 : memref<!tpu.dma_semaphore, #tpu.memory_space<semaphore_mem>>) src(%arg14 : memref<64x128xf32, #tpu.memory_space<vmem>>) dst(%dma_wait3A_249 : memref<10240x128xf32, #tpu.memory_space<vmem_shared>>)
      } else {
      }
      %add3A_221 = arith.constant 1 : i32
      %add3A_222 = arith.addi %add3A_215, %add3A_221 : i32
      %lt3A_223 = arith.constant 160 : i32
      %lt3A_224 = arith.cmpi slt, %add3A_222, %lt3A_223 : i32
      %convert_element_type3A_225 = arith.extui %lt3A_224 : i1 to i32
      %cond3A_226 = arith.constant 0 : i32
      %cond3A_227 = arith.cmpi ne, %convert_element_type3A_225, %cond3A_226 : i32
      scf.if %cond3A_227 {
        %add3A_247 = arith.constant 1 : i32
        %add3A_248 = arith.addi %add3A_215, %add3A_247 : i32
        %min3A = arith.constant 159 : i32
        %min3A_249 = arith.minsi %add3A_248, %min3A : i32
        %dma_wait3A_250 = arith.constant 0 : i32
        %dma_wait3A_251 = tpu.memref_slice %arg5[%add3A, %min3A_249, %dma_wait3A_250] : memref<32x160x64xi32, #tpu.memory_space<hbm>> -> memref<1x1x64xi32, #tpu.memory_space<hbm>>
        %dma_wait3A_252 = tpu.memref_squeeze %dma_wait3A_251 : memref<1x1x64xi32, #tpu.memory_space<hbm>> -> memref<64xi32, #tpu.memory_space<hbm>>
        %dma_wait3A_253 = arith.constant 0 : i32
        %dma_wait3A_254 = tpu.memref_slice %arg5[%add3A, %min3A_249, %dma_wait3A_253] : memref<32x160x64xi32, #tpu.memory_space<hbm>> -> memref<1x1x64xi32, #tpu.memory_space<hbm>>
        %dma_wait3A_255 = tpu.memref_squeeze %dma_wait3A_254 : memref<1x1x64xi32, #tpu.memory_space<hbm>> -> memref<64xi32, #tpu.memory_space<hbm>>
        tpu.wait_dma2 semaphore(%arg29 : memref<!tpu.dma_semaphore, #tpu.memory_space<semaphore_mem>>) src(%dma_wait3A_255 : memref<64xi32, #tpu.memory_space<hbm>>) dst(%arg16 : memref<64xi32, #tpu.memory_space<vmem>>)
        %dma_wait3A_256 = arith.constant 0 : i32
        %dma_wait3A_257 = tpu.memref_slice %arg6[%add3A, %min3A_249, %dma_wait3A_256] : memref<32x160x64xi32, #tpu.memory_space<hbm>> -> memref<1x1x64xi32, #tpu.memory_space<hbm>>
        %dma_wait3A_258 = tpu.memref_squeeze %dma_wait3A_257 : memref<1x1x64xi32, #tpu.memory_space<hbm>> -> memref<64xi32, #tpu.memory_space<hbm>>
        %dma_wait3A_259 = arith.constant 0 : i32
        %dma_wait3A_260 = tpu.memref_slice %arg6[%add3A, %min3A_249, %dma_wait3A_259] : memref<32x160x64xi32, #tpu.memory_space<hbm>> -> memref<1x1x64xi32, #tpu.memory_space<hbm>>
        %dma_wait3A_261 = tpu.memref_squeeze %dma_wait3A_260 : memref<1x1x64xi32, #tpu.memory_space<hbm>> -> memref<64xi32, #tpu.memory_space<hbm>>
        tpu.wait_dma2 semaphore(%arg33 : memref<!tpu.dma_semaphore, #tpu.memory_space<semaphore_mem>>) src(%dma_wait3A_261 : memref<64xi32, #tpu.memory_space<hbm>>) dst(%arg20 : memref<64xi32, #tpu.memory_space<vmem>>)
        %dma_start3A_262 = arith.constant 0 : i32
        %dma_start3A_263 = arith.constant 0 : i32
        %dma_start3A_264 = tpu.memref_slice %arg2[%dma_start3A_262, %dma_start3A_263] : memref<10240x128xf32, #tpu.memory_space<hbm>> -> memref<10240x128xf32, #tpu.memory_space<hbm>>
        tpu.enqueue_indirect_dma source(%dma_start3A_264 : memref<10240x128xf32, #tpu.memory_space<hbm>>) target(%arg14 : memref<64x128xf32, #tpu.memory_space<vmem>>) offsets(%arg16 : memref<64xi32, #tpu.memory_space<vmem>>) semaphore(%arg27 : memref<!tpu.dma_semaphore, #tpu.memory_space<semaphore_mem>>)
      } else {
      }
      %parallel_loop3A_228 = arith.constant 0 : i32
      %parallel_loop3A_229 = arith.constant 4 : i32
      %parallel_loop3A_230 = arith.constant 1 : i32
      scf.for %parallel_loop3A_247 = %parallel_loop3A_228 to %parallel_loop3A_229 step %parallel_loop3A_230  : i32 {
        %parallel_loop3A_248 = arith.constant 16 : i32
        %parallel_loop3A_249 = arith.muli %parallel_loop3A_247, %parallel_loop3A_248 : i32
        %parallel_loop3A_250 = arith.index_cast %parallel_loop3A_249 : i32 to index
        %parallel_loop3A_251 = tpu.vector_load %arg19[%parallel_loop3A_250] {strides = array<i32>} : memref<64xi32, #tpu.memory_space<vmem>>, vector<16xi32>,
        %parallel_loop3A_252 = arith.constant 16 : i32
        %parallel_loop3A_253 = arith.muli %parallel_loop3A_247, %parallel_loop3A_252 : i32
        %parallel_loop3A_254 = arith.index_cast %parallel_loop3A_253 : i32 to index
        %parallel_loop3A_255 = tpu.vector_load %arg23[%parallel_loop3A_254] {strides = array<i32>} : memref<64xi32, #tpu.memory_space<vmem>>, vector<16xi32>,
        %parallel_loop3A_256 = tpu.vector_load_idx %arg10[%parallel_loop3A_251] : memref<10240xf32, #tpu.memory_space<vmem>>[vector<16xi32>], vector<16xf32>,
        %parallel_loop3A_257 = tpu.vector_load_idx %arg11[%parallel_loop3A_255] : memref<10240xf32, #tpu.memory_space<vmem>>[vector<16xi32>], vector<16xf32>,
        %parallel_loop3A_258 = arith.addf %parallel_loop3A_256, %parallel_loop3A_257 : vector<16xf32>
        %parallel_loop3A_259 = arith.constant 2.000000e-01 : f32
        %parallel_loop3A_260 = vector.broadcast %parallel_loop3A_259 : f32 to vector<16xf32>
        %parallel_loop3A_261 = arith.mulf %parallel_loop3A_260, %parallel_loop3A_258 : vector<16xf32>
        %parallel_loop3A_262 = arith.maximumf %parallel_loop3A_258, %parallel_loop3A_261 : vector<16xf32>
        %parallel_loop3A_263 = arith.subf %parallel_loop3A_262, %get3A_96 : vector<16xf32>
        %parallel_loop3A_264 = math.exp %parallel_loop3A_263 : vector<16xf32>
        %parallel_loop3A_265 = arith.constant 16 : i32
        %parallel_loop3A_266 = arith.muli %parallel_loop3A_247, %parallel_loop3A_265 : i32
        %parallel_loop3A_267 = arith.index_cast %parallel_loop3A_266 : i32 to index
        %parallel_loop3A_268 = tpu.vector_load %arg25[%parallel_loop3A_267] {strides = array<i32>} : memref<64xf32, #tpu.memory_space<vmem>>, vector<16xf32>,
        tpu.vector_store %arg25[%parallel_loop3A_267], %parallel_loop3A_264 {strides = array<i32>} : memref<64xf32, #tpu.memory_space<vmem>>, vector<16xf32>,
        tpu.vector_store_idx %arg12[%parallel_loop3A_255], %parallel_loop3A_264 {add = true} : memref<10240xf32, #tpu.memory_space<vmem>>[vector<16xi32>], vector<16xf32>,
      } {sc.loop_unroll_factor = 4 : i64, sc.parallel_access}
      %dma_wait3A_231 = arith.constant 0 : i32
      %dma_wait3A_232 = arith.constant 0 : i32
      %dma_wait3A_233 = tpu.memref_slice %arg2[%dma_wait3A_231, %dma_wait3A_232] : memref<10240x128xf32, #tpu.memory_space<hbm>> -> memref<10240x128xf32, #tpu.memory_space<hbm>>
      tpu.wait_indirect_dma semaphore(%arg28 : memref<!tpu.dma_semaphore, #tpu.memory_space<semaphore_mem>>) src(%dma_wait3A_233 : memref<10240x128xf32, #tpu.memory_space<hbm>>) dst(%arg15 : memref<64x128xf32, #tpu.memory_space<vmem>>)
      %parallel_loop3A_234 = arith.constant 0 : i32
      %parallel_loop3A_235 = arith.constant 64 : i32
      %parallel_loop3A_236 = arith.constant 1 : i32
      scf.for %parallel_loop3A_247 = %parallel_loop3A_234 to %parallel_loop3A_235 step %parallel_loop3A_236  : i32 {
        %parallel_loop3A_248 = vector.broadcast %parallel_loop3A_247 : i32 to vector<16xi32>
        %parallel_loop3A_249 = tpu.vector_load_idx %arg25[%parallel_loop3A_248] : memref<64xf32, #tpu.memory_space<vmem>>[vector<16xi32>], vector<16xf32>,
        %parallel_loop3A_250 = arith.index_cast %parallel_loop3A_247 : i32 to index
        %parallel_loop3A_251 = arith.constant 0 : index
        %parallel_loop3A_252 = tpu.vector_load %arg15[%parallel_loop3A_250, %parallel_loop3A_251] {strides = array<i32>} : memref<64x128xf32, #tpu.memory_space<vmem>>, vector<16xf32>,
        %parallel_loop3A_253 = arith.mulf %parallel_loop3A_252, %parallel_loop3A_249 : vector<16xf32>
        %parallel_loop3A_254 = arith.index_cast %parallel_loop3A_247 : i32 to index
        %parallel_loop3A_255 = arith.constant 0 : index
        %parallel_loop3A_256 = tpu.vector_load %arg15[%parallel_loop3A_254, %parallel_loop3A_255] {strides = array<i32>} : memref<64x128xf32, #tpu.memory_space<vmem>>, vector<16xf32>,
        tpu.vector_store %arg15[%parallel_loop3A_254, %parallel_loop3A_255], %parallel_loop3A_253 {strides = array<i32>} : memref<64x128xf32, #tpu.memory_space<vmem>>, vector<16xf32>,
        %parallel_loop3A_257 = arith.index_cast %parallel_loop3A_247 : i32 to index
        %parallel_loop3A_258 = arith.constant 16 : index
        %parallel_loop3A_259 = tpu.vector_load %arg15[%parallel_loop3A_257, %parallel_loop3A_258] {strides = array<i32>} : memref<64x128xf32, #tpu.memory_space<vmem>>, vector<16xf32>,
        %parallel_loop3A_260 = arith.mulf %parallel_loop3A_259, %parallel_loop3A_249 : vector<16xf32>
        %parallel_loop3A_261 = arith.index_cast %parallel_loop3A_247 : i32 to index
        %parallel_loop3A_262 = arith.constant 16 : index
        %parallel_loop3A_263 = tpu.vector_load %arg15[%parallel_loop3A_261, %parallel_loop3A_262] {strides = array<i32>} : memref<64x128xf32, #tpu.memory_space<vmem>>, vector<16xf32>,
        tpu.vector_store %arg15[%parallel_loop3A_261, %parallel_loop3A_262], %parallel_loop3A_260 {strides = array<i32>} : memref<64x128xf32, #tpu.memory_space<vmem>>, vector<16xf32>,
        %parallel_loop3A_264 = arith.index_cast %parallel_loop3A_247 : i32 to index
        %parallel_loop3A_265 = arith.constant 32 : index
        %parallel_loop3A_266 = tpu.vector_load %arg15[%parallel_loop3A_264, %parallel_loop3A_265] {strides = array<i32>} : memref<64x128xf32, #tpu.memory_space<vmem>>, vector<16xf32>,
        %parallel_loop3A_267 = arith.mulf %parallel_loop3A_266, %parallel_loop3A_249 : vector<16xf32>
        %parallel_loop3A_268 = arith.index_cast %parallel_loop3A_247 : i32 to index
        %parallel_loop3A_269 = arith.constant 32 : index
        %parallel_loop3A_270 = tpu.vector_load %arg15[%parallel_loop3A_268, %parallel_loop3A_269] {strides = array<i32>} : memref<64x128xf32, #tpu.memory_space<vmem>>, vector<16xf32>,
        tpu.vector_store %arg15[%parallel_loop3A_268, %parallel_loop3A_269], %parallel_loop3A_267 {strides = array<i32>} : memref<64x128xf32, #tpu.memory_space<vmem>>, vector<16xf32>,
        %parallel_loop3A_271 = arith.index_cast %parallel_loop3A_247 : i32 to index
        %parallel_loop3A_272 = arith.constant 48 : index
        %parallel_loop3A_273 = tpu.vector_load %arg15[%parallel_loop3A_271, %parallel_loop3A_272] {strides = array<i32>} : memref<64x128xf32, #tpu.memory_space<vmem>>, vector<16xf32>,
        %parallel_loop3A_274 = arith.mulf %parallel_loop3A_273, %parallel_loop3A_249 : vector<16xf32>
        %parallel_loop3A_275 = arith.index_cast %parallel_loop3A_247 : i32 to index
        %parallel_loop3A_276 = arith.constant 48 : index
        %parallel_loop3A_277 = tpu.vector_load %arg15[%parallel_loop3A_275, %parallel_loop3A_276] {strides = array<i32>} : memref<64x128xf32, #tpu.memory_space<vmem>>, vector<16xf32>,
        tpu.vector_store %arg15[%parallel_loop3A_275, %parallel_loop3A_276], %parallel_loop3A_274 {strides = array<i32>} : memref<64x128xf32, #tpu.memory_space<vmem>>, vector<16xf32>,
        %parallel_loop3A_278 = arith.index_cast %parallel_loop3A_247 : i32 to index
        %parallel_loop3A_279 = arith.constant 64 : index
        %parallel_loop3A_280 = tpu.vector_load %arg15[%parallel_loop3A_278, %parallel_loop3A_279] {strides = array<i32>} : memref<64x128xf32, #tpu.memory_space<vmem>>, vector<16xf32>,
        %parallel_loop3A_281 = arith.mulf %parallel_loop3A_280, %parallel_loop3A_249 : vector<16xf32>
        %parallel_loop3A_282 = arith.index_cast %parallel_loop3A_247 : i32 to index
        %parallel_loop3A_283 = arith.constant 64 : index
        %parallel_loop3A_284 = tpu.vector_load %arg15[%parallel_loop3A_282, %parallel_loop3A_283] {strides = array<i32>} : memref<64x128xf32, #tpu.memory_space<vmem>>, vector<16xf32>,
        tpu.vector_store %arg15[%parallel_loop3A_282, %parallel_loop3A_283], %parallel_loop3A_281 {strides = array<i32>} : memref<64x128xf32, #tpu.memory_space<vmem>>, vector<16xf32>,
        %parallel_loop3A_285 = arith.index_cast %parallel_loop3A_247 : i32 to index
        %parallel_loop3A_286 = arith.constant 80 : index
        %parallel_loop3A_287 = tpu.vector_load %arg15[%parallel_loop3A_285, %parallel_loop3A_286] {strides = array<i32>} : memref<64x128xf32, #tpu.memory_space<vmem>>, vector<16xf32>,
        %parallel_loop3A_288 = arith.mulf %parallel_loop3A_287, %parallel_loop3A_249 : vector<16xf32>
        %parallel_loop3A_289 = arith.index_cast %parallel_loop3A_247 : i32 to index
        %parallel_loop3A_290 = arith.constant 80 : index
        %parallel_loop3A_291 = tpu.vector_load %arg15[%parallel_loop3A_289, %parallel_loop3A_290] {strides = array<i32>} : memref<64x128xf32, #tpu.memory_space<vmem>>, vector<16xf32>,
        tpu.vector_store %arg15[%parallel_loop3A_289, %parallel_loop3A_290], %parallel_loop3A_288 {strides = array<i32>} : memref<64x128xf32, #tpu.memory_space<vmem>>, vector<16xf32>,
        %parallel_loop3A_292 = arith.index_cast %parallel_loop3A_247 : i32 to index
        %parallel_loop3A_293 = arith.constant 96 : index
        %parallel_loop3A_294 = tpu.vector_load %arg15[%parallel_loop3A_292, %parallel_loop3A_293] {strides = array<i32>} : memref<64x128xf32, #tpu.memory_space<vmem>>, vector<16xf32>,
        %parallel_loop3A_295 = arith.mulf %parallel_loop3A_294, %parallel_loop3A_249 : vector<16xf32>
        %parallel_loop3A_296 = arith.index_cast %parallel_loop3A_247 : i32 to index
        %parallel_loop3A_297 = arith.constant 96 : index
        %parallel_loop3A_298 = tpu.vector_load %arg15[%parallel_loop3A_296, %parallel_loop3A_297] {strides = array<i32>} : memref<64x128xf32, #tpu.memory_space<vmem>>, vector<16xf32>,
        tpu.vector_store %arg15[%parallel_loop3A_296, %parallel_loop3A_297], %parallel_loop3A_295 {strides = array<i32>} : memref<64x128xf32, #tpu.memory_space<vmem>>, vector<16xf32>,
        %parallel_loop3A_299 = arith.index_cast %parallel_loop3A_247 : i32 to index
        %parallel_loop3A_300 = arith.constant 112 : index
        %parallel_loop3A_301 = tpu.vector_load %arg15[%parallel_loop3A_299, %parallel_loop3A_300] {strides = array<i32>} : memref<64x128xf32, #tpu.memory_space<vmem>>, vector<16xf32>,
        %parallel_loop3A_302 = arith.mulf %parallel_loop3A_301, %parallel_loop3A_249 : vector<16xf32>
        %parallel_loop3A_303 = arith.index_cast %parallel_loop3A_247 : i32 to index
        %parallel_loop3A_304 = arith.constant 112 : index
        %parallel_loop3A_305 = tpu.vector_load %arg15[%parallel_loop3A_303, %parallel_loop3A_304] {strides = array<i32>} : memref<64x128xf32, #tpu.memory_space<vmem>>, vector<16xf32>,
        tpu.vector_store %arg15[%parallel_loop3A_303, %parallel_loop3A_304], %parallel_loop3A_302 {strides = array<i32>} : memref<64x128xf32, #tpu.memory_space<vmem>>, vector<16xf32>,
      } {sc.loop_unroll_factor = 4 : i64, sc.parallel_access}
      %dma_start3A_237 = arith.constant 0 : i32
      %dma_start3A_238 = arith.constant 0 : i32
      %dma_start3A_239 = tpu.memref_slice %arg26[%dma_start3A_237, %dma_start3A_238] : memref<10240x128xf32, #tpu.memory_space<vmem_shared>> -> memref<10240x128xf32, #tpu.memory_space<vmem_shared>>
      tpu.enqueue_indirect_dma source(%arg15 : memref<64x128xf32, #tpu.memory_space<vmem>>) target(%dma_start3A_239 : memref<10240x128xf32, #tpu.memory_space<vmem_shared>>) offsets(%arg23 : memref<64xi32, #tpu.memory_space<vmem>>) semaphore(%arg38 : memref<!tpu.dma_semaphore, #tpu.memory_space<semaphore_mem>>) {add = true}
      %add3A_240 = arith.constant 2 : i32
      %add3A_241 = arith.addi %add3A_215, %add3A_240 : i32
      %lt3A_242 = arith.constant 160 : i32
      %lt3A_243 = arith.cmpi slt, %add3A_241, %lt3A_242 : i32
      %convert_element_type3A_244 = arith.extui %lt3A_243 : i1 to i32
      %cond3A_245 = arith.constant 0 : i32
      %cond3A_246 = arith.cmpi ne, %convert_element_type3A_244, %cond3A_245 : i32
      scf.if %cond3A_246 {
        %add3A_247 = arith.constant 2 : i32
        %add3A_248 = arith.addi %add3A_215, %add3A_247 : i32
        %min3A = arith.constant 159 : i32
        %min3A_249 = arith.minsi %add3A_248, %min3A : i32
        %dma_start3A_250 = arith.constant 0 : i32
        %dma_start3A_251 = tpu.memref_slice %arg5[%add3A, %min3A_249, %dma_start3A_250] : memref<32x160x64xi32, #tpu.memory_space<hbm>> -> memref<1x1x64xi32, #tpu.memory_space<hbm>>
        %dma_start3A_252 = tpu.memref_squeeze %dma_start3A_251 : memref<1x1x64xi32, #tpu.memory_space<hbm>> -> memref<64xi32, #tpu.memory_space<hbm>>
        %dma_start3A_253 = arith.constant 0 : i32
        %dma_start3A_254 = tpu.memref_slice %arg5[%add3A, %min3A_249, %dma_start3A_253] : memref<32x160x64xi32, #tpu.memory_space<hbm>> -> memref<1x1x64xi32, #tpu.memory_space<hbm>>
        %dma_start3A_255 = tpu.memref_squeeze %dma_start3A_254 : memref<1x1x64xi32, #tpu.memory_space<hbm>> -> memref<64xi32, #tpu.memory_space<hbm>>
        tpu.enqueue_dma source(%dma_start3A_255 : memref<64xi32, #tpu.memory_space<hbm>>) target(%arg17 : memref<64xi32, #tpu.memory_space<vmem>>) target_semaphore(%arg30 : memref<!tpu.dma_semaphore, #tpu.memory_space<semaphore_mem>>)
        %dma_start3A_256 = arith.constant 0 : i32
        %dma_start3A_257 = tpu.memref_slice %arg6[%add3A, %min3A_249, %dma_start3A_256] : memref<32x160x64xi32, #tpu.memory_space<hbm>> -> memref<1x1x64xi32, #tpu.memory_space<hbm>>
        %dma_start3A_258 = tpu.memref_squeeze %dma_start3A_257 : memref<1x1x64xi32, #tpu.memory_space<hbm>> -> memref<64xi32, #tpu.memory_space<hbm>>
        %dma_start3A_259 = arith.constant 0 : i32
        %dma_start3A_260 = tpu.memref_slice %arg6[%add3A, %min3A_249, %dma_start3A_259] : memref<32x160x64xi32, #tpu.memory_space<hbm>> -> memref<1x1x64xi32, #tpu.memory_space<hbm>>
        %dma_start3A_261 = tpu.memref_squeeze %dma_start3A_260 : memref<1x1x64xi32, #tpu.memory_space<hbm>> -> memref<64xi32, #tpu.memory_space<hbm>>
        tpu.enqueue_dma source(%dma_start3A_261 : memref<64xi32, #tpu.memory_space<hbm>>) target(%arg21 : memref<64xi32, #tpu.memory_space<vmem>>) target_semaphore(%arg34 : memref<!tpu.dma_semaphore, #tpu.memory_space<semaphore_mem>>)
      } else {
      }
    }
    %scan3A_102 = arith.constant 40 : i32
    %dma_wait3A_103 = arith.constant 0 : i32
    %dma_wait3A_104 = arith.constant 0 : i32
    %dma_wait3A_105 = tpu.memref_slice %arg26[%dma_wait3A_103, %dma_wait3A_104] : memref<10240x128xf32, #tpu.memory_space<vmem_shared>> -> memref<10240x128xf32, #tpu.memory_space<vmem_shared>>
    tpu.wait_indirect_dma semaphore(%arg38 : memref<!tpu.dma_semaphore, #tpu.memory_space<semaphore_mem>>) src(%arg15 : memref<64x128xf32, #tpu.memory_space<vmem>>) dst(%dma_wait3A_105 : memref<10240x128xf32, #tpu.memory_space<vmem_shared>>)
    "tpu.region"() ({
      %run_scoped3A = tpu.sem_alloc : memref<!tpu.dma_semaphore, #tpu.memory_space<semaphore_mem>>
      %dma_start3A_111 = arith.constant 0 : i32
      %dma_start3A_112 = tpu.memref_slice %arg9[%add3A, %dma_start3A_111] : memref<32x10240xf32, #tpu.memory_space<hbm>> -> memref<1x10240xf32, #tpu.memory_space<hbm>>
      %dma_start3A_113 = tpu.memref_squeeze %dma_start3A_112 : memref<1x10240xf32, #tpu.memory_space<hbm>> -> memref<10240xf32, #tpu.memory_space<hbm>>
      %dma_start3A_114 = arith.constant 0 : i32
      %dma_start3A_115 = tpu.memref_slice %arg9[%add3A, %dma_start3A_114] : memref<32x10240xf32, #tpu.memory_space<hbm>> -> memref<1x10240xf32, #tpu.memory_space<hbm>>
      %dma_start3A_116 = tpu.memref_squeeze %dma_start3A_115 : memref<1x10240xf32, #tpu.memory_space<hbm>> -> memref<10240xf32, #tpu.memory_space<hbm>>
      tpu.enqueue_dma source(%arg12 : memref<10240xf32, #tpu.memory_space<vmem>>) target(%dma_start3A_116 : memref<10240xf32, #tpu.memory_space<hbm>>) target_semaphore(%run_scoped3A : memref<!tpu.dma_semaphore, #tpu.memory_space<semaphore_mem>>)
      %dma_wait3A_117 = arith.constant 0 : i32
      %dma_wait3A_118 = tpu.memref_slice %arg9[%add3A, %dma_wait3A_117] : memref<32x10240xf32, #tpu.memory_space<hbm>> -> memref<1x10240xf32, #tpu.memory_space<hbm>>
      %dma_wait3A_119 = tpu.memref_squeeze %dma_wait3A_118 : memref<1x10240xf32, #tpu.memory_space<hbm>> -> memref<10240xf32, #tpu.memory_space<hbm>>
      %dma_wait3A_120 = arith.constant 0 : i32
      %dma_wait3A_121 = tpu.memref_slice %arg9[%add3A, %dma_wait3A_120] : memref<32x10240xf32, #tpu.memory_space<hbm>> -> memref<1x10240xf32, #tpu.memory_space<hbm>>
      %dma_wait3A_122 = tpu.memref_squeeze %dma_wait3A_121 : memref<1x10240xf32, #tpu.memory_space<hbm>> -> memref<10240xf32, #tpu.memory_space<hbm>>
      tpu.wait_dma2 semaphore(%run_scoped3A : memref<!tpu.dma_semaphore, #tpu.memory_space<semaphore_mem>>) src(%arg12 : memref<10240xf32, #tpu.memory_space<vmem>>) dst(%dma_wait3A_122 : memref<10240xf32, #tpu.memory_space<hbm>>)
      tpu.yield
    }) : () -> ()
    %barrier3A_106 = arith.constant 0 : index
    tpu.barrier barrier_id(%barrier3A_106)
    %mul3A_107 = arith.constant 640 : i32
    %mul3A_108 = arith.muli %arg1, %mul3A_107 : i32
    %mul3A_109 = arith.constant 640 : i32
    %mul3A_110 = arith.muli %arg1, %mul3A_109 : i32
    "tpu.region"() ({
      %run_scoped3A = tpu.sem_alloc : memref<!tpu.dma_semaphore, #tpu.memory_space<semaphore_mem>>
      %dma_start3A_111 = arith.constant 0 : i32
      %dma_start3A_112 = tpu.memref_slice %arg8[%arg0, %mul3A_110, %dma_start3A_111] : memref<2x10240x128xf32, #tpu.memory_space<hbm>> -> memref<1x640x128xf32, #tpu.memory_space<hbm>>
      %dma_start3A_113 = tpu.memref_squeeze %dma_start3A_112 : memref<1x640x128xf32, #tpu.memory_space<hbm>> -> memref<640x128xf32, #tpu.memory_space<hbm>>
      %dma_start3A_114 = arith.constant 0 : i32
      %dma_start3A_115 = tpu.memref_slice %arg26[%mul3A_108, %dma_start3A_114] : memref<10240x128xf32, #tpu.memory_space<vmem_shared>> -> memref<640x128xf32, #tpu.memory_space<vmem_shared>>
      tpu.enqueue_dma source(%dma_start3A_115 : memref<640x128xf32, #tpu.memory_space<vmem_shared>>) target(%dma_start3A_113 : memref<640x128xf32, #tpu.memory_space<hbm>>) target_semaphore(%run_scoped3A : memref<!tpu.dma_semaphore, #tpu.memory_space<semaphore_mem>>)
      %dma_wait3A_116 = arith.constant 0 : i32
      %dma_wait3A_117 = tpu.memref_slice %arg8[%arg0, %mul3A_110, %dma_wait3A_116] : memref<2x10240x128xf32, #tpu.memory_space<hbm>> -> memref<1x640x128xf32, #tpu.memory_space<hbm>>
      %dma_wait3A_118 = tpu.memref_squeeze %dma_wait3A_117 : memref<1x640x128xf32, #tpu.memory_space<hbm>> -> memref<640x128xf32, #tpu.memory_space<hbm>>
      %dma_wait3A_119 = arith.constant 0 : i32
      %dma_wait3A_120 = tpu.memref_slice %arg26[%mul3A_108, %dma_wait3A_119] : memref<10240x128xf32, #tpu.memory_space<vmem_shared>> -> memref<640x128xf32, #tpu.memory_space<vmem_shared>>
      tpu.wait_dma2 semaphore(%run_scoped3A : memref<!tpu.dma_semaphore, #tpu.memory_space<semaphore_mem>>) src(%dma_wait3A_120 : memref<640x128xf32, #tpu.memory_space<vmem_shared>>) dst(%dma_wait3A_118 : memref<640x128xf32, #tpu.memory_space<hbm>>)
      tpu.yield
    }) : () -> ()
    return
  }
}

module attributes {stable_mosaic.version = 14 : i64} {
  func.func @_tc1_body(%arg0: i32, %arg1: memref<1024x128xf32, #tpu.memory_space<vmem>>, %arg2: memref<128x128xf32, #tpu.memory_space<vmem>>, %arg3: memref<1x128xf32, #tpu.memory_space<vmem>>, %arg4: memref<1x128xf32, #tpu.memory_space<vmem>>, %arg5: memref<128x128xf32, #tpu.memory_space<vmem>>, %arg6: memref<1024x128xf32, #tpu.memory_space<vmem>>, %arg7: memref<1024x128xf32, #tpu.memory_space<vmem>>, %arg8: memref<1x1x1024xf32, #tpu.memory_space<vmem>>, %arg9: memref<1x1x1024xf32, #tpu.memory_space<vmem>>, %arg10: memref<1x128xf32, #tpu.memory_space<vmem>>, %arg11: memref<1x1xf32, #tpu.memory_space<smem>>, %arg12: memref<1x1xf32, #tpu.memory_space<smem>>) attributes {dimension_semantics = [#tpu.dimension_semantics<arbitrary>], iteration_bounds = array<i64: 10>, scalar_prefetch = 0 : i64, scratch_operands = 2 : i64, tpu.core_type = #tpu.core_type<tc>, window_params = [{transform_indices = @transform_0, window_bounds = array<i64: 1024, 128>}, {pipeline_mode = #tpu.pipeline_mode<synchronous>, transform_indices = @transform_1, window_bounds = array<i64: 128, 128>}, {pipeline_mode = #tpu.pipeline_mode<synchronous>, transform_indices = @transform_2, window_bounds = array<i64: 1, 128>}, {pipeline_mode = #tpu.pipeline_mode<synchronous>, transform_indices = @transform_3, window_bounds = array<i64: 1, 128>}, {pipeline_mode = #tpu.pipeline_mode<synchronous>, transform_indices = @transform_4, window_bounds = array<i64: 128, 128>}, {transform_indices = @transform_5, window_bounds = array<i64: 1024, 128>}, {transform_indices = @transform_6, window_bounds = array<i64: 1024, 128>}, {transform_indices = @transform_7, window_bounds = array<i64: 1, 1, 1024>}, {transform_indices = @transform_8, window_bounds = array<i64: 1, 1, 1024>}, {pipeline_mode = #tpu.pipeline_mode<synchronous>, transform_indices = @transform_9, window_bounds = array<i64: 1, 128>}]} {
    %get3A = arith.constant 0 : index
    %get3A_0 = arith.constant 0 : index
    %get3A_1 = vector.load %arg1[%get3A, %get3A_0] : memref<1024x128xf32, #tpu.memory_space<vmem>>, vector<1024x128xf32>
    %get3A_2 = arith.constant 0 : index
    %get3A_3 = arith.constant 0 : index
    %get3A_4 = vector.load %arg2[%get3A_2, %get3A_3] : memref<128x128xf32, #tpu.memory_space<vmem>>, vector<128x128xf32>
    %dot_general3A = arith.constant dense<0.000000e+00> : vector<1024x128xf32>
    %dot_general3A_5 = tpu.matmul %get3A_1, %get3A_4, %dot_general3A {dimension_numbers = #tpu.dot_dimension_numbers<[1], [0], [0], [1], [0, 0, 1, 1], [], []>, precision = #tpu.contract_precision<fp32>, transpose_lhs_hint = false} : vector<1024x128xf32>, vector<128x128xf32>, vector<1024x128xf32> -> vector<1024x128xf32>
    %swap3A = arith.constant 0 : index
    %swap3A_6 = arith.constant 0 : index
    %swap3A_7 = vector.load %arg6[%swap3A, %swap3A_6] : memref<1024x128xf32, #tpu.memory_space<vmem>>, vector<1024x128xf32>
    tpu.vector_store %arg6[%swap3A, %swap3A_6], %dot_general3A_5 {strides = array<i32>} : memref<1024x128xf32, #tpu.memory_space<vmem>>, vector<1024x128xf32>,
    %get3A_8 = arith.constant 0 : index
    %get3A_9 = arith.constant 0 : index
    %get3A_10 = vector.load %arg5[%get3A_8, %get3A_9] : memref<128x128xf32, #tpu.memory_space<vmem>>, vector<128x128xf32>
    %dot_general3A_11 = arith.constant dense<0.000000e+00> : vector<1024x128xf32>
    %dot_general3A_12 = tpu.matmul %get3A_1, %get3A_10, %dot_general3A_11 {dimension_numbers = #tpu.dot_dimension_numbers<[1], [1], [0], [0], [0, 0, 1, 0], [], []>, precision = #tpu.contract_precision<fp32>, transpose_lhs_hint = false} : vector<1024x128xf32>, vector<128x128xf32>, vector<1024x128xf32> -> vector<1024x128xf32>
    %swap3A_13 = arith.constant 0 : index
    %swap3A_14 = arith.constant 0 : index
    %swap3A_15 = vector.load %arg7[%swap3A_13, %swap3A_14] : memref<1024x128xf32, #tpu.memory_space<vmem>>, vector<1024x128xf32>
    tpu.vector_store %arg7[%swap3A_13, %swap3A_14], %dot_general3A_12 {strides = array<i32>} : memref<1024x128xf32, #tpu.memory_space<vmem>>, vector<1024x128xf32>,
    %get3A_16 = arith.constant 0 : index
    %get3A_17 = arith.constant 0 : index
    %get3A_18 = vector.load %arg3[%get3A_16, %get3A_17] : memref<1x128xf32, #tpu.memory_space<vmem>>, vector<1x128xf32>
    %mul3A = vector.broadcast %get3A_18 : vector<1x128xf32> to vector<1024x128xf32>
    %mul3A_19 = arith.mulf %dot_general3A_5, %mul3A : vector<1024x128xf32>
    %reduce_sum3A = arith.constant dense<0.000000e+00> : vector<1024xf32>
    %reduce_sum3A_20 = vector.multi_reduction <add>, %mul3A_19, %reduce_sum3A [1] : vector<1024x128xf32> to vector<1024xf32>
    %get3A_21 = arith.constant 0 : index
    %get3A_22 = arith.constant 0 : index
    %get3A_23 = vector.load %arg4[%get3A_21, %get3A_22] : memref<1x128xf32, #tpu.memory_space<vmem>>, vector<1x128xf32>
    %mul3A_24 = vector.broadcast %get3A_23 : vector<1x128xf32> to vector<1024x128xf32>
    %mul3A_25 = arith.mulf %dot_general3A_5, %mul3A_24 : vector<1024x128xf32>
    %reduce_sum3A_26 = arith.constant dense<0.000000e+00> : vector<1024xf32>
    %reduce_sum3A_27 = vector.multi_reduction <add>, %mul3A_25, %reduce_sum3A_26 [1] : vector<1024x128xf32> to vector<1024xf32>
    %reshape3A = vector.shape_cast %reduce_sum3A_20 : vector<1024xf32> to vector<1x1x1024xf32>
    %swap3A_28 = arith.constant 0 : index
    %swap3A_29 = arith.constant 0 : index
    %swap3A_30 = arith.constant 0 : index
    %swap3A_31 = vector.load %arg8[%swap3A_28, %swap3A_29, %swap3A_30] : memref<1x1x1024xf32, #tpu.memory_space<vmem>>, vector<1x1x1024xf32>
    tpu.vector_store %arg8[%swap3A_28, %swap3A_29, %swap3A_30], %reshape3A {strides = array<i32>} : memref<1x1x1024xf32, #tpu.memory_space<vmem>>, vector<1x1x1024xf32>,
    %reshape3A_32 = vector.shape_cast %reduce_sum3A_27 : vector<1024xf32> to vector<1x1x1024xf32>
    %swap3A_33 = arith.constant 0 : index
    %swap3A_34 = arith.constant 0 : index
    %swap3A_35 = arith.constant 0 : index
    %swap3A_36 = vector.load %arg9[%swap3A_33, %swap3A_34, %swap3A_35] : memref<1x1x1024xf32, #tpu.memory_space<vmem>>, vector<1x1x1024xf32>
    tpu.vector_store %arg9[%swap3A_33, %swap3A_34, %swap3A_35], %reshape3A_32 {strides = array<i32>} : memref<1x1x1024xf32, #tpu.memory_space<vmem>>, vector<1x1x1024xf32>,
    %eq3A = arith.constant 0 : i32
    %eq3A_37 = arith.cmpi eq, %arg0, %eq3A : i32
    %convert_element_type3A = arith.extui %eq3A_37 : i1 to i32
    %cond3A = arith.constant 0 : i32
    %cond3A_38 = arith.cmpi ne, %convert_element_type3A, %cond3A : i32
    scf.if %cond3A_38 {
      %swap3A_66 = arith.constant -1.000000e+30 : f32
      %swap3A_67 = arith.constant 0 : index
      %swap3A_68 = arith.constant 0 : index
      %swap3A_69 = memref.load %arg11[%swap3A_67, %swap3A_68] : memref<1x1xf32, #tpu.memory_space<smem>>
      memref.store %swap3A_66, %arg11[%swap3A_67, %swap3A_68] : memref<1x1xf32, #tpu.memory_space<smem>>
      %swap3A_70 = arith.constant -1.000000e+30 : f32
      %swap3A_71 = arith.constant 0 : index
      %swap3A_72 = arith.constant 0 : index
      %swap3A_73 = memref.load %arg12[%swap3A_71, %swap3A_72] : memref<1x1xf32, #tpu.memory_space<smem>>
      memref.store %swap3A_70, %arg12[%swap3A_71, %swap3A_72] : memref<1x1xf32, #tpu.memory_space<smem>>
    } else {
    }
    %get3A_39 = arith.constant 0 : index
    %get3A_40 = arith.constant 0 : index
    %get3A_41 = memref.load %arg11[%get3A_39, %get3A_40] : memref<1x1xf32, #tpu.memory_space<smem>>
    %reduce_max3A = vector.shape_cast %reduce_sum3A_20 : vector<1024xf32> to vector<1x1024xf32>
    %reduce_max3A_42 = arith.constant dense<0xFF800000> : vector<1xf32>
    %reduce_max3A_43 = vector.multi_reduction <maximumf>, %reduce_max3A, %reduce_max3A_42 [1] : vector<1x1024xf32> to vector<1xf32>
    %reduce_max3A_44 = vector.shape_cast %reduce_max3A_43 : vector<1xf32> to vector<1x1xf32>
    %reduce_max3A_45 = vector.extract %reduce_max3A_44[0, 0] : f32 from vector<1x1xf32>
    %max3A = arith.maximumf %get3A_41, %reduce_max3A_45 : f32
    %swap3A_46 = arith.constant 0 : index
    %swap3A_47 = arith.constant 0 : index
    %swap3A_48 = memref.load %arg11[%swap3A_46, %swap3A_47] : memref<1x1xf32, #tpu.memory_space<smem>>
    memref.store %max3A, %arg11[%swap3A_46, %swap3A_47] : memref<1x1xf32, #tpu.memory_space<smem>>
    %get3A_49 = arith.constant 0 : index
    %get3A_50 = arith.constant 0 : index
    %get3A_51 = memref.load %arg12[%get3A_49, %get3A_50] : memref<1x1xf32, #tpu.memory_space<smem>>
    %reduce_max3A_52 = vector.shape_cast %reduce_sum3A_27 : vector<1024xf32> to vector<1x1024xf32>
    %reduce_max3A_53 = arith.constant dense<0xFF800000> : vector<1xf32>
    %reduce_max3A_54 = vector.multi_reduction <maximumf>, %reduce_max3A_52, %reduce_max3A_53 [1] : vector<1x1024xf32> to vector<1xf32>
    %reduce_max3A_55 = vector.shape_cast %reduce_max3A_54 : vector<1xf32> to vector<1x1xf32>
    %reduce_max3A_56 = vector.extract %reduce_max3A_55[0, 0] : f32 from vector<1x1xf32>
    %max3A_57 = arith.maximumf %get3A_51, %reduce_max3A_56 : f32
    %swap3A_58 = arith.constant 0 : index
    %swap3A_59 = arith.constant 0 : index
    %swap3A_60 = memref.load %arg12[%swap3A_58, %swap3A_59] : memref<1x1xf32, #tpu.memory_space<smem>>
    memref.store %max3A_57, %arg12[%swap3A_58, %swap3A_59] : memref<1x1xf32, #tpu.memory_space<smem>>
    %eq3A_61 = arith.constant 9 : i32
    %eq3A_62 = arith.cmpi eq, %arg0, %eq3A_61 : i32
    %convert_element_type3A_63 = arith.extui %eq3A_62 : i1 to i32
    %cond3A_64 = arith.constant 0 : i32
    %cond3A_65 = arith.cmpi ne, %convert_element_type3A_63, %cond3A_64 : i32
    scf.if %cond3A_65 {
      %get3A_66 = arith.constant 0 : index
      %get3A_67 = arith.constant 0 : index
      %get3A_68 = memref.load %arg11[%get3A_66, %get3A_67] : memref<1x1xf32, #tpu.memory_space<smem>>
      %get3A_69 = arith.constant 0 : index
      %get3A_70 = arith.constant 0 : index
      %get3A_71 = memref.load %arg12[%get3A_69, %get3A_70] : memref<1x1xf32, #tpu.memory_space<smem>>
      %add3A = arith.addf %get3A_68, %get3A_71 : f32
      %mul3A_72 = arith.constant 2.000000e-01 : f32
      %mul3A_73 = arith.mulf %mul3A_72, %add3A : f32
      %max3A_74 = arith.maximumf %add3A, %mul3A_73 : f32
      %broadcast_in_dim3A = vector.broadcast %max3A_74 : f32 to vector<1x128xf32>
      %swap3A_75 = arith.constant 0 : index
      %swap3A_76 = arith.constant 0 : index
      %swap3A_77 = vector.load %arg10[%swap3A_75, %swap3A_76] : memref<1x128xf32, #tpu.memory_space<vmem>>, vector<1x128xf32>
      tpu.vector_store %arg10[%swap3A_75, %swap3A_76], %broadcast_in_dim3A {strides = array<i32>} : memref<1x128xf32, #tpu.memory_space<vmem>>, vector<1x128xf32>,
    } else {
    }
    return
  }
  func.func @transform_0(%arg0: i32) -> (i32, i32) {
    %c0_i32 = arith.constant 0 : i32
    %c0_i32_0 = arith.constant 0 : i32
    return %arg0, %c0_i32 : i32, i32
  }
  func.func @transform_1(%arg0: i32) -> (i32, i32) {
    %c0_i32 = arith.constant 0 : i32
    %c0_i32_0 = arith.constant 0 : i32
    %c0_i32_1 = arith.constant 0 : i32
    return %c0_i32, %c0_i32_0 : i32, i32
  }
  func.func @transform_2(%arg0: i32) -> (i32, i32) {
    %c0_i32 = arith.constant 0 : i32
    %c0_i32_0 = arith.constant 0 : i32
    %c0_i32_1 = arith.constant 0 : i32
    return %c0_i32, %c0_i32_0 : i32, i32
  }
  func.func @transform_3(%arg0: i32) -> (i32, i32) {
    %c0_i32 = arith.constant 0 : i32
    %c0_i32_0 = arith.constant 0 : i32
    %c0_i32_1 = arith.constant 0 : i32
    return %c0_i32, %c0_i32_0 : i32, i32
  }
  func.func @transform_4(%arg0: i32) -> (i32, i32) {
    %c0_i32 = arith.constant 0 : i32
    %c0_i32_0 = arith.constant 0 : i32
    %c0_i32_1 = arith.constant 0 : i32
    return %c0_i32, %c0_i32_0 : i32, i32
  }
  func.func @transform_5(%arg0: i32) -> (i32, i32) {
    %c0_i32 = arith.constant 0 : i32
    %c0_i32_0 = arith.constant 0 : i32
    return %arg0, %c0_i32 : i32, i32
  }
  func.func @transform_6(%arg0: i32) -> (i32, i32) {
    %c0_i32 = arith.constant 0 : i32
    %c0_i32_0 = arith.constant 0 : i32
    return %arg0, %c0_i32 : i32, i32
  }
  func.func @transform_7(%arg0: i32) -> (i32, i32, i32) {
    %c0_i32 = arith.constant 0 : i32
    %c0_i32_0 = arith.constant 0 : i32
    %c0_i32_1 = arith.constant 0 : i32
    return %arg0, %c0_i32, %c0_i32_0 : i32, i32, i32
  }
  func.func @transform_8(%arg0: i32) -> (i32, i32, i32) {
    %c0_i32 = arith.constant 0 : i32
    %c0_i32_0 = arith.constant 0 : i32
    %c0_i32_1 = arith.constant 0 : i32
    return %arg0, %c0_i32, %c0_i32_0 : i32, i32, i32
  }
  func.func @transform_9(%arg0: i32) -> (i32, i32) {
    %c0_i32 = arith.constant 0 : i32
    %c0_i32_0 = arith.constant 0 : i32
    %c0_i32_1 = arith.constant 0 : i32
    return %c0_i32, %c0_i32_0 : i32, i32
  }
}

module attributes {stable_mosaic.version = 14 : i64} {
  func.func @_tc2_body(%arg0: i32, %arg1: memref<2x1024x128xf32, #tpu.memory_space<vmem>>, %arg2: memref<32x1024xf32, #tpu.memory_space<vmem>>, %arg3: memref<1024x128xf32, #tpu.memory_space<vmem>>, %arg4: memref<1x128xf32, #tpu.memory_space<vmem>>, %arg5: memref<1x128xf32, #tpu.memory_space<vmem>>, %arg6: memref<128x128xf32, #tpu.memory_space<vmem>>, %arg7: memref<1x128xf32, #tpu.memory_space<vmem>>, %arg8: memref<1x128xf32, #tpu.memory_space<vmem>>, %arg9: memref<128x128xf32, #tpu.memory_space<vmem>>, %arg10: memref<1024x128xf32, #tpu.memory_space<vmem>>, %arg11: memref<1024x128xf32, #tpu.memory_space<vmem>>, %arg12: memref<1x1x1024xf32, #tpu.memory_space<vmem>>, %arg13: memref<1x1x1024xf32, #tpu.memory_space<vmem>>, %arg14: memref<1x128xf32, #tpu.memory_space<vmem>>, %arg15: memref<1x1xf32, #tpu.memory_space<smem>>, %arg16: memref<1x1xf32, #tpu.memory_space<smem>>) attributes {dimension_semantics = [#tpu.dimension_semantics<arbitrary>], iteration_bounds = array<i64: 10>, scalar_prefetch = 0 : i64, scratch_operands = 2 : i64, tpu.core_type = #tpu.core_type<tc>, window_params = [{transform_indices = @transform_0, window_bounds = array<i64: 2, 1024, 128>}, {transform_indices = @transform_1, window_bounds = array<i64: 32, 1024>}, {transform_indices = @transform_2, window_bounds = array<i64: 1024, 128>}, {pipeline_mode = #tpu.pipeline_mode<synchronous>, transform_indices = @transform_3, window_bounds = array<i64: 1, 128>}, {pipeline_mode = #tpu.pipeline_mode<synchronous>, transform_indices = @transform_4, window_bounds = array<i64: 1, 128>}, {pipeline_mode = #tpu.pipeline_mode<synchronous>, transform_indices = @transform_5, window_bounds = array<i64: 128, 128>}, {pipeline_mode = #tpu.pipeline_mode<synchronous>, transform_indices = @transform_6, window_bounds = array<i64: 1, 128>}, {pipeline_mode = #tpu.pipeline_mode<synchronous>, transform_indices = @transform_7, window_bounds = array<i64: 1, 128>}, {pipeline_mode = #tpu.pipeline_mode<synchronous>, transform_indices = @transform_8, window_bounds = array<i64: 128, 128>}, {transform_indices = @transform_9, window_bounds = array<i64: 1024, 128>}, {transform_indices = @transform_10, window_bounds = array<i64: 1024, 128>}, {transform_indices = @transform_11, window_bounds = array<i64: 1, 1, 1024>}, {transform_indices = @transform_12, window_bounds = array<i64: 1, 1, 1024>}, {pipeline_mode = #tpu.pipeline_mode<synchronous>, transform_indices = @transform_13, window_bounds = array<i64: 1, 128>}]} {
    %get3A = arith.constant 0 : index
    %get3A_0 = arith.constant 0 : index
    %get3A_1 = arith.constant 0 : index
    %get3A_2 = vector.load %arg1[%get3A, %get3A_0, %get3A_1] : memref<2x1024x128xf32, #tpu.memory_space<vmem>>, vector<1x1024x128xf32>
    %get3A_3 = vector.shape_cast %get3A_2 : vector<1x1024x128xf32> to vector<1024x128xf32>
    %get3A_4 = arith.constant 1 : index
    %get3A_5 = arith.constant 0 : index
    %get3A_6 = arith.constant 0 : index
    %get3A_7 = vector.load %arg1[%get3A_4, %get3A_5, %get3A_6] : memref<2x1024x128xf32, #tpu.memory_space<vmem>>, vector<1x1024x128xf32>
    %get3A_8 = vector.shape_cast %get3A_7 : vector<1x1024x128xf32> to vector<1024x128xf32>
    %add3A = arith.addf %get3A_3, %get3A_8 : vector<1024x128xf32>
    %get3A_9 = arith.constant 0 : index
    %get3A_10 = arith.constant 0 : index
    %get3A_11 = vector.load %arg2[%get3A_9, %get3A_10] : memref<32x1024xf32, #tpu.memory_space<vmem>>, vector<32x1024xf32>
    %reduce_sum3A = arith.constant dense<0.000000e+00> : vector<1024xf32>
    %reduce_sum3A_12 = vector.multi_reduction <add>, %get3A_11, %reduce_sum3A [0] : vector<32x1024xf32> to vector<1024xf32>
    %add3A_13 = arith.constant 1.000000e-16 : f32
    %add3A_14 = vector.broadcast %add3A_13 : f32 to vector<1024xf32>
    %add3A_15 = arith.addf %reduce_sum3A_12, %add3A_14 : vector<1024xf32>
    %broadcast_in_dim3A = vector.shape_cast %add3A_15 : vector<1024xf32> to vector<1024x1xf32>
    %div3A = vector.broadcast %broadcast_in_dim3A : vector<1024x1xf32> to vector<1024x128xf32>
    %div3A_16 = arith.divf %add3A, %div3A : vector<1024x128xf32>
    %get3A_17 = arith.constant 0 : index
    %get3A_18 = arith.constant 0 : index
    %get3A_19 = vector.load %arg4[%get3A_17, %get3A_18] : memref<1x128xf32, #tpu.memory_space<vmem>>, vector<1x128xf32>
    %add3A_20 = vector.broadcast %get3A_19 : vector<1x128xf32> to vector<1024x128xf32>
    %add3A_21 = arith.addf %div3A_16, %add3A_20 : vector<1024x128xf32>
    %get3A_22 = arith.constant 0 : index
    %get3A_23 = arith.constant 0 : index
    %get3A_24 = vector.load %arg3[%get3A_22, %get3A_23] : memref<1024x128xf32, #tpu.memory_space<vmem>>, vector<1024x128xf32>
    %add3A_25 = arith.addf %add3A_21, %get3A_24 : vector<1024x128xf32>
    %get3A_26 = arith.constant 0 : index
    %get3A_27 = arith.constant 0 : index
    %get3A_28 = vector.load %arg5[%get3A_26, %get3A_27] : memref<1x128xf32, #tpu.memory_space<vmem>>, vector<1x128xf32>
    %add3A_29 = vector.broadcast %get3A_28 : vector<1x128xf32> to vector<1024x128xf32>
    %add3A_30 = arith.addf %add3A_25, %add3A_29 : vector<1024x128xf32>
    %max3A = arith.constant 0.000000e+00 : f32
    %max3A_31 = vector.broadcast %max3A : f32 to vector<1024x128xf32>
    %max3A_32 = arith.maximumf %add3A_30, %max3A_31 : vector<1024x128xf32>
    %get3A_33 = arith.constant 0 : index
    %get3A_34 = arith.constant 0 : index
    %get3A_35 = vector.load %arg6[%get3A_33, %get3A_34] : memref<128x128xf32, #tpu.memory_space<vmem>>, vector<128x128xf32>
    %dot_general3A = arith.constant dense<0.000000e+00> : vector<1024x128xf32>
    %dot_general3A_36 = tpu.matmul %max3A_32, %get3A_35, %dot_general3A {dimension_numbers = #tpu.dot_dimension_numbers<[1], [0], [0], [1], [0, 0, 1, 1], [], []>, precision = #tpu.contract_precision<fp32>, transpose_lhs_hint = false} : vector<1024x128xf32>, vector<128x128xf32>, vector<1024x128xf32> -> vector<1024x128xf32>
    %swap3A = arith.constant 0 : index
    %swap3A_37 = arith.constant 0 : index
    %swap3A_38 = vector.load %arg10[%swap3A, %swap3A_37] : memref<1024x128xf32, #tpu.memory_space<vmem>>, vector<1024x128xf32>
    tpu.vector_store %arg10[%swap3A, %swap3A_37], %dot_general3A_36 {strides = array<i32>} : memref<1024x128xf32, #tpu.memory_space<vmem>>, vector<1024x128xf32>,
    %get3A_39 = arith.constant 0 : index
    %get3A_40 = arith.constant 0 : index
    %get3A_41 = vector.load %arg9[%get3A_39, %get3A_40] : memref<128x128xf32, #tpu.memory_space<vmem>>, vector<128x128xf32>
    %dot_general3A_42 = arith.constant dense<0.000000e+00> : vector<1024x128xf32>
    %dot_general3A_43 = tpu.matmul %max3A_32, %get3A_41, %dot_general3A_42 {dimension_numbers = #tpu.dot_dimension_numbers<[1], [1], [0], [0], [0, 0, 1, 0], [], []>, precision = #tpu.contract_precision<fp32>, transpose_lhs_hint = false} : vector<1024x128xf32>, vector<128x128xf32>, vector<1024x128xf32> -> vector<1024x128xf32>
    %swap3A_44 = arith.constant 0 : index
    %swap3A_45 = arith.constant 0 : index
    %swap3A_46 = vector.load %arg11[%swap3A_44, %swap3A_45] : memref<1024x128xf32, #tpu.memory_space<vmem>>, vector<1024x128xf32>
    tpu.vector_store %arg11[%swap3A_44, %swap3A_45], %dot_general3A_43 {strides = array<i32>} : memref<1024x128xf32, #tpu.memory_space<vmem>>, vector<1024x128xf32>,
    %get3A_47 = arith.constant 0 : index
    %get3A_48 = arith.constant 0 : index
    %get3A_49 = vector.load %arg7[%get3A_47, %get3A_48] : memref<1x128xf32, #tpu.memory_space<vmem>>, vector<1x128xf32>
    %mul3A = vector.broadcast %get3A_49 : vector<1x128xf32> to vector<1024x128xf32>
    %mul3A_50 = arith.mulf %dot_general3A_36, %mul3A : vector<1024x128xf32>
    %reduce_sum3A_51 = arith.constant dense<0.000000e+00> : vector<1024xf32>
    %reduce_sum3A_52 = vector.multi_reduction <add>, %mul3A_50, %reduce_sum3A_51 [1] : vector<1024x128xf32> to vector<1024xf32>
    %get3A_53 = arith.constant 0 : index
    %get3A_54 = arith.constant 0 : index
    %get3A_55 = vector.load %arg8[%get3A_53, %get3A_54] : memref<1x128xf32, #tpu.memory_space<vmem>>, vector<1x128xf32>
    %mul3A_56 = vector.broadcast %get3A_55 : vector<1x128xf32> to vector<1024x128xf32>
    %mul3A_57 = arith.mulf %dot_general3A_36, %mul3A_56 : vector<1024x128xf32>
    %reduce_sum3A_58 = arith.constant dense<0.000000e+00> : vector<1024xf32>
    %reduce_sum3A_59 = vector.multi_reduction <add>, %mul3A_57, %reduce_sum3A_58 [1] : vector<1024x128xf32> to vector<1024xf32>
    %reshape3A = vector.shape_cast %reduce_sum3A_52 : vector<1024xf32> to vector<1x1x1024xf32>
    %swap3A_60 = arith.constant 0 : index
    %swap3A_61 = arith.constant 0 : index
    %swap3A_62 = arith.constant 0 : index
    %swap3A_63 = vector.load %arg12[%swap3A_60, %swap3A_61, %swap3A_62] : memref<1x1x1024xf32, #tpu.memory_space<vmem>>, vector<1x1x1024xf32>
    tpu.vector_store %arg12[%swap3A_60, %swap3A_61, %swap3A_62], %reshape3A {strides = array<i32>} : memref<1x1x1024xf32, #tpu.memory_space<vmem>>, vector<1x1x1024xf32>,
    %reshape3A_64 = vector.shape_cast %reduce_sum3A_59 : vector<1024xf32> to vector<1x1x1024xf32>
    %swap3A_65 = arith.constant 0 : index
    %swap3A_66 = arith.constant 0 : index
    %swap3A_67 = arith.constant 0 : index
    %swap3A_68 = vector.load %arg13[%swap3A_65, %swap3A_66, %swap3A_67] : memref<1x1x1024xf32, #tpu.memory_space<vmem>>, vector<1x1x1024xf32>
    tpu.vector_store %arg13[%swap3A_65, %swap3A_66, %swap3A_67], %reshape3A_64 {strides = array<i32>} : memref<1x1x1024xf32, #tpu.memory_space<vmem>>, vector<1x1x1024xf32>,
    %eq3A = arith.constant 0 : i32
    %eq3A_69 = arith.cmpi eq, %arg0, %eq3A : i32
    %convert_element_type3A = arith.extui %eq3A_69 : i1 to i32
    %cond3A = arith.constant 0 : i32
    %cond3A_70 = arith.cmpi ne, %convert_element_type3A, %cond3A : i32
    scf.if %cond3A_70 {
      %swap3A_99 = arith.constant -1.000000e+30 : f32
      %swap3A_100 = arith.constant 0 : index
      %swap3A_101 = arith.constant 0 : index
      %swap3A_102 = memref.load %arg15[%swap3A_100, %swap3A_101] : memref<1x1xf32, #tpu.memory_space<smem>>
      memref.store %swap3A_99, %arg15[%swap3A_100, %swap3A_101] : memref<1x1xf32, #tpu.memory_space<smem>>
      %swap3A_103 = arith.constant -1.000000e+30 : f32
      %swap3A_104 = arith.constant 0 : index
      %swap3A_105 = arith.constant 0 : index
      %swap3A_106 = memref.load %arg16[%swap3A_104, %swap3A_105] : memref<1x1xf32, #tpu.memory_space<smem>>
      memref.store %swap3A_103, %arg16[%swap3A_104, %swap3A_105] : memref<1x1xf32, #tpu.memory_space<smem>>
    } else {
    }
    %get3A_71 = arith.constant 0 : index
    %get3A_72 = arith.constant 0 : index
    %get3A_73 = memref.load %arg15[%get3A_71, %get3A_72] : memref<1x1xf32, #tpu.memory_space<smem>>
    %reduce_max3A = vector.shape_cast %reduce_sum3A_52 : vector<1024xf32> to vector<1x1024xf32>
    %reduce_max3A_74 = arith.constant dense<0xFF800000> : vector<1xf32>
    %reduce_max3A_75 = vector.multi_reduction <maximumf>, %reduce_max3A, %reduce_max3A_74 [1] : vector<1x1024xf32> to vector<1xf32>
    %reduce_max3A_76 = vector.shape_cast %reduce_max3A_75 : vector<1xf32> to vector<1x1xf32>
    %reduce_max3A_77 = vector.extract %reduce_max3A_76[0, 0] : f32 from vector<1x1xf32>
    %max3A_78 = arith.maximumf %get3A_73, %reduce_max3A_77 : f32
    %swap3A_79 = arith.constant 0 : index
    %swap3A_80 = arith.constant 0 : index
    %swap3A_81 = memref.load %arg15[%swap3A_79, %swap3A_80] : memref<1x1xf32, #tpu.memory_space<smem>>
    memref.store %max3A_78, %arg15[%swap3A_79, %swap3A_80] : memref<1x1xf32, #tpu.memory_space<smem>>
    %get3A_82 = arith.constant 0 : index
    %get3A_83 = arith.constant 0 : index
    %get3A_84 = memref.load %arg16[%get3A_82, %get3A_83] : memref<1x1xf32, #tpu.memory_space<smem>>
    %reduce_max3A_85 = vector.shape_cast %reduce_sum3A_59 : vector<1024xf32> to vector<1x1024xf32>
    %reduce_max3A_86 = arith.constant dense<0xFF800000> : vector<1xf32>
    %reduce_max3A_87 = vector.multi_reduction <maximumf>, %reduce_max3A_85, %reduce_max3A_86 [1] : vector<1x1024xf32> to vector<1xf32>
    %reduce_max3A_88 = vector.shape_cast %reduce_max3A_87 : vector<1xf32> to vector<1x1xf32>
    %reduce_max3A_89 = vector.extract %reduce_max3A_88[0, 0] : f32 from vector<1x1xf32>
    %max3A_90 = arith.maximumf %get3A_84, %reduce_max3A_89 : f32
    %swap3A_91 = arith.constant 0 : index
    %swap3A_92 = arith.constant 0 : index
    %swap3A_93 = memref.load %arg16[%swap3A_91, %swap3A_92] : memref<1x1xf32, #tpu.memory_space<smem>>
    memref.store %max3A_90, %arg16[%swap3A_91, %swap3A_92] : memref<1x1xf32, #tpu.memory_space<smem>>
    %eq3A_94 = arith.constant 9 : i32
    %eq3A_95 = arith.cmpi eq, %arg0, %eq3A_94 : i32
    %convert_element_type3A_96 = arith.extui %eq3A_95 : i1 to i32
    %cond3A_97 = arith.constant 0 : i32
    %cond3A_98 = arith.cmpi ne, %convert_element_type3A_96, %cond3A_97 : i32
    scf.if %cond3A_98 {
      %get3A_99 = arith.constant 0 : index
      %get3A_100 = arith.constant 0 : index
      %get3A_101 = memref.load %arg15[%get3A_99, %get3A_100] : memref<1x1xf32, #tpu.memory_space<smem>>
      %get3A_102 = arith.constant 0 : index
      %get3A_103 = arith.constant 0 : index
      %get3A_104 = memref.load %arg16[%get3A_102, %get3A_103] : memref<1x1xf32, #tpu.memory_space<smem>>
      %add3A_105 = arith.addf %get3A_101, %get3A_104 : f32
      %mul3A_106 = arith.constant 2.000000e-01 : f32
      %mul3A_107 = arith.mulf %mul3A_106, %add3A_105 : f32
      %max3A_108 = arith.maximumf %add3A_105, %mul3A_107 : f32
      %broadcast_in_dim3A_109 = vector.broadcast %max3A_108 : f32 to vector<1x128xf32>
      %swap3A_110 = arith.constant 0 : index
      %swap3A_111 = arith.constant 0 : index
      %swap3A_112 = vector.load %arg14[%swap3A_110, %swap3A_111] : memref<1x128xf32, #tpu.memory_space<vmem>>, vector<1x128xf32>
      tpu.vector_store %arg14[%swap3A_110, %swap3A_111], %broadcast_in_dim3A_109 {strides = array<i32>} : memref<1x128xf32, #tpu.memory_space<vmem>>, vector<1x128xf32>,
    } else {
    }
    return
  }
  func.func @transform_0(%arg0: i32) -> (i32, i32, i32) {
    %c0_i32 = arith.constant 0 : i32
    %c0_i32_0 = arith.constant 0 : i32
    %c0_i32_1 = arith.constant 0 : i32
    return %c0_i32, %arg0, %c0_i32_0 : i32, i32, i32
  }
  func.func @transform_1(%arg0: i32) -> (i32, i32) {
    %c0_i32 = arith.constant 0 : i32
    %c0_i32_0 = arith.constant 0 : i32
    return %c0_i32, %arg0 : i32, i32
  }
  func.func @transform_2(%arg0: i32) -> (i32, i32) {
    %c0_i32 = arith.constant 0 : i32
    %c0_i32_0 = arith.constant 0 : i32
    return %arg0, %c0_i32 : i32, i32
  }
  func.func @transform_3(%arg0: i32) -> (i32, i32) {
    %c0_i32 = arith.constant 0 : i32
    %c0_i32_0 = arith.constant 0 : i32
    %c0_i32_1 = arith.constant 0 : i32
    return %c0_i32, %c0_i32_0 : i32, i32
  }
  func.func @transform_4(%arg0: i32) -> (i32, i32) {
    %c0_i32 = arith.constant 0 : i32
    %c0_i32_0 = arith.constant 0 : i32
    %c0_i32_1 = arith.constant 0 : i32
    return %c0_i32, %c0_i32_0 : i32, i32
  }
  func.func @transform_5(%arg0: i32) -> (i32, i32) {
    %c0_i32 = arith.constant 0 : i32
    %c0_i32_0 = arith.constant 0 : i32
    %c0_i32_1 = arith.constant 0 : i32
    return %c0_i32, %c0_i32_0 : i32, i32
  }
  func.func @transform_6(%arg0: i32) -> (i32, i32) {
    %c0_i32 = arith.constant 0 : i32
    %c0_i32_0 = arith.constant 0 : i32
    %c0_i32_1 = arith.constant 0 : i32
    return %c0_i32, %c0_i32_0 : i32, i32
  }
  func.func @transform_7(%arg0: i32) -> (i32, i32) {
    %c0_i32 = arith.constant 0 : i32
    %c0_i32_0 = arith.constant 0 : i32
    %c0_i32_1 = arith.constant 0 : i32
    return %c0_i32, %c0_i32_0 : i32, i32
  }
  func.func @transform_8(%arg0: i32) -> (i32, i32) {
    %c0_i32 = arith.constant 0 : i32
    %c0_i32_0 = arith.constant 0 : i32
    %c0_i32_1 = arith.constant 0 : i32
    return %c0_i32, %c0_i32_0 : i32, i32
  }
  func.func @transform_9(%arg0: i32) -> (i32, i32) {
    %c0_i32 = arith.constant 0 : i32
    %c0_i32_0 = arith.constant 0 : i32
    return %arg0, %c0_i32 : i32, i32
  }
  func.func @transform_10(%arg0: i32) -> (i32, i32) {
    %c0_i32 = arith.constant 0 : i32
    %c0_i32_0 = arith.constant 0 : i32
    return %arg0, %c0_i32 : i32, i32
  }
  func.func @transform_11(%arg0: i32) -> (i32, i32, i32) {
    %c0_i32 = arith.constant 0 : i32
    %c0_i32_0 = arith.constant 0 : i32
    %c0_i32_1 = arith.constant 0 : i32
    return %arg0, %c0_i32, %c0_i32_0 : i32, i32, i32
  }
  func.func @transform_12(%arg0: i32) -> (i32, i32, i32) {
    %c0_i32 = arith.constant 0 : i32
    %c0_i32_0 = arith.constant 0 : i32
    %c0_i32_1 = arith.constant 0 : i32
    return %arg0, %c0_i32, %c0_i32_0 : i32, i32, i32
  }
  func.func @transform_13(%arg0: i32) -> (i32, i32) {
    %c0_i32 = arith.constant 0 : i32
    %c0_i32_0 = arith.constant 0 : i32
    %c0_i32_1 = arith.constant 0 : i32
    return %c0_i32, %c0_i32_0 : i32, i32
  }
}

module attributes {stable_mosaic.version = 14 : i64} {
  func.func @_tc3_body(%arg0: i32, %arg1: memref<2x1024x128xf32, #tpu.memory_space<vmem>>, %arg2: memref<32x1024xf32, #tpu.memory_space<vmem>>, %arg3: memref<1024x128xf32, #tpu.memory_space<vmem>>, %arg4: memref<1x128xf32, #tpu.memory_space<vmem>>, %arg5: memref<1x128xf32, #tpu.memory_space<vmem>>, %arg6: memref<1024x128xf32, #tpu.memory_space<vmem>>) attributes {dimension_semantics = [#tpu.dimension_semantics<arbitrary>], iteration_bounds = array<i64: 10>, scalar_prefetch = 0 : i64, scratch_operands = 0 : i64, tpu.core_type = #tpu.core_type<tc>, window_params = [{transform_indices = @transform_0, window_bounds = array<i64: 2, 1024, 128>}, {transform_indices = @transform_1, window_bounds = array<i64: 32, 1024>}, {transform_indices = @transform_2, window_bounds = array<i64: 1024, 128>}, {pipeline_mode = #tpu.pipeline_mode<synchronous>, transform_indices = @transform_3, window_bounds = array<i64: 1, 128>}, {pipeline_mode = #tpu.pipeline_mode<synchronous>, transform_indices = @transform_4, window_bounds = array<i64: 1, 128>}, {transform_indices = @transform_5, window_bounds = array<i64: 1024, 128>}]} {
    %get3A = arith.constant 0 : index
    %get3A_0 = arith.constant 0 : index
    %get3A_1 = arith.constant 0 : index
    %get3A_2 = vector.load %arg1[%get3A, %get3A_0, %get3A_1] : memref<2x1024x128xf32, #tpu.memory_space<vmem>>, vector<1x1024x128xf32>
    %get3A_3 = vector.shape_cast %get3A_2 : vector<1x1024x128xf32> to vector<1024x128xf32>
    %get3A_4 = arith.constant 1 : index
    %get3A_5 = arith.constant 0 : index
    %get3A_6 = arith.constant 0 : index
    %get3A_7 = vector.load %arg1[%get3A_4, %get3A_5, %get3A_6] : memref<2x1024x128xf32, #tpu.memory_space<vmem>>, vector<1x1024x128xf32>
    %get3A_8 = vector.shape_cast %get3A_7 : vector<1x1024x128xf32> to vector<1024x128xf32>
    %add3A = arith.addf %get3A_3, %get3A_8 : vector<1024x128xf32>
    %get3A_9 = arith.constant 0 : index
    %get3A_10 = arith.constant 0 : index
    %get3A_11 = vector.load %arg2[%get3A_9, %get3A_10] : memref<32x1024xf32, #tpu.memory_space<vmem>>, vector<32x1024xf32>
    %reduce_sum3A = arith.constant dense<0.000000e+00> : vector<1024xf32>
    %reduce_sum3A_12 = vector.multi_reduction <add>, %get3A_11, %reduce_sum3A [0] : vector<32x1024xf32> to vector<1024xf32>
    %add3A_13 = arith.constant 1.000000e-16 : f32
    %add3A_14 = vector.broadcast %add3A_13 : f32 to vector<1024xf32>
    %add3A_15 = arith.addf %reduce_sum3A_12, %add3A_14 : vector<1024xf32>
    %broadcast_in_dim3A = vector.shape_cast %add3A_15 : vector<1024xf32> to vector<1024x1xf32>
    %div3A = vector.broadcast %broadcast_in_dim3A : vector<1024x1xf32> to vector<1024x128xf32>
    %div3A_16 = arith.divf %add3A, %div3A : vector<1024x128xf32>
    %get3A_17 = arith.constant 0 : index
    %get3A_18 = arith.constant 0 : index
    %get3A_19 = vector.load %arg4[%get3A_17, %get3A_18] : memref<1x128xf32, #tpu.memory_space<vmem>>, vector<1x128xf32>
    %add3A_20 = vector.broadcast %get3A_19 : vector<1x128xf32> to vector<1024x128xf32>
    %add3A_21 = arith.addf %div3A_16, %add3A_20 : vector<1024x128xf32>
    %get3A_22 = arith.constant 0 : index
    %get3A_23 = arith.constant 0 : index
    %get3A_24 = vector.load %arg3[%get3A_22, %get3A_23] : memref<1024x128xf32, #tpu.memory_space<vmem>>, vector<1024x128xf32>
    %add3A_25 = arith.addf %add3A_21, %get3A_24 : vector<1024x128xf32>
    %get3A_26 = arith.constant 0 : index
    %get3A_27 = arith.constant 0 : index
    %get3A_28 = vector.load %arg5[%get3A_26, %get3A_27] : memref<1x128xf32, #tpu.memory_space<vmem>>, vector<1x128xf32>
    %add3A_29 = vector.broadcast %get3A_28 : vector<1x128xf32> to vector<1024x128xf32>
    %add3A_30 = arith.addf %add3A_25, %add3A_29 : vector<1024x128xf32>
    %swap3A = arith.constant 0 : index
    %swap3A_31 = arith.constant 0 : index
    %swap3A_32 = vector.load %arg6[%swap3A, %swap3A_31] : memref<1024x128xf32, #tpu.memory_space<vmem>>, vector<1024x128xf32>
    tpu.vector_store %arg6[%swap3A, %swap3A_31], %add3A_30 {strides = array<i32>} : memref<1024x128xf32, #tpu.memory_space<vmem>>, vector<1024x128xf32>,
    return
  }
  func.func @transform_0(%arg0: i32) -> (i32, i32, i32) {
    %c0_i32 = arith.constant 0 : i32
    %c0_i32_0 = arith.constant 0 : i32
    %c0_i32_1 = arith.constant 0 : i32
    return %c0_i32, %arg0, %c0_i32_0 : i32, i32, i32
  }
  func.func @transform_1(%arg0: i32) -> (i32, i32) {
    %c0_i32 = arith.constant 0 : i32
    %c0_i32_0 = arith.constant 0 : i32
    return %c0_i32, %arg0 : i32, i32
  }
  func.func @transform_2(%arg0: i32) -> (i32, i32) {
    %c0_i32 = arith.constant 0 : i32
    %c0_i32_0 = arith.constant 0 : i32
    return %arg0, %c0_i32 : i32, i32
  }
  func.func @transform_3(%arg0: i32) -> (i32, i32) {
    %c0_i32 = arith.constant 0 : i32
    %c0_i32_0 = arith.constant 0 : i32
    %c0_i32_1 = arith.constant 0 : i32
    return %c0_i32, %c0_i32_0 : i32, i32
  }
  func.func @transform_4(%arg0: i32) -> (i32, i32) {
    %c0_i32 = arith.constant 0 : i32
    %c0_i32_0 = arith.constant 0 : i32
    %c0_i32_1 = arith.constant 0 : i32
    return %c0_i32, %c0_i32_0 : i32, i32
  }
  func.func @transform_5(%arg0: i32) -> (i32, i32) {
    %c0_i32 = arith.constant 0 : i32
    %c0_i32_0 = arith.constant 0 : i32
    return %arg0, %c0_i32 : i32, i32
  }
}

</mosaic_0001>

<sc_bundles>
// kernel: kernel.10.cloned.1.call-start
scs
__scs_entry_jumppad:
0x0: {  	(pc) =	sbr.rel $0x88, $3  }
0x1: {  	(tag) =	ssettag $0x0;
	lr =	simm.s32 $0x1  }
0x2: {  	[smem:$0x3F93] =	sst lr;
	_ =	strace $0xD0000000  }
0x3: {  	_ = 	snop  }
0x4: {  	_ = 	snop  }
0x5: {  	_ = 	snop  }
0x6: {  	_ = 	snop  }
0x7: {  	_ = 	snop  }
__scs_overlays_trampoline_lowered:
0x8: {  	[smem:$0x3FA2] =	sst s0  }
0x9: {  	[smem:$0x3FA3] =	sst s1  }
0xa: {  	[smem:$0x3FA4] =	sst s2  }
0xb: {  	[smem:$0x3FA5] =	sst s3  }
0xc: {  	[smem:$0x3FA6] =	sst s4  }
0xd: {  	[smem:$0x3FA7] =	sst s5  }
0xe: {  	[smem:$0x3FA8] =	sst s6  }
0xf: {  	[smem:$0x3FA9] =	sst s7  }
0x10: {  	[smem:$0x3FAA] =	sst s8  }
0x11: {  	[smem:$0x3FAB] =	sst s9;
	s0 =	simm.s32 @!p0 $0x0  }
0x12: {  	s1 =	sld [smem:$0x3F91];
	s0 =	simm.s32 @p0 $0x1  }
0x13: {  	[smem:$0x3FAC] =	sst s0;
	s0 =	simm.s32 @!p1 $0x0  }
0x14: {  	s2 =	sld [smem:$0x3F90];
	s0 =	simm.s32 @p1 $0x1  }
0x15: {  	[smem:$0x3FAD] =	sst s0;
	s0 =	simm.s32 @!p2 $0x0  }
0x16: {  	s3 =	sld [smem:$0x3FDB];
	s0 =	simm.s32 @p2 $0x1  }
0x17: {  	s4 =	simm.s32 $0x1BF5;
	[smem:$0x3FAF] =	sst s0  }
0x18: {  	s0 =	sld [smem:$0x3F92];
	_ =	swait.ge [sflag:s4], $0x0  }
0x19: {  	s7 =	sld [smem:$0x3F93]  }
0x1a: {  	s8 =	sadd.s32 $0xFFFFE003, lr  }
0x1b: {  	s9 =	sadd.s32 $0xFFFFFEF7, lr;
	s5 =	simm.s32 $0xFFFFFFFF;
	p2 =	slt.u32 s8, $0xFFFFF086  }
0x1c: {  	p1 =	slt.u32 s9, $0xF7A;
	s5 =	simm.s32 @!p2 $0x0  }
0x1d: {  	s5 =	simm.s32 @p1 $0x1;
	p0 =	seq.s32 s7, s2  }
0x1e: {  	s7 =	smul.u32 @!p0 $0xF7A, s2;
	p2 =	seq.s32 @!p0 s5, $0x0  }
0x1f: {  	s9 =	smul.u32 $0xF7A, s1;
	s8 =	simm.s32 @!p0 $0x1BF5;
	p2 =	por !p2, p0  }
0x20: {  	[sflag:s8] =	ssyncset.s32 @!p0 $0xFFFFF086;
	s6 =	sadd.s32 @!p0 s3, s7;
	s7 =	simm.s32 @!p0 $0x108  }
0x21: {  	s3 =	sadd.s32 s3, s9;
	s6 =	sadd.s32 @!p0 $0x88, s6;
	s7 =	simm.s32 @p2 $0x1082  }
0x22: {  	[simem:s7], [sflag:s8] =	dma.local @!p0 [hbm:s6], $0xF7A  }
0x23: {  	s9 =	sor.u32 $0xD0000000, s2;
	s6 =	simm.s32 $0x108;
	_ =	swait.ge @!p0 [sflag:s8], $0x0  }
0x24: {  	s3 =	sadd.s32 $0x88, s3;
	s6 =	simm.s32 @!p1 $0x1082;
	[sflag:s4] =	ssyncset.s32 $0xFFFFF086  }
0x25: {  	[simem:s6], [sflag:s4] =	dma.local [hbm:s3], $0xF7A  }
0x26: {  	[smem:$0x3F93] =	sst s1;
	(tag) =	ssettag s2;
	_ =	strace s9  }
0x27: {  	s1 =	sld [smem:$0x3FA3]  }
0x28: {  	s2 =	sld [smem:$0x3FA4]  }
0x29: {  	s4 =	sld [smem:$0x3FA6]  }
0x2a: {  	p0 =	seq.s32 s5, $0x0;
	s5 =	sld [smem:$0x3FA7]  }
0x2b: {  	s6 =	sld [smem:$0x3FA8]  }
0x2c: {  	s7 =	sld [smem:$0x3FA9]  }
0x2d: {  	s3 =	simm.s32 $0x108;
	s8 =	sld [smem:$0x3FAA]  }
0x2e: {  	s3 =	simm.s32 @!p0 $0x1082;
	s9 =	sld [smem:$0x3FAB]  }
0x2f: {  	lr =	sadd.s32 s0, s3;
	s0 =	sld [smem:$0x3FA2]  }
0x30: {  	s3 =	sld [smem:$0x3FA5]  }
0x31: {  	[smem:$0x3FAE] =	sst s10  }
0x32: {  	s10 =	sld [smem:$0x3FAC];
	_ =	sdelay $0x3  }
0x33: {  	p0 =	seq.s32 s10, $0x1;
	s10 =	sld [smem:$0x3FAE];
	_ =	sdelay $0x3  }
0x34: {  	[smem:$0x3FAE] =	sst s10  }
0x35: {  	s10 =	sld [smem:$0x3FAD];
	_ =	sdelay $0x3  }
0x36: {  	p1 =	seq.s32 s10, $0x1;
	s10 =	sld [smem:$0x3FAE];
	_ =	sdelay $0x3  }
0x37: {  	[smem:$0x3FAE] =	sst s10  }
0x38: {  	s10 =	sld [smem:$0x3FAF]  }
0x39: {  	_ = 	snop;
	(pc) =	sbr.ind lr, $3  }
0x3a: {  	_ = 	snop  }
0x3b: {  	_ = 	snop  }
0x3c: {  	p2 =	seq.s32 s10, $0x1;
	s10 =	sld [smem:$0x3FAE]  }
0x3d: {  	_ =	shalt  }
0x3e: {  	_ =	shalt  }
0x3f: {  	_ =	shalt  }
0x40: {  	_ =	shalt  }
0x41: {  	_ =	shalt  }
0x42: {  	_ =	shalt  }
0x43: {  	_ =	shalt  }
0x44: {  	_ =	shalt  }
0x45: {  	_ =	shalt  }
0x46: {  	_ =	shalt  }
0x47: {  	_ =	shalt  }
0x48: {  	_ =	shalt  }
0x49: {  	_ =	shalt  }
0x4a: {  	_ =	shalt  }
0x4b: {  	_ =	shalt  }
0x4c: {  	_ =	shalt  }
0x4d: {  	_ =	shalt  }
0x4e: {  	_ =	shalt  }
0x4f: {  	_ =	shalt  }
0x50: {  	_ =	shalt  }
0x51: {  	_ =	shalt  }
0x52: {  	_ =	shalt  }
0x53: {  	_ =	shalt  }
0x54: {  	_ =	shalt  }
0x55: {  	_ =	shalt  }
0x56: {  	_ =	shalt  }
0x57: {  	_ =	shalt  }
0x58: {  	_ =	shalt  }
0x59: {  	_ =	shalt  }
0x5a: {  	_ =	shalt  }
0x5b: {  	_ =	shalt  }
0x5c: {  	_ =	shalt  }
0x5d: {  	_ =	shalt  }
0x5e: {  	_ =	shalt  }
0x5f: {  	_ =	shalt  }
0x60: {  	_ =	shalt  }
0x61: {  	_ =	shalt  }
0x62: {  	_ =	shalt  }
0x63: {  	_ =	shalt  }
0x64: {  	_ =	shalt  }
0x65: {  	_ =	shalt  }
0x66: {  	_ =	shalt  }
0x67: {  	_ =	shalt  }
0x68: {  	_ =	shalt  }
0x69: {  	_ =	shalt  }
0x6a: {  	_ =	shalt  }
0x6b: {  	_ =	shalt  }
0x6c: {  	_ =	shalt  }
0x6d: {  	_ =	shalt  }
0x6e: {  	_ =	shalt  }
0x6f: {  	_ =	shalt  }
0x70: {  	_ =	shalt  }
0x71: {  	_ =	shalt  }
0x72: {  	_ =	shalt  }
0x73: {  	_ =	shalt  }
0x74: {  	_ =	shalt  }
0x75: {  	_ =	shalt  }
0x76: {  	_ =	shalt  }
0x77: {  	_ =	shalt  }
0x78: {  	_ =	shalt  }
0x79: {  	_ =	shalt  }
0x7a: {  	_ =	shalt  }
0x7b: {  	_ =	shalt  }
0x7c: {  	_ =	shalt  }
0x7d: {  	_ =	shalt  }
0x7e: {  	_ =	shalt  }
0x7f: {  	_ =	shalt  }
0x80: {  	_ =	shalt  }
0x81: {  	_ =	shalt  }
0x82: {  	_ =	shalt  }
0x83: {  	_ =	shalt  }
0x84: {  	_ =	shalt  }
0x85: {  	_ =	shalt  }
0x86: {  	_ =	shalt  }
0x87: {  	_ =	shalt  }
.Lfunc_end0:
.L_simem_size_0:
called_computation.1_lowered:
.L_overlay_start_0:
0x88: {  	s2 =	sld [smem:$0x3FD9]  }
0x89: {  	s3 =	sld [smem:$0x3FFE];
	_ =	sdelay $0x1  }
0x8a: {  	s1 =	srdreg.scid  }
0x8b: {  	s0 =	sand.u32 $0x1, s1  }
0x8c: {  	s17 =	sshll.u32 s0, $0xA;
	s2 =	sadd.s32 s3, s2  }
0x8d: {  	s2 =	sadd.s32 s2, s17  }
0x8e: {  	[smem:$0x3FBA] =	sst s2  }
0x8f: {  	_ = 	snop  }
0x90: {  	s2 =	sld [smem:$0x3FD0];
	(tm) =	ssettm $0x1  }
0x91: {  	s18 =	sld [smem:$0x3FFB];
	_ =	sdelay $0x3  }
0x92: {  	_ =	strace s18  }
0x93: {  	s3 =	sld [smem:$0x3FFC];
	_ =	sdelay $0x3  }
0x94: {  	_ =	strace s3  }
0x95: {  	s3 =	sld [smem:$0x3FFD];
	_ =	sdelay $0x3  }
0x96: {  	_ =	strace s3  }
0x97: {  	_ =	strace $0x8FFFFFFF  }
0x98: {  	s19 =	sld [smem:$0x3FDB];
	_ =	sdelay $0x1  }
0x99: {  	s4 =	simm.s32 $_scs_section_size  }
0x9a: {  	s5 =	simm.s32 $_size__tile_overlayer_lowered;
	s6 =	simm.s32 $_tile_overlayer_lowered  }
0x9b: {  	s22 =	simm.s32 $0x1BFF;
	s21 =	sshll.u32 s6, $0x1;
	s3 =	sadd.s32 s4, s19  }
0x9c: {  	s7 =	simm.s32 $0x0;
	s20 =	sshll.u32 s5, $0x1;
	s5 =	sadd.s32 s21, s3  }
0x9d: {  	[timem:s7], [sflag:s22] =	dma.local [hbm:s5], s20  }
0x9e: {  	_ =	swait.ge [sflag:s22], s20  }
0x9f: {  	s4 =	ssub.s32 $0x0, s20;
	[sflag:s22] =	ssyncset.done $0x0  }
0xa0: {  	[sflag:s22] =	ssyncadd.s32 s4;
	_ =	sdelay $0x1  }
0xa1: {  	s23 =	simm.s32 $0x1B8B  }
0xa2: {  	_ =	swait.ge [sflag:s23], $0x1  }
0xa3: {  	[sflag:s23] =	ssyncset.done $0x0  }
0xa4: {  	s25 =	simm.s32 $0x1B8E;
	s24 =	sld [smem:$0x3FFE];
	[sflag:s23] =	ssyncadd.s32 $0xFFFFFFFF  }
0xa5: {  	s26 =	simm.s32 $execute0_lowered;
	[smem:$0x3FD2] =	sst s25  }
0xa6: {  	s5 =	sshll.u32 s26, $0x1;
	_ =	strace $0x80000049;
	[dreg:$0x1] =	wrdreg $0xFFFFFFFF  }
0xa7: {  	s28 =	simm.s32 $_size_execute0_lowered;
	s3 =	sadd.s32 s3, s5;
	[dreg:$0x0] =	wrdreg $0x0  }
0xa8: {  	s5 =	sshll.u32 s28, $0x1;
	[dreg:$0x2] =	wrdreg s3  }
0xa9: {  	[dreg:$0x3] =	wrdreg s5  }
0xaa: {  	[dreg:$0x4] =	wrdreg $0xC0  }
0xab: {  	_ =	task [dreg:s7], $0x5FFFF  }
0xac: {  	[dreg:$0x1] =	wrdreg $0xFFFFFFFF  }
0xad: {  	[dreg:$0x0] =	wrdreg $0x60  }
0xae: {  	[dreg:$0x2] =	wrdreg s24  }
0xaf: {  	[dreg:$0x3] =	wrdreg s2  }
0xb0: {  	[dreg:$0x4] =	wrdreg $0xBD800  }
0xb1: {  	[dreg:$0x5] =	wrdreg $0x9  }
0xb2: {  	_ =	task.clear_ibuf [dreg:s7], $0x6FFFF;
	_ =	strace $0x90000049  }
0xb3: {  	s29 =	simm.s32 $0x9;
	_ =	strace $0x8000004B  }
0xb4: {  	_ =	swait.ge [sflag:s29], $0x1  }
0xb5: {  	[sflag:s29] =	ssyncadd.s32 $0xFFFFFFFF  }
0xb6: {  	_ =	strace $0x9000004B  }
0xb7: {  	_ =	sfence  }
0xb8: {  	s30 =	sld [smem:$0x0];
	_ =	sdelay $0x2  }
0xb9: {  	s31 =	sshll.u32 s1, $0xD;
	s1 =	sshrl.u32 s1, $0x2  }
0xba: {  	s3 =	sand.u32 $0x4000, s31;
	s1 =	sadd.s32 s1, s30  }
0xbb: {  	s0 =	sor.u32 s3, s0;
	s1 =	sshll.u32 s1, $0x11  }
0xbc: {  	s0 =	sor.u32 s1, s0  }
0xbd: {  	s0 =	sadd.s32 $0x8F2B, s0  }
0xbe: {  	[sflag:s0] =	ssyncadd.remote.s32 $0x1  }
0xbf: {  	_ =	sfence.sel $0xFFFF  }
0xc0: {  	[dreg:$0x0] =	wrdreg $0xFFFFFFFF;
	(pc) =	sbr.abs _section_cstart, $3  }
0xc1: {  	[dreg:$0x1] =	wrdreg $0xFFFFFFFF  }
0xc2: {  	_ =	task.clear_ibuf [dreg:s7], $0x2FFFF;
	_ =	strace $0x9FFFFFFF  }
0xc3: {  	(tm) =	ssettm $0x7FFFFFFF  }
tec
execute0_lowered:
.L_overlay_start_1:
0x0: {  	(tag) =	ssettag $0x1  }
0x1: {  	s0 =	rddreg [dreg:$0x0]  }
0x2: {  	s1 =	rddreg [dreg:$0x1]  }
0x3: {  	s2 =	rddreg [dreg:$0x2];
	s3 =	simm.s32 $0x0;
	s23 =	srdreg.scid  }
0x4: {  	s10 =	stileid.u32;
	[smem:$0x7FF] =	sst s3;
	s5 =	sadd.s32 $0x17E00, s0  }
0x5: {  	s4 =	sadd.s32 $0x3FE00, s0;
	s3 =	sand.u32 $0x1, s23;
	s7 =	sadd.s32 $0x40400, s0  }
0x6: {  	s25 =	smul.u32 $0x14000, s10;
	s8 =	sadd.s32 $0x3E00, s0;
	s9 =	sadd.s32 $0x40A00, s0  }
0x7: {  	s11 =	sshll.u32 s10, $0x7;
	_ =	strace $0x8000004A;
	[dreg:$0x4] =	wrdreg s4  }
0x8: {  	s24 =	smul.u32 $0x140000, s3;
	s6 =	sshll.u32 s3, $0x4;
	[dreg:$0x5] =	wrdreg s7  }
0x9: {  	[dreg:$0x6] =	wrdreg s9;
	s9 =	sand.u32 $0x380, s11;
	s6 =	sor.u32 s10, s6  }
0xa: {  	s3 =	ssub.s32 $0x2, s3;
	s10 =	smul.u32 $0x50000, s10;
	s26 =	sshrl.u32 s6, $0x3  }
0xb: {  	s12 =	sshrl.u32 s3, $0x1;
	s4 =	sadd.s32 s25, s24;
	s29 =	smul.u32 $0x14000, s26  }
0xc: {  	s3 =	ssub.s32 s3, s12;
	s4 =	sshrl.u32 s4, $0x3;
	s10 =	sshrl.u32 s10, $0x2  }
0xd: {  	s25 =	smax.u32 s3, $0x1;
	s4 =	sadd.s32 s4, s0;
	s7 =	sor.u32 s9, s29  }
0xe: {  	[dreg:$0x15] =	wrdreg s25;
	s24 =	sadd.s32 $0x40C00, s4;
	s7 =	sshrl.u32 s7, $0x3  }
0xf: {  	[dreg:$0x14] =	wrdreg s24;
	s0 =	sadd.s32 s7, s0;
	s7 =	sadd.s32 s10, s2  }
0x10: {  	s30 =	simm.s32 $0x2800;
	s13 =	sadd.s32 $0x2000, s7;
	[dreg:$0x7] =	wrdreg s7  }
0x11: {  	s28 =	simm.s32 $0xBB00;
	s14 =	sadd.s32 $0x4000, s7;
	[dreg:$0x8] =	wrdreg s13  }
0x12: {  	s31 =	simm.s32 $0x6;
	s15 =	sadd.s32 $0x6000, s7;
	[dreg:$0x9] =	wrdreg s14  }
0x13: {  	s11 =	simm.s32 $0x40;
	s16 =	sadd.s32 $0x8000, s7;
	[dreg:$0xa] =	wrdreg s15  }
0x14: {  	s12 =	simm.s32 $0x4;
	s17 =	sadd.s32 $0xA000, s7;
	[dreg:$0xb] =	wrdreg s16  }
0x15: {  	s25 =	simm.s32 $0xBD00;
	s18 =	sadd.s32 $0xC000, s7;
	[dreg:$0xc] =	wrdreg s17  }
0x16: {  	s9 =	simm.s32 $0xC;
	s19 =	sadd.s32 $0xE000, s7;
	[dreg:$0xd] =	wrdreg s18  }
0x17: {  	s4 =	simm.s32 $0x0;
	s0 =	sadd.s32 $0x90C00, s0;
	[dreg:$0xe] =	wrdreg s19  }
0x18: {  	s24 =	simm.s32 $0x2;
	s26 =	sadd.s32 $0x10000, s7;
	[dreg:$0x13] =	wrdreg s0  }
0x19: {  	s10 =	simm.s32 $0xA;
	s29 =	sadd.s32 $0x12000, s7;
	[dreg:$0x16] =	wrdreg s26  }
0x1a: {  	s13 =	smul.u32 $0x5000, s6;
	[dreg:$0x17] =	wrdreg s29;
	s19 =	simm.s32 $0xD  }
0x1b: {  	s0 =	simm.s32 $0x7880;
	s14 =	simm.s32 $0x8;
	s15 =	simm.s32 $0x9880  }
0x1c: {  	s16 =	simm.s32 $0x5000;
	s17 =	simm.s32 $0x1;
	s20 =	sshrl.u32 s13, $0x3  }
.Ltmp0:
0x1d: {  	s18 =	simm.s32 $0xBC80;
	s21 =	sadd.s32 s1, s20;
	(pc) =	sbr.rel .LBB2_1-.Ltmp0, $4  }
0x1e: {  	s22 =	sadd.s32 s8, s20;
	s6 =	sor.u32 $0x10, s20;
	[dreg:$0xf] =	wrdreg s21  }
0x1f: {  	s20 =	simm.s32 $0xB900;
	[dreg:$0x10] =	wrdreg s22;
	s23 =	sadd.s32 s1, s6  }
0x20: {  	s6 =	sadd.s32 s8, s6;
	s21 =	simm.s32 $0xB;
	[dreg:$0x11] =	wrdreg s23  }
0x21: {  	v0 =	vimm.f32 $0.0e+00;
	s22 =	simm.s32 $0x5;
	[dreg:$0x12] =	wrdreg s6;
	s23 =	simm.s32 $0x9  }
.LBB2_16:
0x22: {  	_ =	swait.ge [sflag:s9], $0x2000  }
0x23: {  	s4 =	simm.s32 $0x80;
	s6 =	simm.s32 $0x400;
	[sflag:s9] =	ssyncset.done $0x0  }
0x24: {  	s19 =	simm.s32 $0xD;
	s3 =	rddreg [dreg:$0x13];
	[sflag:s9] =	ssyncadd.s32 $0xFFFFE000  }
0x25: {  	[hbm4b:s3+s4] =	stream.strided.scatter [tilespmem:s16], [sflag:$0xD], $0x2800, s6, s4, $0x38;
	[tilespmem:$0x1FD80] =	vst v63  }
0x26: {  	_ =	swait.ge [sflag:s19], $0x2800  }
0x27: {  	[sflag:s19] =	ssyncset.done $0x0  }
0x28: {  	[sflag:s19] =	ssyncadd.s32 $0xFFFFD800  }
0x29: {  	s4 =	stileid.u32;
	[bflag:$0x0] =	sbarrier.arrive $0xFFFF  }
0x2a: {  	s3 =	sshll.u32 s4, $0x6;
	s7 =	rddreg [dreg:$0x7]  }
0x2b: {  	s3 =	sor.u32 $0x1C0D, s3;
	s20 =	rddreg [dreg:$0x14];
	s6 =	sshrl.u32 s7, $0x3  }
0x2c: {  	[hbm:s20], [sflag:s3] =	dma.local [spmem:s6], $0x2800  }
0x2d: {  	_ =	swait.ge [sflag:s19], $0x2800  }
0x2e: {  	s26 =	rddreg [dreg:$0x18]  }
0x2f: {  	s29 =	rddreg [dreg:$0x15];
	s4 =	sadd.s32 $0x1, s26  }
0x30: {  	p0 =	sne.s32 s4, s29  }
.Ltmp1:
0x31: {  	_ = 	snop;
	(pc) =	sbr.rel @!p0 .LBB2_17-.Ltmp1, $3  }
0x32: {  	_ =	sdelay $0x1  }
0x33: {  	[sflag:s19] =	ssyncset.done $0x0  }
0x34: {  	s20 =	simm.s32 $0xB900;
	[sflag:s19] =	ssyncadd.s32 $0xFFFFD800  }
.LBB2_1:
0x35: {  	[dreg:$0x18] =	wrdreg s4  }
0x36: {  	s3 =	simm.s32 $0x0;
	s6 =	rddreg [dreg:$0x4]  }
0x37: {  	[tilespmem:s3], [sflag:$0xD] =	stream.linear.gather [hbm4b:s6+s3], $0x2800, $0x38;
	[tilespmem:$0x1FD80] =	vst v63  }
0x38: {  	_ =	swait.ge [sflag:s19], $0x2800  }
0x39: {  	[sflag:s19] =	ssyncset.done $0x0  }
0x3a: {  	s26 =	rddreg [dreg:$0x5];
	[sflag:s19] =	ssyncadd.s32 $0xFFFFD800  }
0x3b: {  	[tilespmem:s30], [sflag:$0xD] =	stream.linear.gather [hbm4b:s26+s3], $0x2800, $0x38;
	[tilespmem:$0x1FD80] =	vst v63  }
0x3c: {  	_ =	swait.ge [sflag:s19], $0x2800  }
0x3d: {  	[sflag:s19] =	ssyncset.done $0x0  }
0x3e: {  	s6 =	simm.s32 $0x7800;
	s29 =	rddreg [dreg:$0x6];
	[sflag:s19] =	ssyncadd.s32 $0xFFFFD800  }
0x3f: {  	[tilespmem:s6], [sflag:$0xD] =	stream.linear.gather [hbm4b:s29+s3], $0x80, $0x38;
	[tilespmem:$0x1FD80] =	vst v63  }
0x40: {  	_ =	swait.ge [sflag:s19], $0x80  }
0x41: {  	[sflag:s19] =	ssyncset.done $0x0  }
0x42: {  	s4 =	simm.s32 $0x200;
	s3 =	simm.s32 $0x0;
	[sflag:s19] =	ssyncadd.s32 $0xFFFFFF80  }
.LBB2_2:
0x43: {  	p0 =	sne.s32 s4, $0x7E00;
	[tilespmem:s3+$0x78F0] =	vst v0  }
0x44: {  	[tilespmem:s3+$0x7880] =	vst v0  }
0x45: {  	[tilespmem:s3+$0x7890] =	vst v0  }
.Ltmp2:
0x46: {  	[tilespmem:s3+$0x78A0] =	vst v0;
	(pc) =	sbr.rel @p0 .LBB2_2-.Ltmp2, $4  }
0x47: {  	[tilespmem:s3+$0x78B0] =	vst v0  }
0x48: {  	[tilespmem:s3+$0x78C0] =	vst v0  }
0x49: {  	[tilespmem:s3+$0x78D0] =	vst v0  }
0x4a: {  	[tilespmem:s3+$0x78E0] =	vst v0;
	s3 =	sshra.s32 s4, $0x2;
	s4 =	sadd.s32 $0x200, s4  }
0x4b: {  	[tilespmem:s3+$0x78F0] =	vst v0  }
0x4c: {  	[tilespmem:s3+$0x7880] =	vst v0  }
0x4d: {  	[tilespmem:s3+$0x7890] =	vst v0  }
0x4e: {  	[tilespmem:s3+$0x78A0] =	vst v0  }
0x4f: {  	[tilespmem:s3+$0x78B0] =	vst v0  }
0x50: {  	[tilespmem:s3+$0x78C0] =	vst v0  }
0x51: {  	[tilespmem:s3+$0x78D0] =	vst v0  }
0x52: {  	[tilespmem:s3+$0x78E0] =	vst v0  }
0x53: {  	[spmem:s7] =	stream.linear.scatter [tilespmem:s0], [sflag:$0xD], $0x2000, $0x38;
	[tilespmem:$0x1FD80] =	vst v63  }
0x54: {  	_ =	swait.ge [sflag:s19], $0x2000  }
0x55: {  	[sflag:s19] =	ssyncset.done $0x0  }
0x56: {  	s6 =	rddreg [dreg:$0x8];
	[sflag:s19] =	ssyncadd.s32 $0xFFFFE000  }
0x57: {  	[spmem:s6] =	stream.linear.scatter [tilespmem:s0], [sflag:$0xD], $0x2000, $0x38;
	[tilespmem:$0x1FD80] =	vst v63  }
0x58: {  	_ =	swait.ge [sflag:s19], $0x2000  }
0x59: {  	[sflag:s19] =	ssyncset.done $0x0  }
0x5a: {  	s7 =	rddreg [dreg:$0x9];
	[sflag:s19] =	ssyncadd.s32 $0xFFFFE000  }
0x5b: {  	[spmem:s7] =	stream.linear.scatter [tilespmem:s0], [sflag:$0xD], $0x2000, $0x38;
	[tilespmem:$0x1FD80] =	vst v63  }
0x5c: {  	_ =	swait.ge [sflag:s19], $0x2000  }
0x5d: {  	[sflag:s19] =	ssyncset.done $0x0  }
0x5e: {  	s26 =	rddreg [dreg:$0xa];
	[sflag:s19] =	ssyncadd.s32 $0xFFFFE000  }
0x5f: {  	[spmem:s26] =	stream.linear.scatter [tilespmem:s0], [sflag:$0xD], $0x2000, $0x38;
	[tilespmem:$0x1FD80] =	vst v63  }
0x60: {  	_ =	swait.ge [sflag:s19], $0x2000  }
0x61: {  	[sflag:s19] =	ssyncset.done $0x0  }
0x62: {  	s29 =	rddreg [dreg:$0xb];
	[sflag:s19] =	ssyncadd.s32 $0xFFFFE000  }
0x63: {  	[spmem:s29] =	stream.linear.scatter [tilespmem:s0], [sflag:$0xD], $0x2000, $0x38;
	[tilespmem:$0x1FD80] =	vst v63  }
0x64: {  	_ =	swait.ge [sflag:s19], $0x2000  }
0x65: {  	[sflag:s19] =	ssyncset.done $0x0  }
0x66: {  	s4 =	rddreg [dreg:$0xc];
	[sflag:s19] =	ssyncadd.s32 $0xFFFFE000  }
0x67: {  	[spmem:s4] =	stream.linear.scatter [tilespmem:s0], [sflag:$0xD], $0x2000, $0x38;
	[tilespmem:$0x1FD80] =	vst v63  }
0x68: {  	_ =	swait.ge [sflag:s19], $0x2000  }
0x69: {  	[sflag:s19] =	ssyncset.done $0x0  }
0x6a: {  	s6 =	rddreg [dreg:$0xd];
	[sflag:s19] =	ssyncadd.s32 $0xFFFFE000  }
0x6b: {  	[spmem:s6] =	stream.linear.scatter [tilespmem:s0], [sflag:$0xD], $0x2000, $0x38;
	[tilespmem:$0x1FD80] =	vst v63  }
0x6c: {  	_ =	swait.ge [sflag:s19], $0x2000  }
0x6d: {  	[sflag:s19] =	ssyncset.done $0x0  }
0x6e: {  	s7 =	rddreg [dreg:$0xe];
	[sflag:s19] =	ssyncadd.s32 $0xFFFFE000  }
0x6f: {  	[spmem:s7] =	stream.linear.scatter [tilespmem:s0], [sflag:$0xD], $0x2000, $0x38;
	[tilespmem:$0x1FD80] =	vst v63  }
0x70: {  	_ =	swait.ge [sflag:s19], $0x2000  }
0x71: {  	[sflag:s19] =	ssyncset.done $0x0  }
0x72: {  	s26 =	rddreg [dreg:$0x16];
	[sflag:s19] =	ssyncadd.s32 $0xFFFFE000  }
0x73: {  	[spmem:s26] =	stream.linear.scatter [tilespmem:s0], [sflag:$0xD], $0x2000, $0x38;
	[tilespmem:$0x1FD80] =	vst v63  }
0x74: {  	_ =	swait.ge [sflag:s19], $0x2000  }
0x75: {  	[sflag:s19] =	ssyncset.done $0x0  }
0x76: {  	s29 =	rddreg [dreg:$0x17];
	[sflag:s19] =	ssyncadd.s32 $0xFFFFE000  }
0x77: {  	[spmem:s29] =	stream.linear.scatter [tilespmem:s0], [sflag:$0xD], $0x2000, $0x38;
	[tilespmem:$0x1FD80] =	vst v63  }
0x78: {  	_ =	swait.ge [sflag:s19], $0x2000  }
0x79: {  	[sflag:s19] =	ssyncset.done $0x0  }
0x7a: {  	s3 =	simm.s32 $0x40;
	s4 =	simm.s32 $0x0;
	[sflag:s19] =	ssyncadd.s32 $0xFFFFE000  }
.LBB2_4:
0x7b: {  	p0 =	sne.s32 s3, $0x9FC0;
	[tilespmem:s4+$0x5000] =	vst v0;
	s4 =	smov.u32 s3;
	s3 =	sadd.s32 $0x40, s3  }
.Ltmp3:
0x7c: {  	(pc) =	sbr.rel @p0 .LBB2_4-.Ltmp3, $2  }
0x7d: {  	_ =	sdelay $0x2  }
0x7e: {  	s4 =	sshra.s32 s4, $0x2  }
0x7f: {  	[tilespmem:s4+$0x5000] =	vst v0  }
0x80: {  	[bflag:$0x0] =	sbarrier.arrive $0xFFFF  }
0x81: {  	s4 =	simm.s32 $0x0;
	s6 =	simm.s32 $0xB880;
	s3 =	rddreg [dreg:$0xf]  }
0x82: {  	[tilespmem:s6], [sflag:$0x3] =	stream.linear.gather [hbm4b:s3+s4], $0x80, $0x38;
	[tilespmem:$0x1FD80] =	vst v63  }
0x83: {  	s7 =	simm.s32 $0xBA80;
	s26 =	rddreg [dreg:$0x10]  }
0x84: {  	[tilespmem:s7], [sflag:$0x7] =	stream.linear.gather [hbm4b:s26+s4], $0x80, $0x38;
	[tilespmem:$0x1FD80] =	vst v63  }
0x85: {  	s7 =	rddreg [dreg:$0x11]  }
0x86: {  	[tilespmem:s20], [sflag:$0x4] =	stream.linear.gather [hbm4b:s7+s4], $0x80, $0x38;
	[tilespmem:$0x1FD80] =	vst v63  }
0x87: {  	s19 =	rddreg [dreg:$0x12];
	s26 =	simm.s32 $0x3  }
0x88: {  	[tilespmem:s28], [sflag:$0x8] =	stream.linear.gather [hbm4b:s19+s4], $0x80, $0x38;
	[tilespmem:$0x1FD80] =	vst v63  }
0x89: {  	_ =	swait.ge [sflag:s26], $0x80  }
0x8a: {  	[sflag:s26] =	ssyncset.done $0x0  }
0x8b: {  	s28 =	simm.s32 $0x7;
	[sflag:s26] =	ssyncadd.s32 $0xFFFFFF80  }
0x8c: {  	_ =	swait.ge [sflag:s28], $0x80  }
0x8d: {  	[sflag:s28] =	ssyncset.done $0x0  }
0x8e: {  	[sflag:s28] =	ssyncadd.s32 $0xFFFFFF80  }
0x8f: {  	[tilespmem:s0], [sflag:$0x1] =	stream.indirect.gather [hbm4b:s5+s11], $0x80, s6, s11, $0xb8;
	[tilespmem:$0x1FD80] =	vst v63  }
0x90: {  	s29 =	simm.s32 $0x0;
	v1 =	vld [tilespmem:$0x7800]  }
.LBB2_6:
0x91: {  	p0 =	seq.s32 s29, $0x0  }
0x92: {  	s3 =	simm.s32 @!p0 $0xC  }
0x93: {  	_ =	swait.ge @!p0 [sflag:s3], $0x2000  }
0x94: {  	[sflag:s3] =	ssyncset.done @!p0 $0x0  }
0x95: {  	[sflag:s3] =	ssyncadd.s32 @!p0 $0xFFFFE000  }
0x96: {  	_ =	swait.ge [sflag:s12], $0x80  }
0x97: {  	[sflag:s12] =	ssyncset.done $0x0  }
0x98: {  	[sflag:s12] =	ssyncadd.s32 $0xFFFFFF80  }
0x99: {  	_ =	swait.ge [sflag:s14], $0x80  }
0x9a: {  	[sflag:s14] =	ssyncset.done $0x0  }
0x9b: {  	[sflag:s14] =	ssyncadd.s32 $0xFFFFFF80  }
0x9c: {  	[tilespmem:s15], [sflag:$0x2] =	stream.indirect.gather [hbm4b:s5+s11], $0x80, s20, s11, $0xb8;
	[tilespmem:$0x1FD80] =	vst v63  }
0x9d: {  	v2 =	vld [tilespmem:$0xB880]  }
0x9e: {  	v3 =	vld [tilespmem:$0xBA80]  }
0x9f: {  	v4 =	vld [tilespmem:$0xB890]  }
0xa0: {  	v5 =	vld [tilespmem:$0xBA90]  }
0xa1: {  	v6 =	vld [tilespmem:$0xB8A0]  }
0xa2: {  	v7 =	vld [tilespmem:$0xBAA0]  }
0xa3: {  	v8 =	vld [tilespmem:$0xB8B0]  }
0xa4: {  	v9 =	vld [tilespmem:$0xBAB0]  }
0xa5: {  	v2 =	vld.idx.msk [tilespmem:v2+s4+$0x0], $0xffff  }
0xa6: {  	v10 =	vld.idx.msk [tilespmem:v3+s30+$0x0], $0xffff  }
0xa7: {  	v4 =	vld.idx.msk [tilespmem:v4+s4+$0x0], $0xffff  }
0xa8: {  	v11 =	vld.idx.msk [tilespmem:v5+s30+$0x0], $0xffff  }
0xa9: {  	v6 =	vld.idx.msk [tilespmem:v6+s4+$0x0], $0xffff  }
0xaa: {  	v12 =	vld.idx.msk [tilespmem:v7+s30+$0x0], $0xffff  }
0xab: {  	v8 =	vld.idx.msk [tilespmem:v8+s4+$0x0], $0xffff;
	v2 =	vadd.f32 v10, v2  }
0xac: {  	v10 =	vld.idx.msk [tilespmem:v9+s30+$0x0], $0xffff  }
0xad: {  	v4 =	vadd.f32 v11, v4;
	v13 =	vmul.f32 $2.000000030e-01, v2;
	_ =	sdelay $0x1  }
0xae: {  	v6 =	vadd.f32 v12, v6;
	v11 =	vmul.f32 $2.000000030e-01, v4;
	v2 =	vmax.f32 v2, v13  }
0xaf: {  	v2 =	vsub.f32 v2, v1  }
0xb0: {  	v4 =	vmax.f32 v4, v11;
	v11 =	vmul.f32 $2.000000030e-01, v6;
	v8 =	vadd.f32 v10, v8  }
0xb1: {  	v4 =	vsub.f32 v4, v1;
	v2 =	vmul.f32 $1.442695020e+00, v2  }
0xb2: {  	v6 =	vmax.f32 v6, v11;
	v10 =	vmul.f32 $2.000000030e-01, v8  }
0xb3: {  	(erf) = vpow2.f32 v2;
	v2 =	vmul.f32 $1.442695020e+00, v4;
	v4 =	vsub.f32 v6, v1  }
0xb4: {  	v6 =	vmax.f32 v8, v10  }
0xb5: {  	(erf) = vpow2.f32 v2;
	v2 =	vmul.f32 $1.442695020e+00, v4;
	v4 =	vsub.f32 v6, v1;
	_ =	sdelay $0x1  }
0xb6: {  	(erf) = vpow2.f32 v2;
	v2 =	vmul.f32 $1.442695020e+00, v4;
	_ =	sdelay $0x1  }
0xb7: {  	(erf) = vpow2.f32 v2;
	_ =	sdelay $0x2  }
0xb8: {  	v2 =	vpop (erf)  }
0xb9: {  	[tilespmem:$0xBC80] =	vst v2  }
0xba: {  	v4 =	vpop (erf);
	[tilespmem:v3+s16+$0x0] =	vst.idx.add.f32.msk $0xffff, v2  }
0xbb: {  	[tilespmem:$0xBC90] =	vst v4  }
0xbc: {  	s19 =	simm.s32 $0x2;
	v3 =	vmov s4;
	v2 =	vpop (erf);
	[tilespmem:v5+s16+$0x0] =	vst.idx.add.f32.msk $0xffff, v4  }
0xbd: {  	v3 =	vand.u32 $0xFFFFFFFC, v3;
	v4 =	vmov s19;
	[tilespmem:$0xBCA0] =	vst v2  }
0xbe: {  	v3 =	vbroadcast v3, $0x0;
	v4 =	vand.u32 $0xFFFFFFFE, v4;
	[tilespmem:v7+s16+$0x0] =	vst.idx.add.f32.msk $0xffff, v2;
	v2 =	vpop (erf)  }
0xbf: {  	v4 =	vbroadcast v4, $0x0;
	[tilespmem:$0xBCB0] =	vst v2  }
0xc0: {  	[tilespmem:v9+s16+$0x0] =	vst.idx.add.f32.msk $0xffff, v2  }
0xc1: {  	_ =	swait.ge [sflag:s17], $0x2000  }
0xc2: {  	[sflag:s17] =	ssyncset.done $0x0  }
0xc3: {  	[sflag:s17] =	ssyncadd.s32 $0xFFFFE000  }
0xc4: {  	v2 =	vld.idx.msk [tilespmem:v3+s18+$0x0], $0xffff  }
0xc5: {  	s6 =	simm.s32 $0x7980;
	v3 =	vld.idx.msk [tilespmem:v4+s18+$0x0], $0xffff  }
0xc6: {  	v5 =	vld [tilespmem:s6+$0x70]  }
0xc7: {  	v6 =	vld [tilespmem:s6+$0xFFFFFF00]  }
0xc8: {  	s20 =	simm.s32 $0x1;
	v7 =	vld [tilespmem:s6+$0xFFFFFF10]  }
0xc9: {  	v4 =	vmov s20;
	v8 =	vld [tilespmem:s6+$0xFFFFFF20]  }
0xca: {  	v9 =	vld [tilespmem:s6+$0xFFFFFF30];
	v4 =	vand.u32 $0xFFFFFFFD, v4  }
0xcb: {  	v10 =	vld [tilespmem:s6+$0xFFFFFF40];
	v4 =	vbroadcast v4, $0x0  }
0xcc: {  	v11 =	vld [tilespmem:s6+$0xFFFFFF50]  }
0xcd: {  	v12 =	vld [tilespmem:s6+$0xFFFFFF60];
	v6 =	vmul.f32 v6, v2  }
0xce: {  	v14 =	vld [tilespmem:s6+$0x40];
	v5 =	vmul.f32 v5, v3  }
0xcf: {  	[tilespmem:s6+$0xFFFFFF00] =	vst v6;
	v6 =	vmul.f32 v7, v2;
	v7 =	vld [tilespmem:s6+$0xFFFFFF70]  }
0xd0: {  	[tilespmem:s6+$0x70] =	vst v5;
	v5 =	vmul.f32 v8, v2;
	v8 =	vld [tilespmem:s6+$0xFFFFFF80]  }
0xd1: {  	v4 =	vld.idx.msk [tilespmem:v4+s18+$0x0], $0xffff;
	[tilespmem:s6+$0xFFFFFF10] =	vst v6;
	v6 =	vmul.f32 v9, v2  }
0xd2: {  	v9 =	vld [tilespmem:s6+$0xFFFFFF90];
	[tilespmem:s6+$0xFFFFFF20] =	vst v5;
	v5 =	vmul.f32 v10, v2  }
0xd3: {  	v10 =	vld [tilespmem:s6+$0xFFFFFFA0];
	[tilespmem:s6+$0xFFFFFF30] =	vst v6;
	v6 =	vmul.f32 v11, v2  }
0xd4: {  	v11 =	vld [tilespmem:s6+$0xFFFFFFB0];
	[tilespmem:s6+$0xFFFFFF40] =	vst v5;
	v5 =	vmul.f32 v12, v2  }
0xd5: {  	v12 =	vld [tilespmem:s6+$0xFFFFFFC0];
	v7 =	vmul.f32 v7, v2;
	[tilespmem:s6+$0xFFFFFF50] =	vst v6  }
0xd6: {  	v6 =	vmul.f32 v8, v4;
	v8 =	vld [tilespmem:s6+$0xFFFFFFD0];
	[tilespmem:s6+$0xFFFFFF60] =	vst v5  }
0xd7: {  	s26 =	simm.s32 $0x3;
	v5 =	vld [tilespmem:s6+$0xFFFFFFE0];
	v9 =	vmul.f32 v9, v4;
	[tilespmem:s6+$0xFFFFFF70] =	vst v7  }
0xd8: {  	v13 =	vmov s26;
	v7 =	vld [tilespmem:s6+$0xFFFFFFF0];
	[tilespmem:s6+$0xFFFFFF80] =	vst v6;
	v6 =	vmul.f32 v10, v4  }
0xd9: {  	v10 =	vld [tilespmem:s6+$0x0];
	[tilespmem:s6+$0xFFFFFF90] =	vst v9;
	v9 =	vmul.f32 v11, v4  }
0xda: {  	v11 =	vld [tilespmem:s6+$0x10];
	[tilespmem:s6+$0xFFFFFFA0] =	vst v6;
	v6 =	vmul.f32 v12, v4  }
0xdb: {  	[tilespmem:s6+$0xFFFFFFB0] =	vst v9;
	v8 =	vmul.f32 v8, v4;
	v9 =	vld [tilespmem:s6+$0x20]  }
0xdc: {  	v12 =	vld [tilespmem:s6+$0x30];
	v5 =	vmul.f32 v5, v4;
	[tilespmem:s6+$0xFFFFFFC0] =	vst v6  }
0xdd: {  	v2 =	vld.idx.msk [tilespmem:v13+s18+$0x0], $0xffff;
	v4 =	vmul.f32 v7, v4;
	[tilespmem:s6+$0xFFFFFFD0] =	vst v8  }
0xde: {  	[tilespmem:s6+$0xFFFFFFE0] =	vst v5;
	v6 =	vmul.f32 v10, v3;
	v5 =	vld [tilespmem:s6+$0x50]  }
0xdf: {  	s28 =	simm.s32 $0x4;
	[tilespmem:s6+$0xFFFFFFF0] =	vst v4;
	v7 =	vmul.f32 v11, v3;
	v4 =	vld [tilespmem:s6+$0x60]  }
0xe0: {  	s7 =	simm.s32 $0x7;
	v8 =	vmov s28;
	[tilespmem:s6+$0x0] =	vst v6;
	v10 =	vmul.f32 v9, v3;
	v9 =	vld [tilespmem:s6+$0x80]  }
0xe1: {  	s3 =	sshll.u32 s29, $0x9;
	s19 =	simm.s32 $0x5;
	v13 =	vand.u32 $0xFFFFFFFC, v8;
	v8 =	vld [tilespmem:s6+$0x90];
	v6 =	vmov s7;
	v11 =	vmul.f32 v12, v3;
	[tilespmem:s6+$0x10] =	vst v7  }
0xe2: {  	s20 =	simm.s32 $0x6;
	v12 =	vmul.f32 v14, v3;
	s7 =	simm.s32 $0x7980;
	v7 =	vbroadcast v13, $0x0;
	v13 =	vmov s19;
	s19 =	simm.s32 $0x8;
	[tilespmem:s6+$0x20] =	vst v10;
	v10 =	vld [tilespmem:s6+$0xA0]  }
.LBB2_7:
0xe3: {  	p0 =	slt.u32 s19, $0x3C;
	v13 =	vand.u32 $0xFFFFFFFD, v13;
	v14 =	vmov s20;
	[tilespmem:s6+$0x30] =	vst v11;
	v5 =	vmul.f32 v5, v3;
	v11 =	vld [tilespmem:s6+$0xB0]  }
0xe4: {  	v13 =	vbroadcast v13, $0x0;
	v14 =	vand.u32 $0xFFFFFFFE, v14;
	[tilespmem:s6+$0x40] =	vst v12;
	v3 =	vmul.f32 v4, v3;
	v4 =	vld [tilespmem:s6+$0xC0]  }
0xe5: {  	v12 =	vbroadcast v14, $0x0;
	[tilespmem:s6+$0x50] =	vst v5;
	v5 =	vmul.f32 v9, v2;
	v9 =	vld [tilespmem:s6+$0xD0]  }
0xe6: {  	[tilespmem:s6+$0x60] =	vst v3;
	v3 =	vmul.f32 v8, v2;
	v8 =	vld [tilespmem:s6+$0xE0]  }
0xe7: {  	[tilespmem:s6+$0x80] =	vst v5;
	v5 =	vmul.f32 v10, v2;
	v10 =	vld [tilespmem:s6+$0xF0]  }
0xe8: {  	v6 =	vld.idx.msk [tilespmem:v6+s18+$0x0], $0xffff;
	[tilespmem:s6+$0x90] =	vst v3;
	v3 =	vmul.f32 v11, v2  }
0xe9: {  	v7 =	vld.idx.msk [tilespmem:v7+s18+$0x0], $0xffff;
	[tilespmem:s6+$0xA0] =	vst v5;
	v4 =	vmul.f32 v4, v2  }
0xea: {  	v5 =	vld.idx.msk [tilespmem:v13+s18+$0x0], $0xffff;
	[tilespmem:s6+$0xB0] =	vst v3;
	v9 =	vmul.f32 v9, v2  }
0xeb: {  	s6 =	sadd.s32 $0x200, s6;
	v3 =	vld.idx.msk [tilespmem:v12+s18+$0x0], $0xffff;
	[tilespmem:s7+$0xC0] =	vst v4;
	v4 =	vmul.f32 v8, v2  }
0xec: {  	v8 =	vld [tilespmem:s6+$0x70];
	[tilespmem:s7+$0xD0] =	vst v9;
	v10 =	vmul.f32 v10, v2  }
0xed: {  	v9 =	vld [tilespmem:s6+$0xFFFFFF00];
	[tilespmem:s7+$0xE0] =	vst v4  }
0xee: {  	v2 =	vmov v6;
	v4 =	vld [tilespmem:s6+$0xFFFFFF10];
	[tilespmem:s7+$0xF0] =	vst v10;
	s7 =	smov.u32 s6  }
0xef: {  	v6 =	vld [tilespmem:s6+$0xFFFFFF20]  }
0xf0: {  	v10 =	vld [tilespmem:s6+$0xFFFFFF30]  }
0xf1: {  	v11 =	vld [tilespmem:s6+$0xFFFFFF40];
	v8 =	vmul.f32 v8, v3  }
0xf2: {  	v9 =	vmul.f32 v9, v7;
	v12 =	vld [tilespmem:s6+$0xFFFFFF50]  }
0xf3: {  	v4 =	vmul.f32 v4, v7;
	v13 =	vld [tilespmem:s6+$0xFFFFFF60];
	[tilespmem:s6+$0x70] =	vst v8  }
0xf4: {  	[tilespmem:s6+$0xFFFFFF00] =	vst v9;
	v6 =	vmul.f32 v6, v7;
	v8 =	vld [tilespmem:s6+$0xFFFFFF70]  }
0xf5: {  	[tilespmem:s6+$0xFFFFFF10] =	vst v4;
	v4 =	vmul.f32 v10, v7;
	v9 =	vld [tilespmem:s6+$0xFFFFFF80]  }
0xf6: {  	[tilespmem:s6+$0xFFFFFF20] =	vst v6;
	v6 =	vmul.f32 v11, v7;
	v10 =	vld [tilespmem:s6+$0xFFFFFF90]  }
0xf7: {  	[tilespmem:s6+$0xFFFFFF30] =	vst v4;
	v4 =	vmul.f32 v12, v7;
	v11 =	vld [tilespmem:s6+$0xFFFFFFA0]  }
0xf8: {  	[tilespmem:s6+$0xFFFFFF40] =	vst v6;
	v6 =	vmul.f32 v13, v7;
	v12 =	vld [tilespmem:s6+$0xFFFFFFB0]  }
0xf9: {  	[tilespmem:s6+$0xFFFFFF50] =	vst v4;
	v4 =	vmul.f32 v8, v7;
	v7 =	vld [tilespmem:s6+$0xFFFFFFC0]  }
0xfa: {  	[tilespmem:s6+$0xFFFFFF60] =	vst v6;
	v6 =	vmul.f32 v9, v5;
	v8 =	vld [tilespmem:s6+$0xFFFFFFD0]  }
0xfb: {  	[tilespmem:s6+$0xFFFFFF70] =	vst v4;
	v4 =	vmul.f32 v10, v5;
	v9 =	vld [tilespmem:s6+$0xFFFFFFE0]  }
0xfc: {  	[tilespmem:s6+$0xFFFFFF80] =	vst v6;
	v6 =	vmul.f32 v11, v5;
	v10 =	vld [tilespmem:s6+$0xFFFFFFF0]  }
0xfd: {  	[tilespmem:s6+$0xFFFFFF90] =	vst v4;
	v4 =	vmul.f32 v12, v5;
	v11 =	vld [tilespmem:s6+$0x0]  }
0xfe: {  	[tilespmem:s6+$0xFFFFFFA0] =	vst v6;
	v6 =	vmul.f32 v7, v5;
	v7 =	vld [tilespmem:s6+$0x10]  }
0xff: {  	[tilespmem:s6+$0xFFFFFFB0] =	vst v4;
	v4 =	vmul.f32 v8, v5;
	v8 =	vld [tilespmem:s6+$0x20]  }
0x100: {  	[tilespmem:s6+$0xFFFFFFC0] =	vst v6;
	v6 =	vmul.f32 v9, v5;
	v12 =	vld [tilespmem:s6+$0x30]  }
0x101: {  	[tilespmem:s6+$0xFFFFFFD0] =	vst v4;
	v4 =	vmul.f32 v10, v5;
	v10 =	vld [tilespmem:s6+$0x40]  }
.Ltmp4:
0x102: {  	[tilespmem:s6+$0xFFFFFFE0] =	vst v6;
	v6 =	vmul.f32 v11, v3;
	v5 =	vld [tilespmem:s6+$0x50];
	(pc) =	sbr.rel @p0 .LBB2_7-.Ltmp4, $4  }
0x103: {  	[tilespmem:s6+$0xFFFFFFF0] =	vst v4;
	v7 =	vmul.f32 v7, v3;
	v4 =	vld [tilespmem:s6+$0x60]  }
0x104: {  	s20 =	sadd.s32 $0x3, s19;
	v11 =	vmov s19;
	[tilespmem:s6+$0x0] =	vst v6;
	v14 =	vmul.f32 v8, v3;
	v9 =	vld [tilespmem:s6+$0x80]  }
0x105: {  	s26 =	sadd.s32 $0x1, s19;
	v13 =	vand.u32 $0xFFFFFFFC, v11;
	v6 =	vmov s20;
	[tilespmem:s6+$0x10] =	vst v7;
	v11 =	vmul.f32 v12, v3;
	v8 =	vld [tilespmem:s6+$0x90]  }
0x106: {  	s20 =	sadd.s32 $0x2, s19;
	s19 =	sadd.s32 $0x4, s19;
	v7 =	vbroadcast v13, $0x0;
	v13 =	vmov s26;
	[tilespmem:s6+$0x20] =	vst v14;
	v12 =	vmul.f32 v10, v3;
	v10 =	vld [tilespmem:s6+$0xA0]  }
0x107: {  	v14 =	vld [tilespmem:s6+$0xB0]  }
0x108: {  	v16 =	vld [tilespmem:s6+$0xC0]  }
0x109: {  	v15 =	vmov s20;
	v17 =	vld [tilespmem:s6+$0xD0]  }
0x10a: {  	v18 =	vld [tilespmem:s6+$0xE0];
	[tilespmem:s6+$0x30] =	vst v11;
	v5 =	vmul.f32 v5, v3;
	v15 =	vand.u32 $0xFFFFFFFE, v15  }
0x10b: {  	v13 =	vand.u32 $0xFFFFFFFD, v13;
	v6 =	vld.idx.msk [tilespmem:v6+s18+$0x0], $0xffff;
	[tilespmem:s6+$0x40] =	vst v12;
	v3 =	vmul.f32 v4, v3;
	v15 =	vbroadcast v15, $0x0  }
0x10c: {  	s19 =	sadd.s32 $0x200, s6;
	v13 =	vbroadcast v13, $0x0;
	v4 =	vld.idx.msk [tilespmem:v7+s18+$0x0], $0xffff;
	v9 =	vmul.f32 v9, v2;
	[tilespmem:s6+$0x50] =	vst v5  }
0x10d: {  	v11 =	vld [tilespmem:s19+$0xFFFFFF00];
	v5 =	vmul.f32 v8, v2;
	[tilespmem:s6+$0x60] =	vst v3  }
0x10e: {  	[tilespmem:s6+$0x80] =	vst v9;
	v9 =	vld [tilespmem:s6+$0xF0];
	v3 =	vmul.f32 v10, v2  }
0x10f: {  	v12 =	vld [tilespmem:s19+$0xFFFFFF10];
	[tilespmem:s6+$0x90] =	vst v5;
	v5 =	vmul.f32 v14, v2  }
0x110: {  	v10 =	vld [tilespmem:s19+$0x70];
	[tilespmem:s6+$0xA0] =	vst v3;
	v3 =	vmul.f32 v16, v2  }
0x111: {  	[tilespmem:s6+$0xB0] =	vst v5;
	v5 =	vmul.f32 v17, v2;
	v8 =	vld.idx.msk [tilespmem:v15+s18+$0x0], $0xffff  }
0x112: {  	v7 =	vld.idx.msk [tilespmem:v13+s18+$0x0], $0xffff;
	[tilespmem:s7+$0xC0] =	vst v3;
	v3 =	vmul.f32 v18, v2  }
0x113: {  	v13 =	vld [tilespmem:s19+$0xFFFFFF20];
	[tilespmem:s7+$0xD0] =	vst v5;
	v2 =	vmul.f32 v9, v2  }
0x114: {  	v5 =	vld [tilespmem:s19+$0xFFFFFF30];
	[tilespmem:s7+$0xE0] =	vst v3  }
0x115: {  	v3 =	vld [tilespmem:s19+$0xFFFFFF40];
	[tilespmem:s7+$0xF0] =	vst v2;
	v2 =	vmul.f32 v11, v4  }
0x116: {  	v9 =	vmul.f32 v10, v8;
	v10 =	vld [tilespmem:s19+$0xFFFFFF50]  }
0x117: {  	v11 =	vmul.f32 v12, v4;
	v12 =	vld [tilespmem:s19+$0xFFFFFF60];
	[tilespmem:s19+$0xFFFFFF00] =	vst v2  }
0x118: {  	v2 =	vmul.f32 v13, v4;
	[tilespmem:s19+$0x70] =	vst v9;
	v9 =	vld [tilespmem:s19+$0xFFFFFF70]  }
0x119: {  	[tilespmem:s19+$0xFFFFFF10] =	vst v11;
	v11 =	vld [tilespmem:s19+$0xFFFFFF80];
	v5 =	vmul.f32 v5, v4  }
0x11a: {  	[tilespmem:s19+$0xFFFFFF20] =	vst v2;
	v2 =	vmul.f32 v3, v4;
	v3 =	vld [tilespmem:s19+$0xFFFFFF90]  }
0x11b: {  	[tilespmem:s19+$0xFFFFFF30] =	vst v5;
	v5 =	vmul.f32 v10, v4;
	v10 =	vld [tilespmem:s19+$0xFFFFFFA0]  }
0x11c: {  	[tilespmem:s19+$0xFFFFFF40] =	vst v2;
	v2 =	vmul.f32 v12, v4;
	v12 =	vld [tilespmem:s19+$0xFFFFFFB0]  }
0x11d: {  	[tilespmem:s19+$0xFFFFFF50] =	vst v5;
	v4 =	vmul.f32 v9, v4;
	v5 =	vld [tilespmem:s19+$0xFFFFFFC0]  }
0x11e: {  	[tilespmem:s19+$0xFFFFFF60] =	vst v2;
	v2 =	vmul.f32 v11, v7;
	v9 =	vld [tilespmem:s19+$0xFFFFFFD0]  }
0x11f: {  	v3 =	vmul.f32 v3, v7;
	[tilespmem:s19+$0xFFFFFF70] =	vst v4;
	v4 =	vld [tilespmem:s19+$0xFFFFFFE0]  }
0x120: {  	[tilespmem:s19+$0xFFFFFF80] =	vst v2;
	v2 =	vmul.f32 v10, v7;
	v10 =	vld [tilespmem:s19+$0xFFFFFFF0]  }
0x121: {  	v11 =	vld [tilespmem:s19+$0x0];
	[tilespmem:s19+$0xFFFFFF90] =	vst v3;
	v3 =	vmul.f32 v12, v7  }
0x122: {  	[tilespmem:s19+$0xFFFFFFA0] =	vst v2;
	v2 =	vmul.f32 v5, v7;
	v5 =	vld [tilespmem:s19+$0x10]  }
0x123: {  	[tilespmem:s19+$0xFFFFFFB0] =	vst v3;
	v3 =	vmul.f32 v9, v7;
	v9 =	vld [tilespmem:s19+$0x20]  }
0x124: {  	[tilespmem:s19+$0xFFFFFFC0] =	vst v2;
	v2 =	vmul.f32 v4, v7;
	v4 =	vld [tilespmem:s19+$0x30]  }
0x125: {  	[tilespmem:s19+$0xFFFFFFD0] =	vst v3;
	v3 =	vmul.f32 v10, v7;
	v7 =	vld [tilespmem:s19+$0x40]  }
0x126: {  	v10 =	vld [tilespmem:s19+$0x50];
	[tilespmem:s19+$0xFFFFFFE0] =	vst v2;
	v2 =	vmul.f32 v11, v8  }
0x127: {  	[tilespmem:s19+$0xFFFFFFF0] =	vst v3;
	v3 =	vmul.f32 v5, v8;
	v5 =	vld [tilespmem:s19+$0x60]  }
0x128: {  	[tilespmem:s19+$0x0] =	vst v2;
	v2 =	vmul.f32 v9, v8;
	v9 =	vld [tilespmem:s19+$0x80]  }
0x129: {  	[tilespmem:s19+$0x10] =	vst v3;
	v3 =	vmul.f32 v4, v8;
	v4 =	vld [tilespmem:s19+$0x90]  }
0x12a: {  	[tilespmem:s19+$0x20] =	vst v2;
	v2 =	vmul.f32 v7, v8;
	v7 =	vld [tilespmem:s19+$0xA0]  }
0x12b: {  	[tilespmem:s19+$0x30] =	vst v3;
	v3 =	vmul.f32 v10, v8;
	v10 =	vld [tilespmem:s19+$0xB0]  }
0x12c: {  	[tilespmem:s19+$0x40] =	vst v2;
	v2 =	vmul.f32 v5, v8;
	v5 =	vld [tilespmem:s19+$0xC0]  }
0x12d: {  	v8 =	vld [tilespmem:s19+$0xD0];
	[tilespmem:s19+$0x50] =	vst v3;
	v3 =	vmul.f32 v9, v6  }
0x12e: {  	[tilespmem:s19+$0x60] =	vst v2;
	v2 =	vmul.f32 v4, v6;
	v4 =	vld [tilespmem:s19+$0xE0]  }
0x12f: {  	[tilespmem:s19+$0x80] =	vst v3;
	v3 =	vmul.f32 v7, v6;
	v7 =	vld [tilespmem:s19+$0xF0]  }
0x130: {  	[tilespmem:s19+$0x90] =	vst v2;
	v2 =	vmul.f32 v10, v6  }
0x131: {  	[tilespmem:s19+$0xA0] =	vst v3;
	v3 =	vmul.f32 v5, v6  }
0x132: {  	s20 =	sand.u32 $0x7C00, s3;
	[tilespmem:s19+$0xB0] =	vst v2;
	v2 =	vmul.f32 v8, v6  }
0x133: {  	s26 =	sand.u32 $0x200, s3;
	s6 =	sadd.s32 s13, s20;
	[tilespmem:s19+$0xC0] =	vst v3;
	v3 =	vmul.f32 v4, v6  }
0x134: {  	s6 =	sor.u32 s26, s6;
	[tilespmem:s19+$0xD0] =	vst v2;
	v2 =	vmul.f32 v7, v6  }
0x135: {  	s6 =	sshrl.u32 s6, $0x3;
	[tilespmem:s19+$0xE0] =	vst v3  }
0x136: {  	s7 =	sor.u32 $0x20, s6;
	[tilespmem:s19+$0xF0] =	vst v2;
	s19 =	simm.s32 $0xBA80  }
0x137: {  	[spmem:s2] =	stream.indirect.scatter.add.f32 [tilespmem:s0], [sflag:$0xB], $0x80, s19, s11, $0xb8;
	[tilespmem:$0x1FD80] =	vst v63  }
0x138: {  	s20 =	simm.s32 $0x0;
	s26 =	simm.s32 $0xB980;
	s28 =	sadd.s32 s1, s7  }
0x139: {  	[tilespmem:s26], [sflag:$0x5] =	stream.linear.gather [hbm4b:s28+s20], $0x80, $0x38;
	[tilespmem:$0x1FD80] =	vst v63  }
0x13a: {  	s7 =	sadd.s32 s8, s7;
	s28 =	simm.s32 $0xBB80  }
0x13b: {  	[tilespmem:s28], [sflag:$0x9] =	stream.linear.gather [hbm4b:s7+s20], $0x80, $0x38;
	[tilespmem:$0x1FD80] =	vst v63  }
0x13c: {  	_ =	swait.ge [sflag:s21], $0x2000  }
0x13d: {  	[sflag:s21] =	ssyncset.done $0x0  }
0x13e: {  	[sflag:s21] =	ssyncadd.s32 $0xFFFFE000  }
0x13f: {  	_ =	swait.ge [sflag:s22], $0x80  }
0x140: {  	[sflag:s22] =	ssyncset.done $0x0  }
0x141: {  	[sflag:s22] =	ssyncadd.s32 $0xFFFFFF80  }
0x142: {  	_ =	swait.ge [sflag:s23], $0x80  }
0x143: {  	[sflag:s23] =	ssyncset.done $0x0  }
0x144: {  	[sflag:s23] =	ssyncadd.s32 $0xFFFFFF80  }
0x145: {  	[tilespmem:s0], [sflag:$0x1] =	stream.indirect.gather [hbm4b:s5+s11], $0x80, s26, s11, $0xb8;
	[tilespmem:$0x1FD80] =	vst v63  }
0x146: {  	v2 =	vld [tilespmem:$0xB900]  }
0x147: {  	v3 =	vld [tilespmem:$0xBB00]  }
0x148: {  	v4 =	vld [tilespmem:$0xB910]  }
0x149: {  	v5 =	vld [tilespmem:$0xBB10]  }
0x14a: {  	v6 =	vld [tilespmem:$0xB920]  }
0x14b: {  	v7 =	vld [tilespmem:$0xBB20]  }
0x14c: {  	v8 =	vld [tilespmem:$0xB930]  }
0x14d: {  	v9 =	vld [tilespmem:$0xBB30]  }
0x14e: {  	v2 =	vld.idx.msk [tilespmem:v2+s20+$0x0], $0xffff  }
0x14f: {  	v10 =	vld.idx.msk [tilespmem:v3+s30+$0x0], $0xffff  }
0x150: {  	v4 =	vld.idx.msk [tilespmem:v4+s20+$0x0], $0xffff  }
0x151: {  	v11 =	vld.idx.msk [tilespmem:v5+s30+$0x0], $0xffff  }
0x152: {  	v6 =	vld.idx.msk [tilespmem:v6+s20+$0x0], $0xffff  }
0x153: {  	v12 =	vld.idx.msk [tilespmem:v7+s30+$0x0], $0xffff  }
0x154: {  	v8 =	vld.idx.msk [tilespmem:v8+s20+$0x0], $0xffff;
	v2 =	vadd.f32 v10, v2  }
0x155: {  	v10 =	vld.idx.msk [tilespmem:v9+s30+$0x0], $0xffff  }
0x156: {  	v4 =	vadd.f32 v11, v4;
	v13 =	vmul.f32 $2.000000030e-01, v2;
	_ =	sdelay $0x1  }
0x157: {  	v6 =	vadd.f32 v12, v6;
	v11 =	vmul.f32 $2.000000030e-01, v4;
	v2 =	vmax.f32 v2, v13  }
0x158: {  	v2 =	vsub.f32 v2, v1  }
0x159: {  	v4 =	vmax.f32 v4, v11;
	v11 =	vmul.f32 $2.000000030e-01, v6;
	v8 =	vadd.f32 v10, v8  }
0x15a: {  	v4 =	vsub.f32 v4, v1;
	v2 =	vmul.f32 $1.442695020e+00, v2  }
0x15b: {  	v6 =	vmax.f32 v6, v11;
	v10 =	vmul.f32 $2.000000030e-01, v8  }
0x15c: {  	(erf) = vpow2.f32 v2;
	v2 =	vmul.f32 $1.442695020e+00, v4;
	v4 =	vsub.f32 v6, v1  }
0x15d: {  	v6 =	vmax.f32 v8, v10  }
0x15e: {  	(erf) = vpow2.f32 v2;
	v2 =	vmul.f32 $1.442695020e+00, v4;
	v4 =	vsub.f32 v6, v1;
	_ =	sdelay $0x1  }
0x15f: {  	(erf) = vpow2.f32 v2;
	v2 =	vmul.f32 $1.442695020e+00, v4;
	_ =	sdelay $0x1  }
0x160: {  	(erf) = vpow2.f32 v2;
	_ =	sdelay $0x2  }
0x161: {  	v2 =	vpop (erf)  }
0x162: {  	[tilespmem:$0xBD00] =	vst v2  }
0x163: {  	v4 =	vpop (erf);
	[tilespmem:v3+s16+$0x0] =	vst.idx.add.f32.msk $0xffff, v2  }
0x164: {  	[tilespmem:$0xBD10] =	vst v4  }
0x165: {  	v3 =	vmov s20;
	s20 =	simm.s32 $0x2;
	v2 =	vpop (erf);
	[tilespmem:v5+s16+$0x0] =	vst.idx.add.f32.msk $0xffff, v4  }
0x166: {  	v3 =	vand.u32 $0xFFFFFFFC, v3;
	v4 =	vmov s20;
	[tilespmem:$0xBD20] =	vst v2  }
0x167: {  	v3 =	vbroadcast v3, $0x0;
	v4 =	vand.u32 $0xFFFFFFFE, v4;
	[tilespmem:v7+s16+$0x0] =	vst.idx.add.f32.msk $0xffff, v2;
	v2 =	vpop (erf)  }
0x168: {  	v4 =	vbroadcast v4, $0x0;
	[tilespmem:$0xBD30] =	vst v2  }
0x169: {  	[tilespmem:v9+s16+$0x0] =	vst.idx.add.f32.msk $0xffff, v2  }
0x16a: {  	_ =	swait.ge [sflag:s24], $0x2000  }
0x16b: {  	[sflag:s24] =	ssyncset.done $0x0  }
0x16c: {  	[sflag:s24] =	ssyncadd.s32 $0xFFFFE000  }
0x16d: {  	v2 =	vld.idx.msk [tilespmem:v3+s25+$0x0], $0xffff  }
0x16e: {  	s7 =	simm.s32 $0x9980;
	v3 =	vld.idx.msk [tilespmem:v4+s25+$0x0], $0xffff  }
0x16f: {  	v5 =	vld [tilespmem:s7+$0x70]  }
0x170: {  	v6 =	vld [tilespmem:s7+$0xFFFFFF00]  }
0x171: {  	s26 =	simm.s32 $0x1;
	v7 =	vld [tilespmem:s7+$0xFFFFFF10]  }
0x172: {  	v4 =	vmov s26;
	v8 =	vld [tilespmem:s7+$0xFFFFFF20]  }
0x173: {  	v9 =	vld [tilespmem:s7+$0xFFFFFF30];
	v4 =	vand.u32 $0xFFFFFFFD, v4  }
0x174: {  	v10 =	vld [tilespmem:s7+$0xFFFFFF40];
	v4 =	vbroadcast v4, $0x0  }
0x175: {  	v11 =	vld [tilespmem:s7+$0xFFFFFF50]  }
0x176: {  	v12 =	vld [tilespmem:s7+$0xFFFFFF60];
	v6 =	vmul.f32 v6, v2  }
0x177: {  	v14 =	vld [tilespmem:s7+$0x40];
	v5 =	vmul.f32 v5, v3  }
0x178: {  	[tilespmem:s7+$0xFFFFFF00] =	vst v6;
	v6 =	vmul.f32 v7, v2;
	v7 =	vld [tilespmem:s7+$0xFFFFFF70]  }
0x179: {  	[tilespmem:s7+$0x70] =	vst v5;
	v5 =	vmul.f32 v8, v2;
	v8 =	vld [tilespmem:s7+$0xFFFFFF80]  }
0x17a: {  	v4 =	vld.idx.msk [tilespmem:v4+s25+$0x0], $0xffff;
	[tilespmem:s7+$0xFFFFFF10] =	vst v6;
	v6 =	vmul.f32 v9, v2  }
0x17b: {  	v9 =	vld [tilespmem:s7+$0xFFFFFF90];
	[tilespmem:s7+$0xFFFFFF20] =	vst v5;
	v5 =	vmul.f32 v10, v2  }
0x17c: {  	v10 =	vld [tilespmem:s7+$0xFFFFFFA0];
	[tilespmem:s7+$0xFFFFFF30] =	vst v6;
	v6 =	vmul.f32 v11, v2  }
0x17d: {  	v11 =	vld [tilespmem:s7+$0xFFFFFFB0];
	[tilespmem:s7+$0xFFFFFF40] =	vst v5;
	v5 =	vmul.f32 v12, v2  }
0x17e: {  	v12 =	vld [tilespmem:s7+$0xFFFFFFC0];
	v7 =	vmul.f32 v7, v2;
	[tilespmem:s7+$0xFFFFFF50] =	vst v6  }
0x17f: {  	v6 =	vmul.f32 v8, v4;
	v8 =	vld [tilespmem:s7+$0xFFFFFFD0];
	[tilespmem:s7+$0xFFFFFF60] =	vst v5  }
0x180: {  	s28 =	simm.s32 $0x3;
	v5 =	vld [tilespmem:s7+$0xFFFFFFE0];
	v9 =	vmul.f32 v9, v4;
	[tilespmem:s7+$0xFFFFFF70] =	vst v7  }
0x181: {  	v13 =	vmov s28;
	v7 =	vld [tilespmem:s7+$0xFFFFFFF0];
	[tilespmem:s7+$0xFFFFFF80] =	vst v6;
	v6 =	vmul.f32 v10, v4  }
0x182: {  	v10 =	vld [tilespmem:s7+$0x0];
	[tilespmem:s7+$0xFFFFFF90] =	vst v9;
	v9 =	vmul.f32 v11, v4  }
0x183: {  	v11 =	vld [tilespmem:s7+$0x10];
	[tilespmem:s7+$0xFFFFFFA0] =	vst v6;
	v6 =	vmul.f32 v12, v4  }
0x184: {  	[tilespmem:s7+$0xFFFFFFB0] =	vst v9;
	v8 =	vmul.f32 v8, v4;
	v9 =	vld [tilespmem:s7+$0x20]  }
0x185: {  	v12 =	vld [tilespmem:s7+$0x30];
	v5 =	vmul.f32 v5, v4;
	[tilespmem:s7+$0xFFFFFFC0] =	vst v6  }
0x186: {  	v2 =	vld.idx.msk [tilespmem:v13+s25+$0x0], $0xffff;
	v4 =	vmul.f32 v7, v4;
	[tilespmem:s7+$0xFFFFFFD0] =	vst v8  }
0x187: {  	[tilespmem:s7+$0xFFFFFFE0] =	vst v5;
	v6 =	vmul.f32 v10, v3;
	v5 =	vld [tilespmem:s7+$0x50]  }
0x188: {  	s20 =	simm.s32 $0x4;
	[tilespmem:s7+$0xFFFFFFF0] =	vst v4;
	v7 =	vmul.f32 v11, v3;
	v4 =	vld [tilespmem:s7+$0x60]  }
0x189: {  	s26 =	simm.s32 $0x7;
	v8 =	vmov s20;
	[tilespmem:s7+$0x0] =	vst v6;
	v10 =	vmul.f32 v9, v3;
	v9 =	vld [tilespmem:s7+$0x80]  }
0x18a: {  	s28 =	simm.s32 $0x5;
	v13 =	vand.u32 $0xFFFFFFFC, v8;
	v8 =	vld [tilespmem:s7+$0x90];
	v6 =	vmov s26;
	v11 =	vmul.f32 v12, v3;
	[tilespmem:s7+$0x10] =	vst v7  }
0x18b: {  	s19 =	simm.s32 $0x9980;
	s20 =	simm.s32 $0x8;
	s26 =	simm.s32 $0x6;
	v12 =	vmul.f32 v14, v3;
	v7 =	vbroadcast v13, $0x0;
	v13 =	vmov s28;
	[tilespmem:s7+$0x20] =	vst v10;
	v10 =	vld [tilespmem:s7+$0xA0]  }
.LBB2_9:
0x18c: {  	p0 =	slt.u32 s20, $0x3C;
	v13 =	vand.u32 $0xFFFFFFFD, v13;
	v14 =	vmov s26;
	[tilespmem:s7+$0x30] =	vst v11;
	v5 =	vmul.f32 v5, v3;
	v11 =	vld [tilespmem:s7+$0xB0]  }
0x18d: {  	v13 =	vbroadcast v13, $0x0;
	v14 =	vand.u32 $0xFFFFFFFE, v14;
	[tilespmem:s7+$0x40] =	vst v12;
	v3 =	vmul.f32 v4, v3;
	v4 =	vld [tilespmem:s7+$0xC0]  }
0x18e: {  	v12 =	vbroadcast v14, $0x0;
	[tilespmem:s7+$0x50] =	vst v5;
	v5 =	vmul.f32 v9, v2;
	v9 =	vld [tilespmem:s7+$0xD0]  }
0x18f: {  	[tilespmem:s7+$0x60] =	vst v3;
	v3 =	vmul.f32 v8, v2;
	v8 =	vld [tilespmem:s7+$0xE0]  }
0x190: {  	[tilespmem:s7+$0x80] =	vst v5;
	v5 =	vmul.f32 v10, v2;
	v10 =	vld [tilespmem:s7+$0xF0]  }
0x191: {  	v6 =	vld.idx.msk [tilespmem:v6+s25+$0x0], $0xffff;
	[tilespmem:s7+$0x90] =	vst v3;
	v3 =	vmul.f32 v11, v2  }
0x192: {  	v7 =	vld.idx.msk [tilespmem:v7+s25+$0x0], $0xffff;
	[tilespmem:s7+$0xA0] =	vst v5;
	v4 =	vmul.f32 v4, v2  }
0x193: {  	v5 =	vld.idx.msk [tilespmem:v13+s25+$0x0], $0xffff;
	[tilespmem:s7+$0xB0] =	vst v3;
	v9 =	vmul.f32 v9, v2  }
0x194: {  	s7 =	sadd.s32 $0x200, s7;
	v3 =	vld.idx.msk [tilespmem:v12+s25+$0x0], $0xffff;
	[tilespmem:s19+$0xC0] =	vst v4;
	v4 =	vmul.f32 v8, v2  }
0x195: {  	v8 =	vld [tilespmem:s7+$0x70];
	[tilespmem:s19+$0xD0] =	vst v9;
	v10 =	vmul.f32 v10, v2  }
0x196: {  	v9 =	vld [tilespmem:s7+$0xFFFFFF00];
	[tilespmem:s19+$0xE0] =	vst v4  }
0x197: {  	v2 =	vmov v6;
	v4 =	vld [tilespmem:s7+$0xFFFFFF10];
	[tilespmem:s19+$0xF0] =	vst v10;
	s19 =	smov.u32 s7  }
0x198: {  	v6 =	vld [tilespmem:s7+$0xFFFFFF20]  }
0x199: {  	v10 =	vld [tilespmem:s7+$0xFFFFFF30]  }
0x19a: {  	v11 =	vld [tilespmem:s7+$0xFFFFFF40];
	v8 =	vmul.f32 v8, v3  }
0x19b: {  	v9 =	vmul.f32 v9, v7;
	v12 =	vld [tilespmem:s7+$0xFFFFFF50]  }
0x19c: {  	v4 =	vmul.f32 v4, v7;
	v13 =	vld [tilespmem:s7+$0xFFFFFF60];
	[tilespmem:s7+$0x70] =	vst v8  }
0x19d: {  	[tilespmem:s7+$0xFFFFFF00] =	vst v9;
	v6 =	vmul.f32 v6, v7;
	v8 =	vld [tilespmem:s7+$0xFFFFFF70]  }
0x19e: {  	[tilespmem:s7+$0xFFFFFF10] =	vst v4;
	v4 =	vmul.f32 v10, v7;
	v9 =	vld [tilespmem:s7+$0xFFFFFF80]  }
0x19f: {  	[tilespmem:s7+$0xFFFFFF20] =	vst v6;
	v6 =	vmul.f32 v11, v7;
	v10 =	vld [tilespmem:s7+$0xFFFFFF90]  }
0x1a0: {  	[tilespmem:s7+$0xFFFFFF30] =	vst v4;
	v4 =	vmul.f32 v12, v7;
	v11 =	vld [tilespmem:s7+$0xFFFFFFA0]  }
0x1a1: {  	[tilespmem:s7+$0xFFFFFF40] =	vst v6;
	v6 =	vmul.f32 v13, v7;
	v12 =	vld [tilespmem:s7+$0xFFFFFFB0]  }
0x1a2: {  	[tilespmem:s7+$0xFFFFFF50] =	vst v4;
	v4 =	vmul.f32 v8, v7;
	v7 =	vld [tilespmem:s7+$0xFFFFFFC0]  }
0x1a3: {  	[tilespmem:s7+$0xFFFFFF60] =	vst v6;
	v6 =	vmul.f32 v9, v5;
	v8 =	vld [tilespmem:s7+$0xFFFFFFD0]  }
0x1a4: {  	[tilespmem:s7+$0xFFFFFF70] =	vst v4;
	v4 =	vmul.f32 v10, v5;
	v9 =	vld [tilespmem:s7+$0xFFFFFFE0]  }
0x1a5: {  	[tilespmem:s7+$0xFFFFFF80] =	vst v6;
	v6 =	vmul.f32 v11, v5;
	v10 =	vld [tilespmem:s7+$0xFFFFFFF0]  }
0x1a6: {  	[tilespmem:s7+$0xFFFFFF90] =	vst v4;
	v4 =	vmul.f32 v12, v5;
	v11 =	vld [tilespmem:s7+$0x0]  }
0x1a7: {  	[tilespmem:s7+$0xFFFFFFA0] =	vst v6;
	v6 =	vmul.f32 v7, v5;
	v7 =	vld [tilespmem:s7+$0x10]  }
0x1a8: {  	[tilespmem:s7+$0xFFFFFFB0] =	vst v4;
	v4 =	vmul.f32 v8, v5;
	v8 =	vld [tilespmem:s7+$0x20]  }
0x1a9: {  	[tilespmem:s7+$0xFFFFFFC0] =	vst v6;
	v6 =	vmul.f32 v9, v5;
	v12 =	vld [tilespmem:s7+$0x30]  }
0x1aa: {  	[tilespmem:s7+$0xFFFFFFD0] =	vst v4;
	v4 =	vmul.f32 v10, v5;
	v10 =	vld [tilespmem:s7+$0x40]  }
.Ltmp5:
0x1ab: {  	[tilespmem:s7+$0xFFFFFFE0] =	vst v6;
	v6 =	vmul.f32 v11, v3;
	v5 =	vld [tilespmem:s7+$0x50];
	(pc) =	sbr.rel @p0 .LBB2_9-.Ltmp5, $4  }
0x1ac: {  	[tilespmem:s7+$0xFFFFFFF0] =	vst v4;
	v7 =	vmul.f32 v7, v3;
	v4 =	vld [tilespmem:s7+$0x60]  }
0x1ad: {  	s26 =	sadd.s32 $0x3, s20;
	v11 =	vmov s20;
	[tilespmem:s7+$0x0] =	vst v6;
	v14 =	vmul.f32 v8, v3;
	v9 =	vld [tilespmem:s7+$0x80]  }
0x1ae: {  	s28 =	sadd.s32 $0x1, s20;
	v13 =	vand.u32 $0xFFFFFFFC, v11;
	v6 =	vmov s26;
	[tilespmem:s7+$0x10] =	vst v7;
	v11 =	vmul.f32 v12, v3;
	v8 =	vld [tilespmem:s7+$0x90]  }
0x1af: {  	s26 =	sadd.s32 $0x2, s20;
	s20 =	sadd.s32 $0x4, s20;
	v7 =	vbroadcast v13, $0x0;
	v13 =	vmov s28;
	[tilespmem:s7+$0x20] =	vst v14;
	v12 =	vmul.f32 v10, v3;
	v10 =	vld [tilespmem:s7+$0xA0]  }
0x1b0: {  	v14 =	vld [tilespmem:s7+$0xB0]  }
0x1b1: {  	v16 =	vld [tilespmem:s7+$0xC0]  }
0x1b2: {  	v15 =	vmov s26;
	v17 =	vld [tilespmem:s7+$0xD0]  }
0x1b3: {  	v18 =	vld [tilespmem:s7+$0xE0];
	[tilespmem:s7+$0x30] =	vst v11;
	v5 =	vmul.f32 v5, v3;
	v15 =	vand.u32 $0xFFFFFFFE, v15  }
0x1b4: {  	v13 =	vand.u32 $0xFFFFFFFD, v13;
	v6 =	vld.idx.msk [tilespmem:v6+s25+$0x0], $0xffff;
	[tilespmem:s7+$0x40] =	vst v12;
	v3 =	vmul.f32 v4, v3;
	v15 =	vbroadcast v15, $0x0  }
0x1b5: {  	s20 =	sadd.s32 $0x200, s7;
	v13 =	vbroadcast v13, $0x0;
	v4 =	vld.idx.msk [tilespmem:v7+s25+$0x0], $0xffff;
	v9 =	vmul.f32 v9, v2;
	[tilespmem:s7+$0x50] =	vst v5  }
0x1b6: {  	v11 =	vld [tilespmem:s20+$0xFFFFFF00];
	v5 =	vmul.f32 v8, v2;
	[tilespmem:s7+$0x60] =	vst v3  }
0x1b7: {  	[tilespmem:s7+$0x80] =	vst v9;
	v9 =	vld [tilespmem:s7+$0xF0];
	v3 =	vmul.f32 v10, v2  }
0x1b8: {  	v12 =	vld [tilespmem:s20+$0xFFFFFF10];
	[tilespmem:s7+$0x90] =	vst v5;
	v5 =	vmul.f32 v14, v2  }
0x1b9: {  	v10 =	vld [tilespmem:s20+$0x70];
	[tilespmem:s7+$0xA0] =	vst v3;
	v3 =	vmul.f32 v16, v2  }
0x1ba: {  	[tilespmem:s7+$0xB0] =	vst v5;
	v5 =	vmul.f32 v17, v2;
	v8 =	vld.idx.msk [tilespmem:v15+s25+$0x0], $0xffff  }
0x1bb: {  	v7 =	vld.idx.msk [tilespmem:v13+s25+$0x0], $0xffff;
	[tilespmem:s19+$0xC0] =	vst v3;
	v3 =	vmul.f32 v18, v2  }
0x1bc: {  	v13 =	vld [tilespmem:s20+$0xFFFFFF20];
	[tilespmem:s19+$0xD0] =	vst v5;
	v2 =	vmul.f32 v9, v2  }
0x1bd: {  	v5 =	vld [tilespmem:s20+$0xFFFFFF30];
	[tilespmem:s19+$0xE0] =	vst v3  }
0x1be: {  	v3 =	vld [tilespmem:s20+$0xFFFFFF40];
	[tilespmem:s19+$0xF0] =	vst v2;
	v2 =	vmul.f32 v11, v4  }
0x1bf: {  	v9 =	vmul.f32 v10, v8;
	v10 =	vld [tilespmem:s20+$0xFFFFFF50]  }
0x1c0: {  	v11 =	vmul.f32 v12, v4;
	v12 =	vld [tilespmem:s20+$0xFFFFFF60];
	[tilespmem:s20+$0xFFFFFF00] =	vst v2  }
0x1c1: {  	v2 =	vmul.f32 v13, v4;
	[tilespmem:s20+$0x70] =	vst v9;
	v9 =	vld [tilespmem:s20+$0xFFFFFF70]  }
0x1c2: {  	[tilespmem:s20+$0xFFFFFF10] =	vst v11;
	v11 =	vld [tilespmem:s20+$0xFFFFFF80];
	v5 =	vmul.f32 v5, v4  }
0x1c3: {  	[tilespmem:s20+$0xFFFFFF20] =	vst v2;
	v2 =	vmul.f32 v3, v4;
	v3 =	vld [tilespmem:s20+$0xFFFFFF90]  }
0x1c4: {  	[tilespmem:s20+$0xFFFFFF30] =	vst v5;
	v5 =	vmul.f32 v10, v4;
	v10 =	vld [tilespmem:s20+$0xFFFFFFA0]  }
0x1c5: {  	[tilespmem:s20+$0xFFFFFF40] =	vst v2;
	v2 =	vmul.f32 v12, v4;
	v12 =	vld [tilespmem:s20+$0xFFFFFFB0]  }
0x1c6: {  	[tilespmem:s20+$0xFFFFFF50] =	vst v5;
	v4 =	vmul.f32 v9, v4;
	v5 =	vld [tilespmem:s20+$0xFFFFFFC0]  }
0x1c7: {  	[tilespmem:s20+$0xFFFFFF60] =	vst v2;
	v2 =	vmul.f32 v11, v7;
	v9 =	vld [tilespmem:s20+$0xFFFFFFD0]  }
0x1c8: {  	v3 =	vmul.f32 v3, v7;
	[tilespmem:s20+$0xFFFFFF70] =	vst v4;
	v4 =	vld [tilespmem:s20+$0xFFFFFFE0]  }
0x1c9: {  	[tilespmem:s20+$0xFFFFFF80] =	vst v2;
	v2 =	vmul.f32 v10, v7;
	v10 =	vld [tilespmem:s20+$0xFFFFFFF0]  }
0x1ca: {  	v11 =	vld [tilespmem:s20+$0x0];
	[tilespmem:s20+$0xFFFFFF90] =	vst v3;
	v3 =	vmul.f32 v12, v7  }
0x1cb: {  	[tilespmem:s20+$0xFFFFFFA0] =	vst v2;
	v2 =	vmul.f32 v5, v7;
	v5 =	vld [tilespmem:s20+$0x10]  }
0x1cc: {  	[tilespmem:s20+$0xFFFFFFB0] =	vst v3;
	v3 =	vmul.f32 v9, v7;
	v9 =	vld [tilespmem:s20+$0x20]  }
0x1cd: {  	[tilespmem:s20+$0xFFFFFFC0] =	vst v2;
	v2 =	vmul.f32 v4, v7;
	v4 =	vld [tilespmem:s20+$0x30]  }
0x1ce: {  	[tilespmem:s20+$0xFFFFFFD0] =	vst v3;
	v3 =	vmul.f32 v10, v7;
	v7 =	vld [tilespmem:s20+$0x40]  }
0x1cf: {  	v10 =	vld [tilespmem:s20+$0x50];
	[tilespmem:s20+$0xFFFFFFE0] =	vst v2;
	v2 =	vmul.f32 v11, v8  }
0x1d0: {  	[tilespmem:s20+$0xFFFFFFF0] =	vst v3;
	v3 =	vmul.f32 v5, v8;
	v5 =	vld [tilespmem:s20+$0x60]  }
0x1d1: {  	[tilespmem:s20+$0x0] =	vst v2;
	v2 =	vmul.f32 v9, v8;
	v9 =	vld [tilespmem:s20+$0x80]  }
0x1d2: {  	[tilespmem:s20+$0x10] =	vst v3;
	v3 =	vmul.f32 v4, v8;
	v4 =	vld [tilespmem:s20+$0x90]  }
0x1d3: {  	[tilespmem:s20+$0x20] =	vst v2;
	v2 =	vmul.f32 v7, v8;
	v7 =	vld [tilespmem:s20+$0xA0]  }
0x1d4: {  	[tilespmem:s20+$0x30] =	vst v3;
	v3 =	vmul.f32 v10, v8;
	v10 =	vld [tilespmem:s20+$0xB0]  }
0x1d5: {  	[tilespmem:s20+$0x40] =	vst v2;
	v2 =	vmul.f32 v5, v8;
	v5 =	vld [tilespmem:s20+$0xC0]  }
0x1d6: {  	v8 =	vld [tilespmem:s20+$0xD0];
	[tilespmem:s20+$0x50] =	vst v3;
	v3 =	vmul.f32 v9, v6  }
0x1d7: {  	[tilespmem:s20+$0x60] =	vst v2;
	v2 =	vmul.f32 v4, v6;
	v4 =	vld [tilespmem:s20+$0xE0]  }
0x1d8: {  	[tilespmem:s20+$0x80] =	vst v3;
	v3 =	vmul.f32 v7, v6;
	v7 =	vld [tilespmem:s20+$0xF0]  }
0x1d9: {  	[tilespmem:s20+$0x90] =	vst v2;
	v2 =	vmul.f32 v10, v6  }
0x1da: {  	[tilespmem:s20+$0xA0] =	vst v3;
	v3 =	vmul.f32 v5, v6  }
0x1db: {  	[tilespmem:s20+$0xB0] =	vst v2;
	v2 =	vmul.f32 v8, v6  }
0x1dc: {  	[tilespmem:s20+$0xC0] =	vst v3;
	v3 =	vmul.f32 v4, v6  }
0x1dd: {  	[tilespmem:s20+$0xD0] =	vst v2;
	v2 =	vmul.f32 v7, v6  }
0x1de: {  	[tilespmem:s20+$0xE0] =	vst v3  }
0x1df: {  	s28 =	simm.s32 $0xBB00;
	s6 =	sor.u32 $0x30, s6;
	[tilespmem:s20+$0xF0] =	vst v2  }
0x1e0: {  	[spmem:s2] =	stream.indirect.scatter.add.f32 [tilespmem:s15], [sflag:$0xC], $0x80, s28, s11, $0xb8;
	[tilespmem:$0x1FD80] =	vst v63  }
0x1e1: {  	s26 =	sadd.s32 s1, s6;
	s19 =	simm.s32 $0x0;
	s20 =	simm.s32 $0xBA00  }
0x1e2: {  	[tilespmem:s20], [sflag:$0x6] =	stream.linear.gather [hbm4b:s26+s19], $0x80, $0x38;
	[tilespmem:$0x1FD80] =	vst v63  }
0x1e3: {  	s6 =	sadd.s32 s8, s6;
	s26 =	simm.s32 $0xBC00  }
0x1e4: {  	[tilespmem:s26], [sflag:$0xA] =	stream.linear.gather [hbm4b:s6+s19], $0x80, $0x38;
	[tilespmem:$0x1FD80] =	vst v63  }
0x1e5: {  	_ =	swait.ge [sflag:s9], $0x2000  }
0x1e6: {  	[sflag:s9] =	ssyncset.done $0x0  }
0x1e7: {  	[sflag:s9] =	ssyncadd.s32 $0xFFFFE000  }
0x1e8: {  	_ =	swait.ge [sflag:s31], $0x80  }
0x1e9: {  	[sflag:s31] =	ssyncset.done $0x0  }
0x1ea: {  	[sflag:s31] =	ssyncadd.s32 $0xFFFFFF80  }
0x1eb: {  	_ =	swait.ge [sflag:s10], $0x80  }
0x1ec: {  	[sflag:s10] =	ssyncset.done $0x0  }
0x1ed: {  	[sflag:s10] =	ssyncadd.s32 $0xFFFFFF80  }
0x1ee: {  	[tilespmem:s15], [sflag:$0x2] =	stream.indirect.gather [hbm4b:s5+s11], $0x80, s20, s11, $0xb8;
	[tilespmem:$0x1FD80] =	vst v63  }
0x1ef: {  	v2 =	vld [tilespmem:$0xB980]  }
0x1f0: {  	v3 =	vld [tilespmem:$0xBB80]  }
0x1f1: {  	v4 =	vld [tilespmem:$0xB990]  }
0x1f2: {  	v5 =	vld [tilespmem:$0xBB90]  }
0x1f3: {  	v6 =	vld [tilespmem:$0xB9A0]  }
0x1f4: {  	v7 =	vld [tilespmem:$0xBBA0]  }
0x1f5: {  	v8 =	vld [tilespmem:$0xB9B0]  }
0x1f6: {  	v9 =	vld [tilespmem:$0xBBB0]  }
0x1f7: {  	v2 =	vld.idx.msk [tilespmem:v2+s19+$0x0], $0xffff  }
0x1f8: {  	v10 =	vld.idx.msk [tilespmem:v3+s30+$0x0], $0xffff  }
0x1f9: {  	v4 =	vld.idx.msk [tilespmem:v4+s19+$0x0], $0xffff  }
0x1fa: {  	v11 =	vld.idx.msk [tilespmem:v5+s30+$0x0], $0xffff  }
0x1fb: {  	v6 =	vld.idx.msk [tilespmem:v6+s19+$0x0], $0xffff  }
0x1fc: {  	v12 =	vld.idx.msk [tilespmem:v7+s30+$0x0], $0xffff  }
0x1fd: {  	v8 =	vld.idx.msk [tilespmem:v8+s19+$0x0], $0xffff;
	v2 =	vadd.f32 v10, v2  }
0x1fe: {  	v10 =	vld.idx.msk [tilespmem:v9+s30+$0x0], $0xffff  }
0x1ff: {  	v4 =	vadd.f32 v11, v4;
	v13 =	vmul.f32 $2.000000030e-01, v2;
	_ =	sdelay $0x1  }
0x200: {  	v6 =	vadd.f32 v12, v6;
	v11 =	vmul.f32 $2.000000030e-01, v4;
	v2 =	vmax.f32 v2, v13  }
0x201: {  	v2 =	vsub.f32 v2, v1  }
0x202: {  	v4 =	vmax.f32 v4, v11;
	v11 =	vmul.f32 $2.000000030e-01, v6;
	v8 =	vadd.f32 v10, v8  }
0x203: {  	v4 =	vsub.f32 v4, v1;
	v2 =	vmul.f32 $1.442695020e+00, v2  }
0x204: {  	v6 =	vmax.f32 v6, v11;
	v10 =	vmul.f32 $2.000000030e-01, v8  }
0x205: {  	(erf) = vpow2.f32 v2;
	v2 =	vmul.f32 $1.442695020e+00, v4;
	v4 =	vsub.f32 v6, v1  }
0x206: {  	v6 =	vmax.f32 v8, v10  }
0x207: {  	(erf) = vpow2.f32 v2;
	v2 =	vmul.f32 $1.442695020e+00, v4;
	v4 =	vsub.f32 v6, v1;
	_ =	sdelay $0x1  }
0x208: {  	(erf) = vpow2.f32 v2;
	v2 =	vmul.f32 $1.442695020e+00, v4;
	_ =	sdelay $0x1  }
0x209: {  	(erf) = vpow2.f32 v2;
	_ =	sdelay $0x2  }
0x20a: {  	v2 =	vpop (erf)  }
0x20b: {  	[tilespmem:$0xBC80] =	vst v2  }
0x20c: {  	v4 =	vpop (erf);
	[tilespmem:v3+s16+$0x0] =	vst.idx.add.f32.msk $0xffff, v2  }
0x20d: {  	[tilespmem:$0xBC90] =	vst v4  }
0x20e: {  	v3 =	vmov s19;
	s19 =	simm.s32 $0x2;
	v2 =	vpop (erf);
	[tilespmem:v5+s16+$0x0] =	vst.idx.add.f32.msk $0xffff, v4  }
0x20f: {  	v3 =	vand.u32 $0xFFFFFFFC, v3;
	v4 =	vmov s19;
	[tilespmem:$0xBCA0] =	vst v2  }
0x210: {  	v3 =	vbroadcast v3, $0x0;
	v4 =	vand.u32 $0xFFFFFFFE, v4;
	[tilespmem:v7+s16+$0x0] =	vst.idx.add.f32.msk $0xffff, v2;
	v2 =	vpop (erf)  }
0x211: {  	v4 =	vbroadcast v4, $0x0;
	[tilespmem:$0xBCB0] =	vst v2  }
0x212: {  	[tilespmem:v9+s16+$0x0] =	vst.idx.add.f32.msk $0xffff, v2  }
0x213: {  	_ =	swait.ge [sflag:s17], $0x2000  }
0x214: {  	[sflag:s17] =	ssyncset.done $0x0  }
0x215: {  	[sflag:s17] =	ssyncadd.s32 $0xFFFFE000  }
0x216: {  	v2 =	vld.idx.msk [tilespmem:v3+s18+$0x0], $0xffff  }
0x217: {  	s6 =	simm.s32 $0x7980;
	v3 =	vld.idx.msk [tilespmem:v4+s18+$0x0], $0xffff  }
0x218: {  	v5 =	vld [tilespmem:s6+$0x70]  }
0x219: {  	v6 =	vld [tilespmem:s6+$0xFFFFFF00]  }
0x21a: {  	s20 =	simm.s32 $0x1;
	v7 =	vld [tilespmem:s6+$0xFFFFFF10]  }
0x21b: {  	v4 =	vmov s20;
	v8 =	vld [tilespmem:s6+$0xFFFFFF20]  }
0x21c: {  	v9 =	vld [tilespmem:s6+$0xFFFFFF30];
	v4 =	vand.u32 $0xFFFFFFFD, v4  }
0x21d: {  	v10 =	vld [tilespmem:s6+$0xFFFFFF40];
	v4 =	vbroadcast v4, $0x0  }
0x21e: {  	v11 =	vld [tilespmem:s6+$0xFFFFFF50]  }
0x21f: {  	v12 =	vld [tilespmem:s6+$0xFFFFFF60];
	v6 =	vmul.f32 v6, v2  }
0x220: {  	v14 =	vld [tilespmem:s6+$0x40];
	v5 =	vmul.f32 v5, v3  }
0x221: {  	[tilespmem:s6+$0xFFFFFF00] =	vst v6;
	v6 =	vmul.f32 v7, v2;
	v7 =	vld [tilespmem:s6+$0xFFFFFF70]  }
0x222: {  	[tilespmem:s6+$0x70] =	vst v5;
	v5 =	vmul.f32 v8, v2;
	v8 =	vld [tilespmem:s6+$0xFFFFFF80]  }
0x223: {  	v4 =	vld.idx.msk [tilespmem:v4+s18+$0x0], $0xffff;
	[tilespmem:s6+$0xFFFFFF10] =	vst v6;
	v6 =	vmul.f32 v9, v2  }
0x224: {  	v9 =	vld [tilespmem:s6+$0xFFFFFF90];
	[tilespmem:s6+$0xFFFFFF20] =	vst v5;
	v5 =	vmul.f32 v10, v2  }
0x225: {  	v10 =	vld [tilespmem:s6+$0xFFFFFFA0];
	[tilespmem:s6+$0xFFFFFF30] =	vst v6;
	v6 =	vmul.f32 v11, v2  }
0x226: {  	v11 =	vld [tilespmem:s6+$0xFFFFFFB0];
	[tilespmem:s6+$0xFFFFFF40] =	vst v5;
	v5 =	vmul.f32 v12, v2  }
0x227: {  	v12 =	vld [tilespmem:s6+$0xFFFFFFC0];
	v7 =	vmul.f32 v7, v2;
	[tilespmem:s6+$0xFFFFFF50] =	vst v6  }
0x228: {  	v6 =	vmul.f32 v8, v4;
	v8 =	vld [tilespmem:s6+$0xFFFFFFD0];
	[tilespmem:s6+$0xFFFFFF60] =	vst v5  }
0x229: {  	s26 =	simm.s32 $0x3;
	v5 =	vld [tilespmem:s6+$0xFFFFFFE0];
	v9 =	vmul.f32 v9, v4;
	[tilespmem:s6+$0xFFFFFF70] =	vst v7  }
0x22a: {  	v13 =	vmov s26;
	v7 =	vld [tilespmem:s6+$0xFFFFFFF0];
	[tilespmem:s6+$0xFFFFFF80] =	vst v6;
	v6 =	vmul.f32 v10, v4  }
0x22b: {  	v10 =	vld [tilespmem:s6+$0x0];
	[tilespmem:s6+$0xFFFFFF90] =	vst v9;
	v9 =	vmul.f32 v11, v4  }
0x22c: {  	v11 =	vld [tilespmem:s6+$0x10];
	[tilespmem:s6+$0xFFFFFFA0] =	vst v6;
	v6 =	vmul.f32 v12, v4  }
0x22d: {  	[tilespmem:s6+$0xFFFFFFB0] =	vst v9;
	v8 =	vmul.f32 v8, v4;
	v9 =	vld [tilespmem:s6+$0x20]  }
0x22e: {  	v12 =	vld [tilespmem:s6+$0x30];
	v5 =	vmul.f32 v5, v4;
	[tilespmem:s6+$0xFFFFFFC0] =	vst v6  }
0x22f: {  	v2 =	vld.idx.msk [tilespmem:v13+s18+$0x0], $0xffff;
	v4 =	vmul.f32 v7, v4;
	[tilespmem:s6+$0xFFFFFFD0] =	vst v8  }
0x230: {  	[tilespmem:s6+$0xFFFFFFE0] =	vst v5;
	v6 =	vmul.f32 v10, v3;
	v5 =	vld [tilespmem:s6+$0x50]  }
0x231: {  	s19 =	simm.s32 $0x4;
	[tilespmem:s6+$0xFFFFFFF0] =	vst v4;
	v7 =	vmul.f32 v11, v3;
	v4 =	vld [tilespmem:s6+$0x60]  }
0x232: {  	s20 =	simm.s32 $0x7;
	v8 =	vmov s19;
	[tilespmem:s6+$0x0] =	vst v6;
	v10 =	vmul.f32 v9, v3;
	v9 =	vld [tilespmem:s6+$0x80]  }
0x233: {  	s26 =	simm.s32 $0x5;
	v13 =	vand.u32 $0xFFFFFFFC, v8;
	v8 =	vld [tilespmem:s6+$0x90];
	v6 =	vmov s20;
	v11 =	vmul.f32 v12, v3;
	[tilespmem:s6+$0x10] =	vst v7  }
0x234: {  	s7 =	simm.s32 $0x7980;
	s19 =	simm.s32 $0x8;
	s20 =	simm.s32 $0x6;
	v12 =	vmul.f32 v14, v3;
	v7 =	vbroadcast v13, $0x0;
	v13 =	vmov s26;
	[tilespmem:s6+$0x20] =	vst v10;
	v10 =	vld [tilespmem:s6+$0xA0]  }
.LBB2_11:
0x235: {  	p0 =	slt.u32 s19, $0x3C;
	v13 =	vand.u32 $0xFFFFFFFD, v13;
	v14 =	vmov s20;
	[tilespmem:s6+$0x30] =	vst v11;
	v5 =	vmul.f32 v5, v3;
	v11 =	vld [tilespmem:s6+$0xB0]  }
0x236: {  	v13 =	vbroadcast v13, $0x0;
	v14 =	vand.u32 $0xFFFFFFFE, v14;
	[tilespmem:s6+$0x40] =	vst v12;
	v3 =	vmul.f32 v4, v3;
	v4 =	vld [tilespmem:s6+$0xC0]  }
0x237: {  	v12 =	vbroadcast v14, $0x0;
	[tilespmem:s6+$0x50] =	vst v5;
	v5 =	vmul.f32 v9, v2;
	v9 =	vld [tilespmem:s6+$0xD0]  }
0x238: {  	[tilespmem:s6+$0x60] =	vst v3;
	v3 =	vmul.f32 v8, v2;
	v8 =	vld [tilespmem:s6+$0xE0]  }
0x239: {  	[tilespmem:s6+$0x80] =	vst v5;
	v5 =	vmul.f32 v10, v2;
	v10 =	vld [tilespmem:s6+$0xF0]  }
0x23a: {  	v6 =	vld.idx.msk [tilespmem:v6+s18+$0x0], $0xffff;
	[tilespmem:s6+$0x90] =	vst v3;
	v3 =	vmul.f32 v11, v2  }
0x23b: {  	v7 =	vld.idx.msk [tilespmem:v7+s18+$0x0], $0xffff;
	[tilespmem:s6+$0xA0] =	vst v5;
	v4 =	vmul.f32 v4, v2  }
0x23c: {  	v5 =	vld.idx.msk [tilespmem:v13+s18+$0x0], $0xffff;
	[tilespmem:s6+$0xB0] =	vst v3;
	v9 =	vmul.f32 v9, v2  }
0x23d: {  	s6 =	sadd.s32 $0x200, s6;
	v3 =	vld.idx.msk [tilespmem:v12+s18+$0x0], $0xffff;
	[tilespmem:s7+$0xC0] =	vst v4;
	v4 =	vmul.f32 v8, v2  }
0x23e: {  	v8 =	vld [tilespmem:s6+$0x70];
	[tilespmem:s7+$0xD0] =	vst v9;
	v10 =	vmul.f32 v10, v2  }
0x23f: {  	v9 =	vld [tilespmem:s6+$0xFFFFFF00];
	[tilespmem:s7+$0xE0] =	vst v4  }
0x240: {  	v2 =	vmov v6;
	v4 =	vld [tilespmem:s6+$0xFFFFFF10];
	[tilespmem:s7+$0xF0] =	vst v10;
	s7 =	smov.u32 s6  }
0x241: {  	v6 =	vld [tilespmem:s6+$0xFFFFFF20]  }
0x242: {  	v10 =	vld [tilespmem:s6+$0xFFFFFF30]  }
0x243: {  	v11 =	vld [tilespmem:s6+$0xFFFFFF40];
	v8 =	vmul.f32 v8, v3  }
0x244: {  	v9 =	vmul.f32 v9, v7;
	v12 =	vld [tilespmem:s6+$0xFFFFFF50]  }
0x245: {  	v4 =	vmul.f32 v4, v7;
	v13 =	vld [tilespmem:s6+$0xFFFFFF60];
	[tilespmem:s6+$0x70] =	vst v8  }
0x246: {  	[tilespmem:s6+$0xFFFFFF00] =	vst v9;
	v6 =	vmul.f32 v6, v7;
	v8 =	vld [tilespmem:s6+$0xFFFFFF70]  }
0x247: {  	[tilespmem:s6+$0xFFFFFF10] =	vst v4;
	v4 =	vmul.f32 v10, v7;
	v9 =	vld [tilespmem:s6+$0xFFFFFF80]  }
0x248: {  	[tilespmem:s6+$0xFFFFFF20] =	vst v6;
	v6 =	vmul.f32 v11, v7;
	v10 =	vld [tilespmem:s6+$0xFFFFFF90]  }
0x249: {  	[tilespmem:s6+$0xFFFFFF30] =	vst v4;
	v4 =	vmul.f32 v12, v7;
	v11 =	vld [tilespmem:s6+$0xFFFFFFA0]  }
0x24a: {  	[tilespmem:s6+$0xFFFFFF40] =	vst v6;
	v6 =	vmul.f32 v13, v7;
	v12 =	vld [tilespmem:s6+$0xFFFFFFB0]  }
0x24b: {  	[tilespmem:s6+$0xFFFFFF50] =	vst v4;
	v4 =	vmul.f32 v8, v7;
	v7 =	vld [tilespmem:s6+$0xFFFFFFC0]  }
0x24c: {  	[tilespmem:s6+$0xFFFFFF60] =	vst v6;
	v6 =	vmul.f32 v9, v5;
	v8 =	vld [tilespmem:s6+$0xFFFFFFD0]  }
0x24d: {  	[tilespmem:s6+$0xFFFFFF70] =	vst v4;
	v4 =	vmul.f32 v10, v5;
	v9 =	vld [tilespmem:s6+$0xFFFFFFE0]  }
0x24e: {  	[tilespmem:s6+$0xFFFFFF80] =	vst v6;
	v6 =	vmul.f32 v11, v5;
	v10 =	vld [tilespmem:s6+$0xFFFFFFF0]  }
0x24f: {  	[tilespmem:s6+$0xFFFFFF90] =	vst v4;
	v4 =	vmul.f32 v12, v5;
	v11 =	vld [tilespmem:s6+$0x0]  }
0x250: {  	[tilespmem:s6+$0xFFFFFFA0] =	vst v6;
	v6 =	vmul.f32 v7, v5;
	v7 =	vld [tilespmem:s6+$0x10]  }
0x251: {  	[tilespmem:s6+$0xFFFFFFB0] =	vst v4;
	v4 =	vmul.f32 v8, v5;
	v8 =	vld [tilespmem:s6+$0x20]  }
0x252: {  	[tilespmem:s6+$0xFFFFFFC0] =	vst v6;
	v6 =	vmul.f32 v9, v5;
	v12 =	vld [tilespmem:s6+$0x30]  }
0x253: {  	[tilespmem:s6+$0xFFFFFFD0] =	vst v4;
	v4 =	vmul.f32 v10, v5;
	v10 =	vld [tilespmem:s6+$0x40]  }
.Ltmp6:
0x254: {  	[tilespmem:s6+$0xFFFFFFE0] =	vst v6;
	v6 =	vmul.f32 v11, v3;
	v5 =	vld [tilespmem:s6+$0x50];
	(pc) =	sbr.rel @p0 .LBB2_11-.Ltmp6, $4  }
0x255: {  	[tilespmem:s6+$0xFFFFFFF0] =	vst v4;
	v7 =	vmul.f32 v7, v3;
	v4 =	vld [tilespmem:s6+$0x60]  }
0x256: {  	s20 =	sadd.s32 $0x3, s19;
	v11 =	vmov s19;
	[tilespmem:s6+$0x0] =	vst v6;
	v14 =	vmul.f32 v8, v3;
	v9 =	vld [tilespmem:s6+$0x80]  }
0x257: {  	s26 =	sadd.s32 $0x1, s19;
	v13 =	vand.u32 $0xFFFFFFFC, v11;
	v6 =	vmov s20;
	[tilespmem:s6+$0x10] =	vst v7;
	v11 =	vmul.f32 v12, v3;
	v8 =	vld [tilespmem:s6+$0x90]  }
0x258: {  	s20 =	sadd.s32 $0x2, s19;
	s19 =	sadd.s32 $0x4, s19;
	v7 =	vbroadcast v13, $0x0;
	v13 =	vmov s26;
	[tilespmem:s6+$0x20] =	vst v14;
	v12 =	vmul.f32 v10, v3;
	v10 =	vld [tilespmem:s6+$0xA0]  }
0x259: {  	v14 =	vld [tilespmem:s6+$0xB0]  }
0x25a: {  	v16 =	vld [tilespmem:s6+$0xC0]  }
0x25b: {  	v15 =	vmov s20;
	v17 =	vld [tilespmem:s6+$0xD0]  }
0x25c: {  	v18 =	vld [tilespmem:s6+$0xE0];
	[tilespmem:s6+$0x30] =	vst v11;
	v5 =	vmul.f32 v5, v3;
	v15 =	vand.u32 $0xFFFFFFFE, v15  }
0x25d: {  	v13 =	vand.u32 $0xFFFFFFFD, v13;
	v6 =	vld.idx.msk [tilespmem:v6+s18+$0x0], $0xffff;
	[tilespmem:s6+$0x40] =	vst v12;
	v3 =	vmul.f32 v4, v3;
	v15 =	vbroadcast v15, $0x0  }
0x25e: {  	s19 =	sadd.s32 $0x200, s6;
	v13 =	vbroadcast v13, $0x0;
	v4 =	vld.idx.msk [tilespmem:v7+s18+$0x0], $0xffff;
	v9 =	vmul.f32 v9, v2;
	[tilespmem:s6+$0x50] =	vst v5  }
0x25f: {  	v11 =	vld [tilespmem:s19+$0xFFFFFF00];
	v5 =	vmul.f32 v8, v2;
	[tilespmem:s6+$0x60] =	vst v3  }
0x260: {  	[tilespmem:s6+$0x80] =	vst v9;
	v9 =	vld [tilespmem:s6+$0xF0];
	v3 =	vmul.f32 v10, v2  }
0x261: {  	v12 =	vld [tilespmem:s19+$0xFFFFFF10];
	[tilespmem:s6+$0x90] =	vst v5;
	v5 =	vmul.f32 v14, v2  }
0x262: {  	v10 =	vld [tilespmem:s19+$0x70];
	[tilespmem:s6+$0xA0] =	vst v3;
	v3 =	vmul.f32 v16, v2  }
0x263: {  	[tilespmem:s6+$0xB0] =	vst v5;
	v5 =	vmul.f32 v17, v2;
	v8 =	vld.idx.msk [tilespmem:v15+s18+$0x0], $0xffff  }
0x264: {  	v7 =	vld.idx.msk [tilespmem:v13+s18+$0x0], $0xffff;
	[tilespmem:s7+$0xC0] =	vst v3;
	v3 =	vmul.f32 v18, v2  }
0x265: {  	v13 =	vld [tilespmem:s19+$0xFFFFFF20];
	[tilespmem:s7+$0xD0] =	vst v5;
	v2 =	vmul.f32 v9, v2  }
0x266: {  	v5 =	vld [tilespmem:s19+$0xFFFFFF30];
	[tilespmem:s7+$0xE0] =	vst v3  }
0x267: {  	v3 =	vld [tilespmem:s19+$0xFFFFFF40];
	[tilespmem:s7+$0xF0] =	vst v2;
	v2 =	vmul.f32 v11, v4  }
0x268: {  	v9 =	vmul.f32 v10, v8;
	v10 =	vld [tilespmem:s19+$0xFFFFFF50]  }
0x269: {  	v11 =	vmul.f32 v12, v4;
	v12 =	vld [tilespmem:s19+$0xFFFFFF60];
	[tilespmem:s19+$0xFFFFFF00] =	vst v2  }
0x26a: {  	v2 =	vmul.f32 v13, v4;
	[tilespmem:s19+$0x70] =	vst v9;
	v9 =	vld [tilespmem:s19+$0xFFFFFF70]  }
0x26b: {  	[tilespmem:s19+$0xFFFFFF10] =	vst v11;
	v11 =	vld [tilespmem:s19+$0xFFFFFF80];
	v5 =	vmul.f32 v5, v4  }
0x26c: {  	[tilespmem:s19+$0xFFFFFF20] =	vst v2;
	v2 =	vmul.f32 v3, v4;
	v3 =	vld [tilespmem:s19+$0xFFFFFF90]  }
0x26d: {  	[tilespmem:s19+$0xFFFFFF30] =	vst v5;
	v5 =	vmul.f32 v10, v4;
	v10 =	vld [tilespmem:s19+$0xFFFFFFA0]  }
0x26e: {  	[tilespmem:s19+$0xFFFFFF40] =	vst v2;
	v2 =	vmul.f32 v12, v4;
	v12 =	vld [tilespmem:s19+$0xFFFFFFB0]  }
0x26f: {  	[tilespmem:s19+$0xFFFFFF50] =	vst v5;
	v4 =	vmul.f32 v9, v4;
	v5 =	vld [tilespmem:s19+$0xFFFFFFC0]  }
0x270: {  	[tilespmem:s19+$0xFFFFFF60] =	vst v2;
	v2 =	vmul.f32 v11, v7;
	v9 =	vld [tilespmem:s19+$0xFFFFFFD0]  }
0x271: {  	v3 =	vmul.f32 v3, v7;
	[tilespmem:s19+$0xFFFFFF70] =	vst v4;
	v4 =	vld [tilespmem:s19+$0xFFFFFFE0]  }
0x272: {  	[tilespmem:s19+$0xFFFFFF80] =	vst v2;
	v2 =	vmul.f32 v10, v7;
	v10 =	vld [tilespmem:s19+$0xFFFFFFF0]  }
0x273: {  	v11 =	vld [tilespmem:s19+$0x0];
	[tilespmem:s19+$0xFFFFFF90] =	vst v3;
	v3 =	vmul.f32 v12, v7  }
0x274: {  	[tilespmem:s19+$0xFFFFFFA0] =	vst v2;
	v2 =	vmul.f32 v5, v7;
	v5 =	vld [tilespmem:s19+$0x10]  }
0x275: {  	[tilespmem:s19+$0xFFFFFFB0] =	vst v3;
	v3 =	vmul.f32 v9, v7;
	v9 =	vld [tilespmem:s19+$0x20]  }
0x276: {  	[tilespmem:s19+$0xFFFFFFC0] =	vst v2;
	v2 =	vmul.f32 v4, v7;
	v4 =	vld [tilespmem:s19+$0x30]  }
0x277: {  	[tilespmem:s19+$0xFFFFFFD0] =	vst v3;
	v3 =	vmul.f32 v10, v7;
	v7 =	vld [tilespmem:s19+$0x40]  }
0x278: {  	v10 =	vld [tilespmem:s19+$0x50];
	[tilespmem:s19+$0xFFFFFFE0] =	vst v2;
	v2 =	vmul.f32 v11, v8  }
0x279: {  	[tilespmem:s19+$0xFFFFFFF0] =	vst v3;
	v3 =	vmul.f32 v5, v8;
	v5 =	vld [tilespmem:s19+$0x60]  }
0x27a: {  	[tilespmem:s19+$0x0] =	vst v2;
	v2 =	vmul.f32 v9, v8;
	v9 =	vld [tilespmem:s19+$0x80]  }
0x27b: {  	[tilespmem:s19+$0x10] =	vst v3;
	v3 =	vmul.f32 v4, v8;
	v4 =	vld [tilespmem:s19+$0x90]  }
0x27c: {  	[tilespmem:s19+$0x20] =	vst v2;
	v2 =	vmul.f32 v7, v8;
	v7 =	vld [tilespmem:s19+$0xA0]  }
0x27d: {  	[tilespmem:s19+$0x30] =	vst v3;
	v3 =	vmul.f32 v10, v8;
	v10 =	vld [tilespmem:s19+$0xB0]  }
0x27e: {  	[tilespmem:s19+$0x40] =	vst v2;
	v2 =	vmul.f32 v5, v8;
	v5 =	vld [tilespmem:s19+$0xC0]  }
0x27f: {  	v8 =	vld [tilespmem:s19+$0xD0];
	[tilespmem:s19+$0x50] =	vst v3;
	v3 =	vmul.f32 v9, v6  }
0x280: {  	[tilespmem:s19+$0x60] =	vst v2;
	v2 =	vmul.f32 v4, v6;
	v4 =	vld [tilespmem:s19+$0xE0]  }
0x281: {  	[tilespmem:s19+$0x80] =	vst v3;
	v3 =	vmul.f32 v7, v6;
	v7 =	vld [tilespmem:s19+$0xF0]  }
0x282: {  	[tilespmem:s19+$0x90] =	vst v2;
	v2 =	vmul.f32 v10, v6  }
0x283: {  	[tilespmem:s19+$0xA0] =	vst v3;
	v3 =	vmul.f32 v5, v6  }
0x284: {  	[tilespmem:s19+$0xB0] =	vst v2;
	v2 =	vmul.f32 v8, v6  }
0x285: {  	[tilespmem:s19+$0xC0] =	vst v3;
	v3 =	vmul.f32 v4, v6  }
0x286: {  	p0 =	seq.s32 s29, $0x27;
	[tilespmem:s19+$0xD0] =	vst v2;
	v2 =	vmul.f32 v7, v6  }
0x287: {  	s6 =	sadd.s32 @!p0 $0x200, s3;
	[tilespmem:s19+$0xE0] =	vst v3  }
0x288: {  	s26 =	simm.s32 $0xBB80;
	[tilespmem:s19+$0xF0] =	vst v2;
	s19 =	sand.u32 @!p0 $0xFC00, s6  }
0x289: {  	[spmem:s2] =	stream.indirect.scatter.add.f32 [tilespmem:s0], [sflag:$0xB], $0x80, s26, s11, $0xb8;
	[tilespmem:$0x1FD80] =	vst v63  }
0x28a: {  	s7 =	simm.s32 @p0 $0xB;
	s6 =	sand.u32 @!p0 $0x200, s6;
	s19 =	sadd.s32 @!p0 s13, s19  }
0x28b: {  	_ =	swait.ge @p0 [sflag:s7], $0x2000;
	s6 =	sor.u32 @!p0 s6, s19  }
0x28c: {  	s20 =	simm.s32 @!p0 $0xB880;
	[sflag:s7] =	ssyncset.done @p0 $0x0;
	s6 =	sshrl.u32 @!p0 s6, $0x3  }
0x28d: {  	s19 =	simm.s32 @!p0 $0x0;
	[sflag:s7] =	ssyncadd.s32 @p0 $0xFFFFE000;
	s7 =	sadd.s32 @!p0 s1, s6  }
0x28e: {  	[tilespmem:s20], [sflag:$0x3] =	stream.linear.gather @!p0 [hbm4b:s7+s19], $0x80, $0x38;
	[tilespmem:$0x1FD80] =	vst v63  }
0x28f: {  	s6 =	sadd.s32 @!p0 s8, s6;
	s7 =	simm.s32 @!p0 $0xBA80  }
0x290: {  	[tilespmem:s7], [sflag:$0x7] =	stream.linear.gather @!p0 [hbm4b:s6+s19], $0x80, $0x38;
	[tilespmem:$0x1FD80] =	vst v63  }
0x291: {  	s6 =	simm.s32 @!p0 $0xB  }
0x292: {  	_ =	swait.ge @!p0 [sflag:s6], $0x2000  }
0x293: {  	[sflag:s6] =	ssyncset.done @!p0 $0x0  }
0x294: {  	[sflag:s6] =	ssyncadd.s32 @!p0 $0xFFFFE000;
	s6 =	simm.s32 @!p0 $0x3  }
0x295: {  	_ =	swait.ge @!p0 [sflag:s6], $0x80  }
0x296: {  	[sflag:s6] =	ssyncset.done @!p0 $0x0  }
0x297: {  	[sflag:s6] =	ssyncadd.s32 @!p0 $0xFFFFFF80;
	s6 =	simm.s32 @!p0 $0x7  }
0x298: {  	_ =	swait.ge @!p0 [sflag:s6], $0x80  }
0x299: {  	[sflag:s6] =	ssyncset.done @!p0 $0x0  }
0x29a: {  	s7 =	simm.s32 @!p0 $0x7880;
	[sflag:s6] =	ssyncadd.s32 @!p0 $0xFFFFFF80;
	s6 =	simm.s32 @!p0 $0x40  }
0x29b: {  	[tilespmem:s7], [sflag:$0x1] =	stream.indirect.gather @!p0 [hbm4b:s5+s6], $0x80, s20, s6, $0xb8;
	[tilespmem:$0x1FD80] =	vst v63  }
0x29c: {  	v2 =	vld [tilespmem:$0xBA00]  }
0x29d: {  	v3 =	vld [tilespmem:$0xBC00]  }
0x29e: {  	v4 =	vld [tilespmem:$0xBA10]  }
0x29f: {  	v5 =	vld [tilespmem:$0xBC10]  }
0x2a0: {  	v6 =	vld [tilespmem:$0xBA20]  }
0x2a1: {  	v7 =	vld [tilespmem:$0xBC20]  }
0x2a2: {  	v8 =	vld [tilespmem:$0xBA30]  }
0x2a3: {  	s7 =	simm.s32 $0x0;
	v9 =	vld [tilespmem:$0xBC30]  }
0x2a4: {  	v2 =	vld.idx.msk [tilespmem:v2+s7+$0x0], $0xffff  }
0x2a5: {  	v10 =	vld.idx.msk [tilespmem:v3+s30+$0x0], $0xffff  }
0x2a6: {  	v4 =	vld.idx.msk [tilespmem:v4+s7+$0x0], $0xffff  }
0x2a7: {  	v11 =	vld.idx.msk [tilespmem:v5+s30+$0x0], $0xffff  }
0x2a8: {  	v6 =	vld.idx.msk [tilespmem:v6+s7+$0x0], $0xffff  }
0x2a9: {  	v12 =	vld.idx.msk [tilespmem:v7+s30+$0x0], $0xffff  }
0x2aa: {  	v8 =	vld.idx.msk [tilespmem:v8+s7+$0x0], $0xffff;
	v2 =	vadd.f32 v10, v2  }
0x2ab: {  	v10 =	vld.idx.msk [tilespmem:v9+s30+$0x0], $0xffff  }
0x2ac: {  	v4 =	vadd.f32 v11, v4;
	v13 =	vmul.f32 $2.000000030e-01, v2;
	_ =	sdelay $0x1  }
0x2ad: {  	v6 =	vadd.f32 v12, v6;
	v11 =	vmul.f32 $2.000000030e-01, v4;
	v2 =	vmax.f32 v2, v13  }
0x2ae: {  	v2 =	vsub.f32 v2, v1  }
0x2af: {  	v4 =	vmax.f32 v4, v11;
	v11 =	vmul.f32 $2.000000030e-01, v6;
	v8 =	vadd.f32 v10, v8  }
0x2b0: {  	v4 =	vsub.f32 v4, v1;
	v2 =	vmul.f32 $1.442695020e+00, v2  }
0x2b1: {  	v6 =	vmax.f32 v6, v11;
	v10 =	vmul.f32 $2.000000030e-01, v8  }
0x2b2: {  	(erf) = vpow2.f32 v2;
	v2 =	vmul.f32 $1.442695020e+00, v4;
	v4 =	vsub.f32 v6, v1  }
0x2b3: {  	v6 =	vmax.f32 v8, v10  }
0x2b4: {  	(erf) = vpow2.f32 v2;
	v2 =	vmul.f32 $1.442695020e+00, v4;
	v4 =	vsub.f32 v6, v1;
	_ =	sdelay $0x1  }
0x2b5: {  	(erf) = vpow2.f32 v2;
	v2 =	vmul.f32 $1.442695020e+00, v4;
	_ =	sdelay $0x1  }
0x2b6: {  	(erf) = vpow2.f32 v2;
	_ =	sdelay $0x2  }
0x2b7: {  	v2 =	vpop (erf)  }
0x2b8: {  	[tilespmem:$0xBD00] =	vst v2  }
0x2b9: {  	v4 =	vpop (erf);
	[tilespmem:v3+s16+$0x0] =	vst.idx.add.f32.msk $0xffff, v2  }
0x2ba: {  	[tilespmem:$0xBD10] =	vst v4  }
0x2bb: {  	s19 =	simm.s32 $0x2;
	v3 =	vmov s7;
	v2 =	vpop (erf);
	[tilespmem:v5+s16+$0x0] =	vst.idx.add.f32.msk $0xffff, v4  }
0x2bc: {  	v3 =	vand.u32 $0xFFFFFFFC, v3;
	v4 =	vmov s19;
	[tilespmem:$0xBD20] =	vst v2  }
0x2bd: {  	v3 =	vbroadcast v3, $0x0;
	v4 =	vand.u32 $0xFFFFFFFE, v4;
	[tilespmem:v7+s16+$0x0] =	vst.idx.add.f32.msk $0xffff, v2;
	v2 =	vpop (erf)  }
0x2be: {  	v4 =	vbroadcast v4, $0x0;
	[tilespmem:$0xBD30] =	vst v2  }
0x2bf: {  	[tilespmem:v9+s16+$0x0] =	vst.idx.add.f32.msk $0xffff, v2  }
0x2c0: {  	_ =	swait.ge [sflag:s24], $0x2000  }
0x2c1: {  	[sflag:s24] =	ssyncset.done $0x0  }
0x2c2: {  	[sflag:s24] =	ssyncadd.s32 $0xFFFFE000  }
0x2c3: {  	v2 =	vld.idx.msk [tilespmem:v3+s25+$0x0], $0xffff  }
0x2c4: {  	s6 =	simm.s32 $0x9980;
	v3 =	vld.idx.msk [tilespmem:v4+s25+$0x0], $0xffff  }
0x2c5: {  	v5 =	vld [tilespmem:s6+$0x70]  }
0x2c6: {  	v6 =	vld [tilespmem:s6+$0xFFFFFF00]  }
0x2c7: {  	s20 =	simm.s32 $0x1;
	v7 =	vld [tilespmem:s6+$0xFFFFFF10]  }
0x2c8: {  	v4 =	vmov s20;
	v8 =	vld [tilespmem:s6+$0xFFFFFF20]  }
0x2c9: {  	v9 =	vld [tilespmem:s6+$0xFFFFFF30];
	v4 =	vand.u32 $0xFFFFFFFD, v4  }
0x2ca: {  	v10 =	vld [tilespmem:s6+$0xFFFFFF40];
	v4 =	vbroadcast v4, $0x0  }
0x2cb: {  	v11 =	vld [tilespmem:s6+$0xFFFFFF50]  }
0x2cc: {  	v12 =	vld [tilespmem:s6+$0xFFFFFF60];
	v6 =	vmul.f32 v6, v2  }
0x2cd: {  	v14 =	vld [tilespmem:s6+$0x40];
	v5 =	vmul.f32 v5, v3  }
0x2ce: {  	[tilespmem:s6+$0xFFFFFF00] =	vst v6;
	v6 =	vmul.f32 v7, v2;
	v7 =	vld [tilespmem:s6+$0xFFFFFF70]  }
0x2cf: {  	[tilespmem:s6+$0x70] =	vst v5;
	v5 =	vmul.f32 v8, v2;
	v8 =	vld [tilespmem:s6+$0xFFFFFF80]  }
0x2d0: {  	v4 =	vld.idx.msk [tilespmem:v4+s25+$0x0], $0xffff;
	[tilespmem:s6+$0xFFFFFF10] =	vst v6;
	v6 =	vmul.f32 v9, v2  }
0x2d1: {  	v9 =	vld [tilespmem:s6+$0xFFFFFF90];
	[tilespmem:s6+$0xFFFFFF20] =	vst v5;
	v5 =	vmul.f32 v10, v2  }
0x2d2: {  	v10 =	vld [tilespmem:s6+$0xFFFFFFA0];
	[tilespmem:s6+$0xFFFFFF30] =	vst v6;
	v6 =	vmul.f32 v11, v2  }
0x2d3: {  	v11 =	vld [tilespmem:s6+$0xFFFFFFB0];
	[tilespmem:s6+$0xFFFFFF40] =	vst v5;
	v5 =	vmul.f32 v12, v2  }
0x2d4: {  	v12 =	vld [tilespmem:s6+$0xFFFFFFC0];
	v7 =	vmul.f32 v7, v2;
	[tilespmem:s6+$0xFFFFFF50] =	vst v6  }
0x2d5: {  	v6 =	vmul.f32 v8, v4;
	v8 =	vld [tilespmem:s6+$0xFFFFFFD0];
	[tilespmem:s6+$0xFFFFFF60] =	vst v5  }
0x2d6: {  	s26 =	simm.s32 $0x3;
	v5 =	vld [tilespmem:s6+$0xFFFFFFE0];
	v9 =	vmul.f32 v9, v4;
	[tilespmem:s6+$0xFFFFFF70] =	vst v7  }
0x2d7: {  	v13 =	vmov s26;
	v7 =	vld [tilespmem:s6+$0xFFFFFFF0];
	[tilespmem:s6+$0xFFFFFF80] =	vst v6;
	v6 =	vmul.f32 v10, v4  }
0x2d8: {  	v10 =	vld [tilespmem:s6+$0x0];
	[tilespmem:s6+$0xFFFFFF90] =	vst v9;
	v9 =	vmul.f32 v11, v4  }
0x2d9: {  	v11 =	vld [tilespmem:s6+$0x10];
	[tilespmem:s6+$0xFFFFFFA0] =	vst v6;
	v6 =	vmul.f32 v12, v4  }
0x2da: {  	[tilespmem:s6+$0xFFFFFFB0] =	vst v9;
	v8 =	vmul.f32 v8, v4;
	v9 =	vld [tilespmem:s6+$0x20]  }
0x2db: {  	v12 =	vld [tilespmem:s6+$0x30];
	v5 =	vmul.f32 v5, v4;
	[tilespmem:s6+$0xFFFFFFC0] =	vst v6  }
0x2dc: {  	v2 =	vld.idx.msk [tilespmem:v13+s25+$0x0], $0xffff;
	v4 =	vmul.f32 v7, v4;
	[tilespmem:s6+$0xFFFFFFD0] =	vst v8  }
0x2dd: {  	[tilespmem:s6+$0xFFFFFFE0] =	vst v5;
	v6 =	vmul.f32 v10, v3;
	v5 =	vld [tilespmem:s6+$0x50]  }
0x2de: {  	s19 =	simm.s32 $0x4;
	[tilespmem:s6+$0xFFFFFFF0] =	vst v4;
	v7 =	vmul.f32 v11, v3;
	v4 =	vld [tilespmem:s6+$0x60]  }
0x2df: {  	s20 =	simm.s32 $0x7;
	v8 =	vmov s19;
	[tilespmem:s6+$0x0] =	vst v6;
	v10 =	vmul.f32 v9, v3;
	v9 =	vld [tilespmem:s6+$0x80]  }
0x2e0: {  	s26 =	simm.s32 $0x5;
	v13 =	vand.u32 $0xFFFFFFFC, v8;
	v8 =	vld [tilespmem:s6+$0x90];
	v6 =	vmov s20;
	v11 =	vmul.f32 v12, v3;
	[tilespmem:s6+$0x10] =	vst v7  }
0x2e1: {  	s7 =	simm.s32 $0x9980;
	s19 =	simm.s32 $0x8;
	s20 =	simm.s32 $0x6;
	v12 =	vmul.f32 v14, v3;
	v7 =	vbroadcast v13, $0x0;
	v13 =	vmov s26;
	[tilespmem:s6+$0x20] =	vst v10;
	v10 =	vld [tilespmem:s6+$0xA0]  }
.LBB2_13:
0x2e2: {  	p1 =	slt.u32 s19, $0x3C;
	v13 =	vand.u32 $0xFFFFFFFD, v13;
	v14 =	vmov s20;
	[tilespmem:s6+$0x30] =	vst v11;
	v5 =	vmul.f32 v5, v3;
	v11 =	vld [tilespmem:s6+$0xB0]  }
0x2e3: {  	v13 =	vbroadcast v13, $0x0;
	v14 =	vand.u32 $0xFFFFFFFE, v14;
	[tilespmem:s6+$0x40] =	vst v12;
	v3 =	vmul.f32 v4, v3;
	v4 =	vld [tilespmem:s6+$0xC0]  }
0x2e4: {  	v12 =	vbroadcast v14, $0x0;
	[tilespmem:s6+$0x50] =	vst v5;
	v5 =	vmul.f32 v9, v2;
	v9 =	vld [tilespmem:s6+$0xD0]  }
0x2e5: {  	[tilespmem:s6+$0x60] =	vst v3;
	v3 =	vmul.f32 v8, v2;
	v8 =	vld [tilespmem:s6+$0xE0]  }
0x2e6: {  	[tilespmem:s6+$0x80] =	vst v5;
	v5 =	vmul.f32 v10, v2;
	v10 =	vld [tilespmem:s6+$0xF0]  }
0x2e7: {  	v6 =	vld.idx.msk [tilespmem:v6+s25+$0x0], $0xffff;
	[tilespmem:s6+$0x90] =	vst v3;
	v3 =	vmul.f32 v11, v2  }
0x2e8: {  	v7 =	vld.idx.msk [tilespmem:v7+s25+$0x0], $0xffff;
	[tilespmem:s6+$0xA0] =	vst v5;
	v4 =	vmul.f32 v4, v2  }
0x2e9: {  	v5 =	vld.idx.msk [tilespmem:v13+s25+$0x0], $0xffff;
	[tilespmem:s6+$0xB0] =	vst v3;
	v9 =	vmul.f32 v9, v2  }
0x2ea: {  	s6 =	sadd.s32 $0x200, s6;
	v3 =	vld.idx.msk [tilespmem:v12+s25+$0x0], $0xffff;
	[tilespmem:s7+$0xC0] =	vst v4;
	v4 =	vmul.f32 v8, v2  }
0x2eb: {  	v8 =	vld [tilespmem:s6+$0x70];
	[tilespmem:s7+$0xD0] =	vst v9;
	v10 =	vmul.f32 v10, v2  }
0x2ec: {  	v9 =	vld [tilespmem:s6+$0xFFFFFF00];
	[tilespmem:s7+$0xE0] =	vst v4  }
0x2ed: {  	v2 =	vmov v6;
	v4 =	vld [tilespmem:s6+$0xFFFFFF10];
	[tilespmem:s7+$0xF0] =	vst v10;
	s7 =	smov.u32 s6  }
0x2ee: {  	v6 =	vld [tilespmem:s6+$0xFFFFFF20]  }
0x2ef: {  	v10 =	vld [tilespmem:s6+$0xFFFFFF30]  }
0x2f0: {  	v11 =	vld [tilespmem:s6+$0xFFFFFF40];
	v8 =	vmul.f32 v8, v3  }
0x2f1: {  	v9 =	vmul.f32 v9, v7;
	v12 =	vld [tilespmem:s6+$0xFFFFFF50]  }
0x2f2: {  	v4 =	vmul.f32 v4, v7;
	v13 =	vld [tilespmem:s6+$0xFFFFFF60];
	[tilespmem:s6+$0x70] =	vst v8  }
0x2f3: {  	[tilespmem:s6+$0xFFFFFF00] =	vst v9;
	v6 =	vmul.f32 v6, v7;
	v8 =	vld [tilespmem:s6+$0xFFFFFF70]  }
0x2f4: {  	[tilespmem:s6+$0xFFFFFF10] =	vst v4;
	v4 =	vmul.f32 v10, v7;
	v9 =	vld [tilespmem:s6+$0xFFFFFF80]  }
0x2f5: {  	[tilespmem:s6+$0xFFFFFF20] =	vst v6;
	v6 =	vmul.f32 v11, v7;
	v10 =	vld [tilespmem:s6+$0xFFFFFF90]  }
0x2f6: {  	[tilespmem:s6+$0xFFFFFF30] =	vst v4;
	v4 =	vmul.f32 v12, v7;
	v11 =	vld [tilespmem:s6+$0xFFFFFFA0]  }
0x2f7: {  	[tilespmem:s6+$0xFFFFFF40] =	vst v6;
	v6 =	vmul.f32 v13, v7;
	v12 =	vld [tilespmem:s6+$0xFFFFFFB0]  }
0x2f8: {  	[tilespmem:s6+$0xFFFFFF50] =	vst v4;
	v4 =	vmul.f32 v8, v7;
	v7 =	vld [tilespmem:s6+$0xFFFFFFC0]  }
0x2f9: {  	[tilespmem:s6+$0xFFFFFF60] =	vst v6;
	v6 =	vmul.f32 v9, v5;
	v8 =	vld [tilespmem:s6+$0xFFFFFFD0]  }
0x2fa: {  	[tilespmem:s6+$0xFFFFFF70] =	vst v4;
	v4 =	vmul.f32 v10, v5;
	v9 =	vld [tilespmem:s6+$0xFFFFFFE0]  }
0x2fb: {  	[tilespmem:s6+$0xFFFFFF80] =	vst v6;
	v6 =	vmul.f32 v11, v5;
	v10 =	vld [tilespmem:s6+$0xFFFFFFF0]  }
0x2fc: {  	[tilespmem:s6+$0xFFFFFF90] =	vst v4;
	v4 =	vmul.f32 v12, v5;
	v11 =	vld [tilespmem:s6+$0x0]  }
0x2fd: {  	[tilespmem:s6+$0xFFFFFFA0] =	vst v6;
	v6 =	vmul.f32 v7, v5;
	v7 =	vld [tilespmem:s6+$0x10]  }
0x2fe: {  	[tilespmem:s6+$0xFFFFFFB0] =	vst v4;
	v4 =	vmul.f32 v8, v5;
	v8 =	vld [tilespmem:s6+$0x20]  }
0x2ff: {  	[tilespmem:s6+$0xFFFFFFC0] =	vst v6;
	v6 =	vmul.f32 v9, v5;
	v12 =	vld [tilespmem:s6+$0x30]  }
0x300: {  	[tilespmem:s6+$0xFFFFFFD0] =	vst v4;
	v4 =	vmul.f32 v10, v5;
	v10 =	vld [tilespmem:s6+$0x40]  }
.Ltmp7:
0x301: {  	[tilespmem:s6+$0xFFFFFFE0] =	vst v6;
	v6 =	vmul.f32 v11, v3;
	v5 =	vld [tilespmem:s6+$0x50];
	(pc) =	sbr.rel @p1 .LBB2_13-.Ltmp7, $4  }
0x302: {  	[tilespmem:s6+$0xFFFFFFF0] =	vst v4;
	v7 =	vmul.f32 v7, v3;
	v4 =	vld [tilespmem:s6+$0x60]  }
0x303: {  	s20 =	sadd.s32 $0x3, s19;
	v11 =	vmov s19;
	[tilespmem:s6+$0x0] =	vst v6;
	v14 =	vmul.f32 v8, v3;
	v9 =	vld [tilespmem:s6+$0x80]  }
0x304: {  	s26 =	sadd.s32 $0x1, s19;
	v13 =	vand.u32 $0xFFFFFFFC, v11;
	v6 =	vmov s20;
	[tilespmem:s6+$0x10] =	vst v7;
	v11 =	vmul.f32 v12, v3;
	v8 =	vld [tilespmem:s6+$0x90]  }
0x305: {  	s20 =	sadd.s32 $0x2, s19;
	s19 =	sadd.s32 $0x4, s19;
	v7 =	vbroadcast v13, $0x0;
	v13 =	vmov s26;
	[tilespmem:s6+$0x20] =	vst v14;
	v12 =	vmul.f32 v10, v3;
	v10 =	vld [tilespmem:s6+$0xA0]  }
0x306: {  	v14 =	vld [tilespmem:s6+$0xB0]  }
0x307: {  	v16 =	vld [tilespmem:s6+$0xC0]  }
0x308: {  	v17 =	vld [tilespmem:s6+$0xD0]  }
0x309: {  	v18 =	vld [tilespmem:s6+$0xE0]  }
0x30a: {  	v24 =	vld [tilespmem:s6+$0xF0];
	[tilespmem:s6+$0x30] =	vst v11;
	v5 =	vmul.f32 v5, v3  }
0x30b: {  	v6 =	vld.idx.msk [tilespmem:v6+s25+$0x0], $0xffff;
	[tilespmem:s6+$0x40] =	vst v12;
	v3 =	vmul.f32 v4, v3  }
0x30c: {  	s19 =	sadd.s32 $0x200, s6;
	v25 =	vld.idx.msk [tilespmem:v7+s25+$0x0], $0xffff;
	v9 =	vmul.f32 v9, v2;
	[tilespmem:s6+$0x50] =	vst v5  }
0x30d: {  	v30 =	vld [tilespmem:s19+$0x70];
	v26 =	vmul.f32 v8, v2;
	[tilespmem:s6+$0x60] =	vst v3  }
0x30e: {  	v31 =	vld [tilespmem:s19+$0xFFFFFF00];
	[tilespmem:s6+$0x80] =	vst v9;
	v3 =	vmul.f32 v10, v2  }
0x30f: {  	v15 =	vmov s20;
	v33 =	vld [tilespmem:s19+$0xFFFFFF10];
	[tilespmem:s6+$0x90] =	vst v26;
	v29 =	vmul.f32 v14, v2  }
0x310: {  	v15 =	vand.u32 $0xFFFFFFFE, v15;
	v34 =	vld [tilespmem:s19+$0xFFFFFF20];
	[tilespmem:s6+$0xA0] =	vst v3;
	v3 =	vmul.f32 v16, v2  }
0x311: {  	v13 =	vand.u32 $0xFFFFFFFD, v13;
	v35 =	vld [tilespmem:s19+$0xFFFFFF30];
	v15 =	vbroadcast v15, $0x0;
	v32 =	vmul.f32 v17, v2;
	[tilespmem:s6+$0xB0] =	vst v29  }
0x312: {  	v13 =	vbroadcast v13, $0x0;
	v37 =	vld [tilespmem:s19+$0xFFFFFF50];
	[tilespmem:s7+$0xC0] =	vst v3;
	v3 =	vmul.f32 v18, v2  }
0x313: {  	v39 =	vld [tilespmem:s19+$0xFFFFFF60];
	[tilespmem:s7+$0xD0] =	vst v32;
	v2 =	vmul.f32 v24, v2  }
0x314: {  	v38 =	vmul.f32 v33, v25;
	[tilespmem:s7+$0xE0] =	vst v3;
	v3 =	vld [tilespmem:s19+$0xFFFFFF40]  }
0x315: {  	v40 =	vld [tilespmem:s19+$0xFFFFFF70];
	[tilespmem:s7+$0xF0] =	vst v2;
	v2 =	vmul.f32 v31, v25  }
0x316: {  	v41 =	vld [tilespmem:s19+$0xFFFFFF80];
	v5 =	vmul.f32 v35, v25;
	[tilespmem:s19+$0xFFFFFF10] =	vst v38  }
0x317: {  	v28 =	vld.idx.msk [tilespmem:v15+s25+$0x0], $0xffff;
	[tilespmem:s19+$0xFFFFFF00] =	vst v2;
	v2 =	vmul.f32 v34, v25  }
0x318: {  	v42 =	vmul.f32 v37, v25;
	v27 =	vld.idx.msk [tilespmem:v13+s25+$0x0], $0xffff;
	[tilespmem:s19+$0xFFFFFF30] =	vst v5  }
0x319: {  	[tilespmem:s19+$0xFFFFFF20] =	vst v2;
	v2 =	vmul.f32 v3, v25;
	v3 =	vld [tilespmem:s19+$0xFFFFFF90]  }
0x31a: {  	v43 =	vld [tilespmem:s19+$0xFFFFFFA0];
	v4 =	vmul.f32 v40, v25;
	[tilespmem:s19+$0xFFFFFF50] =	vst v42  }
0x31b: {  	v44 =	vld [tilespmem:s19+$0xFFFFFFB0];
	[tilespmem:s19+$0xFFFFFF40] =	vst v2;
	v2 =	vmul.f32 v39, v25  }
0x31c: {  	v45 =	vld [tilespmem:s19+$0xFFFFFFC0];
	[tilespmem:s19+$0xFFFFFF70] =	vst v4;
	v36 =	vmul.f32 v30, v28  }
0x31d: {  	v46 =	vld [tilespmem:s19+$0xFFFFFFD0];
	[tilespmem:s19+$0xFFFFFF60] =	vst v2;
	v2 =	vmul.f32 v41, v27  }
0x31e: {  	v47 =	vld [tilespmem:s19+$0xFFFFFFE0];
	[tilespmem:s19+$0x70] =	vst v36;
	v3 =	vmul.f32 v3, v27  }
0x31f: {  	v48 =	vld [tilespmem:s19+$0xFFFFFFF0];
	[tilespmem:s19+$0xFFFFFF80] =	vst v2;
	v2 =	vmul.f32 v43, v27  }
0x320: {  	v49 =	vld [tilespmem:s19+$0x0];
	[tilespmem:s19+$0xFFFFFF90] =	vst v3;
	v3 =	vmul.f32 v44, v27  }
0x321: {  	v50 =	vld [tilespmem:s19+$0x10];
	[tilespmem:s19+$0xFFFFFFA0] =	vst v2;
	v2 =	vmul.f32 v45, v27  }
0x322: {  	v51 =	vld [tilespmem:s19+$0x20];
	[tilespmem:s19+$0xFFFFFFB0] =	vst v3;
	v3 =	vmul.f32 v46, v27  }
0x323: {  	v52 =	vld [tilespmem:s19+$0x30];
	[tilespmem:s19+$0xFFFFFFC0] =	vst v2;
	v2 =	vmul.f32 v47, v27  }
0x324: {  	v53 =	vld [tilespmem:s19+$0x40];
	[tilespmem:s19+$0xFFFFFFD0] =	vst v3;
	v3 =	vmul.f32 v48, v27  }
0x325: {  	v54 =	vld [tilespmem:s19+$0x50];
	[tilespmem:s19+$0xFFFFFFE0] =	vst v2;
	v2 =	vmul.f32 v49, v28  }
0x326: {  	v55 =	vld [tilespmem:s19+$0x60];
	[tilespmem:s19+$0xFFFFFFF0] =	vst v3;
	v3 =	vmul.f32 v50, v28  }
0x327: {  	v56 =	vld [tilespmem:s19+$0x80];
	[tilespmem:s19+$0x0] =	vst v2;
	v2 =	vmul.f32 v51, v28  }
0x328: {  	v57 =	vld [tilespmem:s19+$0x90];
	[tilespmem:s19+$0x10] =	vst v3;
	v3 =	vmul.f32 v52, v28  }
0x329: {  	v58 =	vld [tilespmem:s19+$0xA0];
	[tilespmem:s19+$0x20] =	vst v2;
	v2 =	vmul.f32 v53, v28  }
0x32a: {  	v59 =	vld [tilespmem:s19+$0xB0];
	[tilespmem:s19+$0x30] =	vst v3;
	v3 =	vmul.f32 v54, v28  }
0x32b: {  	v60 =	vld [tilespmem:s19+$0xC0];
	[tilespmem:s19+$0x40] =	vst v2;
	v2 =	vmul.f32 v55, v28  }
0x32c: {  	v61 =	vld [tilespmem:s19+$0xD0];
	[tilespmem:s19+$0x50] =	vst v3;
	v3 =	vmul.f32 v56, v6  }
0x32d: {  	v62 =	vld [tilespmem:s19+$0xE0];
	[tilespmem:s19+$0x60] =	vst v2;
	v2 =	vmul.f32 v57, v6  }
0x32e: {  	v63 =	vld [tilespmem:s19+$0xF0];
	[tilespmem:s19+$0x80] =	vst v3;
	v3 =	vmul.f32 v58, v6  }
0x32f: {  	[tilespmem:s19+$0x90] =	vst v2;
	v2 =	vmul.f32 v59, v6  }
0x330: {  	[tilespmem:s19+$0xA0] =	vst v3;
	v3 =	vmul.f32 v60, v6  }
0x331: {  	[tilespmem:s19+$0xB0] =	vst v2;
	v2 =	vmul.f32 v61, v6  }
.Ltmp8:
0x332: {  	[tilespmem:s19+$0xC0] =	vst v3;
	v3 =	vmul.f32 v62, v6;
	(pc) =	sbr.rel @p0 .LBB2_16-.Ltmp8, $4  }
0x333: {  	[tilespmem:s19+$0xD0] =	vst v2;
	v2 =	vmul.f32 v63, v6  }
0x334: {  	[tilespmem:s19+$0xE0] =	vst v3  }
0x335: {  	s26 =	simm.s32 $0xBC00;
	[tilespmem:s19+$0xF0] =	vst v2  }
0x336: {  	[spmem:s2] =	stream.indirect.scatter.add.f32 [tilespmem:s15], [sflag:$0xC], $0x80, s26, s11, $0xb8;
	[tilespmem:$0x1FD80] =	vst v63  }
0x337: {  	s3 =	sadd.s32 $0x280, s3  }
0x338: {  	s6 =	sand.u32 $0xFC00, s3  }
0x339: {  	s3 =	sand.u32 $0x280, s3;
	s6 =	sadd.s32 s13, s6  }
0x33a: {  	s3 =	sor.u32 s3, s6  }
.Ltmp9:
0x33b: {  	s3 =	sshrl.u32 s3, $0x3;
	(pc) =	sbr.rel .LBB2_6-.Ltmp9, $4  }
0x33c: {  	s7 =	simm.s32 $0x0;
	s20 =	simm.s32 $0xB900;
	s26 =	sadd.s32 s1, s3  }
0x33d: {  	[tilespmem:s20], [sflag:$0x4] =	stream.linear.gather [hbm4b:s26+s7], $0x80, $0x38;
	[tilespmem:$0x1FD80] =	vst v63  }
0x33e: {  	s29 =	sadd.s32 $0x1, s29;
	s3 =	sadd.s32 s8, s3  }
0x33f: {  	[tilespmem:s28], [sflag:$0x8] =	stream.linear.gather [hbm4b:s3+s7], $0x80, $0x38;
	[tilespmem:$0x1FD80] =	vst v63  }
.LBB2_17:
0x340: {  	_ =	sfence.sel $0x180000  }
0x341: {  	[bflag:$0x0] =	sbarrier.arrive $0xFFFF  }
0x342: {  	_ =	strace $0x9000004A  }
0x343: {  	s0 =	stileid.u32;
	[bflag:$0x2] =	sbarrier.arrive $0xFFFF  }
0x344: {  	p0 =	sne.s32 s0, $0x0;
	s0 =	rddreg [dreg:$0x3]  }
0x345: {  	s0 =	sadd.s32 @!p0 $0x100000, s0  }
0x346: {  	[sflag:s0] =	ssyncadd.tile.s32 @!p0 $0x1;
	_ =	shalt  }
.Lfunc_end2:
_tile_overlayer_lowered:
.L_overlay_start_2:
0x347: {  	(tag) =	ssettag $0x2  }
0x348: {  	s0 =	rddreg [dreg:$0x0];
	s2 =	stileid.u32  }
0x349: {  	s1 =	rddreg [dreg:$0x1];
	p0 =	sne.s32 s2, $0x0  }
0x34a: {  	s3 =	rddreg [dreg:$0x2];
	[bflag:$0x3] =	sbarrier.arrive $0xFFFF;
	s2 =	simm.s32 @!p0 $0x1C0D  }
0x34b: {  	[timem:s3], [sflag:s2] =	dma.local @!p0 [hbm:s0], s1  }
0x34c: {  	s0 =	simm.s32 @!p0 $0xD  }
0x34d: {  	_ =	swait.ge @!p0 [sflag:s0], s1  }
0x34e: {  	s1 =	ssub.s32 @!p0 $0x0, s1;
	[sflag:s0] =	ssyncset.done @!p0 $0x0  }
0x34f: {  	[sflag:s0] =	ssyncadd.s32 @!p0 s1  }
0x350: {  	[bflag:$0x3] =	sbarrier.arrive $0xFFFF  }
0x351: {  	_ =	shalt  }

// kernel: kernel.7.cloned.1.call-start
scs
__scs_entry_jumppad:
0x0: {  	(pc) =	sbr.rel $0x88, $3  }
0x1: {  	(tag) =	ssettag $0x0;
	lr =	simm.s32 $0x1  }
0x2: {  	[smem:$0x3F93] =	sst lr;
	_ =	strace $0xD0000000  }
0x3: {  	_ = 	snop  }
0x4: {  	_ = 	snop  }
0x5: {  	_ = 	snop  }
0x6: {  	_ = 	snop  }
0x7: {  	_ = 	snop  }
__scs_overlays_trampoline_lowered:
0x8: {  	[smem:$0x3FA2] =	sst s0  }
0x9: {  	[smem:$0x3FA3] =	sst s1  }
0xa: {  	[smem:$0x3FA4] =	sst s2  }
0xb: {  	[smem:$0x3FA5] =	sst s3  }
0xc: {  	[smem:$0x3FA6] =	sst s4  }
0xd: {  	[smem:$0x3FA7] =	sst s5  }
0xe: {  	[smem:$0x3FA8] =	sst s6  }
0xf: {  	[smem:$0x3FA9] =	sst s7  }
0x10: {  	[smem:$0x3FAA] =	sst s8  }
0x11: {  	[smem:$0x3FAB] =	sst s9;
	s0 =	simm.s32 @!p0 $0x0  }
0x12: {  	s1 =	sld [smem:$0x3F91];
	s0 =	simm.s32 @p0 $0x1  }
0x13: {  	[smem:$0x3FAC] =	sst s0;
	s0 =	simm.s32 @!p1 $0x0  }
0x14: {  	s2 =	sld [smem:$0x3F90];
	s0 =	simm.s32 @p1 $0x1  }
0x15: {  	[smem:$0x3FAD] =	sst s0;
	s0 =	simm.s32 @!p2 $0x0  }
0x16: {  	s3 =	sld [smem:$0x3FDB];
	s0 =	simm.s32 @p2 $0x1  }
0x17: {  	s4 =	simm.s32 $0x1BF5;
	[smem:$0x3FAF] =	sst s0  }
0x18: {  	s0 =	sld [smem:$0x3F92];
	_ =	swait.ge [sflag:s4], $0x0  }
0x19: {  	s7 =	sld [smem:$0x3F93]  }
0x1a: {  	s8 =	sadd.s32 $0xFFFFE003, lr  }
0x1b: {  	s9 =	sadd.s32 $0xFFFFFEF7, lr;
	s5 =	simm.s32 $0xFFFFFFFF;
	p2 =	slt.u32 s8, $0xFFFFF086  }
0x1c: {  	p1 =	slt.u32 s9, $0xF7A;
	s5 =	simm.s32 @!p2 $0x0  }
0x1d: {  	s5 =	simm.s32 @p1 $0x1;
	p0 =	seq.s32 s7, s2  }
0x1e: {  	s7 =	smul.u32 @!p0 $0xF7A, s2;
	p2 =	seq.s32 @!p0 s5, $0x0  }
0x1f: {  	s9 =	smul.u32 $0xF7A, s1;
	s8 =	simm.s32 @!p0 $0x1BF5;
	p2 =	por !p2, p0  }
0x20: {  	[sflag:s8] =	ssyncset.s32 @!p0 $0xFFFFF086;
	s6 =	sadd.s32 @!p0 s3, s7;
	s7 =	simm.s32 @!p0 $0x108  }
0x21: {  	s3 =	sadd.s32 s3, s9;
	s6 =	sadd.s32 @!p0 $0x88, s6;
	s7 =	simm.s32 @p2 $0x1082  }
0x22: {  	[simem:s7], [sflag:s8] =	dma.local @!p0 [hbm:s6], $0xF7A  }
0x23: {  	s9 =	sor.u32 $0xD0000000, s2;
	s6 =	simm.s32 $0x108;
	_ =	swait.ge @!p0 [sflag:s8], $0x0  }
0x24: {  	s3 =	sadd.s32 $0x88, s3;
	s6 =	simm.s32 @!p1 $0x1082;
	[sflag:s4] =	ssyncset.s32 $0xFFFFF086  }
0x25: {  	[simem:s6], [sflag:s4] =	dma.local [hbm:s3], $0xF7A  }
0x26: {  	[smem:$0x3F93] =	sst s1;
	(tag) =	ssettag s2;
	_ =	strace s9  }
0x27: {  	s1 =	sld [smem:$0x3FA3]  }
0x28: {  	s2 =	sld [smem:$0x3FA4]  }
0x29: {  	s4 =	sld [smem:$0x3FA6]  }
0x2a: {  	p0 =	seq.s32 s5, $0x0;
	s5 =	sld [smem:$0x3FA7]  }
0x2b: {  	s6 =	sld [smem:$0x3FA8]  }
0x2c: {  	s7 =	sld [smem:$0x3FA9]  }
0x2d: {  	s3 =	simm.s32 $0x108;
	s8 =	sld [smem:$0x3FAA]  }
0x2e: {  	s3 =	simm.s32 @!p0 $0x1082;
	s9 =	sld [smem:$0x3FAB]  }
0x2f: {  	lr =	sadd.s32 s0, s3;
	s0 =	sld [smem:$0x3FA2]  }
0x30: {  	s3 =	sld [smem:$0x3FA5]  }
0x31: {  	[smem:$0x3FAE] =	sst s10  }
0x32: {  	s10 =	sld [smem:$0x3FAC];
	_ =	sdelay $0x3  }
0x33: {  	p0 =	seq.s32 s10, $0x1;
	s10 =	sld [smem:$0x3FAE];
	_ =	sdelay $0x3  }
0x34: {  	[smem:$0x3FAE] =	sst s10  }
0x35: {  	s10 =	sld [smem:$0x3FAD];
	_ =	sdelay $0x3  }
0x36: {  	p1 =	seq.s32 s10, $0x1;
	s10 =	sld [smem:$0x3FAE];
	_ =	sdelay $0x3  }
0x37: {  	[smem:$0x3FAE] =	sst s10  }
0x38: {  	s10 =	sld [smem:$0x3FAF]  }
0x39: {  	_ = 	snop;
	(pc) =	sbr.ind lr, $3  }
0x3a: {  	_ = 	snop  }
0x3b: {  	_ = 	snop  }
0x3c: {  	p2 =	seq.s32 s10, $0x1;
	s10 =	sld [smem:$0x3FAE]  }
0x3d: {  	_ =	shalt  }
0x3e: {  	_ =	shalt  }
0x3f: {  	_ =	shalt  }
0x40: {  	_ =	shalt  }
0x41: {  	_ =	shalt  }
0x42: {  	_ =	shalt  }
0x43: {  	_ =	shalt  }
0x44: {  	_ =	shalt  }
0x45: {  	_ =	shalt  }
0x46: {  	_ =	shalt  }
0x47: {  	_ =	shalt  }
0x48: {  	_ =	shalt  }
0x49: {  	_ =	shalt  }
0x4a: {  	_ =	shalt  }
0x4b: {  	_ =	shalt  }
0x4c: {  	_ =	shalt  }
0x4d: {  	_ =	shalt  }
0x4e: {  	_ =	shalt  }
0x4f: {  	_ =	shalt  }
0x50: {  	_ =	shalt  }
0x51: {  	_ =	shalt  }
0x52: {  	_ =	shalt  }
0x53: {  	_ =	shalt  }
0x54: {  	_ =	shalt  }
0x55: {  	_ =	shalt  }
0x56: {  	_ =	shalt  }
0x57: {  	_ =	shalt  }
0x58: {  	_ =	shalt  }
0x59: {  	_ =	shalt  }
0x5a: {  	_ =	shalt  }
0x5b: {  	_ =	shalt  }
0x5c: {  	_ =	shalt  }
0x5d: {  	_ =	shalt  }
0x5e: {  	_ =	shalt  }
0x5f: {  	_ =	shalt  }
0x60: {  	_ =	shalt  }
0x61: {  	_ =	shalt  }
0x62: {  	_ =	shalt  }
0x63: {  	_ =	shalt  }
0x64: {  	_ =	shalt  }
0x65: {  	_ =	shalt  }
0x66: {  	_ =	shalt  }
0x67: {  	_ =	shalt  }
0x68: {  	_ =	shalt  }
0x69: {  	_ =	shalt  }
0x6a: {  	_ =	shalt  }
0x6b: {  	_ =	shalt  }
0x6c: {  	_ =	shalt  }
0x6d: {  	_ =	shalt  }
0x6e: {  	_ =	shalt  }
0x6f: {  	_ =	shalt  }
0x70: {  	_ =	shalt  }
0x71: {  	_ =	shalt  }
0x72: {  	_ =	shalt  }
0x73: {  	_ =	shalt  }
0x74: {  	_ =	shalt  }
0x75: {  	_ =	shalt  }
0x76: {  	_ =	shalt  }
0x77: {  	_ =	shalt  }
0x78: {  	_ =	shalt  }
0x79: {  	_ =	shalt  }
0x7a: {  	_ =	shalt  }
0x7b: {  	_ =	shalt  }
0x7c: {  	_ =	shalt  }
0x7d: {  	_ =	shalt  }
0x7e: {  	_ =	shalt  }
0x7f: {  	_ =	shalt  }
0x80: {  	_ =	shalt  }
0x81: {  	_ =	shalt  }
0x82: {  	_ =	shalt  }
0x83: {  	_ =	shalt  }
0x84: {  	_ =	shalt  }
0x85: {  	_ =	shalt  }
0x86: {  	_ =	shalt  }
0x87: {  	_ =	shalt  }
.Lfunc_end0:
.L_simem_size_0:
called_computation_lowered:
.L_overlay_start_0:
0x88: {  	s2 =	sld [smem:$0x3FD9]  }
0x89: {  	s3 =	sld [smem:$0x3FFE];
	_ =	sdelay $0x1  }
0x8a: {  	s1 =	srdreg.scid  }
0x8b: {  	s0 =	sand.u32 $0x1, s1  }
0x8c: {  	s17 =	sshll.u32 s0, $0xA;
	s2 =	sadd.s32 s3, s2  }
0x8d: {  	s2 =	sadd.s32 s2, s17  }
0x8e: {  	[smem:$0x3FBA] =	sst s2  }
0x8f: {  	_ = 	snop  }
0x90: {  	s2 =	sld [smem:$0x3FD0];
	(tm) =	ssettm $0x1  }
0x91: {  	s18 =	sld [smem:$0x3FFB];
	_ =	sdelay $0x3  }
0x92: {  	_ =	strace s18  }
0x93: {  	s3 =	sld [smem:$0x3FFC];
	_ =	sdelay $0x3  }
0x94: {  	_ =	strace s3  }
0x95: {  	s3 =	sld [smem:$0x3FFD];
	_ =	sdelay $0x3  }
0x96: {  	_ =	strace s3  }
0x97: {  	_ =	strace $0x8FFFFFFF  }
0x98: {  	s19 =	sld [smem:$0x3FDB];
	_ =	sdelay $0x1  }
0x99: {  	s4 =	simm.s32 $_scs_section_size  }
0x9a: {  	s5 =	simm.s32 $_size__tile_overlayer_lowered;
	s6 =	simm.s32 $_tile_overlayer_lowered  }
0x9b: {  	s22 =	simm.s32 $0x1BFF;
	s21 =	sshll.u32 s6, $0x1;
	s3 =	sadd.s32 s4, s19  }
0x9c: {  	s7 =	simm.s32 $0x0;
	s20 =	sshll.u32 s5, $0x1;
	s5 =	sadd.s32 s21, s3  }
0x9d: {  	[timem:s7], [sflag:s22] =	dma.local [hbm:s5], s20  }
0x9e: {  	_ =	swait.ge [sflag:s22], s20  }
0x9f: {  	s4 =	ssub.s32 $0x0, s20;
	[sflag:s22] =	ssyncset.done $0x0  }
0xa0: {  	[sflag:s22] =	ssyncadd.s32 s4;
	_ =	sdelay $0x1  }
0xa1: {  	s23 =	simm.s32 $0x1B8B  }
0xa2: {  	_ =	swait.ge [sflag:s23], $0x1  }
0xa3: {  	[sflag:s23] =	ssyncset.done $0x0  }
0xa4: {  	s25 =	simm.s32 $0x1B8E;
	s24 =	sld [smem:$0x3FFE];
	[sflag:s23] =	ssyncadd.s32 $0xFFFFFFFF  }
0xa5: {  	s26 =	simm.s32 $execute0_lowered;
	[smem:$0x3FD2] =	sst s25  }
0xa6: {  	s5 =	sshll.u32 s26, $0x1;
	_ =	strace $0x80000046;
	[dreg:$0x1] =	wrdreg $0xFFFFFFFF  }
0xa7: {  	s28 =	simm.s32 $_size_execute0_lowered;
	s3 =	sadd.s32 s3, s5;
	[dreg:$0x0] =	wrdreg $0x0  }
0xa8: {  	s5 =	sshll.u32 s28, $0x1;
	[dreg:$0x2] =	wrdreg s3  }
0xa9: {  	[dreg:$0x3] =	wrdreg s5  }
0xaa: {  	[dreg:$0x4] =	wrdreg $0xC0  }
0xab: {  	_ =	task [dreg:s7], $0x5FFFF  }
0xac: {  	[dreg:$0x1] =	wrdreg $0xFFFFFFFF  }
0xad: {  	[dreg:$0x0] =	wrdreg $0x60  }
0xae: {  	[dreg:$0x2] =	wrdreg s24  }
0xaf: {  	[dreg:$0x3] =	wrdreg s2  }
0xb0: {  	[dreg:$0x4] =	wrdreg $0xBD800  }
0xb1: {  	[dreg:$0x5] =	wrdreg $0x9  }
0xb2: {  	_ =	task.clear_ibuf [dreg:s7], $0x6FFFF;
	_ =	strace $0x90000046  }
0xb3: {  	s29 =	simm.s32 $0x9;
	_ =	strace $0x80000048  }
0xb4: {  	_ =	swait.ge [sflag:s29], $0x1  }
0xb5: {  	[sflag:s29] =	ssyncadd.s32 $0xFFFFFFFF  }
0xb6: {  	_ =	strace $0x90000048  }
0xb7: {  	_ =	sfence  }
0xb8: {  	s30 =	sld [smem:$0x0];
	_ =	sdelay $0x2  }
0xb9: {  	s31 =	sshll.u32 s1, $0xD;
	s1 =	sshrl.u32 s1, $0x2  }
0xba: {  	s3 =	sand.u32 $0x4000, s31;
	s1 =	sadd.s32 s1, s30  }
0xbb: {  	s0 =	sor.u32 s3, s0;
	s1 =	sshll.u32 s1, $0x11  }
0xbc: {  	s0 =	sor.u32 s1, s0  }
0xbd: {  	s0 =	sadd.s32 $0x8F2B, s0  }
0xbe: {  	[sflag:s0] =	ssyncadd.remote.s32 $0x1  }
0xbf: {  	_ =	sfence.sel $0xFFFF  }
0xc0: {  	[dreg:$0x0] =	wrdreg $0xFFFFFFFF;
	(pc) =	sbr.abs _section_cstart, $3  }
0xc1: {  	[dreg:$0x1] =	wrdreg $0xFFFFFFFF  }
0xc2: {  	_ =	task.clear_ibuf [dreg:s7], $0x2FFFF;
	_ =	strace $0x9FFFFFFF  }
0xc3: {  	(tm) =	ssettm $0x7FFFFFFF  }
tec
execute0_lowered:
.L_overlay_start_1:
0x0: {  	(tag) =	ssettag $0x1  }
0x1: {  	s0 =	rddreg [dreg:$0x0]  }
0x2: {  	s1 =	rddreg [dreg:$0x1]  }
0x3: {  	s2 =	rddreg [dreg:$0x2];
	s3 =	simm.s32 $0x0;
	s23 =	srdreg.scid  }
0x4: {  	s10 =	stileid.u32;
	[smem:$0x7FF] =	sst s3;
	s5 =	sadd.s32 $0x17E00, s0  }
0x5: {  	s4 =	sadd.s32 $0x3FE00, s0;
	s3 =	sand.u32 $0x1, s23;
	s7 =	sadd.s32 $0x40400, s0  }
0x6: {  	s25 =	smul.u32 $0x14000, s10;
	s8 =	sadd.s32 $0x3E00, s0;
	s9 =	sadd.s32 $0x40A00, s0  }
0x7: {  	s11 =	sshll.u32 s10, $0x7;
	_ =	strace $0x80000047;
	[dreg:$0x4] =	wrdreg s4  }
0x8: {  	s24 =	smul.u32 $0x140000, s3;
	s6 =	sshll.u32 s3, $0x4;
	[dreg:$0x5] =	wrdreg s7  }
0x9: {  	[dreg:$0x6] =	wrdreg s9;
	s9 =	sand.u32 $0x380, s11;
	s6 =	sor.u32 s10, s6  }
0xa: {  	s3 =	ssub.s32 $0x2, s3;
	s10 =	smul.u32 $0x50000, s10;
	s26 =	sshrl.u32 s6, $0x3  }
0xb: {  	s12 =	sshrl.u32 s3, $0x1;
	s4 =	sadd.s32 s25, s24;
	s29 =	smul.u32 $0x14000, s26  }
0xc: {  	s3 =	ssub.s32 s3, s12;
	s4 =	sshrl.u32 s4, $0x3;
	s10 =	sshrl.u32 s10, $0x2  }
0xd: {  	s25 =	smax.u32 s3, $0x1;
	s4 =	sadd.s32 s4, s0;
	s7 =	sor.u32 s9, s29  }
0xe: {  	[dreg:$0x15] =	wrdreg s25;
	s24 =	sadd.s32 $0x4AC00, s4;
	s7 =	sshrl.u32 s7, $0x3  }
0xf: {  	[dreg:$0x14] =	wrdreg s24;
	s0 =	sadd.s32 s7, s0;
	s7 =	sadd.s32 s10, s2  }
0x10: {  	s30 =	simm.s32 $0x2800;
	s13 =	sadd.s32 $0x2000, s7;
	[dreg:$0x7] =	wrdreg s7  }
0x11: {  	s28 =	simm.s32 $0xBB00;
	s14 =	sadd.s32 $0x4000, s7;
	[dreg:$0x8] =	wrdreg s13  }
0x12: {  	s31 =	simm.s32 $0x6;
	s15 =	sadd.s32 $0x6000, s7;
	[dreg:$0x9] =	wrdreg s14  }
0x13: {  	s11 =	simm.s32 $0x40;
	s16 =	sadd.s32 $0x8000, s7;
	[dreg:$0xa] =	wrdreg s15  }
0x14: {  	s12 =	simm.s32 $0x4;
	s17 =	sadd.s32 $0xA000, s7;
	[dreg:$0xb] =	wrdreg s16  }
0x15: {  	s25 =	simm.s32 $0xBD00;
	s18 =	sadd.s32 $0xC000, s7;
	[dreg:$0xc] =	wrdreg s17  }
0x16: {  	s9 =	simm.s32 $0xC;
	s19 =	sadd.s32 $0xE000, s7;
	[dreg:$0xd] =	wrdreg s18  }
0x17: {  	s4 =	simm.s32 $0x0;
	s0 =	sadd.s32 $0x40C00, s0;
	[dreg:$0xe] =	wrdreg s19  }
0x18: {  	s24 =	simm.s32 $0x2;
	s26 =	sadd.s32 $0x10000, s7;
	[dreg:$0x13] =	wrdreg s0  }
0x19: {  	s10 =	simm.s32 $0xA;
	s29 =	sadd.s32 $0x12000, s7;
	[dreg:$0x16] =	wrdreg s26  }
0x1a: {  	s13 =	smul.u32 $0x5000, s6;
	[dreg:$0x17] =	wrdreg s29;
	s19 =	simm.s32 $0xD  }
0x1b: {  	s0 =	simm.s32 $0x7880;
	s14 =	simm.s32 $0x8;
	s15 =	simm.s32 $0x9880  }
0x1c: {  	s16 =	simm.s32 $0x5000;
	s17 =	simm.s32 $0x1;
	s20 =	sshrl.u32 s13, $0x3  }
.Ltmp0:
0x1d: {  	s18 =	simm.s32 $0xBC80;
	s21 =	sadd.s32 s1, s20;
	(pc) =	sbr.rel .LBB2_1-.Ltmp0, $4  }
0x1e: {  	s22 =	sadd.s32 s8, s20;
	s6 =	sor.u32 $0x10, s20;
	[dreg:$0xf] =	wrdreg s21  }
0x1f: {  	s20 =	simm.s32 $0xB900;
	[dreg:$0x10] =	wrdreg s22;
	s23 =	sadd.s32 s1, s6  }
0x20: {  	s6 =	sadd.s32 s8, s6;
	s21 =	simm.s32 $0xB;
	[dreg:$0x11] =	wrdreg s23  }
0x21: {  	v0 =	vimm.f32 $0.0e+00;
	s22 =	simm.s32 $0x5;
	[dreg:$0x12] =	wrdreg s6;
	s23 =	simm.s32 $0x9  }
.LBB2_16:
0x22: {  	_ =	swait.ge [sflag:s9], $0x2000  }
0x23: {  	s4 =	simm.s32 $0x80;
	s6 =	simm.s32 $0x400;
	[sflag:s9] =	ssyncset.done $0x0  }
0x24: {  	s19 =	simm.s32 $0xD;
	s3 =	rddreg [dreg:$0x13];
	[sflag:s9] =	ssyncadd.s32 $0xFFFFE000  }
0x25: {  	[hbm4b:s3+s4] =	stream.strided.scatter [tilespmem:s16], [sflag:$0xD], $0x2800, s6, s4, $0x38;
	[tilespmem:$0x1FD80] =	vst v63  }
0x26: {  	_ =	swait.ge [sflag:s19], $0x2800  }
0x27: {  	[sflag:s19] =	ssyncset.done $0x0  }
0x28: {  	[sflag:s19] =	ssyncadd.s32 $0xFFFFD800  }
0x29: {  	s4 =	stileid.u32;
	[bflag:$0x0] =	sbarrier.arrive $0xFFFF  }
0x2a: {  	s3 =	sshll.u32 s4, $0x6;
	s7 =	rddreg [dreg:$0x7]  }
0x2b: {  	s3 =	sor.u32 $0x1C0D, s3;
	s20 =	rddreg [dreg:$0x14];
	s6 =	sshrl.u32 s7, $0x3  }
0x2c: {  	[hbm:s20], [sflag:s3] =	dma.local [spmem:s6], $0x2800  }
0x2d: {  	_ =	swait.ge [sflag:s19], $0x2800  }
0x2e: {  	s26 =	rddreg [dreg:$0x18]  }
0x2f: {  	s29 =	rddreg [dreg:$0x15];
	s4 =	sadd.s32 $0x1, s26  }
0x30: {  	p0 =	sne.s32 s4, s29  }
.Ltmp1:
0x31: {  	_ = 	snop;
	(pc) =	sbr.rel @!p0 .LBB2_17-.Ltmp1, $3  }
0x32: {  	_ =	sdelay $0x1  }
0x33: {  	[sflag:s19] =	ssyncset.done $0x0  }
0x34: {  	s20 =	simm.s32 $0xB900;
	[sflag:s19] =	ssyncadd.s32 $0xFFFFD800  }
.LBB2_1:
0x35: {  	[dreg:$0x18] =	wrdreg s4  }
0x36: {  	s3 =	simm.s32 $0x0;
	s6 =	rddreg [dreg:$0x4]  }
0x37: {  	[tilespmem:s3], [sflag:$0xD] =	stream.linear.gather [hbm4b:s6+s3], $0x2800, $0x38;
	[tilespmem:$0x1FD80] =	vst v63  }
0x38: {  	_ =	swait.ge [sflag:s19], $0x2800  }
0x39: {  	[sflag:s19] =	ssyncset.done $0x0  }
0x3a: {  	s26 =	rddreg [dreg:$0x5];
	[sflag:s19] =	ssyncadd.s32 $0xFFFFD800  }
0x3b: {  	[tilespmem:s30], [sflag:$0xD] =	stream.linear.gather [hbm4b:s26+s3], $0x2800, $0x38;
	[tilespmem:$0x1FD80] =	vst v63  }
0x3c: {  	_ =	swait.ge [sflag:s19], $0x2800  }
0x3d: {  	[sflag:s19] =	ssyncset.done $0x0  }
0x3e: {  	s6 =	simm.s32 $0x7800;
	s29 =	rddreg [dreg:$0x6];
	[sflag:s19] =	ssyncadd.s32 $0xFFFFD800  }
0x3f: {  	[tilespmem:s6], [sflag:$0xD] =	stream.linear.gather [hbm4b:s29+s3], $0x80, $0x38;
	[tilespmem:$0x1FD80] =	vst v63  }
0x40: {  	_ =	swait.ge [sflag:s19], $0x80  }
0x41: {  	[sflag:s19] =	ssyncset.done $0x0  }
0x42: {  	s4 =	simm.s32 $0x200;
	s3 =	simm.s32 $0x0;
	[sflag:s19] =	ssyncadd.s32 $0xFFFFFF80  }
.LBB2_2:
0x43: {  	p0 =	sne.s32 s4, $0x7E00;
	[tilespmem:s3+$0x78F0] =	vst v0  }
0x44: {  	[tilespmem:s3+$0x7880] =	vst v0  }
0x45: {  	[tilespmem:s3+$0x7890] =	vst v0  }
.Ltmp2:
0x46: {  	[tilespmem:s3+$0x78A0] =	vst v0;
	(pc) =	sbr.rel @p0 .LBB2_2-.Ltmp2, $4  }
0x47: {  	[tilespmem:s3+$0x78B0] =	vst v0  }
0x48: {  	[tilespmem:s3+$0x78C0] =	vst v0  }
0x49: {  	[tilespmem:s3+$0x78D0] =	vst v0  }
0x4a: {  	[tilespmem:s3+$0x78E0] =	vst v0;
	s3 =	sshra.s32 s4, $0x2;
	s4 =	sadd.s32 $0x200, s4  }
0x4b: {  	[tilespmem:s3+$0x78F0] =	vst v0  }
0x4c: {  	[tilespmem:s3+$0x7880] =	vst v0  }
0x4d: {  	[tilespmem:s3+$0x7890] =	vst v0  }
0x4e: {  	[tilespmem:s3+$0x78A0] =	vst v0  }
0x4f: {  	[tilespmem:s3+$0x78B0] =	vst v0  }
0x50: {  	[tilespmem:s3+$0x78C0] =	vst v0  }
0x51: {  	[tilespmem:s3+$0x78D0] =	vst v0  }
0x52: {  	[tilespmem:s3+$0x78E0] =	vst v0  }
0x53: {  	[spmem:s7] =	stream.linear.scatter [tilespmem:s0], [sflag:$0xD], $0x2000, $0x38;
	[tilespmem:$0x1FD80] =	vst v63  }
0x54: {  	_ =	swait.ge [sflag:s19], $0x2000  }
0x55: {  	[sflag:s19] =	ssyncset.done $0x0  }
0x56: {  	s6 =	rddreg [dreg:$0x8];
	[sflag:s19] =	ssyncadd.s32 $0xFFFFE000  }
0x57: {  	[spmem:s6] =	stream.linear.scatter [tilespmem:s0], [sflag:$0xD], $0x2000, $0x38;
	[tilespmem:$0x1FD80] =	vst v63  }
0x58: {  	_ =	swait.ge [sflag:s19], $0x2000  }
0x59: {  	[sflag:s19] =	ssyncset.done $0x0  }
0x5a: {  	s7 =	rddreg [dreg:$0x9];
	[sflag:s19] =	ssyncadd.s32 $0xFFFFE000  }
0x5b: {  	[spmem:s7] =	stream.linear.scatter [tilespmem:s0], [sflag:$0xD], $0x2000, $0x38;
	[tilespmem:$0x1FD80] =	vst v63  }
0x5c: {  	_ =	swait.ge [sflag:s19], $0x2000  }
0x5d: {  	[sflag:s19] =	ssyncset.done $0x0  }
0x5e: {  	s26 =	rddreg [dreg:$0xa];
	[sflag:s19] =	ssyncadd.s32 $0xFFFFE000  }
0x5f: {  	[spmem:s26] =	stream.linear.scatter [tilespmem:s0], [sflag:$0xD], $0x2000, $0x38;
	[tilespmem:$0x1FD80] =	vst v63  }
0x60: {  	_ =	swait.ge [sflag:s19], $0x2000  }
0x61: {  	[sflag:s19] =	ssyncset.done $0x0  }
0x62: {  	s29 =	rddreg [dreg:$0xb];
	[sflag:s19] =	ssyncadd.s32 $0xFFFFE000  }
0x63: {  	[spmem:s29] =	stream.linear.scatter [tilespmem:s0], [sflag:$0xD], $0x2000, $0x38;
	[tilespmem:$0x1FD80] =	vst v63  }
0x64: {  	_ =	swait.ge [sflag:s19], $0x2000  }
0x65: {  	[sflag:s19] =	ssyncset.done $0x0  }
0x66: {  	s4 =	rddreg [dreg:$0xc];
	[sflag:s19] =	ssyncadd.s32 $0xFFFFE000  }
0x67: {  	[spmem:s4] =	stream.linear.scatter [tilespmem:s0], [sflag:$0xD], $0x2000, $0x38;
	[tilespmem:$0x1FD80] =	vst v63  }
0x68: {  	_ =	swait.ge [sflag:s19], $0x2000  }
0x69: {  	[sflag:s19] =	ssyncset.done $0x0  }
0x6a: {  	s6 =	rddreg [dreg:$0xd];
	[sflag:s19] =	ssyncadd.s32 $0xFFFFE000  }
0x6b: {  	[spmem:s6] =	stream.linear.scatter [tilespmem:s0], [sflag:$0xD], $0x2000, $0x38;
	[tilespmem:$0x1FD80] =	vst v63  }
0x6c: {  	_ =	swait.ge [sflag:s19], $0x2000  }
0x6d: {  	[sflag:s19] =	ssyncset.done $0x0  }
0x6e: {  	s7 =	rddreg [dreg:$0xe];
	[sflag:s19] =	ssyncadd.s32 $0xFFFFE000  }
0x6f: {  	[spmem:s7] =	stream.linear.scatter [tilespmem:s0], [sflag:$0xD], $0x2000, $0x38;
	[tilespmem:$0x1FD80] =	vst v63  }
0x70: {  	_ =	swait.ge [sflag:s19], $0x2000  }
0x71: {  	[sflag:s19] =	ssyncset.done $0x0  }
0x72: {  	s26 =	rddreg [dreg:$0x16];
	[sflag:s19] =	ssyncadd.s32 $0xFFFFE000  }
0x73: {  	[spmem:s26] =	stream.linear.scatter [tilespmem:s0], [sflag:$0xD], $0x2000, $0x38;
	[tilespmem:$0x1FD80] =	vst v63  }
0x74: {  	_ =	swait.ge [sflag:s19], $0x2000  }
0x75: {  	[sflag:s19] =	ssyncset.done $0x0  }
0x76: {  	s29 =	rddreg [dreg:$0x17];
	[sflag:s19] =	ssyncadd.s32 $0xFFFFE000  }
0x77: {  	[spmem:s29] =	stream.linear.scatter [tilespmem:s0], [sflag:$0xD], $0x2000, $0x38;
	[tilespmem:$0x1FD80] =	vst v63  }
0x78: {  	_ =	swait.ge [sflag:s19], $0x2000  }
0x79: {  	[sflag:s19] =	ssyncset.done $0x0  }
0x7a: {  	s3 =	simm.s32 $0x40;
	s4 =	simm.s32 $0x0;
	[sflag:s19] =	ssyncadd.s32 $0xFFFFE000  }
.LBB2_4:
0x7b: {  	p0 =	sne.s32 s3, $0x9FC0;
	[tilespmem:s4+$0x5000] =	vst v0;
	s4 =	smov.u32 s3;
	s3 =	sadd.s32 $0x40, s3  }
.Ltmp3:
0x7c: {  	(pc) =	sbr.rel @p0 .LBB2_4-.Ltmp3, $2  }
0x7d: {  	_ =	sdelay $0x2  }
0x7e: {  	s4 =	sshra.s32 s4, $0x2  }
0x7f: {  	[tilespmem:s4+$0x5000] =	vst v0  }
0x80: {  	[bflag:$0x0] =	sbarrier.arrive $0xFFFF  }
0x81: {  	s4 =	simm.s32 $0x0;
	s6 =	simm.s32 $0xB880;
	s3 =	rddreg [dreg:$0xf]  }
0x82: {  	[tilespmem:s6], [sflag:$0x3] =	stream.linear.gather [hbm4b:s3+s4], $0x80, $0x38;
	[tilespmem:$0x1FD80] =	vst v63  }
0x83: {  	s7 =	simm.s32 $0xBA80;
	s26 =	rddreg [dreg:$0x10]  }
0x84: {  	[tilespmem:s7], [sflag:$0x7] =	stream.linear.gather [hbm4b:s26+s4], $0x80, $0x38;
	[tilespmem:$0x1FD80] =	vst v63  }
0x85: {  	s7 =	rddreg [dreg:$0x11]  }
0x86: {  	[tilespmem:s20], [sflag:$0x4] =	stream.linear.gather [hbm4b:s7+s4], $0x80, $0x38;
	[tilespmem:$0x1FD80] =	vst v63  }
0x87: {  	s19 =	rddreg [dreg:$0x12];
	s26 =	simm.s32 $0x3  }
0x88: {  	[tilespmem:s28], [sflag:$0x8] =	stream.linear.gather [hbm4b:s19+s4], $0x80, $0x38;
	[tilespmem:$0x1FD80] =	vst v63  }
0x89: {  	_ =	swait.ge [sflag:s26], $0x80  }
0x8a: {  	[sflag:s26] =	ssyncset.done $0x0  }
0x8b: {  	s28 =	simm.s32 $0x7;
	[sflag:s26] =	ssyncadd.s32 $0xFFFFFF80  }
0x8c: {  	_ =	swait.ge [sflag:s28], $0x80  }
0x8d: {  	[sflag:s28] =	ssyncset.done $0x0  }
0x8e: {  	[sflag:s28] =	ssyncadd.s32 $0xFFFFFF80  }
0x8f: {  	[tilespmem:s0], [sflag:$0x1] =	stream.indirect.gather [hbm4b:s5+s11], $0x80, s6, s11, $0xb8;
	[tilespmem:$0x1FD80] =	vst v63  }
0x90: {  	s29 =	simm.s32 $0x0;
	v1 =	vld [tilespmem:$0x7800]  }
.LBB2_6:
0x91: {  	p0 =	seq.s32 s29, $0x0  }
0x92: {  	s3 =	simm.s32 @!p0 $0xC  }
0x93: {  	_ =	swait.ge @!p0 [sflag:s3], $0x2000  }
0x94: {  	[sflag:s3] =	ssyncset.done @!p0 $0x0  }
0x95: {  	[sflag:s3] =	ssyncadd.s32 @!p0 $0xFFFFE000  }
0x96: {  	_ =	swait.ge [sflag:s12], $0x80  }
0x97: {  	[sflag:s12] =	ssyncset.done $0x0  }
0x98: {  	[sflag:s12] =	ssyncadd.s32 $0xFFFFFF80  }
0x99: {  	_ =	swait.ge [sflag:s14], $0x80  }
0x9a: {  	[sflag:s14] =	ssyncset.done $0x0  }
0x9b: {  	[sflag:s14] =	ssyncadd.s32 $0xFFFFFF80  }
0x9c: {  	[tilespmem:s15], [sflag:$0x2] =	stream.indirect.gather [hbm4b:s5+s11], $0x80, s20, s11, $0xb8;
	[tilespmem:$0x1FD80] =	vst v63  }
0x9d: {  	v2 =	vld [tilespmem:$0xB880]  }
0x9e: {  	v3 =	vld [tilespmem:$0xBA80]  }
0x9f: {  	v4 =	vld [tilespmem:$0xB890]  }
0xa0: {  	v5 =	vld [tilespmem:$0xBA90]  }
0xa1: {  	v6 =	vld [tilespmem:$0xB8A0]  }
0xa2: {  	v7 =	vld [tilespmem:$0xBAA0]  }
0xa3: {  	v8 =	vld [tilespmem:$0xB8B0]  }
0xa4: {  	v9 =	vld [tilespmem:$0xBAB0]  }
0xa5: {  	v2 =	vld.idx.msk [tilespmem:v2+s4+$0x0], $0xffff  }
0xa6: {  	v10 =	vld.idx.msk [tilespmem:v3+s30+$0x0], $0xffff  }
0xa7: {  	v4 =	vld.idx.msk [tilespmem:v4+s4+$0x0], $0xffff  }
0xa8: {  	v11 =	vld.idx.msk [tilespmem:v5+s30+$0x0], $0xffff  }
0xa9: {  	v6 =	vld.idx.msk [tilespmem:v6+s4+$0x0], $0xffff  }
0xaa: {  	v12 =	vld.idx.msk [tilespmem:v7+s30+$0x0], $0xffff  }
0xab: {  	v8 =	vld.idx.msk [tilespmem:v8+s4+$0x0], $0xffff;
	v2 =	vadd.f32 v10, v2  }
0xac: {  	v10 =	vld.idx.msk [tilespmem:v9+s30+$0x0], $0xffff  }
0xad: {  	v4 =	vadd.f32 v11, v4;
	v13 =	vmul.f32 $2.000000030e-01, v2;
	_ =	sdelay $0x1  }
0xae: {  	v6 =	vadd.f32 v12, v6;
	v11 =	vmul.f32 $2.000000030e-01, v4;
	v2 =	vmax.f32 v2, v13  }
0xaf: {  	v2 =	vsub.f32 v2, v1  }
0xb0: {  	v4 =	vmax.f32 v4, v11;
	v11 =	vmul.f32 $2.000000030e-01, v6;
	v8 =	vadd.f32 v10, v8  }
0xb1: {  	v4 =	vsub.f32 v4, v1;
	v2 =	vmul.f32 $1.442695020e+00, v2  }
0xb2: {  	v6 =	vmax.f32 v6, v11;
	v10 =	vmul.f32 $2.000000030e-01, v8  }
0xb3: {  	(erf) = vpow2.f32 v2;
	v2 =	vmul.f32 $1.442695020e+00, v4;
	v4 =	vsub.f32 v6, v1  }
0xb4: {  	v6 =	vmax.f32 v8, v10  }
0xb5: {  	(erf) = vpow2.f32 v2;
	v2 =	vmul.f32 $1.442695020e+00, v4;
	v4 =	vsub.f32 v6, v1;
	_ =	sdelay $0x1  }
0xb6: {  	(erf) = vpow2.f32 v2;
	v2 =	vmul.f32 $1.442695020e+00, v4;
	_ =	sdelay $0x1  }
0xb7: {  	(erf) = vpow2.f32 v2;
	_ =	sdelay $0x2  }
0xb8: {  	v2 =	vpop (erf)  }
0xb9: {  	[tilespmem:$0xBC80] =	vst v2  }
0xba: {  	v4 =	vpop (erf);
	[tilespmem:v3+s16+$0x0] =	vst.idx.add.f32.msk $0xffff, v2  }
0xbb: {  	[tilespmem:$0xBC90] =	vst v4  }
0xbc: {  	s19 =	simm.s32 $0x2;
	v3 =	vmov s4;
	v2 =	vpop (erf);
	[tilespmem:v5+s16+$0x0] =	vst.idx.add.f32.msk $0xffff, v4  }
0xbd: {  	v3 =	vand.u32 $0xFFFFFFFC, v3;
	v4 =	vmov s19;
	[tilespmem:$0xBCA0] =	vst v2  }
0xbe: {  	v3 =	vbroadcast v3, $0x0;
	v4 =	vand.u32 $0xFFFFFFFE, v4;
	[tilespmem:v7+s16+$0x0] =	vst.idx.add.f32.msk $0xffff, v2;
	v2 =	vpop (erf)  }
0xbf: {  	v4 =	vbroadcast v4, $0x0;
	[tilespmem:$0xBCB0] =	vst v2  }
0xc0: {  	[tilespmem:v9+s16+$0x0] =	vst.idx.add.f32.msk $0xffff, v2  }
0xc1: {  	_ =	swait.ge [sflag:s17], $0x2000  }
0xc2: {  	[sflag:s17] =	ssyncset.done $0x0  }
0xc3: {  	[sflag:s17] =	ssyncadd.s32 $0xFFFFE000  }
0xc4: {  	v2 =	vld.idx.msk [tilespmem:v3+s18+$0x0], $0xffff  }
0xc5: {  	s6 =	simm.s32 $0x7980;
	v3 =	vld.idx.msk [tilespmem:v4+s18+$0x0], $0xffff  }
0xc6: {  	v5 =	vld [tilespmem:s6+$0x70]  }
0xc7: {  	v6 =	vld [tilespmem:s6+$0xFFFFFF00]  }
0xc8: {  	s20 =	simm.s32 $0x1;
	v7 =	vld [tilespmem:s6+$0xFFFFFF10]  }
0xc9: {  	v4 =	vmov s20;
	v8 =	vld [tilespmem:s6+$0xFFFFFF20]  }
0xca: {  	v9 =	vld [tilespmem:s6+$0xFFFFFF30];
	v4 =	vand.u32 $0xFFFFFFFD, v4  }
0xcb: {  	v10 =	vld [tilespmem:s6+$0xFFFFFF40];
	v4 =	vbroadcast v4, $0x0  }
0xcc: {  	v11 =	vld [tilespmem:s6+$0xFFFFFF50]  }
0xcd: {  	v12 =	vld [tilespmem:s6+$0xFFFFFF60];
	v6 =	vmul.f32 v6, v2  }
0xce: {  	v14 =	vld [tilespmem:s6+$0x40];
	v5 =	vmul.f32 v5, v3  }
0xcf: {  	[tilespmem:s6+$0xFFFFFF00] =	vst v6;
	v6 =	vmul.f32 v7, v2;
	v7 =	vld [tilespmem:s6+$0xFFFFFF70]  }
0xd0: {  	[tilespmem:s6+$0x70] =	vst v5;
	v5 =	vmul.f32 v8, v2;
	v8 =	vld [tilespmem:s6+$0xFFFFFF80]  }
0xd1: {  	v4 =	vld.idx.msk [tilespmem:v4+s18+$0x0], $0xffff;
	[tilespmem:s6+$0xFFFFFF10] =	vst v6;
	v6 =	vmul.f32 v9, v2  }
0xd2: {  	v9 =	vld [tilespmem:s6+$0xFFFFFF90];
	[tilespmem:s6+$0xFFFFFF20] =	vst v5;
	v5 =	vmul.f32 v10, v2  }
0xd3: {  	v10 =	vld [tilespmem:s6+$0xFFFFFFA0];
	[tilespmem:s6+$0xFFFFFF30] =	vst v6;
	v6 =	vmul.f32 v11, v2  }
0xd4: {  	v11 =	vld [tilespmem:s6+$0xFFFFFFB0];
	[tilespmem:s6+$0xFFFFFF40] =	vst v5;
	v5 =	vmul.f32 v12, v2  }
0xd5: {  	v12 =	vld [tilespmem:s6+$0xFFFFFFC0];
	v7 =	vmul.f32 v7, v2;
	[tilespmem:s6+$0xFFFFFF50] =	vst v6  }
0xd6: {  	v6 =	vmul.f32 v8, v4;
	v8 =	vld [tilespmem:s6+$0xFFFFFFD0];
	[tilespmem:s6+$0xFFFFFF60] =	vst v5  }
0xd7: {  	s26 =	simm.s32 $0x3;
	v5 =	vld [tilespmem:s6+$0xFFFFFFE0];
	v9 =	vmul.f32 v9, v4;
	[tilespmem:s6+$0xFFFFFF70] =	vst v7  }
0xd8: {  	v13 =	vmov s26;
	v7 =	vld [tilespmem:s6+$0xFFFFFFF0];
	[tilespmem:s6+$0xFFFFFF80] =	vst v6;
	v6 =	vmul.f32 v10, v4  }
0xd9: {  	v10 =	vld [tilespmem:s6+$0x0];
	[tilespmem:s6+$0xFFFFFF90] =	vst v9;
	v9 =	vmul.f32 v11, v4  }
0xda: {  	v11 =	vld [tilespmem:s6+$0x10];
	[tilespmem:s6+$0xFFFFFFA0] =	vst v6;
	v6 =	vmul.f32 v12, v4  }
0xdb: {  	[tilespmem:s6+$0xFFFFFFB0] =	vst v9;
	v8 =	vmul.f32 v8, v4;
	v9 =	vld [tilespmem:s6+$0x20]  }
0xdc: {  	v12 =	vld [tilespmem:s6+$0x30];
	v5 =	vmul.f32 v5, v4;
	[tilespmem:s6+$0xFFFFFFC0] =	vst v6  }
0xdd: {  	v2 =	vld.idx.msk [tilespmem:v13+s18+$0x0], $0xffff;
	v4 =	vmul.f32 v7, v4;
	[tilespmem:s6+$0xFFFFFFD0] =	vst v8  }
0xde: {  	[tilespmem:s6+$0xFFFFFFE0] =	vst v5;
	v6 =	vmul.f32 v10, v3;
	v5 =	vld [tilespmem:s6+$0x50]  }
0xdf: {  	s28 =	simm.s32 $0x4;
	[tilespmem:s6+$0xFFFFFFF0] =	vst v4;
	v7 =	vmul.f32 v11, v3;
	v4 =	vld [tilespmem:s6+$0x60]  }
0xe0: {  	s7 =	simm.s32 $0x7;
	v8 =	vmov s28;
	[tilespmem:s6+$0x0] =	vst v6;
	v10 =	vmul.f32 v9, v3;
	v9 =	vld [tilespmem:s6+$0x80]  }
0xe1: {  	s3 =	sshll.u32 s29, $0x9;
	s19 =	simm.s32 $0x5;
	v13 =	vand.u32 $0xFFFFFFFC, v8;
	v8 =	vld [tilespmem:s6+$0x90];
	v6 =	vmov s7;
	v11 =	vmul.f32 v12, v3;
	[tilespmem:s6+$0x10] =	vst v7  }
0xe2: {  	s20 =	simm.s32 $0x6;
	v12 =	vmul.f32 v14, v3;
	s7 =	simm.s32 $0x7980;
	v7 =	vbroadcast v13, $0x0;
	v13 =	vmov s19;
	s19 =	simm.s32 $0x8;
	[tilespmem:s6+$0x20] =	vst v10;
	v10 =	vld [tilespmem:s6+$0xA0]  }
.LBB2_7:
0xe3: {  	p0 =	slt.u32 s19, $0x3C;
	v13 =	vand.u32 $0xFFFFFFFD, v13;
	v14 =	vmov s20;
	[tilespmem:s6+$0x30] =	vst v11;
	v5 =	vmul.f32 v5, v3;
	v11 =	vld [tilespmem:s6+$0xB0]  }
0xe4: {  	v13 =	vbroadcast v13, $0x0;
	v14 =	vand.u32 $0xFFFFFFFE, v14;
	[tilespmem:s6+$0x40] =	vst v12;
	v3 =	vmul.f32 v4, v3;
	v4 =	vld [tilespmem:s6+$0xC0]  }
0xe5: {  	v12 =	vbroadcast v14, $0x0;
	[tilespmem:s6+$0x50] =	vst v5;
	v5 =	vmul.f32 v9, v2;
	v9 =	vld [tilespmem:s6+$0xD0]  }
0xe6: {  	[tilespmem:s6+$0x60] =	vst v3;
	v3 =	vmul.f32 v8, v2;
	v8 =	vld [tilespmem:s6+$0xE0]  }
0xe7: {  	[tilespmem:s6+$0x80] =	vst v5;
	v5 =	vmul.f32 v10, v2;
	v10 =	vld [tilespmem:s6+$0xF0]  }
0xe8: {  	v6 =	vld.idx.msk [tilespmem:v6+s18+$0x0], $0xffff;
	[tilespmem:s6+$0x90] =	vst v3;
	v3 =	vmul.f32 v11, v2  }
0xe9: {  	v7 =	vld.idx.msk [tilespmem:v7+s18+$0x0], $0xffff;
	[tilespmem:s6+$0xA0] =	vst v5;
	v4 =	vmul.f32 v4, v2  }
0xea: {  	v5 =	vld.idx.msk [tilespmem:v13+s18+$0x0], $0xffff;
	[tilespmem:s6+$0xB0] =	vst v3;
	v9 =	vmul.f32 v9, v2  }
0xeb: {  	s6 =	sadd.s32 $0x200, s6;
	v3 =	vld.idx.msk [tilespmem:v12+s18+$0x0], $0xffff;
	[tilespmem:s7+$0xC0] =	vst v4;
	v4 =	vmul.f32 v8, v2  }
0xec: {  	v8 =	vld [tilespmem:s6+$0x70];
	[tilespmem:s7+$0xD0] =	vst v9;
	v10 =	vmul.f32 v10, v2  }
0xed: {  	v9 =	vld [tilespmem:s6+$0xFFFFFF00];
	[tilespmem:s7+$0xE0] =	vst v4  }
0xee: {  	v2 =	vmov v6;
	v4 =	vld [tilespmem:s6+$0xFFFFFF10];
	[tilespmem:s7+$0xF0] =	vst v10;
	s7 =	smov.u32 s6  }
0xef: {  	v6 =	vld [tilespmem:s6+$0xFFFFFF20]  }
0xf0: {  	v10 =	vld [tilespmem:s6+$0xFFFFFF30]  }
0xf1: {  	v11 =	vld [tilespmem:s6+$0xFFFFFF40];
	v8 =	vmul.f32 v8, v3  }
0xf2: {  	v9 =	vmul.f32 v9, v7;
	v12 =	vld [tilespmem:s6+$0xFFFFFF50]  }
0xf3: {  	v4 =	vmul.f32 v4, v7;
	v13 =	vld [tilespmem:s6+$0xFFFFFF60];
	[tilespmem:s6+$0x70] =	vst v8  }
0xf4: {  	[tilespmem:s6+$0xFFFFFF00] =	vst v9;
	v6 =	vmul.f32 v6, v7;
	v8 =	vld [tilespmem:s6+$0xFFFFFF70]  }
0xf5: {  	[tilespmem:s6+$0xFFFFFF10] =	vst v4;
	v4 =	vmul.f32 v10, v7;
	v9 =	vld [tilespmem:s6+$0xFFFFFF80]  }
0xf6: {  	[tilespmem:s6+$0xFFFFFF20] =	vst v6;
	v6 =	vmul.f32 v11, v7;
	v10 =	vld [tilespmem:s6+$0xFFFFFF90]  }
0xf7: {  	[tilespmem:s6+$0xFFFFFF30] =	vst v4;
	v4 =	vmul.f32 v12, v7;
	v11 =	vld [tilespmem:s6+$0xFFFFFFA0]  }
0xf8: {  	[tilespmem:s6+$0xFFFFFF40] =	vst v6;
	v6 =	vmul.f32 v13, v7;
	v12 =	vld [tilespmem:s6+$0xFFFFFFB0]  }
0xf9: {  	[tilespmem:s6+$0xFFFFFF50] =	vst v4;
	v4 =	vmul.f32 v8, v7;
	v7 =	vld [tilespmem:s6+$0xFFFFFFC0]  }
0xfa: {  	[tilespmem:s6+$0xFFFFFF60] =	vst v6;
	v6 =	vmul.f32 v9, v5;
	v8 =	vld [tilespmem:s6+$0xFFFFFFD0]  }
0xfb: {  	[tilespmem:s6+$0xFFFFFF70] =	vst v4;
	v4 =	vmul.f32 v10, v5;
	v9 =	vld [tilespmem:s6+$0xFFFFFFE0]  }
0xfc: {  	[tilespmem:s6+$0xFFFFFF80] =	vst v6;
	v6 =	vmul.f32 v11, v5;
	v10 =	vld [tilespmem:s6+$0xFFFFFFF0]  }
0xfd: {  	[tilespmem:s6+$0xFFFFFF90] =	vst v4;
	v4 =	vmul.f32 v12, v5;
	v11 =	vld [tilespmem:s6+$0x0]  }
0xfe: {  	[tilespmem:s6+$0xFFFFFFA0] =	vst v6;
	v6 =	vmul.f32 v7, v5;
	v7 =	vld [tilespmem:s6+$0x10]  }
0xff: {  	[tilespmem:s6+$0xFFFFFFB0] =	vst v4;
	v4 =	vmul.f32 v8, v5;
	v8 =	vld [tilespmem:s6+$0x20]  }
0x100: {  	[tilespmem:s6+$0xFFFFFFC0] =	vst v6;
	v6 =	vmul.f32 v9, v5;
	v12 =	vld [tilespmem:s6+$0x30]  }
0x101: {  	[tilespmem:s6+$0xFFFFFFD0] =	vst v4;
	v4 =	vmul.f32 v10, v5;
	v10 =	vld [tilespmem:s6+$0x40]  }
.Ltmp4:
0x102: {  	[tilespmem:s6+$0xFFFFFFE0] =	vst v6;
	v6 =	vmul.f32 v11, v3;
	v5 =	vld [tilespmem:s6+$0x50];
	(pc) =	sbr.rel @p0 .LBB2_7-.Ltmp4, $4  }
0x103: {  	[tilespmem:s6+$0xFFFFFFF0] =	vst v4;
	v7 =	vmul.f32 v7, v3;
	v4 =	vld [tilespmem:s6+$0x60]  }
0x104: {  	s20 =	sadd.s32 $0x3, s19;
	v11 =	vmov s19;
	[tilespmem:s6+$0x0] =	vst v6;
	v14 =	vmul.f32 v8, v3;
	v9 =	vld [tilespmem:s6+$0x80]  }
0x105: {  	s26 =	sadd.s32 $0x1, s19;
	v13 =	vand.u32 $0xFFFFFFFC, v11;
	v6 =	vmov s20;
	[tilespmem:s6+$0x10] =	vst v7;
	v11 =	vmul.f32 v12, v3;
	v8 =	vld [tilespmem:s6+$0x90]  }
0x106: {  	s20 =	sadd.s32 $0x2, s19;
	s19 =	sadd.s32 $0x4, s19;
	v7 =	vbroadcast v13, $0x0;
	v13 =	vmov s26;
	[tilespmem:s6+$0x20] =	vst v14;
	v12 =	vmul.f32 v10, v3;
	v10 =	vld [tilespmem:s6+$0xA0]  }
0x107: {  	v14 =	vld [tilespmem:s6+$0xB0]  }
0x108: {  	v16 =	vld [tilespmem:s6+$0xC0]  }
0x109: {  	v15 =	vmov s20;
	v17 =	vld [tilespmem:s6+$0xD0]  }
0x10a: {  	v18 =	vld [tilespmem:s6+$0xE0];
	[tilespmem:s6+$0x30] =	vst v11;
	v5 =	vmul.f32 v5, v3;
	v15 =	vand.u32 $0xFFFFFFFE, v15  }
0x10b: {  	v13 =	vand.u32 $0xFFFFFFFD, v13;
	v6 =	vld.idx.msk [tilespmem:v6+s18+$0x0], $0xffff;
	[tilespmem:s6+$0x40] =	vst v12;
	v3 =	vmul.f32 v4, v3;
	v15 =	vbroadcast v15, $0x0  }
0x10c: {  	s19 =	sadd.s32 $0x200, s6;
	v13 =	vbroadcast v13, $0x0;
	v4 =	vld.idx.msk [tilespmem:v7+s18+$0x0], $0xffff;
	v9 =	vmul.f32 v9, v2;
	[tilespmem:s6+$0x50] =	vst v5  }
0x10d: {  	v11 =	vld [tilespmem:s19+$0xFFFFFF00];
	v5 =	vmul.f32 v8, v2;
	[tilespmem:s6+$0x60] =	vst v3  }
0x10e: {  	[tilespmem:s6+$0x80] =	vst v9;
	v9 =	vld [tilespmem:s6+$0xF0];
	v3 =	vmul.f32 v10, v2  }
0x10f: {  	v12 =	vld [tilespmem:s19+$0xFFFFFF10];
	[tilespmem:s6+$0x90] =	vst v5;
	v5 =	vmul.f32 v14, v2  }
0x110: {  	v10 =	vld [tilespmem:s19+$0x70];
	[tilespmem:s6+$0xA0] =	vst v3;
	v3 =	vmul.f32 v16, v2  }
0x111: {  	[tilespmem:s6+$0xB0] =	vst v5;
	v5 =	vmul.f32 v17, v2;
	v8 =	vld.idx.msk [tilespmem:v15+s18+$0x0], $0xffff  }
0x112: {  	v7 =	vld.idx.msk [tilespmem:v13+s18+$0x0], $0xffff;
	[tilespmem:s7+$0xC0] =	vst v3;
	v3 =	vmul.f32 v18, v2  }
0x113: {  	v13 =	vld [tilespmem:s19+$0xFFFFFF20];
	[tilespmem:s7+$0xD0] =	vst v5;
	v2 =	vmul.f32 v9, v2  }
0x114: {  	v5 =	vld [tilespmem:s19+$0xFFFFFF30];
	[tilespmem:s7+$0xE0] =	vst v3  }
0x115: {  	v3 =	vld [tilespmem:s19+$0xFFFFFF40];
	[tilespmem:s7+$0xF0] =	vst v2;
	v2 =	vmul.f32 v11, v4  }
0x116: {  	v9 =	vmul.f32 v10, v8;
	v10 =	vld [tilespmem:s19+$0xFFFFFF50]  }
0x117: {  	v11 =	vmul.f32 v12, v4;
	v12 =	vld [tilespmem:s19+$0xFFFFFF60];
	[tilespmem:s19+$0xFFFFFF00] =	vst v2  }
0x118: {  	v2 =	vmul.f32 v13, v4;
	[tilespmem:s19+$0x70] =	vst v9;
	v9 =	vld [tilespmem:s19+$0xFFFFFF70]  }
0x119: {  	[tilespmem:s19+$0xFFFFFF10] =	vst v11;
	v11 =	vld [tilespmem:s19+$0xFFFFFF80];
	v5 =	vmul.f32 v5, v4  }
0x11a: {  	[tilespmem:s19+$0xFFFFFF20] =	vst v2;
	v2 =	vmul.f32 v3, v4;
	v3 =	vld [tilespmem:s19+$0xFFFFFF90]  }
0x11b: {  	[tilespmem:s19+$0xFFFFFF30] =	vst v5;
	v5 =	vmul.f32 v10, v4;
	v10 =	vld [tilespmem:s19+$0xFFFFFFA0]  }
0x11c: {  	[tilespmem:s19+$0xFFFFFF40] =	vst v2;
	v2 =	vmul.f32 v12, v4;
	v12 =	vld [tilespmem:s19+$0xFFFFFFB0]  }
0x11d: {  	[tilespmem:s19+$0xFFFFFF50] =	vst v5;
	v4 =	vmul.f32 v9, v4;
	v5 =	vld [tilespmem:s19+$0xFFFFFFC0]  }
0x11e: {  	[tilespmem:s19+$0xFFFFFF60] =	vst v2;
	v2 =	vmul.f32 v11, v7;
	v9 =	vld [tilespmem:s19+$0xFFFFFFD0]  }
0x11f: {  	v3 =	vmul.f32 v3, v7;
	[tilespmem:s19+$0xFFFFFF70] =	vst v4;
	v4 =	vld [tilespmem:s19+$0xFFFFFFE0]  }
0x120: {  	[tilespmem:s19+$0xFFFFFF80] =	vst v2;
	v2 =	vmul.f32 v10, v7;
	v10 =	vld [tilespmem:s19+$0xFFFFFFF0]  }
0x121: {  	v11 =	vld [tilespmem:s19+$0x0];
	[tilespmem:s19+$0xFFFFFF90] =	vst v3;
	v3 =	vmul.f32 v12, v7  }
0x122: {  	[tilespmem:s19+$0xFFFFFFA0] =	vst v2;
	v2 =	vmul.f32 v5, v7;
	v5 =	vld [tilespmem:s19+$0x10]  }
0x123: {  	[tilespmem:s19+$0xFFFFFFB0] =	vst v3;
	v3 =	vmul.f32 v9, v7;
	v9 =	vld [tilespmem:s19+$0x20]  }
0x124: {  	[tilespmem:s19+$0xFFFFFFC0] =	vst v2;
	v2 =	vmul.f32 v4, v7;
	v4 =	vld [tilespmem:s19+$0x30]  }
0x125: {  	[tilespmem:s19+$0xFFFFFFD0] =	vst v3;
	v3 =	vmul.f32 v10, v7;
	v7 =	vld [tilespmem:s19+$0x40]  }
0x126: {  	v10 =	vld [tilespmem:s19+$0x50];
	[tilespmem:s19+$0xFFFFFFE0] =	vst v2;
	v2 =	vmul.f32 v11, v8  }
0x127: {  	[tilespmem:s19+$0xFFFFFFF0] =	vst v3;
	v3 =	vmul.f32 v5, v8;
	v5 =	vld [tilespmem:s19+$0x60]  }
0x128: {  	[tilespmem:s19+$0x0] =	vst v2;
	v2 =	vmul.f32 v9, v8;
	v9 =	vld [tilespmem:s19+$0x80]  }
0x129: {  	[tilespmem:s19+$0x10] =	vst v3;
	v3 =	vmul.f32 v4, v8;
	v4 =	vld [tilespmem:s19+$0x90]  }
0x12a: {  	[tilespmem:s19+$0x20] =	vst v2;
	v2 =	vmul.f32 v7, v8;
	v7 =	vld [tilespmem:s19+$0xA0]  }
0x12b: {  	[tilespmem:s19+$0x30] =	vst v3;
	v3 =	vmul.f32 v10, v8;
	v10 =	vld [tilespmem:s19+$0xB0]  }
0x12c: {  	[tilespmem:s19+$0x40] =	vst v2;
	v2 =	vmul.f32 v5, v8;
	v5 =	vld [tilespmem:s19+$0xC0]  }
0x12d: {  	v8 =	vld [tilespmem:s19+$0xD0];
	[tilespmem:s19+$0x50] =	vst v3;
	v3 =	vmul.f32 v9, v6  }
0x12e: {  	[tilespmem:s19+$0x60] =	vst v2;
	v2 =	vmul.f32 v4, v6;
	v4 =	vld [tilespmem:s19+$0xE0]  }
0x12f: {  	[tilespmem:s19+$0x80] =	vst v3;
	v3 =	vmul.f32 v7, v6;
	v7 =	vld [tilespmem:s19+$0xF0]  }
0x130: {  	[tilespmem:s19+$0x90] =	vst v2;
	v2 =	vmul.f32 v10, v6  }
0x131: {  	[tilespmem:s19+$0xA0] =	vst v3;
	v3 =	vmul.f32 v5, v6  }
0x132: {  	s20 =	sand.u32 $0x7C00, s3;
	[tilespmem:s19+$0xB0] =	vst v2;
	v2 =	vmul.f32 v8, v6  }
0x133: {  	s26 =	sand.u32 $0x200, s3;
	s6 =	sadd.s32 s13, s20;
	[tilespmem:s19+$0xC0] =	vst v3;
	v3 =	vmul.f32 v4, v6  }
0x134: {  	s6 =	sor.u32 s26, s6;
	[tilespmem:s19+$0xD0] =	vst v2;
	v2 =	vmul.f32 v7, v6  }
0x135: {  	s6 =	sshrl.u32 s6, $0x3;
	[tilespmem:s19+$0xE0] =	vst v3  }
0x136: {  	s7 =	sor.u32 $0x20, s6;
	[tilespmem:s19+$0xF0] =	vst v2;
	s19 =	simm.s32 $0xBA80  }
0x137: {  	[spmem:s2] =	stream.indirect.scatter.add.f32 [tilespmem:s0], [sflag:$0xB], $0x80, s19, s11, $0xb8;
	[tilespmem:$0x1FD80] =	vst v63  }
0x138: {  	s20 =	simm.s32 $0x0;
	s26 =	simm.s32 $0xB980;
	s28 =	sadd.s32 s1, s7  }
0x139: {  	[tilespmem:s26], [sflag:$0x5] =	stream.linear.gather [hbm4b:s28+s20], $0x80, $0x38;
	[tilespmem:$0x1FD80] =	vst v63  }
0x13a: {  	s7 =	sadd.s32 s8, s7;
	s28 =	simm.s32 $0xBB80  }
0x13b: {  	[tilespmem:s28], [sflag:$0x9] =	stream.linear.gather [hbm4b:s7+s20], $0x80, $0x38;
	[tilespmem:$0x1FD80] =	vst v63  }
0x13c: {  	_ =	swait.ge [sflag:s21], $0x2000  }
0x13d: {  	[sflag:s21] =	ssyncset.done $0x0  }
0x13e: {  	[sflag:s21] =	ssyncadd.s32 $0xFFFFE000  }
0x13f: {  	_ =	swait.ge [sflag:s22], $0x80  }
0x140: {  	[sflag:s22] =	ssyncset.done $0x0  }
0x141: {  	[sflag:s22] =	ssyncadd.s32 $0xFFFFFF80  }
0x142: {  	_ =	swait.ge [sflag:s23], $0x80  }
0x143: {  	[sflag:s23] =	ssyncset.done $0x0  }
0x144: {  	[sflag:s23] =	ssyncadd.s32 $0xFFFFFF80  }
0x145: {  	[tilespmem:s0], [sflag:$0x1] =	stream.indirect.gather [hbm4b:s5+s11], $0x80, s26, s11, $0xb8;
	[tilespmem:$0x1FD80] =	vst v63  }
0x146: {  	v2 =	vld [tilespmem:$0xB900]  }
0x147: {  	v3 =	vld [tilespmem:$0xBB00]  }
0x148: {  	v4 =	vld [tilespmem:$0xB910]  }
0x149: {  	v5 =	vld [tilespmem:$0xBB10]  }
0x14a: {  	v6 =	vld [tilespmem:$0xB920]  }
0x14b: {  	v7 =	vld [tilespmem:$0xBB20]  }
0x14c: {  	v8 =	vld [tilespmem:$0xB930]  }
0x14d: {  	v9 =	vld [tilespmem:$0xBB30]  }
0x14e: {  	v2 =	vld.idx.msk [tilespmem:v2+s20+$0x0], $0xffff  }
0x14f: {  	v10 =	vld.idx.msk [tilespmem:v3+s30+$0x0], $0xffff  }
0x150: {  	v4 =	vld.idx.msk [tilespmem:v4+s20+$0x0], $0xffff  }
0x151: {  	v11 =	vld.idx.msk [tilespmem:v5+s30+$0x0], $0xffff  }
0x152: {  	v6 =	vld.idx.msk [tilespmem:v6+s20+$0x0], $0xffff  }
0x153: {  	v12 =	vld.idx.msk [tilespmem:v7+s30+$0x0], $0xffff  }
0x154: {  	v8 =	vld.idx.msk [tilespmem:v8+s20+$0x0], $0xffff;
	v2 =	vadd.f32 v10, v2  }
0x155: {  	v10 =	vld.idx.msk [tilespmem:v9+s30+$0x0], $0xffff  }
0x156: {  	v4 =	vadd.f32 v11, v4;
	v13 =	vmul.f32 $2.000000030e-01, v2;
	_ =	sdelay $0x1  }
0x157: {  	v6 =	vadd.f32 v12, v6;
	v11 =	vmul.f32 $2.000000030e-01, v4;
	v2 =	vmax.f32 v2, v13  }
0x158: {  	v2 =	vsub.f32 v2, v1  }
0x159: {  	v4 =	vmax.f32 v4, v11;
	v11 =	vmul.f32 $2.000000030e-01, v6;
	v8 =	vadd.f32 v10, v8  }
0x15a: {  	v4 =	vsub.f32 v4, v1;
	v2 =	vmul.f32 $1.442695020e+00, v2  }
0x15b: {  	v6 =	vmax.f32 v6, v11;
	v10 =	vmul.f32 $2.000000030e-01, v8  }
0x15c: {  	(erf) = vpow2.f32 v2;
	v2 =	vmul.f32 $1.442695020e+00, v4;
	v4 =	vsub.f32 v6, v1  }
0x15d: {  	v6 =	vmax.f32 v8, v10  }
0x15e: {  	(erf) = vpow2.f32 v2;
	v2 =	vmul.f32 $1.442695020e+00, v4;
	v4 =	vsub.f32 v6, v1;
	_ =	sdelay $0x1  }
0x15f: {  	(erf) = vpow2.f32 v2;
	v2 =	vmul.f32 $1.442695020e+00, v4;
	_ =	sdelay $0x1  }
0x160: {  	(erf) = vpow2.f32 v2;
	_ =	sdelay $0x2  }
0x161: {  	v2 =	vpop (erf)  }
0x162: {  	[tilespmem:$0xBD00] =	vst v2  }
0x163: {  	v4 =	vpop (erf);
	[tilespmem:v3+s16+$0x0] =	vst.idx.add.f32.msk $0xffff, v2  }
0x164: {  	[tilespmem:$0xBD10] =	vst v4  }
0x165: {  	v3 =	vmov s20;
	s20 =	simm.s32 $0x2;
	v2 =	vpop (erf);
	[tilespmem:v5+s16+$0x0] =	vst.idx.add.f32.msk $0xffff, v4  }
0x166: {  	v3 =	vand.u32 $0xFFFFFFFC, v3;
	v4 =	vmov s20;
	[tilespmem:$0xBD20] =	vst v2  }
0x167: {  	v3 =	vbroadcast v3, $0x0;
	v4 =	vand.u32 $0xFFFFFFFE, v4;
	[tilespmem:v7+s16+$0x0] =	vst.idx.add.f32.msk $0xffff, v2;
	v2 =	vpop (erf)  }
0x168: {  	v4 =	vbroadcast v4, $0x0;
	[tilespmem:$0xBD30] =	vst v2  }
0x169: {  	[tilespmem:v9+s16+$0x0] =	vst.idx.add.f32.msk $0xffff, v2  }
0x16a: {  	_ =	swait.ge [sflag:s24], $0x2000  }
0x16b: {  	[sflag:s24] =	ssyncset.done $0x0  }
0x16c: {  	[sflag:s24] =	ssyncadd.s32 $0xFFFFE000  }
0x16d: {  	v2 =	vld.idx.msk [tilespmem:v3+s25+$0x0], $0xffff  }
0x16e: {  	s7 =	simm.s32 $0x9980;
	v3 =	vld.idx.msk [tilespmem:v4+s25+$0x0], $0xffff  }
0x16f: {  	v5 =	vld [tilespmem:s7+$0x70]  }
0x170: {  	v6 =	vld [tilespmem:s7+$0xFFFFFF00]  }
0x171: {  	s26 =	simm.s32 $0x1;
	v7 =	vld [tilespmem:s7+$0xFFFFFF10]  }
0x172: {  	v4 =	vmov s26;
	v8 =	vld [tilespmem:s7+$0xFFFFFF20]  }
0x173: {  	v9 =	vld [tilespmem:s7+$0xFFFFFF30];
	v4 =	vand.u32 $0xFFFFFFFD, v4  }
0x174: {  	v10 =	vld [tilespmem:s7+$0xFFFFFF40];
	v4 =	vbroadcast v4, $0x0  }
0x175: {  	v11 =	vld [tilespmem:s7+$0xFFFFFF50]  }
0x176: {  	v12 =	vld [tilespmem:s7+$0xFFFFFF60];
	v6 =	vmul.f32 v6, v2  }
0x177: {  	v14 =	vld [tilespmem:s7+$0x40];
	v5 =	vmul.f32 v5, v3  }
0x178: {  	[tilespmem:s7+$0xFFFFFF00] =	vst v6;
	v6 =	vmul.f32 v7, v2;
	v7 =	vld [tilespmem:s7+$0xFFFFFF70]  }
0x179: {  	[tilespmem:s7+$0x70] =	vst v5;
	v5 =	vmul.f32 v8, v2;
	v8 =	vld [tilespmem:s7+$0xFFFFFF80]  }
0x17a: {  	v4 =	vld.idx.msk [tilespmem:v4+s25+$0x0], $0xffff;
	[tilespmem:s7+$0xFFFFFF10] =	vst v6;
	v6 =	vmul.f32 v9, v2  }
0x17b: {  	v9 =	vld [tilespmem:s7+$0xFFFFFF90];
	[tilespmem:s7+$0xFFFFFF20] =	vst v5;
	v5 =	vmul.f32 v10, v2  }
0x17c: {  	v10 =	vld [tilespmem:s7+$0xFFFFFFA0];
	[tilespmem:s7+$0xFFFFFF30] =	vst v6;
	v6 =	vmul.f32 v11, v2  }
0x17d: {  	v11 =	vld [tilespmem:s7+$0xFFFFFFB0];
	[tilespmem:s7+$0xFFFFFF40] =	vst v5;
	v5 =	vmul.f32 v12, v2  }
0x17e: {  	v12 =	vld [tilespmem:s7+$0xFFFFFFC0];
	v7 =	vmul.f32 v7, v2;
	[tilespmem:s7+$0xFFFFFF50] =	vst v6  }
0x17f: {  	v6 =	vmul.f32 v8, v4;
	v8 =	vld [tilespmem:s7+$0xFFFFFFD0];
	[tilespmem:s7+$0xFFFFFF60] =	vst v5  }
0x180: {  	s28 =	simm.s32 $0x3;
	v5 =	vld [tilespmem:s7+$0xFFFFFFE0];
	v9 =	vmul.f32 v9, v4;
	[tilespmem:s7+$0xFFFFFF70] =	vst v7  }
0x181: {  	v13 =	vmov s28;
	v7 =	vld [tilespmem:s7+$0xFFFFFFF0];
	[tilespmem:s7+$0xFFFFFF80] =	vst v6;
	v6 =	vmul.f32 v10, v4  }
0x182: {  	v10 =	vld [tilespmem:s7+$0x0];
	[tilespmem:s7+$0xFFFFFF90] =	vst v9;
	v9 =	vmul.f32 v11, v4  }
0x183: {  	v11 =	vld [tilespmem:s7+$0x10];
	[tilespmem:s7+$0xFFFFFFA0] =	vst v6;
	v6 =	vmul.f32 v12, v4  }
0x184: {  	[tilespmem:s7+$0xFFFFFFB0] =	vst v9;
	v8 =	vmul.f32 v8, v4;
	v9 =	vld [tilespmem:s7+$0x20]  }
0x185: {  	v12 =	vld [tilespmem:s7+$0x30];
	v5 =	vmul.f32 v5, v4;
	[tilespmem:s7+$0xFFFFFFC0] =	vst v6  }
0x186: {  	v2 =	vld.idx.msk [tilespmem:v13+s25+$0x0], $0xffff;
	v4 =	vmul.f32 v7, v4;
	[tilespmem:s7+$0xFFFFFFD0] =	vst v8  }
0x187: {  	[tilespmem:s7+$0xFFFFFFE0] =	vst v5;
	v6 =	vmul.f32 v10, v3;
	v5 =	vld [tilespmem:s7+$0x50]  }
0x188: {  	s20 =	simm.s32 $0x4;
	[tilespmem:s7+$0xFFFFFFF0] =	vst v4;
	v7 =	vmul.f32 v11, v3;
	v4 =	vld [tilespmem:s7+$0x60]  }
0x189: {  	s26 =	simm.s32 $0x7;
	v8 =	vmov s20;
	[tilespmem:s7+$0x0] =	vst v6;
	v10 =	vmul.f32 v9, v3;
	v9 =	vld [tilespmem:s7+$0x80]  }
0x18a: {  	s28 =	simm.s32 $0x5;
	v13 =	vand.u32 $0xFFFFFFFC, v8;
	v8 =	vld [tilespmem:s7+$0x90];
	v6 =	vmov s26;
	v11 =	vmul.f32 v12, v3;
	[tilespmem:s7+$0x10] =	vst v7  }
0x18b: {  	s19 =	simm.s32 $0x9980;
	s20 =	simm.s32 $0x8;
	s26 =	simm.s32 $0x6;
	v12 =	vmul.f32 v14, v3;
	v7 =	vbroadcast v13, $0x0;
	v13 =	vmov s28;
	[tilespmem:s7+$0x20] =	vst v10;
	v10 =	vld [tilespmem:s7+$0xA0]  }
.LBB2_9:
0x18c: {  	p0 =	slt.u32 s20, $0x3C;
	v13 =	vand.u32 $0xFFFFFFFD, v13;
	v14 =	vmov s26;
	[tilespmem:s7+$0x30] =	vst v11;
	v5 =	vmul.f32 v5, v3;
	v11 =	vld [tilespmem:s7+$0xB0]  }
0x18d: {  	v13 =	vbroadcast v13, $0x0;
	v14 =	vand.u32 $0xFFFFFFFE, v14;
	[tilespmem:s7+$0x40] =	vst v12;
	v3 =	vmul.f32 v4, v3;
	v4 =	vld [tilespmem:s7+$0xC0]  }
0x18e: {  	v12 =	vbroadcast v14, $0x0;
	[tilespmem:s7+$0x50] =	vst v5;
	v5 =	vmul.f32 v9, v2;
	v9 =	vld [tilespmem:s7+$0xD0]  }
0x18f: {  	[tilespmem:s7+$0x60] =	vst v3;
	v3 =	vmul.f32 v8, v2;
	v8 =	vld [tilespmem:s7+$0xE0]  }
0x190: {  	[tilespmem:s7+$0x80] =	vst v5;
	v5 =	vmul.f32 v10, v2;
	v10 =	vld [tilespmem:s7+$0xF0]  }
0x191: {  	v6 =	vld.idx.msk [tilespmem:v6+s25+$0x0], $0xffff;
	[tilespmem:s7+$0x90] =	vst v3;
	v3 =	vmul.f32 v11, v2  }
0x192: {  	v7 =	vld.idx.msk [tilespmem:v7+s25+$0x0], $0xffff;
	[tilespmem:s7+$0xA0] =	vst v5;
	v4 =	vmul.f32 v4, v2  }
0x193: {  	v5 =	vld.idx.msk [tilespmem:v13+s25+$0x0], $0xffff;
	[tilespmem:s7+$0xB0] =	vst v3;
	v9 =	vmul.f32 v9, v2  }
0x194: {  	s7 =	sadd.s32 $0x200, s7;
	v3 =	vld.idx.msk [tilespmem:v12+s25+$0x0], $0xffff;
	[tilespmem:s19+$0xC0] =	vst v4;
	v4 =	vmul.f32 v8, v2  }
0x195: {  	v8 =	vld [tilespmem:s7+$0x70];
	[tilespmem:s19+$0xD0] =	vst v9;
	v10 =	vmul.f32 v10, v2  }
0x196: {  	v9 =	vld [tilespmem:s7+$0xFFFFFF00];
	[tilespmem:s19+$0xE0] =	vst v4  }
0x197: {  	v2 =	vmov v6;
	v4 =	vld [tilespmem:s7+$0xFFFFFF10];
	[tilespmem:s19+$0xF0] =	vst v10;
	s19 =	smov.u32 s7  }
0x198: {  	v6 =	vld [tilespmem:s7+$0xFFFFFF20]  }
0x199: {  	v10 =	vld [tilespmem:s7+$0xFFFFFF30]  }
0x19a: {  	v11 =	vld [tilespmem:s7+$0xFFFFFF40];
	v8 =	vmul.f32 v8, v3  }
0x19b: {  	v9 =	vmul.f32 v9, v7;
	v12 =	vld [tilespmem:s7+$0xFFFFFF50]  }
0x19c: {  	v4 =	vmul.f32 v4, v7;
	v13 =	vld [tilespmem:s7+$0xFFFFFF60];
	[tilespmem:s7+$0x70] =	vst v8  }
0x19d: {  	[tilespmem:s7+$0xFFFFFF00] =	vst v9;
	v6 =	vmul.f32 v6, v7;
	v8 =	vld [tilespmem:s7+$0xFFFFFF70]  }
0x19e: {  	[tilespmem:s7+$0xFFFFFF10] =	vst v4;
	v4 =	vmul.f32 v10, v7;
	v9 =	vld [tilespmem:s7+$0xFFFFFF80]  }
0x19f: {  	[tilespmem:s7+$0xFFFFFF20] =	vst v6;
	v6 =	vmul.f32 v11, v7;
	v10 =	vld [tilespmem:s7+$0xFFFFFF90]  }
0x1a0: {  	[tilespmem:s7+$0xFFFFFF30] =	vst v4;
	v4 =	vmul.f32 v12, v7;
	v11 =	vld [tilespmem:s7+$0xFFFFFFA0]  }
0x1a1: {  	[tilespmem:s7+$0xFFFFFF40] =	vst v6;
	v6 =	vmul.f32 v13, v7;
	v12 =	vld [tilespmem:s7+$0xFFFFFFB0]  }
0x1a2: {  	[tilespmem:s7+$0xFFFFFF50] =	vst v4;
	v4 =	vmul.f32 v8, v7;
	v7 =	vld [tilespmem:s7+$0xFFFFFFC0]  }
0x1a3: {  	[tilespmem:s7+$0xFFFFFF60] =	vst v6;
	v6 =	vmul.f32 v9, v5;
	v8 =	vld [tilespmem:s7+$0xFFFFFFD0]  }
0x1a4: {  	[tilespmem:s7+$0xFFFFFF70] =	vst v4;
	v4 =	vmul.f32 v10, v5;
	v9 =	vld [tilespmem:s7+$0xFFFFFFE0]  }
0x1a5: {  	[tilespmem:s7+$0xFFFFFF80] =	vst v6;
	v6 =	vmul.f32 v11, v5;
	v10 =	vld [tilespmem:s7+$0xFFFFFFF0]  }
0x1a6: {  	[tilespmem:s7+$0xFFFFFF90] =	vst v4;
	v4 =	vmul.f32 v12, v5;
	v11 =	vld [tilespmem:s7+$0x0]  }
0x1a7: {  	[tilespmem:s7+$0xFFFFFFA0] =	vst v6;
	v6 =	vmul.f32 v7, v5;
	v7 =	vld [tilespmem:s7+$0x10]  }
0x1a8: {  	[tilespmem:s7+$0xFFFFFFB0] =	vst v4;
	v4 =	vmul.f32 v8, v5;
	v8 =	vld [tilespmem:s7+$0x20]  }
0x1a9: {  	[tilespmem:s7+$0xFFFFFFC0] =	vst v6;
	v6 =	vmul.f32 v9, v5;
	v12 =	vld [tilespmem:s7+$0x30]  }
0x1aa: {  	[tilespmem:s7+$0xFFFFFFD0] =	vst v4;
	v4 =	vmul.f32 v10, v5;
	v10 =	vld [tilespmem:s7+$0x40]  }
.Ltmp5:
0x1ab: {  	[tilespmem:s7+$0xFFFFFFE0] =	vst v6;
	v6 =	vmul.f32 v11, v3;
	v5 =	vld [tilespmem:s7+$0x50];
	(pc) =	sbr.rel @p0 .LBB2_9-.Ltmp5, $4  }
0x1ac: {  	[tilespmem:s7+$0xFFFFFFF0] =	vst v4;
	v7 =	vmul.f32 v7, v3;
	v4 =	vld [tilespmem:s7+$0x60]  }
0x1ad: {  	s26 =	sadd.s32 $0x3, s20;
	v11 =	vmov s20;
	[tilespmem:s7+$0x0] =	vst v6;
	v14 =	vmul.f32 v8, v3;
	v9 =	vld [tilespmem:s7+$0x80]  }
0x1ae: {  	s28 =	sadd.s32 $0x1, s20;
	v13 =	vand.u32 $0xFFFFFFFC, v11;
	v6 =	vmov s26;
	[tilespmem:s7+$0x10] =	vst v7;
	v11 =	vmul.f32 v12, v3;
	v8 =	vld [tilespmem:s7+$0x90]  }
0x1af: {  	s26 =	sadd.s32 $0x2, s20;
	s20 =	sadd.s32 $0x4, s20;
	v7 =	vbroadcast v13, $0x0;
	v13 =	vmov s28;
	[tilespmem:s7+$0x20] =	vst v14;
	v12 =	vmul.f32 v10, v3;
	v10 =	vld [tilespmem:s7+$0xA0]  }
0x1b0: {  	v14 =	vld [tilespmem:s7+$0xB0]  }
0x1b1: {  	v16 =	vld [tilespmem:s7+$0xC0]  }
0x1b2: {  	v15 =	vmov s26;
	v17 =	vld [tilespmem:s7+$0xD0]  }
0x1b3: {  	v18 =	vld [tilespmem:s7+$0xE0];
	[tilespmem:s7+$0x30] =	vst v11;
	v5 =	vmul.f32 v5, v3;
	v15 =	vand.u32 $0xFFFFFFFE, v15  }
0x1b4: {  	v13 =	vand.u32 $0xFFFFFFFD, v13;
	v6 =	vld.idx.msk [tilespmem:v6+s25+$0x0], $0xffff;
	[tilespmem:s7+$0x40] =	vst v12;
	v3 =	vmul.f32 v4, v3;
	v15 =	vbroadcast v15, $0x0  }
0x1b5: {  	s20 =	sadd.s32 $0x200, s7;
	v13 =	vbroadcast v13, $0x0;
	v4 =	vld.idx.msk [tilespmem:v7+s25+$0x0], $0xffff;
	v9 =	vmul.f32 v9, v2;
	[tilespmem:s7+$0x50] =	vst v5  }
0x1b6: {  	v11 =	vld [tilespmem:s20+$0xFFFFFF00];
	v5 =	vmul.f32 v8, v2;
	[tilespmem:s7+$0x60] =	vst v3  }
0x1b7: {  	[tilespmem:s7+$0x80] =	vst v9;
	v9 =	vld [tilespmem:s7+$0xF0];
	v3 =	vmul.f32 v10, v2  }
0x1b8: {  	v12 =	vld [tilespmem:s20+$0xFFFFFF10];
	[tilespmem:s7+$0x90] =	vst v5;
	v5 =	vmul.f32 v14, v2  }
0x1b9: {  	v10 =	vld [tilespmem:s20+$0x70];
	[tilespmem:s7+$0xA0] =	vst v3;
	v3 =	vmul.f32 v16, v2  }
0x1ba: {  	[tilespmem:s7+$0xB0] =	vst v5;
	v5 =	vmul.f32 v17, v2;
	v8 =	vld.idx.msk [tilespmem:v15+s25+$0x0], $0xffff  }
0x1bb: {  	v7 =	vld.idx.msk [tilespmem:v13+s25+$0x0], $0xffff;
	[tilespmem:s19+$0xC0] =	vst v3;
	v3 =	vmul.f32 v18, v2  }
0x1bc: {  	v13 =	vld [tilespmem:s20+$0xFFFFFF20];
	[tilespmem:s19+$0xD0] =	vst v5;
	v2 =	vmul.f32 v9, v2  }
0x1bd: {  	v5 =	vld [tilespmem:s20+$0xFFFFFF30];
	[tilespmem:s19+$0xE0] =	vst v3  }
0x1be: {  	v3 =	vld [tilespmem:s20+$0xFFFFFF40];
	[tilespmem:s19+$0xF0] =	vst v2;
	v2 =	vmul.f32 v11, v4  }
0x1bf: {  	v9 =	vmul.f32 v10, v8;
	v10 =	vld [tilespmem:s20+$0xFFFFFF50]  }
0x1c0: {  	v11 =	vmul.f32 v12, v4;
	v12 =	vld [tilespmem:s20+$0xFFFFFF60];
	[tilespmem:s20+$0xFFFFFF00] =	vst v2  }
0x1c1: {  	v2 =	vmul.f32 v13, v4;
	[tilespmem:s20+$0x70] =	vst v9;
	v9 =	vld [tilespmem:s20+$0xFFFFFF70]  }
0x1c2: {  	[tilespmem:s20+$0xFFFFFF10] =	vst v11;
	v11 =	vld [tilespmem:s20+$0xFFFFFF80];
	v5 =	vmul.f32 v5, v4  }
0x1c3: {  	[tilespmem:s20+$0xFFFFFF20] =	vst v2;
	v2 =	vmul.f32 v3, v4;
	v3 =	vld [tilespmem:s20+$0xFFFFFF90]  }
0x1c4: {  	[tilespmem:s20+$0xFFFFFF30] =	vst v5;
	v5 =	vmul.f32 v10, v4;
	v10 =	vld [tilespmem:s20+$0xFFFFFFA0]  }
0x1c5: {  	[tilespmem:s20+$0xFFFFFF40] =	vst v2;
	v2 =	vmul.f32 v12, v4;
	v12 =	vld [tilespmem:s20+$0xFFFFFFB0]  }
0x1c6: {  	[tilespmem:s20+$0xFFFFFF50] =	vst v5;
	v4 =	vmul.f32 v9, v4;
	v5 =	vld [tilespmem:s20+$0xFFFFFFC0]  }
0x1c7: {  	[tilespmem:s20+$0xFFFFFF60] =	vst v2;
	v2 =	vmul.f32 v11, v7;
	v9 =	vld [tilespmem:s20+$0xFFFFFFD0]  }
0x1c8: {  	v3 =	vmul.f32 v3, v7;
	[tilespmem:s20+$0xFFFFFF70] =	vst v4;
	v4 =	vld [tilespmem:s20+$0xFFFFFFE0]  }
0x1c9: {  	[tilespmem:s20+$0xFFFFFF80] =	vst v2;
	v2 =	vmul.f32 v10, v7;
	v10 =	vld [tilespmem:s20+$0xFFFFFFF0]  }
0x1ca: {  	v11 =	vld [tilespmem:s20+$0x0];
	[tilespmem:s20+$0xFFFFFF90] =	vst v3;
	v3 =	vmul.f32 v12, v7  }
0x1cb: {  	[tilespmem:s20+$0xFFFFFFA0] =	vst v2;
	v2 =	vmul.f32 v5, v7;
	v5 =	vld [tilespmem:s20+$0x10]  }
0x1cc: {  	[tilespmem:s20+$0xFFFFFFB0] =	vst v3;
	v3 =	vmul.f32 v9, v7;
	v9 =	vld [tilespmem:s20+$0x20]  }
0x1cd: {  	[tilespmem:s20+$0xFFFFFFC0] =	vst v2;
	v2 =	vmul.f32 v4, v7;
	v4 =	vld [tilespmem:s20+$0x30]  }
0x1ce: {  	[tilespmem:s20+$0xFFFFFFD0] =	vst v3;
	v3 =	vmul.f32 v10, v7;
	v7 =	vld [tilespmem:s20+$0x40]  }
0x1cf: {  	v10 =	vld [tilespmem:s20+$0x50];
	[tilespmem:s20+$0xFFFFFFE0] =	vst v2;
	v2 =	vmul.f32 v11, v8  }
0x1d0: {  	[tilespmem:s20+$0xFFFFFFF0] =	vst v3;
	v3 =	vmul.f32 v5, v8;
	v5 =	vld [tilespmem:s20+$0x60]  }
0x1d1: {  	[tilespmem:s20+$0x0] =	vst v2;
	v2 =	vmul.f32 v9, v8;
	v9 =	vld [tilespmem:s20+$0x80]  }
0x1d2: {  	[tilespmem:s20+$0x10] =	vst v3;
	v3 =	vmul.f32 v4, v8;
	v4 =	vld [tilespmem:s20+$0x90]  }
0x1d3: {  	[tilespmem:s20+$0x20] =	vst v2;
	v2 =	vmul.f32 v7, v8;
	v7 =	vld [tilespmem:s20+$0xA0]  }
0x1d4: {  	[tilespmem:s20+$0x30] =	vst v3;
	v3 =	vmul.f32 v10, v8;
	v10 =	vld [tilespmem:s20+$0xB0]  }
0x1d5: {  	[tilespmem:s20+$0x40] =	vst v2;
	v2 =	vmul.f32 v5, v8;
	v5 =	vld [tilespmem:s20+$0xC0]  }
0x1d6: {  	v8 =	vld [tilespmem:s20+$0xD0];
	[tilespmem:s20+$0x50] =	vst v3;
	v3 =	vmul.f32 v9, v6  }
0x1d7: {  	[tilespmem:s20+$0x60] =	vst v2;
	v2 =	vmul.f32 v4, v6;
	v4 =	vld [tilespmem:s20+$0xE0]  }
0x1d8: {  	[tilespmem:s20+$0x80] =	vst v3;
	v3 =	vmul.f32 v7, v6;
	v7 =	vld [tilespmem:s20+$0xF0]  }
0x1d9: {  	[tilespmem:s20+$0x90] =	vst v2;
	v2 =	vmul.f32 v10, v6  }
0x1da: {  	[tilespmem:s20+$0xA0] =	vst v3;
	v3 =	vmul.f32 v5, v6  }
0x1db: {  	[tilespmem:s20+$0xB0] =	vst v2;
	v2 =	vmul.f32 v8, v6  }
0x1dc: {  	[tilespmem:s20+$0xC0] =	vst v3;
	v3 =	vmul.f32 v4, v6  }
0x1dd: {  	[tilespmem:s20+$0xD0] =	vst v2;
	v2 =	vmul.f32 v7, v6  }
0x1de: {  	[tilespmem:s20+$0xE0] =	vst v3  }
0x1df: {  	s28 =	simm.s32 $0xBB00;
	s6 =	sor.u32 $0x30, s6;
	[tilespmem:s20+$0xF0] =	vst v2  }
0x1e0: {  	[spmem:s2] =	stream.indirect.scatter.add.f32 [tilespmem:s15], [sflag:$0xC], $0x80, s28, s11, $0xb8;
	[tilespmem:$0x1FD80] =	vst v63  }
0x1e1: {  	s26 =	sadd.s32 s1, s6;
	s19 =	simm.s32 $0x0;
	s20 =	simm.s32 $0xBA00  }
0x1e2: {  	[tilespmem:s20], [sflag:$0x6] =	stream.linear.gather [hbm4b:s26+s19], $0x80, $0x38;
	[tilespmem:$0x1FD80] =	vst v63  }
0x1e3: {  	s6 =	sadd.s32 s8, s6;
	s26 =	simm.s32 $0xBC00  }
0x1e4: {  	[tilespmem:s26], [sflag:$0xA] =	stream.linear.gather [hbm4b:s6+s19], $0x80, $0x38;
	[tilespmem:$0x1FD80] =	vst v63  }
0x1e5: {  	_ =	swait.ge [sflag:s9], $0x2000  }
0x1e6: {  	[sflag:s9] =	ssyncset.done $0x0  }
0x1e7: {  	[sflag:s9] =	ssyncadd.s32 $0xFFFFE000  }
0x1e8: {  	_ =	swait.ge [sflag:s31], $0x80  }
0x1e9: {  	[sflag:s31] =	ssyncset.done $0x0  }
0x1ea: {  	[sflag:s31] =	ssyncadd.s32 $0xFFFFFF80  }
0x1eb: {  	_ =	swait.ge [sflag:s10], $0x80  }
0x1ec: {  	[sflag:s10] =	ssyncset.done $0x0  }
0x1ed: {  	[sflag:s10] =	ssyncadd.s32 $0xFFFFFF80  }
0x1ee: {  	[tilespmem:s15], [sflag:$0x2] =	stream.indirect.gather [hbm4b:s5+s11], $0x80, s20, s11, $0xb8;
	[tilespmem:$0x1FD80] =	vst v63  }
0x1ef: {  	v2 =	vld [tilespmem:$0xB980]  }
0x1f0: {  	v3 =	vld [tilespmem:$0xBB80]  }
0x1f1: {  	v4 =	vld [tilespmem:$0xB990]  }
0x1f2: {  	v5 =	vld [tilespmem:$0xBB90]  }
0x1f3: {  	v6 =	vld [tilespmem:$0xB9A0]  }
0x1f4: {  	v7 =	vld [tilespmem:$0xBBA0]  }
0x1f5: {  	v8 =	vld [tilespmem:$0xB9B0]  }
0x1f6: {  	v9 =	vld [tilespmem:$0xBBB0]  }
0x1f7: {  	v2 =	vld.idx.msk [tilespmem:v2+s19+$0x0], $0xffff  }
0x1f8: {  	v10 =	vld.idx.msk [tilespmem:v3+s30+$0x0], $0xffff  }
0x1f9: {  	v4 =	vld.idx.msk [tilespmem:v4+s19+$0x0], $0xffff  }
0x1fa: {  	v11 =	vld.idx.msk [tilespmem:v5+s30+$0x0], $0xffff  }
0x1fb: {  	v6 =	vld.idx.msk [tilespmem:v6+s19+$0x0], $0xffff  }
0x1fc: {  	v12 =	vld.idx.msk [tilespmem:v7+s30+$0x0], $0xffff  }
0x1fd: {  	v8 =	vld.idx.msk [tilespmem:v8+s19+$0x0], $0xffff;
	v2 =	vadd.f32 v10, v2  }
0x1fe: {  	v10 =	vld.idx.msk [tilespmem:v9+s30+$0x0], $0xffff  }
0x1ff: {  	v4 =	vadd.f32 v11, v4;
	v13 =	vmul.f32 $2.000000030e-01, v2;
	_ =	sdelay $0x1  }
0x200: {  	v6 =	vadd.f32 v12, v6;
	v11 =	vmul.f32 $2.000000030e-01, v4;
	v2 =	vmax.f32 v2, v13  }
0x201: {  	v2 =	vsub.f32 v2, v1  }
0x202: {  	v4 =	vmax.f32 v4, v11;
	v11 =	vmul.f32 $2.000000030e-01, v6;
	v8 =	vadd.f32 v10, v8  }
0x203: {  	v4 =	vsub.f32 v4, v1;
	v2 =	vmul.f32 $1.442695020e+00, v2  }
0x204: {  	v6 =	vmax.f32 v6, v11;
	v10 =	vmul.f32 $2.000000030e-01, v8  }
0x205: {  	(erf) = vpow2.f32 v2;
	v2 =	vmul.f32 $1.442695020e+00, v4;
	v4 =	vsub.f32 v6, v1  }
0x206: {  	v6 =	vmax.f32 v8, v10  }
0x207: {  	(erf) = vpow2.f32 v2;
	v2 =	vmul.f32 $1.442695020e+00, v4;
	v4 =	vsub.f32 v6, v1;
	_ =	sdelay $0x1  }
0x208: {  	(erf) = vpow2.f32 v2;
	v2 =	vmul.f32 $1.442695020e+00, v4;
	_ =	sdelay $0x1  }
0x209: {  	(erf) = vpow2.f32 v2;
	_ =	sdelay $0x2  }
0x20a: {  	v2 =	vpop (erf)  }
0x20b: {  	[tilespmem:$0xBC80] =	vst v2  }
0x20c: {  	v4 =	vpop (erf);
	[tilespmem:v3+s16+$0x0] =	vst.idx.add.f32.msk $0xffff, v2  }
0x20d: {  	[tilespmem:$0xBC90] =	vst v4  }
0x20e: {  	v3 =	vmov s19;
	s19 =	simm.s32 $0x2;
	v2 =	vpop (erf);
	[tilespmem:v5+s16+$0x0] =	vst.idx.add.f32.msk $0xffff, v4  }
0x20f: {  	v3 =	vand.u32 $0xFFFFFFFC, v3;
	v4 =	vmov s19;
	[tilespmem:$0xBCA0] =	vst v2  }
0x210: {  	v3 =	vbroadcast v3, $0x0;
	v4 =	vand.u32 $0xFFFFFFFE, v4;
	[tilespmem:v7+s16+$0x0] =	vst.idx.add.f32.msk $0xffff, v2;
	v2 =	vpop (erf)  }
0x211: {  	v4 =	vbroadcast v4, $0x0;
	[tilespmem:$0xBCB0] =	vst v2  }
0x212: {  	[tilespmem:v9+s16+$0x0] =	vst.idx.add.f32.msk $0xffff, v2  }
0x213: {  	_ =	swait.ge [sflag:s17], $0x2000  }
0x214: {  	[sflag:s17] =	ssyncset.done $0x0  }
0x215: {  	[sflag:s17] =	ssyncadd.s32 $0xFFFFE000  }
0x216: {  	v2 =	vld.idx.msk [tilespmem:v3+s18+$0x0], $0xffff  }
0x217: {  	s6 =	simm.s32 $0x7980;
	v3 =	vld.idx.msk [tilespmem:v4+s18+$0x0], $0xffff  }
0x218: {  	v5 =	vld [tilespmem:s6+$0x70]  }
0x219: {  	v6 =	vld [tilespmem:s6+$0xFFFFFF00]  }
0x21a: {  	s20 =	simm.s32 $0x1;
	v7 =	vld [tilespmem:s6+$0xFFFFFF10]  }
0x21b: {  	v4 =	vmov s20;
	v8 =	vld [tilespmem:s6+$0xFFFFFF20]  }
0x21c: {  	v9 =	vld [tilespmem:s6+$0xFFFFFF30];
	v4 =	vand.u32 $0xFFFFFFFD, v4  }
0x21d: {  	v10 =	vld [tilespmem:s6+$0xFFFFFF40];
	v4 =	vbroadcast v4, $0x0  }
0x21e: {  	v11 =	vld [tilespmem:s6+$0xFFFFFF50]  }
0x21f: {  	v12 =	vld [tilespmem:s6+$0xFFFFFF60];
	v6 =	vmul.f32 v6, v2  }
0x220: {  	v14 =	vld [tilespmem:s6+$0x40];
	v5 =	vmul.f32 v5, v3  }
0x221: {  	[tilespmem:s6+$0xFFFFFF00] =	vst v6;
	v6 =	vmul.f32 v7, v2;
	v7 =	vld [tilespmem:s6+$0xFFFFFF70]  }
0x222: {  	[tilespmem:s6+$0x70] =	vst v5;
	v5 =	vmul.f32 v8, v2;
	v8 =	vld [tilespmem:s6+$0xFFFFFF80]  }
0x223: {  	v4 =	vld.idx.msk [tilespmem:v4+s18+$0x0], $0xffff;
	[tilespmem:s6+$0xFFFFFF10] =	vst v6;
	v6 =	vmul.f32 v9, v2  }
0x224: {  	v9 =	vld [tilespmem:s6+$0xFFFFFF90];
	[tilespmem:s6+$0xFFFFFF20] =	vst v5;
	v5 =	vmul.f32 v10, v2  }
0x225: {  	v10 =	vld [tilespmem:s6+$0xFFFFFFA0];
	[tilespmem:s6+$0xFFFFFF30] =	vst v6;
	v6 =	vmul.f32 v11, v2  }
0x226: {  	v11 =	vld [tilespmem:s6+$0xFFFFFFB0];
	[tilespmem:s6+$0xFFFFFF40] =	vst v5;
	v5 =	vmul.f32 v12, v2  }
0x227: {  	v12 =	vld [tilespmem:s6+$0xFFFFFFC0];
	v7 =	vmul.f32 v7, v2;
	[tilespmem:s6+$0xFFFFFF50] =	vst v6  }
0x228: {  	v6 =	vmul.f32 v8, v4;
	v8 =	vld [tilespmem:s6+$0xFFFFFFD0];
	[tilespmem:s6+$0xFFFFFF60] =	vst v5  }
0x229: {  	s26 =	simm.s32 $0x3;
	v5 =	vld [tilespmem:s6+$0xFFFFFFE0];
	v9 =	vmul.f32 v9, v4;
	[tilespmem:s6+$0xFFFFFF70] =	vst v7  }
0x22a: {  	v13 =	vmov s26;
	v7 =	vld [tilespmem:s6+$0xFFFFFFF0];
	[tilespmem:s6+$0xFFFFFF80] =	vst v6;
	v6 =	vmul.f32 v10, v4  }
0x22b: {  	v10 =	vld [tilespmem:s6+$0x0];
	[tilespmem:s6+$0xFFFFFF90] =	vst v9;
	v9 =	vmul.f32 v11, v4  }
0x22c: {  	v11 =	vld [tilespmem:s6+$0x10];
	[tilespmem:s6+$0xFFFFFFA0] =	vst v6;
	v6 =	vmul.f32 v12, v4  }
0x22d: {  	[tilespmem:s6+$0xFFFFFFB0] =	vst v9;
	v8 =	vmul.f32 v8, v4;
	v9 =	vld [tilespmem:s6+$0x20]  }
0x22e: {  	v12 =	vld [tilespmem:s6+$0x30];
	v5 =	vmul.f32 v5, v4;
	[tilespmem:s6+$0xFFFFFFC0] =	vst v6  }
0x22f: {  	v2 =	vld.idx.msk [tilespmem:v13+s18+$0x0], $0xffff;
	v4 =	vmul.f32 v7, v4;
	[tilespmem:s6+$0xFFFFFFD0] =	vst v8  }
0x230: {  	[tilespmem:s6+$0xFFFFFFE0] =	vst v5;
	v6 =	vmul.f32 v10, v3;
	v5 =	vld [tilespmem:s6+$0x50]  }
0x231: {  	s19 =	simm.s32 $0x4;
	[tilespmem:s6+$0xFFFFFFF0] =	vst v4;
	v7 =	vmul.f32 v11, v3;
	v4 =	vld [tilespmem:s6+$0x60]  }
0x232: {  	s20 =	simm.s32 $0x7;
	v8 =	vmov s19;
	[tilespmem:s6+$0x0] =	vst v6;
	v10 =	vmul.f32 v9, v3;
	v9 =	vld [tilespmem:s6+$0x80]  }
0x233: {  	s26 =	simm.s32 $0x5;
	v13 =	vand.u32 $0xFFFFFFFC, v8;
	v8 =	vld [tilespmem:s6+$0x90];
	v6 =	vmov s20;
	v11 =	vmul.f32 v12, v3;
	[tilespmem:s6+$0x10] =	vst v7  }
0x234: {  	s7 =	simm.s32 $0x7980;
	s19 =	simm.s32 $0x8;
	s20 =	simm.s32 $0x6;
	v12 =	vmul.f32 v14, v3;
	v7 =	vbroadcast v13, $0x0;
	v13 =	vmov s26;
	[tilespmem:s6+$0x20] =	vst v10;
	v10 =	vld [tilespmem:s6+$0xA0]  }
.LBB2_11:
0x235: {  	p0 =	slt.u32 s19, $0x3C;
	v13 =	vand.u32 $0xFFFFFFFD, v13;
	v14 =	vmov s20;
	[tilespmem:s6+$0x30] =	vst v11;
	v5 =	vmul.f32 v5, v3;
	v11 =	vld [tilespmem:s6+$0xB0]  }
0x236: {  	v13 =	vbroadcast v13, $0x0;
	v14 =	vand.u32 $0xFFFFFFFE, v14;
	[tilespmem:s6+$0x40] =	vst v12;
	v3 =	vmul.f32 v4, v3;
	v4 =	vld [tilespmem:s6+$0xC0]  }
0x237: {  	v12 =	vbroadcast v14, $0x0;
	[tilespmem:s6+$0x50] =	vst v5;
	v5 =	vmul.f32 v9, v2;
	v9 =	vld [tilespmem:s6+$0xD0]  }
0x238: {  	[tilespmem:s6+$0x60] =	vst v3;
	v3 =	vmul.f32 v8, v2;
	v8 =	vld [tilespmem:s6+$0xE0]  }
0x239: {  	[tilespmem:s6+$0x80] =	vst v5;
	v5 =	vmul.f32 v10, v2;
	v10 =	vld [tilespmem:s6+$0xF0]  }
0x23a: {  	v6 =	vld.idx.msk [tilespmem:v6+s18+$0x0], $0xffff;
	[tilespmem:s6+$0x90] =	vst v3;
	v3 =	vmul.f32 v11, v2  }
0x23b: {  	v7 =	vld.idx.msk [tilespmem:v7+s18+$0x0], $0xffff;
	[tilespmem:s6+$0xA0] =	vst v5;
	v4 =	vmul.f32 v4, v2  }
0x23c: {  	v5 =	vld.idx.msk [tilespmem:v13+s18+$0x0], $0xffff;
	[tilespmem:s6+$0xB0] =	vst v3;
	v9 =	vmul.f32 v9, v2  }
0x23d: {  	s6 =	sadd.s32 $0x200, s6;
	v3 =	vld.idx.msk [tilespmem:v12+s18+$0x0], $0xffff;
	[tilespmem:s7+$0xC0] =	vst v4;
	v4 =	vmul.f32 v8, v2  }
0x23e: {  	v8 =	vld [tilespmem:s6+$0x70];
	[tilespmem:s7+$0xD0] =	vst v9;
	v10 =	vmul.f32 v10, v2  }
0x23f: {  	v9 =	vld [tilespmem:s6+$0xFFFFFF00];
	[tilespmem:s7+$0xE0] =	vst v4  }
0x240: {  	v2 =	vmov v6;
	v4 =	vld [tilespmem:s6+$0xFFFFFF10];
	[tilespmem:s7+$0xF0] =	vst v10;
	s7 =	smov.u32 s6  }
0x241: {  	v6 =	vld [tilespmem:s6+$0xFFFFFF20]  }
0x242: {  	v10 =	vld [tilespmem:s6+$0xFFFFFF30]  }
0x243: {  	v11 =	vld [tilespmem:s6+$0xFFFFFF40];
	v8 =	vmul.f32 v8, v3  }
0x244: {  	v9 =	vmul.f32 v9, v7;
	v12 =	vld [tilespmem:s6+$0xFFFFFF50]  }
0x245: {  	v4 =	vmul.f32 v4, v7;
	v13 =	vld [tilespmem:s6+$0xFFFFFF60];
	[tilespmem:s6+$0x70] =	vst v8  }
0x246: {  	[tilespmem:s6+$0xFFFFFF00] =	vst v9;
	v6 =	vmul.f32 v6, v7;
	v8 =	vld [tilespmem:s6+$0xFFFFFF70]  }
0x247: {  	[tilespmem:s6+$0xFFFFFF10] =	vst v4;
	v4 =	vmul.f32 v10, v7;
	v9 =	vld [tilespmem:s6+$0xFFFFFF80]  }
0x248: {  	[tilespmem:s6+$0xFFFFFF20] =	vst v6;
	v6 =	vmul.f32 v11, v7;
	v10 =	vld [tilespmem:s6+$0xFFFFFF90]  }
0x249: {  	[tilespmem:s6+$0xFFFFFF30] =	vst v4;
	v4 =	vmul.f32 v12, v7;
	v11 =	vld [tilespmem:s6+$0xFFFFFFA0]  }
0x24a: {  	[tilespmem:s6+$0xFFFFFF40] =	vst v6;
	v6 =	vmul.f32 v13, v7;
	v12 =	vld [tilespmem:s6+$0xFFFFFFB0]  }
0x24b: {  	[tilespmem:s6+$0xFFFFFF50] =	vst v4;
	v4 =	vmul.f32 v8, v7;
	v7 =	vld [tilespmem:s6+$0xFFFFFFC0]  }
0x24c: {  	[tilespmem:s6+$0xFFFFFF60] =	vst v6;
	v6 =	vmul.f32 v9, v5;
	v8 =	vld [tilespmem:s6+$0xFFFFFFD0]  }
0x24d: {  	[tilespmem:s6+$0xFFFFFF70] =	vst v4;
	v4 =	vmul.f32 v10, v5;
	v9 =	vld [tilespmem:s6+$0xFFFFFFE0]  }
0x24e: {  	[tilespmem:s6+$0xFFFFFF80] =	vst v6;
	v6 =	vmul.f32 v11, v5;
	v10 =	vld [tilespmem:s6+$0xFFFFFFF0]  }
0x24f: {  	[tilespmem:s6+$0xFFFFFF90] =	vst v4;
	v4 =	vmul.f32 v12, v5;
	v11 =	vld [tilespmem:s6+$0x0]  }
0x250: {  	[tilespmem:s6+$0xFFFFFFA0] =	vst v6;
	v6 =	vmul.f32 v7, v5;
	v7 =	vld [tilespmem:s6+$0x10]  }
0x251: {  	[tilespmem:s6+$0xFFFFFFB0] =	vst v4;
	v4 =	vmul.f32 v8, v5;
	v8 =	vld [tilespmem:s6+$0x20]  }
0x252: {  	[tilespmem:s6+$0xFFFFFFC0] =	vst v6;
	v6 =	vmul.f32 v9, v5;
	v12 =	vld [tilespmem:s6+$0x30]  }
0x253: {  	[tilespmem:s6+$0xFFFFFFD0] =	vst v4;
	v4 =	vmul.f32 v10, v5;
	v10 =	vld [tilespmem:s6+$0x40]  }
.Ltmp6:
0x254: {  	[tilespmem:s6+$0xFFFFFFE0] =	vst v6;
	v6 =	vmul.f32 v11, v3;
	v5 =	vld [tilespmem:s6+$0x50];
	(pc) =	sbr.rel @p0 .LBB2_11-.Ltmp6, $4  }
0x255: {  	[tilespmem:s6+$0xFFFFFFF0] =	vst v4;
	v7 =	vmul.f32 v7, v3;
	v4 =	vld [tilespmem:s6+$0x60]  }
0x256: {  	s20 =	sadd.s32 $0x3, s19;
	v11 =	vmov s19;
	[tilespmem:s6+$0x0] =	vst v6;
	v14 =	vmul.f32 v8, v3;
	v9 =	vld [tilespmem:s6+$0x80]  }
0x257: {  	s26 =	sadd.s32 $0x1, s19;
	v13 =	vand.u32 $0xFFFFFFFC, v11;
	v6 =	vmov s20;
	[tilespmem:s6+$0x10] =	vst v7;
	v11 =	vmul.f32 v12, v3;
	v8 =	vld [tilespmem:s6+$0x90]  }
0x258: {  	s20 =	sadd.s32 $0x2, s19;
	s19 =	sadd.s32 $0x4, s19;
	v7 =	vbroadcast v13, $0x0;
	v13 =	vmov s26;
	[tilespmem:s6+$0x20] =	vst v14;
	v12 =	vmul.f32 v10, v3;
	v10 =	vld [tilespmem:s6+$0xA0]  }
0x259: {  	v14 =	vld [tilespmem:s6+$0xB0]  }
0x25a: {  	v16 =	vld [tilespmem:s6+$0xC0]  }
0x25b: {  	v15 =	vmov s20;
	v17 =	vld [tilespmem:s6+$0xD0]  }
0x25c: {  	v18 =	vld [tilespmem:s6+$0xE0];
	[tilespmem:s6+$0x30] =	vst v11;
	v5 =	vmul.f32 v5, v3;
	v15 =	vand.u32 $0xFFFFFFFE, v15  }
0x25d: {  	v13 =	vand.u32 $0xFFFFFFFD, v13;
	v6 =	vld.idx.msk [tilespmem:v6+s18+$0x0], $0xffff;
	[tilespmem:s6+$0x40] =	vst v12;
	v3 =	vmul.f32 v4, v3;
	v15 =	vbroadcast v15, $0x0  }
0x25e: {  	s19 =	sadd.s32 $0x200, s6;
	v13 =	vbroadcast v13, $0x0;
	v4 =	vld.idx.msk [tilespmem:v7+s18+$0x0], $0xffff;
	v9 =	vmul.f32 v9, v2;
	[tilespmem:s6+$0x50] =	vst v5  }
0x25f: {  	v11 =	vld [tilespmem:s19+$0xFFFFFF00];
	v5 =	vmul.f32 v8, v2;
	[tilespmem:s6+$0x60] =	vst v3  }
0x260: {  	[tilespmem:s6+$0x80] =	vst v9;
	v9 =	vld [tilespmem:s6+$0xF0];
	v3 =	vmul.f32 v10, v2  }
0x261: {  	v12 =	vld [tilespmem:s19+$0xFFFFFF10];
	[tilespmem:s6+$0x90] =	vst v5;
	v5 =	vmul.f32 v14, v2  }
0x262: {  	v10 =	vld [tilespmem:s19+$0x70];
	[tilespmem:s6+$0xA0] =	vst v3;
	v3 =	vmul.f32 v16, v2  }
0x263: {  	[tilespmem:s6+$0xB0] =	vst v5;
	v5 =	vmul.f32 v17, v2;
	v8 =	vld.idx.msk [tilespmem:v15+s18+$0x0], $0xffff  }
0x264: {  	v7 =	vld.idx.msk [tilespmem:v13+s18+$0x0], $0xffff;
	[tilespmem:s7+$0xC0] =	vst v3;
	v3 =	vmul.f32 v18, v2  }
0x265: {  	v13 =	vld [tilespmem:s19+$0xFFFFFF20];
	[tilespmem:s7+$0xD0] =	vst v5;
	v2 =	vmul.f32 v9, v2  }
0x266: {  	v5 =	vld [tilespmem:s19+$0xFFFFFF30];
	[tilespmem:s7+$0xE0] =	vst v3  }
0x267: {  	v3 =	vld [tilespmem:s19+$0xFFFFFF40];
	[tilespmem:s7+$0xF0] =	vst v2;
	v2 =	vmul.f32 v11, v4  }
0x268: {  	v9 =	vmul.f32 v10, v8;
	v10 =	vld [tilespmem:s19+$0xFFFFFF50]  }
0x269: {  	v11 =	vmul.f32 v12, v4;
	v12 =	vld [tilespmem:s19+$0xFFFFFF60];
	[tilespmem:s19+$0xFFFFFF00] =	vst v2  }
0x26a: {  	v2 =	vmul.f32 v13, v4;
	[tilespmem:s19+$0x70] =	vst v9;
	v9 =	vld [tilespmem:s19+$0xFFFFFF70]  }
0x26b: {  	[tilespmem:s19+$0xFFFFFF10] =	vst v11;
	v11 =	vld [tilespmem:s19+$0xFFFFFF80];
	v5 =	vmul.f32 v5, v4  }
0x26c: {  	[tilespmem:s19+$0xFFFFFF20] =	vst v2;
	v2 =	vmul.f32 v3, v4;
	v3 =	vld [tilespmem:s19+$0xFFFFFF90]  }
0x26d: {  	[tilespmem:s19+$0xFFFFFF30] =	vst v5;
	v5 =	vmul.f32 v10, v4;
	v10 =	vld [tilespmem:s19+$0xFFFFFFA0]  }
0x26e: {  	[tilespmem:s19+$0xFFFFFF40] =	vst v2;
	v2 =	vmul.f32 v12, v4;
	v12 =	vld [tilespmem:s19+$0xFFFFFFB0]  }
0x26f: {  	[tilespmem:s19+$0xFFFFFF50] =	vst v5;
	v4 =	vmul.f32 v9, v4;
	v5 =	vld [tilespmem:s19+$0xFFFFFFC0]  }
0x270: {  	[tilespmem:s19+$0xFFFFFF60] =	vst v2;
	v2 =	vmul.f32 v11, v7;
	v9 =	vld [tilespmem:s19+$0xFFFFFFD0]  }
0x271: {  	v3 =	vmul.f32 v3, v7;
	[tilespmem:s19+$0xFFFFFF70] =	vst v4;
	v4 =	vld [tilespmem:s19+$0xFFFFFFE0]  }
0x272: {  	[tilespmem:s19+$0xFFFFFF80] =	vst v2;
	v2 =	vmul.f32 v10, v7;
	v10 =	vld [tilespmem:s19+$0xFFFFFFF0]  }
0x273: {  	v11 =	vld [tilespmem:s19+$0x0];
	[tilespmem:s19+$0xFFFFFF90] =	vst v3;
	v3 =	vmul.f32 v12, v7  }
0x274: {  	[tilespmem:s19+$0xFFFFFFA0] =	vst v2;
	v2 =	vmul.f32 v5, v7;
	v5 =	vld [tilespmem:s19+$0x10]  }
0x275: {  	[tilespmem:s19+$0xFFFFFFB0] =	vst v3;
	v3 =	vmul.f32 v9, v7;
	v9 =	vld [tilespmem:s19+$0x20]  }
0x276: {  	[tilespmem:s19+$0xFFFFFFC0] =	vst v2;
	v2 =	vmul.f32 v4, v7;
	v4 =	vld [tilespmem:s19+$0x30]  }
0x277: {  	[tilespmem:s19+$0xFFFFFFD0] =	vst v3;
	v3 =	vmul.f32 v10, v7;
	v7 =	vld [tilespmem:s19+$0x40]  }
0x278: {  	v10 =	vld [tilespmem:s19+$0x50];
	[tilespmem:s19+$0xFFFFFFE0] =	vst v2;
	v2 =	vmul.f32 v11, v8  }
0x279: {  	[tilespmem:s19+$0xFFFFFFF0] =	vst v3;
	v3 =	vmul.f32 v5, v8;
	v5 =	vld [tilespmem:s19+$0x60]  }
0x27a: {  	[tilespmem:s19+$0x0] =	vst v2;
	v2 =	vmul.f32 v9, v8;
	v9 =	vld [tilespmem:s19+$0x80]  }
0x27b: {  	[tilespmem:s19+$0x10] =	vst v3;
	v3 =	vmul.f32 v4, v8;
	v4 =	vld [tilespmem:s19+$0x90]  }
0x27c: {  	[tilespmem:s19+$0x20] =	vst v2;
	v2 =	vmul.f32 v7, v8;
	v7 =	vld [tilespmem:s19+$0xA0]  }
0x27d: {  	[tilespmem:s19+$0x30] =	vst v3;
	v3 =	vmul.f32 v10, v8;
	v10 =	vld [tilespmem:s19+$0xB0]  }
0x27e: {  	[tilespmem:s19+$0x40] =	vst v2;
	v2 =	vmul.f32 v5, v8;
	v5 =	vld [tilespmem:s19+$0xC0]  }
0x27f: {  	v8 =	vld [tilespmem:s19+$0xD0];
	[tilespmem:s19+$0x50] =	vst v3;
	v3 =	vmul.f32 v9, v6  }
0x280: {  	[tilespmem:s19+$0x60] =	vst v2;
	v2 =	vmul.f32 v4, v6;
	v4 =	vld [tilespmem:s19+$0xE0]  }
0x281: {  	[tilespmem:s19+$0x80] =	vst v3;
	v3 =	vmul.f32 v7, v6;
	v7 =	vld [tilespmem:s19+$0xF0]  }
0x282: {  	[tilespmem:s19+$0x90] =	vst v2;
	v2 =	vmul.f32 v10, v6  }
0x283: {  	[tilespmem:s19+$0xA0] =	vst v3;
	v3 =	vmul.f32 v5, v6  }
0x284: {  	[tilespmem:s19+$0xB0] =	vst v2;
	v2 =	vmul.f32 v8, v6  }
0x285: {  	[tilespmem:s19+$0xC0] =	vst v3;
	v3 =	vmul.f32 v4, v6  }
0x286: {  	p0 =	seq.s32 s29, $0x27;
	[tilespmem:s19+$0xD0] =	vst v2;
	v2 =	vmul.f32 v7, v6  }
0x287: {  	s6 =	sadd.s32 @!p0 $0x200, s3;
	[tilespmem:s19+$0xE0] =	vst v3  }
0x288: {  	s26 =	simm.s32 $0xBB80;
	[tilespmem:s19+$0xF0] =	vst v2;
	s19 =	sand.u32 @!p0 $0xFC00, s6  }
0x289: {  	[spmem:s2] =	stream.indirect.scatter.add.f32 [tilespmem:s0], [sflag:$0xB], $0x80, s26, s11, $0xb8;
	[tilespmem:$0x1FD80] =	vst v63  }
0x28a: {  	s7 =	simm.s32 @p0 $0xB;
	s6 =	sand.u32 @!p0 $0x200, s6;
	s19 =	sadd.s32 @!p0 s13, s19  }
0x28b: {  	_ =	swait.ge @p0 [sflag:s7], $0x2000;
	s6 =	sor.u32 @!p0 s6, s19  }
0x28c: {  	s20 =	simm.s32 @!p0 $0xB880;
	[sflag:s7] =	ssyncset.done @p0 $0x0;
	s6 =	sshrl.u32 @!p0 s6, $0x3  }
0x28d: {  	s19 =	simm.s32 @!p0 $0x0;
	[sflag:s7] =	ssyncadd.s32 @p0 $0xFFFFE000;
	s7 =	sadd.s32 @!p0 s1, s6  }
0x28e: {  	[tilespmem:s20], [sflag:$0x3] =	stream.linear.gather @!p0 [hbm4b:s7+s19], $0x80, $0x38;
	[tilespmem:$0x1FD80] =	vst v63  }
0x28f: {  	s6 =	sadd.s32 @!p0 s8, s6;
	s7 =	simm.s32 @!p0 $0xBA80  }
0x290: {  	[tilespmem:s7], [sflag:$0x7] =	stream.linear.gather @!p0 [hbm4b:s6+s19], $0x80, $0x38;
	[tilespmem:$0x1FD80] =	vst v63  }
0x291: {  	s6 =	simm.s32 @!p0 $0xB  }
0x292: {  	_ =	swait.ge @!p0 [sflag:s6], $0x2000  }
0x293: {  	[sflag:s6] =	ssyncset.done @!p0 $0x0  }
0x294: {  	[sflag:s6] =	ssyncadd.s32 @!p0 $0xFFFFE000;
	s6 =	simm.s32 @!p0 $0x3  }
0x295: {  	_ =	swait.ge @!p0 [sflag:s6], $0x80  }
0x296: {  	[sflag:s6] =	ssyncset.done @!p0 $0x0  }
0x297: {  	[sflag:s6] =	ssyncadd.s32 @!p0 $0xFFFFFF80;
	s6 =	simm.s32 @!p0 $0x7  }
0x298: {  	_ =	swait.ge @!p0 [sflag:s6], $0x80  }
0x299: {  	[sflag:s6] =	ssyncset.done @!p0 $0x0  }
0x29a: {  	s7 =	simm.s32 @!p0 $0x7880;
	[sflag:s6] =	ssyncadd.s32 @!p0 $0xFFFFFF80;
	s6 =	simm.s32 @!p0 $0x40  }
0x29b: {  	[tilespmem:s7], [sflag:$0x1] =	stream.indirect.gather @!p0 [hbm4b:s5+s6], $0x80, s20, s6, $0xb8;
	[tilespmem:$0x1FD80] =	vst v63  }
0x29c: {  	v2 =	vld [tilespmem:$0xBA00]  }
0x29d: {  	v3 =	vld [tilespmem:$0xBC00]  }
0x29e: {  	v4 =	vld [tilespmem:$0xBA10]  }
0x29f: {  	v5 =	vld [tilespmem:$0xBC10]  }
0x2a0: {  	v6 =	vld [tilespmem:$0xBA20]  }
0x2a1: {  	v7 =	vld [tilespmem:$0xBC20]  }
0x2a2: {  	v8 =	vld [tilespmem:$0xBA30]  }
0x2a3: {  	s7 =	simm.s32 $0x0;
	v9 =	vld [tilespmem:$0xBC30]  }
0x2a4: {  	v2 =	vld.idx.msk [tilespmem:v2+s7+$0x0], $0xffff  }
0x2a5: {  	v10 =	vld.idx.msk [tilespmem:v3+s30+$0x0], $0xffff  }
0x2a6: {  	v4 =	vld.idx.msk [tilespmem:v4+s7+$0x0], $0xffff  }
0x2a7: {  	v11 =	vld.idx.msk [tilespmem:v5+s30+$0x0], $0xffff  }
0x2a8: {  	v6 =	vld.idx.msk [tilespmem:v6+s7+$0x0], $0xffff  }
0x2a9: {  	v12 =	vld.idx.msk [tilespmem:v7+s30+$0x0], $0xffff  }
0x2aa: {  	v8 =	vld.idx.msk [tilespmem:v8+s7+$0x0], $0xffff;
	v2 =	vadd.f32 v10, v2  }
0x2ab: {  	v10 =	vld.idx.msk [tilespmem:v9+s30+$0x0], $0xffff  }
0x2ac: {  	v4 =	vadd.f32 v11, v4;
	v13 =	vmul.f32 $2.000000030e-01, v2;
	_ =	sdelay $0x1  }
0x2ad: {  	v6 =	vadd.f32 v12, v6;
	v11 =	vmul.f32 $2.000000030e-01, v4;
	v2 =	vmax.f32 v2, v13  }
0x2ae: {  	v2 =	vsub.f32 v2, v1  }
0x2af: {  	v4 =	vmax.f32 v4, v11;
	v11 =	vmul.f32 $2.000000030e-01, v6;
	v8 =	vadd.f32 v10, v8  }
0x2b0: {  	v4 =	vsub.f32 v4, v1;
	v2 =	vmul.f32 $1.442695020e+00, v2  }
0x2b1: {  	v6 =	vmax.f32 v6, v11;
	v10 =	vmul.f32 $2.000000030e-01, v8  }
0x2b2: {  	(erf) = vpow2.f32 v2;
	v2 =	vmul.f32 $1.442695020e+00, v4;
	v4 =	vsub.f32 v6, v1  }
0x2b3: {  	v6 =	vmax.f32 v8, v10  }
0x2b4: {  	(erf) = vpow2.f32 v2;
	v2 =	vmul.f32 $1.442695020e+00, v4;
	v4 =	vsub.f32 v6, v1;
	_ =	sdelay $0x1  }
0x2b5: {  	(erf) = vpow2.f32 v2;
	v2 =	vmul.f32 $1.442695020e+00, v4;
	_ =	sdelay $0x1  }
0x2b6: {  	(erf) = vpow2.f32 v2;
	_ =	sdelay $0x2  }
0x2b7: {  	v2 =	vpop (erf)  }
0x2b8: {  	[tilespmem:$0xBD00] =	vst v2  }
0x2b9: {  	v4 =	vpop (erf);
	[tilespmem:v3+s16+$0x0] =	vst.idx.add.f32.msk $0xffff, v2  }
0x2ba: {  	[tilespmem:$0xBD10] =	vst v4  }
0x2bb: {  	s19 =	simm.s32 $0x2;
	v3 =	vmov s7;
	v2 =	vpop (erf);
	[tilespmem:v5+s16+$0x0] =	vst.idx.add.f32.msk $0xffff, v4  }
0x2bc: {  	v3 =	vand.u32 $0xFFFFFFFC, v3;
	v4 =	vmov s19;
	[tilespmem:$0xBD20] =	vst v2  }
0x2bd: {  	v3 =	vbroadcast v3, $0x0;
	v4 =	vand.u32 $0xFFFFFFFE, v4;
	[tilespmem:v7+s16+$0x0] =	vst.idx.add.f32.msk $0xffff, v2;
	v2 =	vpop (erf)  }
0x2be: {  	v4 =	vbroadcast v4, $0x0;
	[tilespmem:$0xBD30] =	vst v2  }
0x2bf: {  	[tilespmem:v9+s16+$0x0] =	vst.idx.add.f32.msk $0xffff, v2  }
0x2c0: {  	_ =	swait.ge [sflag:s24], $0x2000  }
0x2c1: {  	[sflag:s24] =	ssyncset.done $0x0  }
0x2c2: {  	[sflag:s24] =	ssyncadd.s32 $0xFFFFE000  }
0x2c3: {  	v2 =	vld.idx.msk [tilespmem:v3+s25+$0x0], $0xffff  }
0x2c4: {  	s6 =	simm.s32 $0x9980;
	v3 =	vld.idx.msk [tilespmem:v4+s25+$0x0], $0xffff  }
0x2c5: {  	v5 =	vld [tilespmem:s6+$0x70]  }
0x2c6: {  	v6 =	vld [tilespmem:s6+$0xFFFFFF00]  }
0x2c7: {  	s20 =	simm.s32 $0x1;
	v7 =	vld [tilespmem:s6+$0xFFFFFF10]  }
0x2c8: {  	v4 =	vmov s20;
	v8 =	vld [tilespmem:s6+$0xFFFFFF20]  }
0x2c9: {  	v9 =	vld [tilespmem:s6+$0xFFFFFF30];
	v4 =	vand.u32 $0xFFFFFFFD, v4  }
0x2ca: {  	v10 =	vld [tilespmem:s6+$0xFFFFFF40];
	v4 =	vbroadcast v4, $0x0  }
0x2cb: {  	v11 =	vld [tilespmem:s6+$0xFFFFFF50]  }
0x2cc: {  	v12 =	vld [tilespmem:s6+$0xFFFFFF60];
	v6 =	vmul.f32 v6, v2  }
0x2cd: {  	v14 =	vld [tilespmem:s6+$0x40];
	v5 =	vmul.f32 v5, v3  }
0x2ce: {  	[tilespmem:s6+$0xFFFFFF00] =	vst v6;
	v6 =	vmul.f32 v7, v2;
	v7 =	vld [tilespmem:s6+$0xFFFFFF70]  }
0x2cf: {  	[tilespmem:s6+$0x70] =	vst v5;
	v5 =	vmul.f32 v8, v2;
	v8 =	vld [tilespmem:s6+$0xFFFFFF80]  }
0x2d0: {  	v4 =	vld.idx.msk [tilespmem:v4+s25+$0x0], $0xffff;
	[tilespmem:s6+$0xFFFFFF10] =	vst v6;
	v6 =	vmul.f32 v9, v2  }
0x2d1: {  	v9 =	vld [tilespmem:s6+$0xFFFFFF90];
	[tilespmem:s6+$0xFFFFFF20] =	vst v5;
	v5 =	vmul.f32 v10, v2  }
0x2d2: {  	v10 =	vld [tilespmem:s6+$0xFFFFFFA0];
	[tilespmem:s6+$0xFFFFFF30] =	vst v6;
	v6 =	vmul.f32 v11, v2  }
0x2d3: {  	v11 =	vld [tilespmem:s6+$0xFFFFFFB0];
	[tilespmem:s6+$0xFFFFFF40] =	vst v5;
	v5 =	vmul.f32 v12, v2  }
0x2d4: {  	v12 =	vld [tilespmem:s6+$0xFFFFFFC0];
	v7 =	vmul.f32 v7, v2;
	[tilespmem:s6+$0xFFFFFF50] =	vst v6  }
0x2d5: {  	v6 =	vmul.f32 v8, v4;
	v8 =	vld [tilespmem:s6+$0xFFFFFFD0];
	[tilespmem:s6+$0xFFFFFF60] =	vst v5  }
0x2d6: {  	s26 =	simm.s32 $0x3;
	v5 =	vld [tilespmem:s6+$0xFFFFFFE0];
	v9 =	vmul.f32 v9, v4;
	[tilespmem:s6+$0xFFFFFF70] =	vst v7  }
0x2d7: {  	v13 =	vmov s26;
	v7 =	vld [tilespmem:s6+$0xFFFFFFF0];
	[tilespmem:s6+$0xFFFFFF80] =	vst v6;
	v6 =	vmul.f32 v10, v4  }
0x2d8: {  	v10 =	vld [tilespmem:s6+$0x0];
	[tilespmem:s6+$0xFFFFFF90] =	vst v9;
	v9 =	vmul.f32 v11, v4  }
0x2d9: {  	v11 =	vld [tilespmem:s6+$0x10];
	[tilespmem:s6+$0xFFFFFFA0] =	vst v6;
	v6 =	vmul.f32 v12, v4  }
0x2da: {  	[tilespmem:s6+$0xFFFFFFB0] =	vst v9;
	v8 =	vmul.f32 v8, v4;
	v9 =	vld [tilespmem:s6+$0x20]  }
0x2db: {  	v12 =	vld [tilespmem:s6+$0x30];
	v5 =	vmul.f32 v5, v4;
	[tilespmem:s6+$0xFFFFFFC0] =	vst v6  }
0x2dc: {  	v2 =	vld.idx.msk [tilespmem:v13+s25+$0x0], $0xffff;
	v4 =	vmul.f32 v7, v4;
	[tilespmem:s6+$0xFFFFFFD0] =	vst v8  }
0x2dd: {  	[tilespmem:s6+$0xFFFFFFE0] =	vst v5;
	v6 =	vmul.f32 v10, v3;
	v5 =	vld [tilespmem:s6+$0x50]  }
0x2de: {  	s19 =	simm.s32 $0x4;
	[tilespmem:s6+$0xFFFFFFF0] =	vst v4;
	v7 =	vmul.f32 v11, v3;
	v4 =	vld [tilespmem:s6+$0x60]  }
0x2df: {  	s20 =	simm.s32 $0x7;
	v8 =	vmov s19;
	[tilespmem:s6+$0x0] =	vst v6;
	v10 =	vmul.f32 v9, v3;
	v9 =	vld [tilespmem:s6+$0x80]  }
0x2e0: {  	s26 =	simm.s32 $0x5;
	v13 =	vand.u32 $0xFFFFFFFC, v8;
	v8 =	vld [tilespmem:s6+$0x90];
	v6 =	vmov s20;
	v11 =	vmul.f32 v12, v3;
	[tilespmem:s6+$0x10] =	vst v7  }
0x2e1: {  	s7 =	simm.s32 $0x9980;
	s19 =	simm.s32 $0x8;
	s20 =	simm.s32 $0x6;
	v12 =	vmul.f32 v14, v3;
	v7 =	vbroadcast v13, $0x0;
	v13 =	vmov s26;
	[tilespmem:s6+$0x20] =	vst v10;
	v10 =	vld [tilespmem:s6+$0xA0]  }
.LBB2_13:
0x2e2: {  	p1 =	slt.u32 s19, $0x3C;
	v13 =	vand.u32 $0xFFFFFFFD, v13;
	v14 =	vmov s20;
	[tilespmem:s6+$0x30] =	vst v11;
	v5 =	vmul.f32 v5, v3;
	v11 =	vld [tilespmem:s6+$0xB0]  }
0x2e3: {  	v13 =	vbroadcast v13, $0x0;
	v14 =	vand.u32 $0xFFFFFFFE, v14;
	[tilespmem:s6+$0x40] =	vst v12;
	v3 =	vmul.f32 v4, v3;
	v4 =	vld [tilespmem:s6+$0xC0]  }
0x2e4: {  	v12 =	vbroadcast v14, $0x0;
	[tilespmem:s6+$0x50] =	vst v5;
	v5 =	vmul.f32 v9, v2;
	v9 =	vld [tilespmem:s6+$0xD0]  }
0x2e5: {  	[tilespmem:s6+$0x60] =	vst v3;
	v3 =	vmul.f32 v8, v2;
	v8 =	vld [tilespmem:s6+$0xE0]  }
0x2e6: {  	[tilespmem:s6+$0x80] =	vst v5;
	v5 =	vmul.f32 v10, v2;
	v10 =	vld [tilespmem:s6+$0xF0]  }
0x2e7: {  	v6 =	vld.idx.msk [tilespmem:v6+s25+$0x0], $0xffff;
	[tilespmem:s6+$0x90] =	vst v3;
	v3 =	vmul.f32 v11, v2  }
0x2e8: {  	v7 =	vld.idx.msk [tilespmem:v7+s25+$0x0], $0xffff;
	[tilespmem:s6+$0xA0] =	vst v5;
	v4 =	vmul.f32 v4, v2  }
0x2e9: {  	v5 =	vld.idx.msk [tilespmem:v13+s25+$0x0], $0xffff;
	[tilespmem:s6+$0xB0] =	vst v3;
	v9 =	vmul.f32 v9, v2  }
0x2ea: {  	s6 =	sadd.s32 $0x200, s6;
	v3 =	vld.idx.msk [tilespmem:v12+s25+$0x0], $0xffff;
	[tilespmem:s7+$0xC0] =	vst v4;
	v4 =	vmul.f32 v8, v2  }
0x2eb: {  	v8 =	vld [tilespmem:s6+$0x70];
	[tilespmem:s7+$0xD0] =	vst v9;
	v10 =	vmul.f32 v10, v2  }
0x2ec: {  	v9 =	vld [tilespmem:s6+$0xFFFFFF00];
	[tilespmem:s7+$0xE0] =	vst v4  }
0x2ed: {  	v2 =	vmov v6;
	v4 =	vld [tilespmem:s6+$0xFFFFFF10];
	[tilespmem:s7+$0xF0] =	vst v10;
	s7 =	smov.u32 s6  }
0x2ee: {  	v6 =	vld [tilespmem:s6+$0xFFFFFF20]  }
0x2ef: {  	v10 =	vld [tilespmem:s6+$0xFFFFFF30]  }
0x2f0: {  	v11 =	vld [tilespmem:s6+$0xFFFFFF40];
	v8 =	vmul.f32 v8, v3  }
0x2f1: {  	v9 =	vmul.f32 v9, v7;
	v12 =	vld [tilespmem:s6+$0xFFFFFF50]  }
0x2f2: {  	v4 =	vmul.f32 v4, v7;
	v13 =	vld [tilespmem:s6+$0xFFFFFF60];
	[tilespmem:s6+$0x70] =	vst v8  }
0x2f3: {  	[tilespmem:s6+$0xFFFFFF00] =	vst v9;
	v6 =	vmul.f32 v6, v7;
	v8 =	vld [tilespmem:s6+$0xFFFFFF70]  }
0x2f4: {  	[tilespmem:s6+$0xFFFFFF10] =	vst v4;
	v4 =	vmul.f32 v10, v7;
	v9 =	vld [tilespmem:s6+$0xFFFFFF80]  }
0x2f5: {  	[tilespmem:s6+$0xFFFFFF20] =	vst v6;
	v6 =	vmul.f32 v11, v7;
	v10 =	vld [tilespmem:s6+$0xFFFFFF90]  }
0x2f6: {  	[tilespmem:s6+$0xFFFFFF30] =	vst v4;
	v4 =	vmul.f32 v12, v7;
	v11 =	vld [tilespmem:s6+$0xFFFFFFA0]  }
0x2f7: {  	[tilespmem:s6+$0xFFFFFF40] =	vst v6;
	v6 =	vmul.f32 v13, v7;
	v12 =	vld [tilespmem:s6+$0xFFFFFFB0]  }
0x2f8: {  	[tilespmem:s6+$0xFFFFFF50] =	vst v4;
	v4 =	vmul.f32 v8, v7;
	v7 =	vld [tilespmem:s6+$0xFFFFFFC0]  }
0x2f9: {  	[tilespmem:s6+$0xFFFFFF60] =	vst v6;
	v6 =	vmul.f32 v9, v5;
	v8 =	vld [tilespmem:s6+$0xFFFFFFD0]  }
0x2fa: {  	[tilespmem:s6+$0xFFFFFF70] =	vst v4;
	v4 =	vmul.f32 v10, v5;
	v9 =	vld [tilespmem:s6+$0xFFFFFFE0]  }
0x2fb: {  	[tilespmem:s6+$0xFFFFFF80] =	vst v6;
	v6 =	vmul.f32 v11, v5;
	v10 =	vld [tilespmem:s6+$0xFFFFFFF0]  }
0x2fc: {  	[tilespmem:s6+$0xFFFFFF90] =	vst v4;
	v4 =	vmul.f32 v12, v5;
	v11 =	vld [tilespmem:s6+$0x0]  }
0x2fd: {  	[tilespmem:s6+$0xFFFFFFA0] =	vst v6;
	v6 =	vmul.f32 v7, v5;
	v7 =	vld [tilespmem:s6+$0x10]  }
0x2fe: {  	[tilespmem:s6+$0xFFFFFFB0] =	vst v4;
	v4 =	vmul.f32 v8, v5;
	v8 =	vld [tilespmem:s6+$0x20]  }
0x2ff: {  	[tilespmem:s6+$0xFFFFFFC0] =	vst v6;
	v6 =	vmul.f32 v9, v5;
	v12 =	vld [tilespmem:s6+$0x30]  }
0x300: {  	[tilespmem:s6+$0xFFFFFFD0] =	vst v4;
	v4 =	vmul.f32 v10, v5;
	v10 =	vld [tilespmem:s6+$0x40]  }
.Ltmp7:
0x301: {  	[tilespmem:s6+$0xFFFFFFE0] =	vst v6;
	v6 =	vmul.f32 v11, v3;
	v5 =	vld [tilespmem:s6+$0x50];
	(pc) =	sbr.rel @p1 .LBB2_13-.Ltmp7, $4  }
0x302: {  	[tilespmem:s6+$0xFFFFFFF0] =	vst v4;
	v7 =	vmul.f32 v7, v3;
	v4 =	vld [tilespmem:s6+$0x60]  }
0x303: {  	s20 =	sadd.s32 $0x3, s19;
	v11 =	vmov s19;
	[tilespmem:s6+$0x0] =	vst v6;
	v14 =	vmul.f32 v8, v3;
	v9 =	vld [tilespmem:s6+$0x80]  }
0x304: {  	s26 =	sadd.s32 $0x1, s19;
	v13 =	vand.u32 $0xFFFFFFFC, v11;
	v6 =	vmov s20;
	[tilespmem:s6+$0x10] =	vst v7;
	v11 =	vmul.f32 v12, v3;
	v8 =	vld [tilespmem:s6+$0x90]  }
0x305: {  	s20 =	sadd.s32 $0x2, s19;
	s19 =	sadd.s32 $0x4, s19;
	v7 =	vbroadcast v13, $0x0;
	v13 =	vmov s26;
	[tilespmem:s6+$0x20] =	vst v14;
	v12 =	vmul.f32 v10, v3;
	v10 =	vld [tilespmem:s6+$0xA0]  }
0x306: {  	v14 =	vld [tilespmem:s6+$0xB0]  }
0x307: {  	v16 =	vld [tilespmem:s6+$0xC0]  }
0x308: {  	v17 =	vld [tilespmem:s6+$0xD0]  }
0x309: {  	v18 =	vld [tilespmem:s6+$0xE0]  }
0x30a: {  	v24 =	vld [tilespmem:s6+$0xF0];
	[tilespmem:s6+$0x30] =	vst v11;
	v5 =	vmul.f32 v5, v3  }
0x30b: {  	v6 =	vld.idx.msk [tilespmem:v6+s25+$0x0], $0xffff;
	[tilespmem:s6+$0x40] =	vst v12;
	v3 =	vmul.f32 v4, v3  }
0x30c: {  	s19 =	sadd.s32 $0x200, s6;
	v25 =	vld.idx.msk [tilespmem:v7+s25+$0x0], $0xffff;
	v9 =	vmul.f32 v9, v2;
	[tilespmem:s6+$0x50] =	vst v5  }
0x30d: {  	v30 =	vld [tilespmem:s19+$0x70];
	v26 =	vmul.f32 v8, v2;
	[tilespmem:s6+$0x60] =	vst v3  }
0x30e: {  	v31 =	vld [tilespmem:s19+$0xFFFFFF00];
	[tilespmem:s6+$0x80] =	vst v9;
	v3 =	vmul.f32 v10, v2  }
0x30f: {  	v15 =	vmov s20;
	v33 =	vld [tilespmem:s19+$0xFFFFFF10];
	[tilespmem:s6+$0x90] =	vst v26;
	v29 =	vmul.f32 v14, v2  }
0x310: {  	v15 =	vand.u32 $0xFFFFFFFE, v15;
	v34 =	vld [tilespmem:s19+$0xFFFFFF20];
	[tilespmem:s6+$0xA0] =	vst v3;
	v3 =	vmul.f32 v16, v2  }
0x311: {  	v13 =	vand.u32 $0xFFFFFFFD, v13;
	v35 =	vld [tilespmem:s19+$0xFFFFFF30];
	v15 =	vbroadcast v15, $0x0;
	v32 =	vmul.f32 v17, v2;
	[tilespmem:s6+$0xB0] =	vst v29  }
0x312: {  	v13 =	vbroadcast v13, $0x0;
	v37 =	vld [tilespmem:s19+$0xFFFFFF50];
	[tilespmem:s7+$0xC0] =	vst v3;
	v3 =	vmul.f32 v18, v2  }
0x313: {  	v39 =	vld [tilespmem:s19+$0xFFFFFF60];
	[tilespmem:s7+$0xD0] =	vst v32;
	v2 =	vmul.f32 v24, v2  }
0x314: {  	v38 =	vmul.f32 v33, v25;
	[tilespmem:s7+$0xE0] =	vst v3;
	v3 =	vld [tilespmem:s19+$0xFFFFFF40]  }
0x315: {  	v40 =	vld [tilespmem:s19+$0xFFFFFF70];
	[tilespmem:s7+$0xF0] =	vst v2;
	v2 =	vmul.f32 v31, v25  }
0x316: {  	v41 =	vld [tilespmem:s19+$0xFFFFFF80];
	v5 =	vmul.f32 v35, v25;
	[tilespmem:s19+$0xFFFFFF10] =	vst v38  }
0x317: {  	v28 =	vld.idx.msk [tilespmem:v15+s25+$0x0], $0xffff;
	[tilespmem:s19+$0xFFFFFF00] =	vst v2;
	v2 =	vmul.f32 v34, v25  }
0x318: {  	v42 =	vmul.f32 v37, v25;
	v27 =	vld.idx.msk [tilespmem:v13+s25+$0x0], $0xffff;
	[tilespmem:s19+$0xFFFFFF30] =	vst v5  }
0x319: {  	[tilespmem:s19+$0xFFFFFF20] =	vst v2;
	v2 =	vmul.f32 v3, v25;
	v3 =	vld [tilespmem:s19+$0xFFFFFF90]  }
0x31a: {  	v43 =	vld [tilespmem:s19+$0xFFFFFFA0];
	v4 =	vmul.f32 v40, v25;
	[tilespmem:s19+$0xFFFFFF50] =	vst v42  }
0x31b: {  	v44 =	vld [tilespmem:s19+$0xFFFFFFB0];
	[tilespmem:s19+$0xFFFFFF40] =	vst v2;
	v2 =	vmul.f32 v39, v25  }
0x31c: {  	v45 =	vld [tilespmem:s19+$0xFFFFFFC0];
	[tilespmem:s19+$0xFFFFFF70] =	vst v4;
	v36 =	vmul.f32 v30, v28  }
0x31d: {  	v46 =	vld [tilespmem:s19+$0xFFFFFFD0];
	[tilespmem:s19+$0xFFFFFF60] =	vst v2;
	v2 =	vmul.f32 v41, v27  }
0x31e: {  	v47 =	vld [tilespmem:s19+$0xFFFFFFE0];
	[tilespmem:s19+$0x70] =	vst v36;
	v3 =	vmul.f32 v3, v27  }
0x31f: {  	v48 =	vld [tilespmem:s19+$0xFFFFFFF0];
	[tilespmem:s19+$0xFFFFFF80] =	vst v2;
	v2 =	vmul.f32 v43, v27  }
0x320: {  	v49 =	vld [tilespmem:s19+$0x0];
	[tilespmem:s19+$0xFFFFFF90] =	vst v3;
	v3 =	vmul.f32 v44, v27  }
0x321: {  	v50 =	vld [tilespmem:s19+$0x10];
	[tilespmem:s19+$0xFFFFFFA0] =	vst v2;
	v2 =	vmul.f32 v45, v27  }
0x322: {  	v51 =	vld [tilespmem:s19+$0x20];
	[tilespmem:s19+$0xFFFFFFB0] =	vst v3;
	v3 =	vmul.f32 v46, v27  }
0x323: {  	v52 =	vld [tilespmem:s19+$0x30];
	[tilespmem:s19+$0xFFFFFFC0] =	vst v2;
	v2 =	vmul.f32 v47, v27  }
0x324: {  	v53 =	vld [tilespmem:s19+$0x40];
	[tilespmem:s19+$0xFFFFFFD0] =	vst v3;
	v3 =	vmul.f32 v48, v27  }
0x325: {  	v54 =	vld [tilespmem:s19+$0x50];
	[tilespmem:s19+$0xFFFFFFE0] =	vst v2;
	v2 =	vmul.f32 v49, v28  }
0x326: {  	v55 =	vld [tilespmem:s19+$0x60];
	[tilespmem:s19+$0xFFFFFFF0] =	vst v3;
	v3 =	vmul.f32 v50, v28  }
0x327: {  	v56 =	vld [tilespmem:s19+$0x80];
	[tilespmem:s19+$0x0] =	vst v2;
	v2 =	vmul.f32 v51, v28  }
0x328: {  	v57 =	vld [tilespmem:s19+$0x90];
	[tilespmem:s19+$0x10] =	vst v3;
	v3 =	vmul.f32 v52, v28  }
0x329: {  	v58 =	vld [tilespmem:s19+$0xA0];
	[tilespmem:s19+$0x20] =	vst v2;
	v2 =	vmul.f32 v53, v28  }
0x32a: {  	v59 =	vld [tilespmem:s19+$0xB0];
	[tilespmem:s19+$0x30] =	vst v3;
	v3 =	vmul.f32 v54, v28  }
0x32b: {  	v60 =	vld [tilespmem:s19+$0xC0];
	[tilespmem:s19+$0x40] =	vst v2;
	v2 =	vmul.f32 v55, v28  }
0x32c: {  	v61 =	vld [tilespmem:s19+$0xD0];
	[tilespmem:s19+$0x50] =	vst v3;
	v3 =	vmul.f32 v56, v6  }
0x32d: {  	v62 =	vld [tilespmem:s19+$0xE0];
	[tilespmem:s19+$0x60] =	vst v2;
	v2 =	vmul.f32 v57, v6  }
0x32e: {  	v63 =	vld [tilespmem:s19+$0xF0];
	[tilespmem:s19+$0x80] =	vst v3;
	v3 =	vmul.f32 v58, v6  }
0x32f: {  	[tilespmem:s19+$0x90] =	vst v2;
	v2 =	vmul.f32 v59, v6  }
0x330: {  	[tilespmem:s19+$0xA0] =	vst v3;
	v3 =	vmul.f32 v60, v6  }
0x331: {  	[tilespmem:s19+$0xB0] =	vst v2;
	v2 =	vmul.f32 v61, v6  }
.Ltmp8:
0x332: {  	[tilespmem:s19+$0xC0] =	vst v3;
	v3 =	vmul.f32 v62, v6;
	(pc) =	sbr.rel @p0 .LBB2_16-.Ltmp8, $4  }
0x333: {  	[tilespmem:s19+$0xD0] =	vst v2;
	v2 =	vmul.f32 v63, v6  }
0x334: {  	[tilespmem:s19+$0xE0] =	vst v3  }
0x335: {  	s26 =	simm.s32 $0xBC00;
	[tilespmem:s19+$0xF0] =	vst v2  }
0x336: {  	[spmem:s2] =	stream.indirect.scatter.add.f32 [tilespmem:s15], [sflag:$0xC], $0x80, s26, s11, $0xb8;
	[tilespmem:$0x1FD80] =	vst v63  }
0x337: {  	s3 =	sadd.s32 $0x280, s3  }
0x338: {  	s6 =	sand.u32 $0xFC00, s3  }
0x339: {  	s3 =	sand.u32 $0x280, s3;
	s6 =	sadd.s32 s13, s6  }
0x33a: {  	s3 =	sor.u32 s3, s6  }
.Ltmp9:
0x33b: {  	s3 =	sshrl.u32 s3, $0x3;
	(pc) =	sbr.rel .LBB2_6-.Ltmp9, $4  }
0x33c: {  	s7 =	simm.s32 $0x0;
	s20 =	simm.s32 $0xB900;
	s26 =	sadd.s32 s1, s3  }
0x33d: {  	[tilespmem:s20], [sflag:$0x4] =	stream.linear.gather [hbm4b:s26+s7], $0x80, $0x38;
	[tilespmem:$0x1FD80] =	vst v63  }
0x33e: {  	s29 =	sadd.s32 $0x1, s29;
	s3 =	sadd.s32 s8, s3  }
0x33f: {  	[tilespmem:s28], [sflag:$0x8] =	stream.linear.gather [hbm4b:s3+s7], $0x80, $0x38;
	[tilespmem:$0x1FD80] =	vst v63  }
.LBB2_17:
0x340: {  	_ =	sfence.sel $0x180000  }
0x341: {  	[bflag:$0x0] =	sbarrier.arrive $0xFFFF  }
0x342: {  	_ =	strace $0x90000047  }
0x343: {  	s0 =	stileid.u32;
	[bflag:$0x2] =	sbarrier.arrive $0xFFFF  }
0x344: {  	p0 =	sne.s32 s0, $0x0;
	s0 =	rddreg [dreg:$0x3]  }
0x345: {  	s0 =	sadd.s32 @!p0 $0x100000, s0  }
0x346: {  	[sflag:s0] =	ssyncadd.tile.s32 @!p0 $0x1;
	_ =	shalt  }
.Lfunc_end2:
_tile_overlayer_lowered:
.L_overlay_start_2:
0x347: {  	(tag) =	ssettag $0x2  }
0x348: {  	s0 =	rddreg [dreg:$0x0];
	s2 =	stileid.u32  }
0x349: {  	s1 =	rddreg [dreg:$0x1];
	p0 =	sne.s32 s2, $0x0  }
0x34a: {  	s3 =	rddreg [dreg:$0x2];
	[bflag:$0x3] =	sbarrier.arrive $0xFFFF;
	s2 =	simm.s32 @!p0 $0x1C0D  }
0x34b: {  	[timem:s3], [sflag:s2] =	dma.local @!p0 [hbm:s0], s1  }
0x34c: {  	s0 =	simm.s32 @!p0 $0xD  }
0x34d: {  	_ =	swait.ge @!p0 [sflag:s0], s1  }
0x34e: {  	s1 =	ssub.s32 @!p0 $0x0, s1;
	[sflag:s0] =	ssyncset.done @!p0 $0x0  }
0x34f: {  	[sflag:s0] =	ssyncadd.s32 @!p0 s1  }
0x350: {  	[bflag:$0x3] =	sbarrier.arrive $0xFFFF  }
0x351: {  	_ =	shalt  }

</sc_bundles>
